<compile_context>
chip_gen: v7x
topology: tpu7x:2x2x1
jax: 0.10.2.dev20260603
libtpu: 0.0.44.dev20260713+nightly
codegen_flags: <defaults>
</compile_context>

<pallas_src>
import jax
import jax.numpy as jnp
from jax import lax
from jax.experimental import pallas as pl
from jax.experimental.pallas import tpu as pltpu
from jax.experimental.pallas import tpu_sc as plsc

VOCAB = 1_000_000
D = 16
F = 26
L = 20
B = 4096
TASK_DIM = 128
PER_ROW = F * L
OUT_D = F * D + TASK_DIM

NC, NS = 2, 16
NW = NC * NS
B_W = B // NW
C = 4
N_CHUNK = B_W // C
N_PAIR = N_CHUNK // 2
IDX_CHUNK = C * PER_ROW


TCH = 1024
N_TCH = VOCAB // TCH
CH_W = 30
N_EXTRA = N_TCH - NW * CH_W
T_TAIL = 512
N_TAIL64 = 64


def _transpose_body(table_t_hbm, tail_hbm, out_hbm, in0, in1, out0, out1,
                    sem0, sem1, semo0, semo1):
    wid = lax.axis_index("s") * NC + lax.axis_index("c")
    iota16 = lax.iota(jnp.int32, D)

    def start_in(v0, n, buf, sem):
        pltpu.async_copy(table_t_hbm.at[pl.ds(0, 8), pl.ds(v0, n)],
                         buf.at[pl.ds(0, 8), pl.ds(0, n)], sem)
        pltpu.async_copy(table_t_hbm.at[pl.ds(8, 8), pl.ds(v0, n)],
                         buf.at[pl.ds(8, 8), pl.ds(0, n)], sem)

    def wait_in(v0, n, buf, sem):
        pltpu.make_async_copy(table_t_hbm.at[pl.ds(0, 8), pl.ds(v0, n)],
                              buf.at[pl.ds(0, 8), pl.ds(0, n)], sem).wait()
        pltpu.make_async_copy(table_t_hbm.at[pl.ds(8, 8), pl.ds(v0, n)],
                              buf.at[pl.ds(8, 8), pl.ds(0, n)], sem).wait()

    def transpose_fill(n, buf, obuf):
        def g_body(g, carry):
            for d in range(D):
                col = buf[d, pl.ds(g * D, D)]
                plsc.store_scatter(obuf, [iota16 * D + (g * D * D + d)], col)
            return carry

        lax.fori_loop(0, n // D, g_body, 0)

    def out_start(v0, n, obuf, semo):
        pltpu.async_copy(obuf.at[pl.ds(0, n * D)],
                         out_hbm.at[pl.ds(v0 * D, n * D)], semo)

    def out_wait(n, obuf, semo):
        pltpu.make_async_copy(obuf.at[pl.ds(0, n * D)],
                              out_hbm.at[pl.ds(0, n * D)], semo).wait()

    def transpose_out(v0, n, buf, obuf):
        transpose_fill(n, buf, obuf)
        pltpu.sync_copy(obuf.at[pl.ds(0, n * D)],
                        out_hbm.at[pl.ds(v0 * D, n * D)])

    def v_of(c):
        return c * TCH

    base_c = wid * CH_W
    start_in(v_of(base_c), TCH, in0, sem0)

    def pair_body(k, carry):
        c0 = base_c + 2 * k
        start_in(v_of(c0 + 1), TCH, in1, sem1)
        wait_in(v_of(c0), TCH, in0, sem0)

        @pl.when(k > 0)
        def _():
            out_wait(TCH, out0, semo0)
        transpose_fill(TCH, in0, out0)
        out_start(v_of(c0), TCH, out0, semo0)

        @pl.when(k < CH_W // 2 - 1)
        def _():
            start_in(v_of(c0 + 2), TCH, in0, sem0)
        wait_in(v_of(c0 + 1), TCH, in1, sem1)

        @pl.when(k > 0)
        def _():
            out_wait(TCH, out1, semo1)
        transpose_fill(TCH, in1, out1)
        out_start(v_of(c0 + 1), TCH, out1, semo1)
        return carry

    lax.fori_loop(0, CH_W // 2, pair_body, 0)
    out_wait(TCH, out0, semo0)
    out_wait(TCH, out1, semo1)

    @pl.when(wid < N_EXTRA)
    def _extra():
        v0 = v_of(NW * CH_W) + wid * TCH
        start_in(v0, TCH, in0, sem0)
        wait_in(v0, TCH, in0, sem0)
        transpose_out(v0, TCH, in0, out0)

    @pl.when(wid == N_EXTRA)
    def _tail512():
        v0 = N_TCH * TCH
        start_in(v0, T_TAIL, in0, sem0)
        wait_in(v0, T_TAIL, in0, sem0)
        transpose_out(v0, T_TAIL, in0, out0)

    @pl.when(wid == N_EXTRA + 1)
    def _tail64():
        pltpu.sync_copy(tail_hbm, out0.at[pl.ds(0, N_TAIL64 * D)])
        pltpu.sync_copy(out0.at[pl.ds(0, N_TAIL64 * D)],
                        out_hbm.at[pl.ds((VOCAB - N_TAIL64) * D,
                                         N_TAIL64 * D)])


def _gather_body(indices_hbm, task_ids_hbm, table_hbm, task_table_hbm,
                 out_hbm, idx0, idx1, rows0, rows1, out_v, tids_v,
                 task_rows_v, sem0, sem1, semi0, semi1, semt):
    wid = lax.axis_index("s") * NC + lax.axis_index("c")
    woff_rows = wid * B_W
    woff_idx = woff_rows * PER_ROW

    def start_idx(g, idx_v, semi):
        pltpu.async_copy(
            indices_hbm.at[pl.ds(woff_idx + g * IDX_CHUNK, IDX_CHUNK)],
            idx_v, semi)

    def wait_idx(g, idx_v, semi):
        pltpu.make_async_copy(
            indices_hbm.at[pl.ds(woff_idx + g * IDX_CHUNK, IDX_CHUNK)],
            idx_v, semi).wait()

    pltpu.sync_copy(task_ids_hbm.at[pl.ds(woff_rows, B_W)], tids_v)
    pltpu.async_copy(task_table_hbm.at[tids_v], task_rows_v, semt).wait()

    def reduce_chunk(g, rows_v):
        for c in range(C):
            def field_body(f, carry):
                base = c * PER_ROW + f * L
                acc = rows_v[base]
                for l in range(1, L):
                    acc = acc + rows_v[base + l]
                out_v[pl.ds(c * OUT_D + f * D, D)] = acc
                return carry
            lax.fori_loop(0, F, field_body, 0)
            trow = g * C + c
            for r in range(TASK_DIM // 16):
                out_v[pl.ds(c * OUT_D + F * D + r * 16, 16)] = \
                    task_rows_v[trow, pl.ds(r * 16, 16)]
        row_base = woff_rows + g * C
        pltpu.sync_copy(out_v, out_hbm.at[pl.ds(row_base * OUT_D, C * OUT_D)])

    start_idx(0, idx0, semi0)
    wait_idx(0, idx0, semi0)
    pltpu.async_copy(table_hbm.at[idx0], rows0, sem0)
    start_idx(1, idx1, semi1)

    def pair_body(k, carry):
        g0 = 2 * k
        wait_idx(g0 + 1, idx1, semi1)
        pltpu.async_copy(table_hbm.at[idx1], rows1, sem1)
        pltpu.make_async_copy(table_hbm.at[idx0], rows0, sem0).wait()

        @pl.when(k < N_PAIR - 1)
        def _():
            start_idx(g0 + 2, idx0, semi0)
        reduce_chunk(g0, rows0)

        @pl.when(k < N_PAIR - 1)
        def _():
            wait_idx(g0 + 2, idx0, semi0)
            pltpu.async_copy(table_hbm.at[idx0], rows0, sem0)
            start_idx(g0 + 3, idx1, semi1)
        pltpu.make_async_copy(table_hbm.at[idx1], rows1, sem1).wait()
        reduce_chunk(g0 + 1, rows1)
        return carry

    lax.fori_loop(0, N_PAIR, pair_body, 0)


def kernel(indices, task_ids, main_table, task_table):
    idx_flat = indices.reshape(-1)
    mesh = plsc.VectorSubcoreMesh(core_axis_name="c", subcore_axis_name="s")

    transpose = pl.kernel(
        _transpose_body,
        mesh=mesh,
        compiler_params=pltpu.CompilerParams(use_tc_tiling_on_sc=True,
                                             needs_layout_passes=False),
        out_type=jax.ShapeDtypeStruct((VOCAB * D,), jnp.float32),
        scratch_types=[
            pltpu.VMEM((D, TCH), jnp.float32),
            pltpu.VMEM((D, TCH), jnp.float32),
            pltpu.VMEM((TCH * D,), jnp.float32),
            pltpu.VMEM((TCH * D,), jnp.float32),
            pltpu.SemaphoreType.DMA,
            pltpu.SemaphoreType.DMA,
            pltpu.SemaphoreType.DMA,
            pltpu.SemaphoreType.DMA,
        ],
    )
    tail_flat = main_table[VOCAB - N_TAIL64:, :].reshape(-1)
    table_rm = transpose(main_table.T, tail_flat).reshape(VOCAB, D)

    gather = pl.kernel(
        _gather_body,
        mesh=mesh,
        compiler_params=pltpu.CompilerParams(use_tc_tiling_on_sc=False),
        out_type=jax.ShapeDtypeStruct((B * OUT_D,), jnp.float32),
        scratch_types=[
            pltpu.VMEM((IDX_CHUNK,), jnp.int32),
            pltpu.VMEM((IDX_CHUNK,), jnp.int32),
            pltpu.VMEM((IDX_CHUNK, D), jnp.float32),
            pltpu.VMEM((IDX_CHUNK, D), jnp.float32),
            pltpu.VMEM((C * OUT_D,), jnp.float32),
            pltpu.VMEM((B_W,), jnp.int32),
            pltpu.VMEM((B_W, TASK_DIM), jnp.float32),
            pltpu.SemaphoreType.DMA,
            pltpu.SemaphoreType.DMA,
            pltpu.SemaphoreType.DMA,
            pltpu.SemaphoreType.DMA,
            pltpu.SemaphoreType.DMA,
        ],
    )
    return gather(idx_flat, task_ids, table_rm,
                  task_table).reshape(B, OUT_D)

# --- scband reference (transcript-rebuilt; emitter-appended) ---
"""Pipeline reference for scband-m2-mmodel-86955907875079 (READ-ONLY COPY).

The authoritative reference and input builder live on the scoring server;
editing this copy changes nothing except your own understanding.
"""

import jax, jax.numpy as jnp
import numpy as np

VOCAB = 1000000
EMBED_DIM = 16
NUM_FIELDS = 26
HIST_LEN = 20
BATCH = 4096
NUM_TASKS = 5
TASK_DIM = 128
SPARSE_INIT_VAR = 0.01


def setup_inputs(seed: int = 0) -> dict:
    key = jax.random.key(seed)
    k1, k2, k3, k4 = jax.random.split(key, 4)
    # forward args (int indices)
    indices = jax.random.randint(k1, (BATCH, NUM_FIELDS, HIST_LEN), 0, VOCAB, dtype=jnp.int32)
    task_ids = jax.random.randint(k2, (BATCH,), 0, NUM_TASKS, dtype=jnp.int32)
    # learned parameters: large sparse embedding table (EmbeddingSumConcat) and task embedding table
    main_table = jax.random.normal(k3, (VOCAB, EMBED_DIM), dtype=jnp.float32) * np.sqrt(SPARSE_INIT_VAR)
    task_table = jax.random.normal(k4, (NUM_TASKS, TASK_DIM), dtype=jnp.float32)
    return {"indices": indices, "task_ids": task_ids, "main_table": main_table, "task_table": task_table}


def reference(indices, task_ids, main_table, task_table):
    # EmbeddingSumConcat semantics: for each of the F sparse fields, gather the
    # embeddings of all feature ids in that field, sum them, then concat over fields.
    emb = jnp.take(main_table, indices, axis=0)            # [B, F, L, D] gather
    field_repr = jnp.sum(emb, axis=2)                      # [B, F, D]   per-field sum
    main_out = field_repr.reshape(field_repr.shape[0], -1) # [B, F*D]    concat over fields
    # task anchor lookup (nn.Embedding(num_tasks, task_dim))
    task_repr = jnp.take(task_table, task_ids, axis=0)     # [B, task_dim]
    return jnp.concatenate([main_out, task_repr], axis=1)  # [B, F*D + task_dim]

if __name__ == "__main__":
    import jax
    _d = setup_inputs()
    print(jax.jit(kernel)(*tuple(_d.values())))

</pallas_src>

<mosaic_0001>
#map = affine_map<(d0, d1) -> (0, 0)>
#map1 = affine_map<(d0, d1) -> (0)>
module attributes {stable_mosaic.version = 14 : i64} {
  func.func @_transpose_body(%arg0: i32, %arg1: i32, %arg2: memref<16x1000000xf32, #tpu.memory_space<hbm>>, %arg3: memref<1024xf32, #tpu.memory_space<hbm>>, %arg4: memref<16000000xf32, #tpu.memory_space<hbm>>, %arg5: memref<16x1024xf32, #tpu.memory_space<vmem>>, %arg6: memref<16x1024xf32, #tpu.memory_space<vmem>>, %arg7: memref<16384xf32, #tpu.memory_space<vmem>>, %arg8: memref<16384xf32, #tpu.memory_space<vmem>>, %arg9: memref<!tpu.dma_semaphore, #tpu.memory_space<semaphore_mem>>, %arg10: memref<!tpu.dma_semaphore, #tpu.memory_space<semaphore_mem>>, %arg11: memref<!tpu.dma_semaphore, #tpu.memory_space<semaphore_mem>>, %arg12: memref<!tpu.dma_semaphore, #tpu.memory_space<semaphore_mem>>) attributes {dimension_semantics = [#tpu.dimension_semantics<core_parallel>, #tpu.dimension_semantics<subcore_parallel>], iteration_bounds = array<i64: 2, 16>, scalar_prefetch = 0 : i64, scratch_operands = 8 : i64, tpu.core_type = #tpu.core_type<sc_vector_subcore>, window_params = [{transform_indices = #map}, {transform_indices = #map1}, {transform_indices = #map1}]} {
    %mul3A = arith.constant 2 : i32
    %mul3A_0 = arith.muli %arg1, %mul3A : i32
    %add3A = arith.addi %mul3A_0, %arg0 : i32
    %iota3A = tpu.iota {dimensions = array<i32: 0>} : vector<16xi32>
    %mul3A_1 = arith.constant 30 : i32
    %mul3A_2 = arith.muli %add3A, %mul3A_1 : i32
    %mul3A_3 = arith.constant 1024 : i32
    %mul3A_4 = arith.muli %mul3A_2, %mul3A_3 : i32
    %dma_start3A = arith.constant 0 : i32
    %dma_start3A_5 = arith.constant 0 : i32
    %dma_start3A_6 = tpu.memref_slice %arg5[%dma_start3A, %dma_start3A_5] : memref<16x1024xf32, #tpu.memory_space<vmem>> -> memref<8x1024xf32, #tpu.memory_space<vmem>>
    %dma_start3A_7 = arith.constant 0 : i32
    %dma_start3A_8 = tpu.memref_slice %arg2[%dma_start3A_7, %mul3A_4] : memref<16x1000000xf32, #tpu.memory_space<hbm>> -> memref<8x1024xf32, #tpu.memory_space<hbm>>
    %dma_start3A_9 = arith.constant 0 : i32
    %dma_start3A_10 = arith.constant 0 : i32
    %dma_start3A_11 = tpu.memref_slice %arg5[%dma_start3A_9, %dma_start3A_10] : memref<16x1024xf32, #tpu.memory_space<vmem>> -> memref<8x1024xf32, #tpu.memory_space<vmem>>
    %dma_start3A_12 = arith.constant 0 : i32
    %dma_start3A_13 = tpu.memref_slice %arg2[%dma_start3A_12, %mul3A_4] : memref<16x1000000xf32, #tpu.memory_space<hbm>> -> memref<8x1024xf32, #tpu.memory_space<hbm>>
    tpu.enqueue_dma source(%dma_start3A_13 : memref<8x1024xf32, #tpu.memory_space<hbm>>) target(%dma_start3A_11 : memref<8x1024xf32, #tpu.memory_space<vmem>>) target_semaphore(%arg9 : memref<!tpu.dma_semaphore, #tpu.memory_space<semaphore_mem>>)
    %dma_start3A_14 = arith.constant 8 : i32
    %dma_start3A_15 = arith.constant 0 : i32
    %dma_start3A_16 = tpu.memref_slice %arg5[%dma_start3A_14, %dma_start3A_15] : memref<16x1024xf32, #tpu.memory_space<vmem>> -> memref<8x1024xf32, #tpu.memory_space<vmem>>
    %dma_start3A_17 = arith.constant 8 : i32
    %dma_start3A_18 = tpu.memref_slice %arg2[%dma_start3A_17, %mul3A_4] : memref<16x1000000xf32, #tpu.memory_space<hbm>> -> memref<8x1024xf32, #tpu.memory_space<hbm>>
    %dma_start3A_19 = arith.constant 8 : i32
    %dma_start3A_20 = arith.constant 0 : i32
    %dma_start3A_21 = tpu.memref_slice %arg5[%dma_start3A_19, %dma_start3A_20] : memref<16x1024xf32, #tpu.memory_space<vmem>> -> memref<8x1024xf32, #tpu.memory_space<vmem>>
    %dma_start3A_22 = arith.constant 8 : i32
    %dma_start3A_23 = tpu.memref_slice %arg2[%dma_start3A_22, %mul3A_4] : memref<16x1000000xf32, #tpu.memory_space<hbm>> -> memref<8x1024xf32, #tpu.memory_space<hbm>>
    tpu.enqueue_dma source(%dma_start3A_23 : memref<8x1024xf32, #tpu.memory_space<hbm>>) target(%dma_start3A_21 : memref<8x1024xf32, #tpu.memory_space<vmem>>) target_semaphore(%arg9 : memref<!tpu.dma_semaphore, #tpu.memory_space<semaphore_mem>>)
    %scan3A = arith.constant 0 : i32
    %scan3A_24 = arith.constant 0 : i32
    %scan3A_25 = arith.constant 15 : i32
    %scan3A_26 = arith.addi %scan3A_24, %scan3A_25 : i32
    %scan3A_27 = arith.constant 1 : i32
    scf.for %scan3A_55 = %scan3A_24 to %scan3A_26 step %scan3A_27  : i32 {
      %mul3A_56 = arith.constant 2 : i32
      %mul3A_57 = arith.muli %mul3A_56, %scan3A_55 : i32
      %add3A_58 = arith.addi %mul3A_2, %mul3A_57 : i32
      %add3A_59 = arith.constant 1 : i32
      %add3A_60 = arith.addi %add3A_58, %add3A_59 : i32
      %mul3A_61 = arith.constant 1024 : i32
      %mul3A_62 = arith.muli %add3A_60, %mul3A_61 : i32
      %dma_start3A_63 = arith.constant 0 : i32
      %dma_start3A_64 = arith.constant 0 : i32
      %dma_start3A_65 = tpu.memref_slice %arg6[%dma_start3A_63, %dma_start3A_64] : memref<16x1024xf32, #tpu.memory_space<vmem>> -> memref<8x1024xf32, #tpu.memory_space<vmem>>
      %dma_start3A_66 = arith.constant 0 : i32
      %dma_start3A_67 = tpu.memref_slice %arg2[%dma_start3A_66, %mul3A_62] : memref<16x1000000xf32, #tpu.memory_space<hbm>> -> memref<8x1024xf32, #tpu.memory_space<hbm>>
      %dma_start3A_68 = arith.constant 0 : i32
      %dma_start3A_69 = arith.constant 0 : i32
      %dma_start3A_70 = tpu.memref_slice %arg6[%dma_start3A_68, %dma_start3A_69] : memref<16x1024xf32, #tpu.memory_space<vmem>> -> memref<8x1024xf32, #tpu.memory_space<vmem>>
      %dma_start3A_71 = arith.constant 0 : i32
      %dma_start3A_72 = tpu.memref_slice %arg2[%dma_start3A_71, %mul3A_62] : memref<16x1000000xf32, #tpu.memory_space<hbm>> -> memref<8x1024xf32, #tpu.memory_space<hbm>>
      tpu.enqueue_dma source(%dma_start3A_72 : memref<8x1024xf32, #tpu.memory_space<hbm>>) target(%dma_start3A_70 : memref<8x1024xf32, #tpu.memory_space<vmem>>) target_semaphore(%arg10 : memref<!tpu.dma_semaphore, #tpu.memory_space<semaphore_mem>>)
      %dma_start3A_73 = arith.constant 8 : i32
      %dma_start3A_74 = arith.constant 0 : i32
      %dma_start3A_75 = tpu.memref_slice %arg6[%dma_start3A_73, %dma_start3A_74] : memref<16x1024xf32, #tpu.memory_space<vmem>> -> memref<8x1024xf32, #tpu.memory_space<vmem>>
      %dma_start3A_76 = arith.constant 8 : i32
      %dma_start3A_77 = tpu.memref_slice %arg2[%dma_start3A_76, %mul3A_62] : memref<16x1000000xf32, #tpu.memory_space<hbm>> -> memref<8x1024xf32, #tpu.memory_space<hbm>>
      %dma_start3A_78 = arith.constant 8 : i32
      %dma_start3A_79 = arith.constant 0 : i32
      %dma_start3A_80 = tpu.memref_slice %arg6[%dma_start3A_78, %dma_start3A_79] : memref<16x1024xf32, #tpu.memory_space<vmem>> -> memref<8x1024xf32, #tpu.memory_space<vmem>>
      %dma_start3A_81 = arith.constant 8 : i32
      %dma_start3A_82 = tpu.memref_slice %arg2[%dma_start3A_81, %mul3A_62] : memref<16x1000000xf32, #tpu.memory_space<hbm>> -> memref<8x1024xf32, #tpu.memory_space<hbm>>
      tpu.enqueue_dma source(%dma_start3A_82 : memref<8x1024xf32, #tpu.memory_space<hbm>>) target(%dma_start3A_80 : memref<8x1024xf32, #tpu.memory_space<vmem>>) target_semaphore(%arg10 : memref<!tpu.dma_semaphore, #tpu.memory_space<semaphore_mem>>)
      %mul3A_83 = arith.constant 1024 : i32
      %mul3A_84 = arith.muli %add3A_58, %mul3A_83 : i32
      %dma_wait3A_85 = arith.constant 0 : i32
      %dma_wait3A_86 = arith.constant 0 : i32
      %dma_wait3A_87 = tpu.memref_slice %arg5[%dma_wait3A_85, %dma_wait3A_86] : memref<16x1024xf32, #tpu.memory_space<vmem>> -> memref<8x1024xf32, #tpu.memory_space<vmem>>
      %dma_wait3A_88 = arith.constant 0 : i32
      %dma_wait3A_89 = tpu.memref_slice %arg2[%dma_wait3A_88, %mul3A_84] : memref<16x1000000xf32, #tpu.memory_space<hbm>> -> memref<8x1024xf32, #tpu.memory_space<hbm>>
      %dma_wait3A_90 = arith.constant 0 : i32
      %dma_wait3A_91 = arith.constant 0 : i32
      %dma_wait3A_92 = tpu.memref_slice %arg5[%dma_wait3A_90, %dma_wait3A_91] : memref<16x1024xf32, #tpu.memory_space<vmem>> -> memref<8x1024xf32, #tpu.memory_space<vmem>>
      %dma_wait3A_93 = arith.constant 0 : i32
      %dma_wait3A_94 = tpu.memref_slice %arg2[%dma_wait3A_93, %mul3A_84] : memref<16x1000000xf32, #tpu.memory_space<hbm>> -> memref<8x1024xf32, #tpu.memory_space<hbm>>
      tpu.wait_dma2 semaphore(%arg9 : memref<!tpu.dma_semaphore, #tpu.memory_space<semaphore_mem>>) src(%dma_wait3A_94 : memref<8x1024xf32, #tpu.memory_space<hbm>>) dst(%dma_wait3A_92 : memref<8x1024xf32, #tpu.memory_space<vmem>>)
      %dma_wait3A_95 = arith.constant 8 : i32
      %dma_wait3A_96 = arith.constant 0 : i32
      %dma_wait3A_97 = tpu.memref_slice %arg5[%dma_wait3A_95, %dma_wait3A_96] : memref<16x1024xf32, #tpu.memory_space<vmem>> -> memref<8x1024xf32, #tpu.memory_space<vmem>>
      %dma_wait3A_98 = arith.constant 8 : i32
      %dma_wait3A_99 = tpu.memref_slice %arg2[%dma_wait3A_98, %mul3A_84] : memref<16x1000000xf32, #tpu.memory_space<hbm>> -> memref<8x1024xf32, #tpu.memory_space<hbm>>
      %dma_wait3A_100 = arith.constant 8 : i32
      %dma_wait3A_101 = arith.constant 0 : i32
      %dma_wait3A_102 = tpu.memref_slice %arg5[%dma_wait3A_100, %dma_wait3A_101] : memref<16x1024xf32, #tpu.memory_space<vmem>> -> memref<8x1024xf32, #tpu.memory_space<vmem>>
      %dma_wait3A_103 = arith.constant 8 : i32
      %dma_wait3A_104 = tpu.memref_slice %arg2[%dma_wait3A_103, %mul3A_84] : memref<16x1000000xf32, #tpu.memory_space<hbm>> -> memref<8x1024xf32, #tpu.memory_space<hbm>>
      tpu.wait_dma2 semaphore(%arg9 : memref<!tpu.dma_semaphore, #tpu.memory_space<semaphore_mem>>) src(%dma_wait3A_104 : memref<8x1024xf32, #tpu.memory_space<hbm>>) dst(%dma_wait3A_102 : memref<8x1024xf32, #tpu.memory_space<vmem>>)
      %gt3A = arith.constant 0 : i32
      %gt3A_105 = arith.cmpi sgt, %scan3A_55, %gt3A : i32
      %convert_element_type3A_106 = arith.extui %gt3A_105 : i1 to i32
      %cond3A_107 = arith.constant 0 : i32
      %cond3A_108 = arith.cmpi ne, %convert_element_type3A_106, %cond3A_107 : i32
      scf.if %cond3A_108 {
        %dma_wait3A_177 = arith.constant 0 : i32
        %dma_wait3A_178 = tpu.memref_slice %arg7[%dma_wait3A_177] : memref<16384xf32, #tpu.memory_space<vmem>> -> memref<16384xf32, #tpu.memory_space<vmem>>
        %dma_wait3A_179 = arith.constant 0 : i32
        %dma_wait3A_180 = tpu.memref_slice %arg4[%dma_wait3A_179] : memref<16000000xf32, #tpu.memory_space<hbm>> -> memref<16384xf32, #tpu.memory_space<hbm>>
        %dma_wait3A_181 = arith.constant 0 : i32
        %dma_wait3A_182 = tpu.memref_slice %arg4[%dma_wait3A_181] : memref<16000000xf32, #tpu.memory_space<hbm>> -> memref<16384xf32, #tpu.memory_space<hbm>>
        %dma_wait3A_183 = arith.constant 0 : i32
        %dma_wait3A_184 = tpu.memref_slice %arg7[%dma_wait3A_183] : memref<16384xf32, #tpu.memory_space<vmem>> -> memref<16384xf32, #tpu.memory_space<vmem>>
        tpu.wait_dma2 semaphore(%arg11 : memref<!tpu.dma_semaphore, #tpu.memory_space<semaphore_mem>>) src(%dma_wait3A_184 : memref<16384xf32, #tpu.memory_space<vmem>>) dst(%dma_wait3A_182 : memref<16384xf32, #tpu.memory_space<hbm>>)
      } else {
      }
      %scan3A_109 = arith.constant 0 : i32
      %scan3A_110 = arith.constant 0 : i32
      %scan3A_111 = arith.constant 64 : i32
      %scan3A_112 = arith.addi %scan3A_110, %scan3A_111 : i32
      %scan3A_113 = arith.constant 1 : i32
      scf.for %scan3A_177 = %scan3A_110 to %scan3A_112 step %scan3A_113  : i32 {
        %mul3A_178 = arith.constant 16 : i32
        %mul3A_179 = arith.muli %scan3A_177, %mul3A_178 : i32
        %get3A = arith.constant 0 : i32
        %get3A_180 = arith.index_cast %get3A : i32 to index
        %get3A_181 = arith.index_cast %mul3A_179 : i32 to index
        %get3A_182 = tpu.vector_load %arg5[%get3A_180, %get3A_181] {strides = array<i32>} : memref<16x1024xf32, #tpu.memory_space<vmem>>, vector<16xf32>,
        %mul3A_183 = arith.constant 16 : i32
        %mul3A_184 = vector.broadcast %mul3A_183 : i32 to vector<16xi32>
        %mul3A_185 = arith.muli %iota3A, %mul3A_184 : vector<16xi32>
        %mul3A_186 = arith.constant 16 : i32
        %mul3A_187 = arith.muli %scan3A_177, %mul3A_186 : i32
        %mul3A_188 = arith.constant 16 : i32
        %mul3A_189 = arith.muli %mul3A_187, %mul3A_188 : i32
        %add3A_190 = arith.constant 0 : i32
        %add3A_191 = arith.addi %mul3A_189, %add3A_190 : i32
        %add3A_192 = vector.broadcast %add3A_191 : i32 to vector<16xi32>
        %add3A_193 = arith.addi %mul3A_185, %add3A_192 : vector<16xi32>
        tpu.vector_store_idx %arg7[%add3A_193], %get3A_182 : memref<16384xf32, #tpu.memory_space<vmem>>[vector<16xi32>], vector<16xf32>,
        %mul3A_194 = arith.constant 16 : i32
        %mul3A_195 = arith.muli %scan3A_177, %mul3A_194 : i32
        %get3A_196 = arith.constant 1 : i32
        %get3A_197 = arith.index_cast %get3A_196 : i32 to index
        %get3A_198 = arith.index_cast %mul3A_195 : i32 to index
        %get3A_199 = tpu.vector_load %arg5[%get3A_197, %get3A_198] {strides = array<i32>} : memref<16x1024xf32, #tpu.memory_space<vmem>>, vector<16xf32>,
        %mul3A_200 = arith.constant 16 : i32
        %mul3A_201 = vector.broadcast %mul3A_200 : i32 to vector<16xi32>
        %mul3A_202 = arith.muli %iota3A, %mul3A_201 : vector<16xi32>
        %mul3A_203 = arith.constant 16 : i32
        %mul3A_204 = arith.muli %scan3A_177, %mul3A_203 : i32
        %mul3A_205 = arith.constant 16 : i32
        %mul3A_206 = arith.muli %mul3A_204, %mul3A_205 : i32
        %add3A_207 = arith.constant 1 : i32
        %add3A_208 = arith.addi %mul3A_206, %add3A_207 : i32
        %add3A_209 = vector.broadcast %add3A_208 : i32 to vector<16xi32>
        %add3A_210 = arith.addi %mul3A_202, %add3A_209 : vector<16xi32>
        tpu.vector_store_idx %arg7[%add3A_210], %get3A_199 : memref<16384xf32, #tpu.memory_space<vmem>>[vector<16xi32>], vector<16xf32>,
        %mul3A_211 = arith.constant 16 : i32
        %mul3A_212 = arith.muli %scan3A_177, %mul3A_211 : i32
        %get3A_213 = arith.constant 2 : i32
        %get3A_214 = arith.index_cast %get3A_213 : i32 to index
        %get3A_215 = arith.index_cast %mul3A_212 : i32 to index
        %get3A_216 = tpu.vector_load %arg5[%get3A_214, %get3A_215] {strides = array<i32>} : memref<16x1024xf32, #tpu.memory_space<vmem>>, vector<16xf32>,
        %mul3A_217 = arith.constant 16 : i32
        %mul3A_218 = vector.broadcast %mul3A_217 : i32 to vector<16xi32>
        %mul3A_219 = arith.muli %iota3A, %mul3A_218 : vector<16xi32>
        %mul3A_220 = arith.constant 16 : i32
        %mul3A_221 = arith.muli %scan3A_177, %mul3A_220 : i32
        %mul3A_222 = arith.constant 16 : i32
        %mul3A_223 = arith.muli %mul3A_221, %mul3A_222 : i32
        %add3A_224 = arith.constant 2 : i32
        %add3A_225 = arith.addi %mul3A_223, %add3A_224 : i32
        %add3A_226 = vector.broadcast %add3A_225 : i32 to vector<16xi32>
        %add3A_227 = arith.addi %mul3A_219, %add3A_226 : vector<16xi32>
        tpu.vector_store_idx %arg7[%add3A_227], %get3A_216 : memref<16384xf32, #tpu.memory_space<vmem>>[vector<16xi32>], vector<16xf32>,
        %mul3A_228 = arith.constant 16 : i32
        %mul3A_229 = arith.muli %scan3A_177, %mul3A_228 : i32
        %get3A_230 = arith.constant 3 : i32
        %get3A_231 = arith.index_cast %get3A_230 : i32 to index
        %get3A_232 = arith.index_cast %mul3A_229 : i32 to index
        %get3A_233 = tpu.vector_load %arg5[%get3A_231, %get3A_232] {strides = array<i32>} : memref<16x1024xf32, #tpu.memory_space<vmem>>, vector<16xf32>,
        %mul3A_234 = arith.constant 16 : i32
        %mul3A_235 = vector.broadcast %mul3A_234 : i32 to vector<16xi32>
        %mul3A_236 = arith.muli %iota3A, %mul3A_235 : vector<16xi32>
        %mul3A_237 = arith.constant 16 : i32
        %mul3A_238 = arith.muli %scan3A_177, %mul3A_237 : i32
        %mul3A_239 = arith.constant 16 : i32
        %mul3A_240 = arith.muli %mul3A_238, %mul3A_239 : i32
        %add3A_241 = arith.constant 3 : i32
        %add3A_242 = arith.addi %mul3A_240, %add3A_241 : i32
        %add3A_243 = vector.broadcast %add3A_242 : i32 to vector<16xi32>
        %add3A_244 = arith.addi %mul3A_236, %add3A_243 : vector<16xi32>
        tpu.vector_store_idx %arg7[%add3A_244], %get3A_233 : memref<16384xf32, #tpu.memory_space<vmem>>[vector<16xi32>], vector<16xf32>,
        %mul3A_245 = arith.constant 16 : i32
        %mul3A_246 = arith.muli %scan3A_177, %mul3A_245 : i32
        %get3A_247 = arith.constant 4 : i32
        %get3A_248 = arith.index_cast %get3A_247 : i32 to index
        %get3A_249 = arith.index_cast %mul3A_246 : i32 to index
        %get3A_250 = tpu.vector_load %arg5[%get3A_248, %get3A_249] {strides = array<i32>} : memref<16x1024xf32, #tpu.memory_space<vmem>>, vector<16xf32>,
        %mul3A_251 = arith.constant 16 : i32
        %mul3A_252 = vector.broadcast %mul3A_251 : i32 to vector<16xi32>
        %mul3A_253 = arith.muli %iota3A, %mul3A_252 : vector<16xi32>
        %mul3A_254 = arith.constant 16 : i32
        %mul3A_255 = arith.muli %scan3A_177, %mul3A_254 : i32
        %mul3A_256 = arith.constant 16 : i32
        %mul3A_257 = arith.muli %mul3A_255, %mul3A_256 : i32
        %add3A_258 = arith.constant 4 : i32
        %add3A_259 = arith.addi %mul3A_257, %add3A_258 : i32
        %add3A_260 = vector.broadcast %add3A_259 : i32 to vector<16xi32>
        %add3A_261 = arith.addi %mul3A_253, %add3A_260 : vector<16xi32>
        tpu.vector_store_idx %arg7[%add3A_261], %get3A_250 : memref<16384xf32, #tpu.memory_space<vmem>>[vector<16xi32>], vector<16xf32>,
        %mul3A_262 = arith.constant 16 : i32
        %mul3A_263 = arith.muli %scan3A_177, %mul3A_262 : i32
        %get3A_264 = arith.constant 5 : i32
        %get3A_265 = arith.index_cast %get3A_264 : i32 to index
        %get3A_266 = arith.index_cast %mul3A_263 : i32 to index
        %get3A_267 = tpu.vector_load %arg5[%get3A_265, %get3A_266] {strides = array<i32>} : memref<16x1024xf32, #tpu.memory_space<vmem>>, vector<16xf32>,
        %mul3A_268 = arith.constant 16 : i32
        %mul3A_269 = vector.broadcast %mul3A_268 : i32 to vector<16xi32>
        %mul3A_270 = arith.muli %iota3A, %mul3A_269 : vector<16xi32>
        %mul3A_271 = arith.constant 16 : i32
        %mul3A_272 = arith.muli %scan3A_177, %mul3A_271 : i32
        %mul3A_273 = arith.constant 16 : i32
        %mul3A_274 = arith.muli %mul3A_272, %mul3A_273 : i32
        %add3A_275 = arith.constant 5 : i32
        %add3A_276 = arith.addi %mul3A_274, %add3A_275 : i32
        %add3A_277 = vector.broadcast %add3A_276 : i32 to vector<16xi32>
        %add3A_278 = arith.addi %mul3A_270, %add3A_277 : vector<16xi32>
        tpu.vector_store_idx %arg7[%add3A_278], %get3A_267 : memref<16384xf32, #tpu.memory_space<vmem>>[vector<16xi32>], vector<16xf32>,
        %mul3A_279 = arith.constant 16 : i32
        %mul3A_280 = arith.muli %scan3A_177, %mul3A_279 : i32
        %get3A_281 = arith.constant 6 : i32
        %get3A_282 = arith.index_cast %get3A_281 : i32 to index
        %get3A_283 = arith.index_cast %mul3A_280 : i32 to index
        %get3A_284 = tpu.vector_load %arg5[%get3A_282, %get3A_283] {strides = array<i32>} : memref<16x1024xf32, #tpu.memory_space<vmem>>, vector<16xf32>,
        %mul3A_285 = arith.constant 16 : i32
        %mul3A_286 = vector.broadcast %mul3A_285 : i32 to vector<16xi32>
        %mul3A_287 = arith.muli %iota3A, %mul3A_286 : vector<16xi32>
        %mul3A_288 = arith.constant 16 : i32
        %mul3A_289 = arith.muli %scan3A_177, %mul3A_288 : i32
        %mul3A_290 = arith.constant 16 : i32
        %mul3A_291 = arith.muli %mul3A_289, %mul3A_290 : i32
        %add3A_292 = arith.constant 6 : i32
        %add3A_293 = arith.addi %mul3A_291, %add3A_292 : i32
        %add3A_294 = vector.broadcast %add3A_293 : i32 to vector<16xi32>
        %add3A_295 = arith.addi %mul3A_287, %add3A_294 : vector<16xi32>
        tpu.vector_store_idx %arg7[%add3A_295], %get3A_284 : memref<16384xf32, #tpu.memory_space<vmem>>[vector<16xi32>], vector<16xf32>,
        %mul3A_296 = arith.constant 16 : i32
        %mul3A_297 = arith.muli %scan3A_177, %mul3A_296 : i32
        %get3A_298 = arith.constant 7 : i32
        %get3A_299 = arith.index_cast %get3A_298 : i32 to index
        %get3A_300 = arith.index_cast %mul3A_297 : i32 to index
        %get3A_301 = tpu.vector_load %arg5[%get3A_299, %get3A_300] {strides = array<i32>} : memref<16x1024xf32, #tpu.memory_space<vmem>>, vector<16xf32>,
        %mul3A_302 = arith.constant 16 : i32
        %mul3A_303 = vector.broadcast %mul3A_302 : i32 to vector<16xi32>
        %mul3A_304 = arith.muli %iota3A, %mul3A_303 : vector<16xi32>
        %mul3A_305 = arith.constant 16 : i32
        %mul3A_306 = arith.muli %scan3A_177, %mul3A_305 : i32
        %mul3A_307 = arith.constant 16 : i32
        %mul3A_308 = arith.muli %mul3A_306, %mul3A_307 : i32
        %add3A_309 = arith.constant 7 : i32
        %add3A_310 = arith.addi %mul3A_308, %add3A_309 : i32
        %add3A_311 = vector.broadcast %add3A_310 : i32 to vector<16xi32>
        %add3A_312 = arith.addi %mul3A_304, %add3A_311 : vector<16xi32>
        tpu.vector_store_idx %arg7[%add3A_312], %get3A_301 : memref<16384xf32, #tpu.memory_space<vmem>>[vector<16xi32>], vector<16xf32>,
        %mul3A_313 = arith.constant 16 : i32
        %mul3A_314 = arith.muli %scan3A_177, %mul3A_313 : i32
        %get3A_315 = arith.constant 8 : i32
        %get3A_316 = arith.index_cast %get3A_315 : i32 to index
        %get3A_317 = arith.index_cast %mul3A_314 : i32 to index
        %get3A_318 = tpu.vector_load %arg5[%get3A_316, %get3A_317] {strides = array<i32>} : memref<16x1024xf32, #tpu.memory_space<vmem>>, vector<16xf32>,
        %mul3A_319 = arith.constant 16 : i32
        %mul3A_320 = vector.broadcast %mul3A_319 : i32 to vector<16xi32>
        %mul3A_321 = arith.muli %iota3A, %mul3A_320 : vector<16xi32>
        %mul3A_322 = arith.constant 16 : i32
        %mul3A_323 = arith.muli %scan3A_177, %mul3A_322 : i32
        %mul3A_324 = arith.constant 16 : i32
        %mul3A_325 = arith.muli %mul3A_323, %mul3A_324 : i32
        %add3A_326 = arith.constant 8 : i32
        %add3A_327 = arith.addi %mul3A_325, %add3A_326 : i32
        %add3A_328 = vector.broadcast %add3A_327 : i32 to vector<16xi32>
        %add3A_329 = arith.addi %mul3A_321, %add3A_328 : vector<16xi32>
        tpu.vector_store_idx %arg7[%add3A_329], %get3A_318 : memref<16384xf32, #tpu.memory_space<vmem>>[vector<16xi32>], vector<16xf32>,
        %mul3A_330 = arith.constant 16 : i32
        %mul3A_331 = arith.muli %scan3A_177, %mul3A_330 : i32
        %get3A_332 = arith.constant 9 : i32
        %get3A_333 = arith.index_cast %get3A_332 : i32 to index
        %get3A_334 = arith.index_cast %mul3A_331 : i32 to index
        %get3A_335 = tpu.vector_load %arg5[%get3A_333, %get3A_334] {strides = array<i32>} : memref<16x1024xf32, #tpu.memory_space<vmem>>, vector<16xf32>,
        %mul3A_336 = arith.constant 16 : i32
        %mul3A_337 = vector.broadcast %mul3A_336 : i32 to vector<16xi32>
        %mul3A_338 = arith.muli %iota3A, %mul3A_337 : vector<16xi32>
        %mul3A_339 = arith.constant 16 : i32
        %mul3A_340 = arith.muli %scan3A_177, %mul3A_339 : i32
        %mul3A_341 = arith.constant 16 : i32
        %mul3A_342 = arith.muli %mul3A_340, %mul3A_341 : i32
        %add3A_343 = arith.constant 9 : i32
        %add3A_344 = arith.addi %mul3A_342, %add3A_343 : i32
        %add3A_345 = vector.broadcast %add3A_344 : i32 to vector<16xi32>
        %add3A_346 = arith.addi %mul3A_338, %add3A_345 : vector<16xi32>
        tpu.vector_store_idx %arg7[%add3A_346], %get3A_335 : memref<16384xf32, #tpu.memory_space<vmem>>[vector<16xi32>], vector<16xf32>,
        %mul3A_347 = arith.constant 16 : i32
        %mul3A_348 = arith.muli %scan3A_177, %mul3A_347 : i32
        %get3A_349 = arith.constant 10 : i32
        %get3A_350 = arith.index_cast %get3A_349 : i32 to index
        %get3A_351 = arith.index_cast %mul3A_348 : i32 to index
        %get3A_352 = tpu.vector_load %arg5[%get3A_350, %get3A_351] {strides = array<i32>} : memref<16x1024xf32, #tpu.memory_space<vmem>>, vector<16xf32>,
        %mul3A_353 = arith.constant 16 : i32
        %mul3A_354 = vector.broadcast %mul3A_353 : i32 to vector<16xi32>
        %mul3A_355 = arith.muli %iota3A, %mul3A_354 : vector<16xi32>
        %mul3A_356 = arith.constant 16 : i32
        %mul3A_357 = arith.muli %scan3A_177, %mul3A_356 : i32
        %mul3A_358 = arith.constant 16 : i32
        %mul3A_359 = arith.muli %mul3A_357, %mul3A_358 : i32
        %add3A_360 = arith.constant 10 : i32
        %add3A_361 = arith.addi %mul3A_359, %add3A_360 : i32
        %add3A_362 = vector.broadcast %add3A_361 : i32 to vector<16xi32>
        %add3A_363 = arith.addi %mul3A_355, %add3A_362 : vector<16xi32>
        tpu.vector_store_idx %arg7[%add3A_363], %get3A_352 : memref<16384xf32, #tpu.memory_space<vmem>>[vector<16xi32>], vector<16xf32>,
        %mul3A_364 = arith.constant 16 : i32
        %mul3A_365 = arith.muli %scan3A_177, %mul3A_364 : i32
        %get3A_366 = arith.constant 11 : i32
        %get3A_367 = arith.index_cast %get3A_366 : i32 to index
        %get3A_368 = arith.index_cast %mul3A_365 : i32 to index
        %get3A_369 = tpu.vector_load %arg5[%get3A_367, %get3A_368] {strides = array<i32>} : memref<16x1024xf32, #tpu.memory_space<vmem>>, vector<16xf32>,
        %mul3A_370 = arith.constant 16 : i32
        %mul3A_371 = vector.broadcast %mul3A_370 : i32 to vector<16xi32>
        %mul3A_372 = arith.muli %iota3A, %mul3A_371 : vector<16xi32>
        %mul3A_373 = arith.constant 16 : i32
        %mul3A_374 = arith.muli %scan3A_177, %mul3A_373 : i32
        %mul3A_375 = arith.constant 16 : i32
        %mul3A_376 = arith.muli %mul3A_374, %mul3A_375 : i32
        %add3A_377 = arith.constant 11 : i32
        %add3A_378 = arith.addi %mul3A_376, %add3A_377 : i32
        %add3A_379 = vector.broadcast %add3A_378 : i32 to vector<16xi32>
        %add3A_380 = arith.addi %mul3A_372, %add3A_379 : vector<16xi32>
        tpu.vector_store_idx %arg7[%add3A_380], %get3A_369 : memref<16384xf32, #tpu.memory_space<vmem>>[vector<16xi32>], vector<16xf32>,
        %mul3A_381 = arith.constant 16 : i32
        %mul3A_382 = arith.muli %scan3A_177, %mul3A_381 : i32
        %get3A_383 = arith.constant 12 : i32
        %get3A_384 = arith.index_cast %get3A_383 : i32 to index
        %get3A_385 = arith.index_cast %mul3A_382 : i32 to index
        %get3A_386 = tpu.vector_load %arg5[%get3A_384, %get3A_385] {strides = array<i32>} : memref<16x1024xf32, #tpu.memory_space<vmem>>, vector<16xf32>,
        %mul3A_387 = arith.constant 16 : i32
        %mul3A_388 = vector.broadcast %mul3A_387 : i32 to vector<16xi32>
        %mul3A_389 = arith.muli %iota3A, %mul3A_388 : vector<16xi32>
        %mul3A_390 = arith.constant 16 : i32
        %mul3A_391 = arith.muli %scan3A_177, %mul3A_390 : i32
        %mul3A_392 = arith.constant 16 : i32
        %mul3A_393 = arith.muli %mul3A_391, %mul3A_392 : i32
        %add3A_394 = arith.constant 12 : i32
        %add3A_395 = arith.addi %mul3A_393, %add3A_394 : i32
        %add3A_396 = vector.broadcast %add3A_395 : i32 to vector<16xi32>
        %add3A_397 = arith.addi %mul3A_389, %add3A_396 : vector<16xi32>
        tpu.vector_store_idx %arg7[%add3A_397], %get3A_386 : memref<16384xf32, #tpu.memory_space<vmem>>[vector<16xi32>], vector<16xf32>,
        %mul3A_398 = arith.constant 16 : i32
        %mul3A_399 = arith.muli %scan3A_177, %mul3A_398 : i32
        %get3A_400 = arith.constant 13 : i32
        %get3A_401 = arith.index_cast %get3A_400 : i32 to index
        %get3A_402 = arith.index_cast %mul3A_399 : i32 to index
        %get3A_403 = tpu.vector_load %arg5[%get3A_401, %get3A_402] {strides = array<i32>} : memref<16x1024xf32, #tpu.memory_space<vmem>>, vector<16xf32>,
        %mul3A_404 = arith.constant 16 : i32
        %mul3A_405 = vector.broadcast %mul3A_404 : i32 to vector<16xi32>
        %mul3A_406 = arith.muli %iota3A, %mul3A_405 : vector<16xi32>
        %mul3A_407 = arith.constant 16 : i32
        %mul3A_408 = arith.muli %scan3A_177, %mul3A_407 : i32
        %mul3A_409 = arith.constant 16 : i32
        %mul3A_410 = arith.muli %mul3A_408, %mul3A_409 : i32
        %add3A_411 = arith.constant 13 : i32
        %add3A_412 = arith.addi %mul3A_410, %add3A_411 : i32
        %add3A_413 = vector.broadcast %add3A_412 : i32 to vector<16xi32>
        %add3A_414 = arith.addi %mul3A_406, %add3A_413 : vector<16xi32>
        tpu.vector_store_idx %arg7[%add3A_414], %get3A_403 : memref<16384xf32, #tpu.memory_space<vmem>>[vector<16xi32>], vector<16xf32>,
        %mul3A_415 = arith.constant 16 : i32
        %mul3A_416 = arith.muli %scan3A_177, %mul3A_415 : i32
        %get3A_417 = arith.constant 14 : i32
        %get3A_418 = arith.index_cast %get3A_417 : i32 to index
        %get3A_419 = arith.index_cast %mul3A_416 : i32 to index
        %get3A_420 = tpu.vector_load %arg5[%get3A_418, %get3A_419] {strides = array<i32>} : memref<16x1024xf32, #tpu.memory_space<vmem>>, vector<16xf32>,
        %mul3A_421 = arith.constant 16 : i32
        %mul3A_422 = vector.broadcast %mul3A_421 : i32 to vector<16xi32>
        %mul3A_423 = arith.muli %iota3A, %mul3A_422 : vector<16xi32>
        %mul3A_424 = arith.constant 16 : i32
        %mul3A_425 = arith.muli %scan3A_177, %mul3A_424 : i32
        %mul3A_426 = arith.constant 16 : i32
        %mul3A_427 = arith.muli %mul3A_425, %mul3A_426 : i32
        %add3A_428 = arith.constant 14 : i32
        %add3A_429 = arith.addi %mul3A_427, %add3A_428 : i32
        %add3A_430 = vector.broadcast %add3A_429 : i32 to vector<16xi32>
        %add3A_431 = arith.addi %mul3A_423, %add3A_430 : vector<16xi32>
        tpu.vector_store_idx %arg7[%add3A_431], %get3A_420 : memref<16384xf32, #tpu.memory_space<vmem>>[vector<16xi32>], vector<16xf32>,
        %mul3A_432 = arith.constant 16 : i32
        %mul3A_433 = arith.muli %scan3A_177, %mul3A_432 : i32
        %get3A_434 = arith.constant 15 : i32
        %get3A_435 = arith.index_cast %get3A_434 : i32 to index
        %get3A_436 = arith.index_cast %mul3A_433 : i32 to index
        %get3A_437 = tpu.vector_load %arg5[%get3A_435, %get3A_436] {strides = array<i32>} : memref<16x1024xf32, #tpu.memory_space<vmem>>, vector<16xf32>,
        %mul3A_438 = arith.constant 16 : i32
        %mul3A_439 = vector.broadcast %mul3A_438 : i32 to vector<16xi32>
        %mul3A_440 = arith.muli %iota3A, %mul3A_439 : vector<16xi32>
        %mul3A_441 = arith.constant 16 : i32
        %mul3A_442 = arith.muli %scan3A_177, %mul3A_441 : i32
        %mul3A_443 = arith.constant 16 : i32
        %mul3A_444 = arith.muli %mul3A_442, %mul3A_443 : i32
        %add3A_445 = arith.constant 15 : i32
        %add3A_446 = arith.addi %mul3A_444, %add3A_445 : i32
        %add3A_447 = vector.broadcast %add3A_446 : i32 to vector<16xi32>
        %add3A_448 = arith.addi %mul3A_440, %add3A_447 : vector<16xi32>
        tpu.vector_store_idx %arg7[%add3A_448], %get3A_437 : memref<16384xf32, #tpu.memory_space<vmem>>[vector<16xi32>], vector<16xf32>,
      }
      %scan3A_114 = arith.constant 64 : i32
      %mul3A_115 = arith.constant 1024 : i32
      %mul3A_116 = arith.muli %add3A_58, %mul3A_115 : i32
      %mul3A_117 = arith.constant 16 : i32
      %mul3A_118 = arith.muli %mul3A_116, %mul3A_117 : i32
      %dma_start3A_119 = arith.constant 0 : i32
      %dma_start3A_120 = tpu.memref_slice %arg7[%dma_start3A_119] : memref<16384xf32, #tpu.memory_space<vmem>> -> memref<16384xf32, #tpu.memory_space<vmem>>
      %dma_start3A_121 = tpu.memref_slice %arg4[%mul3A_118] : memref<16000000xf32, #tpu.memory_space<hbm>> -> memref<16384xf32, #tpu.memory_space<hbm>>
      %dma_start3A_122 = tpu.memref_slice %arg4[%mul3A_118] : memref<16000000xf32, #tpu.memory_space<hbm>> -> memref<16384xf32, #tpu.memory_space<hbm>>
      %dma_start3A_123 = arith.constant 0 : i32
      %dma_start3A_124 = tpu.memref_slice %arg7[%dma_start3A_123] : memref<16384xf32, #tpu.memory_space<vmem>> -> memref<16384xf32, #tpu.memory_space<vmem>>
      tpu.enqueue_dma source(%dma_start3A_124 : memref<16384xf32, #tpu.memory_space<vmem>>) target(%dma_start3A_122 : memref<16384xf32, #tpu.memory_space<hbm>>) target_semaphore(%arg11 : memref<!tpu.dma_semaphore, #tpu.memory_space<semaphore_mem>>)
      %lt3A_125 = arith.constant 14 : i32
      %lt3A_126 = arith.cmpi slt, %scan3A_55, %lt3A_125 : i32
      %convert_element_type3A_127 = arith.extui %lt3A_126 : i1 to i32
      %cond3A_128 = arith.constant 0 : i32
      %cond3A_129 = arith.cmpi ne, %convert_element_type3A_127, %cond3A_128 : i32
      scf.if %cond3A_129 {
        %add3A_177 = arith.constant 2 : i32
        %add3A_178 = arith.addi %add3A_58, %add3A_177 : i32
        %mul3A_179 = arith.constant 1024 : i32
        %mul3A_180 = arith.muli %add3A_178, %mul3A_179 : i32
        %dma_start3A_181 = arith.constant 0 : i32
        %dma_start3A_182 = arith.constant 0 : i32
        %dma_start3A_183 = tpu.memref_slice %arg5[%dma_start3A_181, %dma_start3A_182] : memref<16x1024xf32, #tpu.memory_space<vmem>> -> memref<8x1024xf32, #tpu.memory_space<vmem>>
        %dma_start3A_184 = arith.constant 0 : i32
        %dma_start3A_185 = tpu.memref_slice %arg2[%dma_start3A_184, %mul3A_180] : memref<16x1000000xf32, #tpu.memory_space<hbm>> -> memref<8x1024xf32, #tpu.memory_space<hbm>>
        %dma_start3A_186 = arith.constant 0 : i32
        %dma_start3A_187 = arith.constant 0 : i32
        %dma_start3A_188 = tpu.memref_slice %arg5[%dma_start3A_186, %dma_start3A_187] : memref<16x1024xf32, #tpu.memory_space<vmem>> -> memref<8x1024xf32, #tpu.memory_space<vmem>>
        %dma_start3A_189 = arith.constant 0 : i32
        %dma_start3A_190 = tpu.memref_slice %arg2[%dma_start3A_189, %mul3A_180] : memref<16x1000000xf32, #tpu.memory_space<hbm>> -> memref<8x1024xf32, #tpu.memory_space<hbm>>
        tpu.enqueue_dma source(%dma_start3A_190 : memref<8x1024xf32, #tpu.memory_space<hbm>>) target(%dma_start3A_188 : memref<8x1024xf32, #tpu.memory_space<vmem>>) target_semaphore(%arg9 : memref<!tpu.dma_semaphore, #tpu.memory_space<semaphore_mem>>)
        %dma_start3A_191 = arith.constant 8 : i32
        %dma_start3A_192 = arith.constant 0 : i32
        %dma_start3A_193 = tpu.memref_slice %arg5[%dma_start3A_191, %dma_start3A_192] : memref<16x1024xf32, #tpu.memory_space<vmem>> -> memref<8x1024xf32, #tpu.memory_space<vmem>>
        %dma_start3A_194 = arith.constant 8 : i32
        %dma_start3A_195 = tpu.memref_slice %arg2[%dma_start3A_194, %mul3A_180] : memref<16x1000000xf32, #tpu.memory_space<hbm>> -> memref<8x1024xf32, #tpu.memory_space<hbm>>
        %dma_start3A_196 = arith.constant 8 : i32
        %dma_start3A_197 = arith.constant 0 : i32
        %dma_start3A_198 = tpu.memref_slice %arg5[%dma_start3A_196, %dma_start3A_197] : memref<16x1024xf32, #tpu.memory_space<vmem>> -> memref<8x1024xf32, #tpu.memory_space<vmem>>
        %dma_start3A_199 = arith.constant 8 : i32
        %dma_start3A_200 = tpu.memref_slice %arg2[%dma_start3A_199, %mul3A_180] : memref<16x1000000xf32, #tpu.memory_space<hbm>> -> memref<8x1024xf32, #tpu.memory_space<hbm>>
        tpu.enqueue_dma source(%dma_start3A_200 : memref<8x1024xf32, #tpu.memory_space<hbm>>) target(%dma_start3A_198 : memref<8x1024xf32, #tpu.memory_space<vmem>>) target_semaphore(%arg9 : memref<!tpu.dma_semaphore, #tpu.memory_space<semaphore_mem>>)
      } else {
      }
      %add3A_130 = arith.constant 1 : i32
      %add3A_131 = arith.addi %add3A_58, %add3A_130 : i32
      %mul3A_132 = arith.constant 1024 : i32
      %mul3A_133 = arith.muli %add3A_131, %mul3A_132 : i32
      %dma_wait3A_134 = arith.constant 0 : i32
      %dma_wait3A_135 = arith.constant 0 : i32
      %dma_wait3A_136 = tpu.memref_slice %arg6[%dma_wait3A_134, %dma_wait3A_135] : memref<16x1024xf32, #tpu.memory_space<vmem>> -> memref<8x1024xf32, #tpu.memory_space<vmem>>
      %dma_wait3A_137 = arith.constant 0 : i32
      %dma_wait3A_138 = tpu.memref_slice %arg2[%dma_wait3A_137, %mul3A_133] : memref<16x1000000xf32, #tpu.memory_space<hbm>> -> memref<8x1024xf32, #tpu.memory_space<hbm>>
      %dma_wait3A_139 = arith.constant 0 : i32
      %dma_wait3A_140 = arith.constant 0 : i32
      %dma_wait3A_141 = tpu.memref_slice %arg6[%dma_wait3A_139, %dma_wait3A_140] : memref<16x1024xf32, #tpu.memory_space<vmem>> -> memref<8x1024xf32, #tpu.memory_space<vmem>>
      %dma_wait3A_142 = arith.constant 0 : i32
      %dma_wait3A_143 = tpu.memref_slice %arg2[%dma_wait3A_142, %mul3A_133] : memref<16x1000000xf32, #tpu.memory_space<hbm>> -> memref<8x1024xf32, #tpu.memory_space<hbm>>
      tpu.wait_dma2 semaphore(%arg10 : memref<!tpu.dma_semaphore, #tpu.memory_space<semaphore_mem>>) src(%dma_wait3A_143 : memref<8x1024xf32, #tpu.memory_space<hbm>>) dst(%dma_wait3A_141 : memref<8x1024xf32, #tpu.memory_space<vmem>>)
      %dma_wait3A_144 = arith.constant 8 : i32
      %dma_wait3A_145 = arith.constant 0 : i32
      %dma_wait3A_146 = tpu.memref_slice %arg6[%dma_wait3A_144, %dma_wait3A_145] : memref<16x1024xf32, #tpu.memory_space<vmem>> -> memref<8x1024xf32, #tpu.memory_space<vmem>>
      %dma_wait3A_147 = arith.constant 8 : i32
      %dma_wait3A_148 = tpu.memref_slice %arg2[%dma_wait3A_147, %mul3A_133] : memref<16x1000000xf32, #tpu.memory_space<hbm>> -> memref<8x1024xf32, #tpu.memory_space<hbm>>
      %dma_wait3A_149 = arith.constant 8 : i32
      %dma_wait3A_150 = arith.constant 0 : i32
      %dma_wait3A_151 = tpu.memref_slice %arg6[%dma_wait3A_149, %dma_wait3A_150] : memref<16x1024xf32, #tpu.memory_space<vmem>> -> memref<8x1024xf32, #tpu.memory_space<vmem>>
      %dma_wait3A_152 = arith.constant 8 : i32
      %dma_wait3A_153 = tpu.memref_slice %arg2[%dma_wait3A_152, %mul3A_133] : memref<16x1000000xf32, #tpu.memory_space<hbm>> -> memref<8x1024xf32, #tpu.memory_space<hbm>>
      tpu.wait_dma2 semaphore(%arg10 : memref<!tpu.dma_semaphore, #tpu.memory_space<semaphore_mem>>) src(%dma_wait3A_153 : memref<8x1024xf32, #tpu.memory_space<hbm>>) dst(%dma_wait3A_151 : memref<8x1024xf32, #tpu.memory_space<vmem>>)
      %gt3A_154 = arith.constant 0 : i32
      %gt3A_155 = arith.cmpi sgt, %scan3A_55, %gt3A_154 : i32
      %convert_element_type3A_156 = arith.extui %gt3A_155 : i1 to i32
      %cond3A_157 = arith.constant 0 : i32
      %cond3A_158 = arith.cmpi ne, %convert_element_type3A_156, %cond3A_157 : i32
      scf.if %cond3A_158 {
        %dma_wait3A_177 = arith.constant 0 : i32
        %dma_wait3A_178 = tpu.memref_slice %arg8[%dma_wait3A_177] : memref<16384xf32, #tpu.memory_space<vmem>> -> memref<16384xf32, #tpu.memory_space<vmem>>
        %dma_wait3A_179 = arith.constant 0 : i32
        %dma_wait3A_180 = tpu.memref_slice %arg4[%dma_wait3A_179] : memref<16000000xf32, #tpu.memory_space<hbm>> -> memref<16384xf32, #tpu.memory_space<hbm>>
        %dma_wait3A_181 = arith.constant 0 : i32
        %dma_wait3A_182 = tpu.memref_slice %arg4[%dma_wait3A_181] : memref<16000000xf32, #tpu.memory_space<hbm>> -> memref<16384xf32, #tpu.memory_space<hbm>>
        %dma_wait3A_183 = arith.constant 0 : i32
        %dma_wait3A_184 = tpu.memref_slice %arg8[%dma_wait3A_183] : memref<16384xf32, #tpu.memory_space<vmem>> -> memref<16384xf32, #tpu.memory_space<vmem>>
        tpu.wait_dma2 semaphore(%arg12 : memref<!tpu.dma_semaphore, #tpu.memory_space<semaphore_mem>>) src(%dma_wait3A_184 : memref<16384xf32, #tpu.memory_space<vmem>>) dst(%dma_wait3A_182 : memref<16384xf32, #tpu.memory_space<hbm>>)
      } else {
      }
      %scan3A_159 = arith.constant 0 : i32
      %scan3A_160 = arith.constant 0 : i32
      %scan3A_161 = arith.constant 64 : i32
      %scan3A_162 = arith.addi %scan3A_160, %scan3A_161 : i32
      %scan3A_163 = arith.constant 1 : i32
      scf.for %scan3A_177 = %scan3A_160 to %scan3A_162 step %scan3A_163  : i32 {
        %mul3A_178 = arith.constant 16 : i32
        %mul3A_179 = arith.muli %scan3A_177, %mul3A_178 : i32
        %get3A = arith.constant 0 : i32
        %get3A_180 = arith.index_cast %get3A : i32 to index
        %get3A_181 = arith.index_cast %mul3A_179 : i32 to index
        %get3A_182 = tpu.vector_load %arg6[%get3A_180, %get3A_181] {strides = array<i32>} : memref<16x1024xf32, #tpu.memory_space<vmem>>, vector<16xf32>,
        %mul3A_183 = arith.constant 16 : i32
        %mul3A_184 = vector.broadcast %mul3A_183 : i32 to vector<16xi32>
        %mul3A_185 = arith.muli %iota3A, %mul3A_184 : vector<16xi32>
        %mul3A_186 = arith.constant 16 : i32
        %mul3A_187 = arith.muli %scan3A_177, %mul3A_186 : i32
        %mul3A_188 = arith.constant 16 : i32
        %mul3A_189 = arith.muli %mul3A_187, %mul3A_188 : i32
        %add3A_190 = arith.constant 0 : i32
        %add3A_191 = arith.addi %mul3A_189, %add3A_190 : i32
        %add3A_192 = vector.broadcast %add3A_191 : i32 to vector<16xi32>
        %add3A_193 = arith.addi %mul3A_185, %add3A_192 : vector<16xi32>
        tpu.vector_store_idx %arg8[%add3A_193], %get3A_182 : memref<16384xf32, #tpu.memory_space<vmem>>[vector<16xi32>], vector<16xf32>,
        %mul3A_194 = arith.constant 16 : i32
        %mul3A_195 = arith.muli %scan3A_177, %mul3A_194 : i32
        %get3A_196 = arith.constant 1 : i32
        %get3A_197 = arith.index_cast %get3A_196 : i32 to index
        %get3A_198 = arith.index_cast %mul3A_195 : i32 to index
        %get3A_199 = tpu.vector_load %arg6[%get3A_197, %get3A_198] {strides = array<i32>} : memref<16x1024xf32, #tpu.memory_space<vmem>>, vector<16xf32>,
        %mul3A_200 = arith.constant 16 : i32
        %mul3A_201 = vector.broadcast %mul3A_200 : i32 to vector<16xi32>
        %mul3A_202 = arith.muli %iota3A, %mul3A_201 : vector<16xi32>
        %mul3A_203 = arith.constant 16 : i32
        %mul3A_204 = arith.muli %scan3A_177, %mul3A_203 : i32
        %mul3A_205 = arith.constant 16 : i32
        %mul3A_206 = arith.muli %mul3A_204, %mul3A_205 : i32
        %add3A_207 = arith.constant 1 : i32
        %add3A_208 = arith.addi %mul3A_206, %add3A_207 : i32
        %add3A_209 = vector.broadcast %add3A_208 : i32 to vector<16xi32>
        %add3A_210 = arith.addi %mul3A_202, %add3A_209 : vector<16xi32>
        tpu.vector_store_idx %arg8[%add3A_210], %get3A_199 : memref<16384xf32, #tpu.memory_space<vmem>>[vector<16xi32>], vector<16xf32>,
        %mul3A_211 = arith.constant 16 : i32
        %mul3A_212 = arith.muli %scan3A_177, %mul3A_211 : i32
        %get3A_213 = arith.constant 2 : i32
        %get3A_214 = arith.index_cast %get3A_213 : i32 to index
        %get3A_215 = arith.index_cast %mul3A_212 : i32 to index
        %get3A_216 = tpu.vector_load %arg6[%get3A_214, %get3A_215] {strides = array<i32>} : memref<16x1024xf32, #tpu.memory_space<vmem>>, vector<16xf32>,
        %mul3A_217 = arith.constant 16 : i32
        %mul3A_218 = vector.broadcast %mul3A_217 : i32 to vector<16xi32>
        %mul3A_219 = arith.muli %iota3A, %mul3A_218 : vector<16xi32>
        %mul3A_220 = arith.constant 16 : i32
        %mul3A_221 = arith.muli %scan3A_177, %mul3A_220 : i32
        %mul3A_222 = arith.constant 16 : i32
        %mul3A_223 = arith.muli %mul3A_221, %mul3A_222 : i32
        %add3A_224 = arith.constant 2 : i32
        %add3A_225 = arith.addi %mul3A_223, %add3A_224 : i32
        %add3A_226 = vector.broadcast %add3A_225 : i32 to vector<16xi32>
        %add3A_227 = arith.addi %mul3A_219, %add3A_226 : vector<16xi32>
        tpu.vector_store_idx %arg8[%add3A_227], %get3A_216 : memref<16384xf32, #tpu.memory_space<vmem>>[vector<16xi32>], vector<16xf32>,
        %mul3A_228 = arith.constant 16 : i32
        %mul3A_229 = arith.muli %scan3A_177, %mul3A_228 : i32
        %get3A_230 = arith.constant 3 : i32
        %get3A_231 = arith.index_cast %get3A_230 : i32 to index
        %get3A_232 = arith.index_cast %mul3A_229 : i32 to index
        %get3A_233 = tpu.vector_load %arg6[%get3A_231, %get3A_232] {strides = array<i32>} : memref<16x1024xf32, #tpu.memory_space<vmem>>, vector<16xf32>,
        %mul3A_234 = arith.constant 16 : i32
        %mul3A_235 = vector.broadcast %mul3A_234 : i32 to vector<16xi32>
        %mul3A_236 = arith.muli %iota3A, %mul3A_235 : vector<16xi32>
        %mul3A_237 = arith.constant 16 : i32
        %mul3A_238 = arith.muli %scan3A_177, %mul3A_237 : i32
        %mul3A_239 = arith.constant 16 : i32
        %mul3A_240 = arith.muli %mul3A_238, %mul3A_239 : i32
        %add3A_241 = arith.constant 3 : i32
        %add3A_242 = arith.addi %mul3A_240, %add3A_241 : i32
        %add3A_243 = vector.broadcast %add3A_242 : i32 to vector<16xi32>
        %add3A_244 = arith.addi %mul3A_236, %add3A_243 : vector<16xi32>
        tpu.vector_store_idx %arg8[%add3A_244], %get3A_233 : memref<16384xf32, #tpu.memory_space<vmem>>[vector<16xi32>], vector<16xf32>,
        %mul3A_245 = arith.constant 16 : i32
        %mul3A_246 = arith.muli %scan3A_177, %mul3A_245 : i32
        %get3A_247 = arith.constant 4 : i32
        %get3A_248 = arith.index_cast %get3A_247 : i32 to index
        %get3A_249 = arith.index_cast %mul3A_246 : i32 to index
        %get3A_250 = tpu.vector_load %arg6[%get3A_248, %get3A_249] {strides = array<i32>} : memref<16x1024xf32, #tpu.memory_space<vmem>>, vector<16xf32>,
        %mul3A_251 = arith.constant 16 : i32
        %mul3A_252 = vector.broadcast %mul3A_251 : i32 to vector<16xi32>
        %mul3A_253 = arith.muli %iota3A, %mul3A_252 : vector<16xi32>
        %mul3A_254 = arith.constant 16 : i32
        %mul3A_255 = arith.muli %scan3A_177, %mul3A_254 : i32
        %mul3A_256 = arith.constant 16 : i32
        %mul3A_257 = arith.muli %mul3A_255, %mul3A_256 : i32
        %add3A_258 = arith.constant 4 : i32
        %add3A_259 = arith.addi %mul3A_257, %add3A_258 : i32
        %add3A_260 = vector.broadcast %add3A_259 : i32 to vector<16xi32>
        %add3A_261 = arith.addi %mul3A_253, %add3A_260 : vector<16xi32>
        tpu.vector_store_idx %arg8[%add3A_261], %get3A_250 : memref<16384xf32, #tpu.memory_space<vmem>>[vector<16xi32>], vector<16xf32>,
        %mul3A_262 = arith.constant 16 : i32
        %mul3A_263 = arith.muli %scan3A_177, %mul3A_262 : i32
        %get3A_264 = arith.constant 5 : i32
        %get3A_265 = arith.index_cast %get3A_264 : i32 to index
        %get3A_266 = arith.index_cast %mul3A_263 : i32 to index
        %get3A_267 = tpu.vector_load %arg6[%get3A_265, %get3A_266] {strides = array<i32>} : memref<16x1024xf32, #tpu.memory_space<vmem>>, vector<16xf32>,
        %mul3A_268 = arith.constant 16 : i32
        %mul3A_269 = vector.broadcast %mul3A_268 : i32 to vector<16xi32>
        %mul3A_270 = arith.muli %iota3A, %mul3A_269 : vector<16xi32>
        %mul3A_271 = arith.constant 16 : i32
        %mul3A_272 = arith.muli %scan3A_177, %mul3A_271 : i32
        %mul3A_273 = arith.constant 16 : i32
        %mul3A_274 = arith.muli %mul3A_272, %mul3A_273 : i32
        %add3A_275 = arith.constant 5 : i32
        %add3A_276 = arith.addi %mul3A_274, %add3A_275 : i32
        %add3A_277 = vector.broadcast %add3A_276 : i32 to vector<16xi32>
        %add3A_278 = arith.addi %mul3A_270, %add3A_277 : vector<16xi32>
        tpu.vector_store_idx %arg8[%add3A_278], %get3A_267 : memref<16384xf32, #tpu.memory_space<vmem>>[vector<16xi32>], vector<16xf32>,
        %mul3A_279 = arith.constant 16 : i32
        %mul3A_280 = arith.muli %scan3A_177, %mul3A_279 : i32
        %get3A_281 = arith.constant 6 : i32
        %get3A_282 = arith.index_cast %get3A_281 : i32 to index
        %get3A_283 = arith.index_cast %mul3A_280 : i32 to index
        %get3A_284 = tpu.vector_load %arg6[%get3A_282, %get3A_283] {strides = array<i32>} : memref<16x1024xf32, #tpu.memory_space<vmem>>, vector<16xf32>,
        %mul3A_285 = arith.constant 16 : i32
        %mul3A_286 = vector.broadcast %mul3A_285 : i32 to vector<16xi32>
        %mul3A_287 = arith.muli %iota3A, %mul3A_286 : vector<16xi32>
        %mul3A_288 = arith.constant 16 : i32
        %mul3A_289 = arith.muli %scan3A_177, %mul3A_288 : i32
        %mul3A_290 = arith.constant 16 : i32
        %mul3A_291 = arith.muli %mul3A_289, %mul3A_290 : i32
        %add3A_292 = arith.constant 6 : i32
        %add3A_293 = arith.addi %mul3A_291, %add3A_292 : i32
        %add3A_294 = vector.broadcast %add3A_293 : i32 to vector<16xi32>
        %add3A_295 = arith.addi %mul3A_287, %add3A_294 : vector<16xi32>
        tpu.vector_store_idx %arg8[%add3A_295], %get3A_284 : memref<16384xf32, #tpu.memory_space<vmem>>[vector<16xi32>], vector<16xf32>,
        %mul3A_296 = arith.constant 16 : i32
        %mul3A_297 = arith.muli %scan3A_177, %mul3A_296 : i32
        %get3A_298 = arith.constant 7 : i32
        %get3A_299 = arith.index_cast %get3A_298 : i32 to index
        %get3A_300 = arith.index_cast %mul3A_297 : i32 to index
        %get3A_301 = tpu.vector_load %arg6[%get3A_299, %get3A_300] {strides = array<i32>} : memref<16x1024xf32, #tpu.memory_space<vmem>>, vector<16xf32>,
        %mul3A_302 = arith.constant 16 : i32
        %mul3A_303 = vector.broadcast %mul3A_302 : i32 to vector<16xi32>
        %mul3A_304 = arith.muli %iota3A, %mul3A_303 : vector<16xi32>
        %mul3A_305 = arith.constant 16 : i32
        %mul3A_306 = arith.muli %scan3A_177, %mul3A_305 : i32
        %mul3A_307 = arith.constant 16 : i32
        %mul3A_308 = arith.muli %mul3A_306, %mul3A_307 : i32
        %add3A_309 = arith.constant 7 : i32
        %add3A_310 = arith.addi %mul3A_308, %add3A_309 : i32
        %add3A_311 = vector.broadcast %add3A_310 : i32 to vector<16xi32>
        %add3A_312 = arith.addi %mul3A_304, %add3A_311 : vector<16xi32>
        tpu.vector_store_idx %arg8[%add3A_312], %get3A_301 : memref<16384xf32, #tpu.memory_space<vmem>>[vector<16xi32>], vector<16xf32>,
        %mul3A_313 = arith.constant 16 : i32
        %mul3A_314 = arith.muli %scan3A_177, %mul3A_313 : i32
        %get3A_315 = arith.constant 8 : i32
        %get3A_316 = arith.index_cast %get3A_315 : i32 to index
        %get3A_317 = arith.index_cast %mul3A_314 : i32 to index
        %get3A_318 = tpu.vector_load %arg6[%get3A_316, %get3A_317] {strides = array<i32>} : memref<16x1024xf32, #tpu.memory_space<vmem>>, vector<16xf32>,
        %mul3A_319 = arith.constant 16 : i32
        %mul3A_320 = vector.broadcast %mul3A_319 : i32 to vector<16xi32>
        %mul3A_321 = arith.muli %iota3A, %mul3A_320 : vector<16xi32>
        %mul3A_322 = arith.constant 16 : i32
        %mul3A_323 = arith.muli %scan3A_177, %mul3A_322 : i32
        %mul3A_324 = arith.constant 16 : i32
        %mul3A_325 = arith.muli %mul3A_323, %mul3A_324 : i32
        %add3A_326 = arith.constant 8 : i32
        %add3A_327 = arith.addi %mul3A_325, %add3A_326 : i32
        %add3A_328 = vector.broadcast %add3A_327 : i32 to vector<16xi32>
        %add3A_329 = arith.addi %mul3A_321, %add3A_328 : vector<16xi32>
        tpu.vector_store_idx %arg8[%add3A_329], %get3A_318 : memref<16384xf32, #tpu.memory_space<vmem>>[vector<16xi32>], vector<16xf32>,
        %mul3A_330 = arith.constant 16 : i32
        %mul3A_331 = arith.muli %scan3A_177, %mul3A_330 : i32
        %get3A_332 = arith.constant 9 : i32
        %get3A_333 = arith.index_cast %get3A_332 : i32 to index
        %get3A_334 = arith.index_cast %mul3A_331 : i32 to index
        %get3A_335 = tpu.vector_load %arg6[%get3A_333, %get3A_334] {strides = array<i32>} : memref<16x1024xf32, #tpu.memory_space<vmem>>, vector<16xf32>,
        %mul3A_336 = arith.constant 16 : i32
        %mul3A_337 = vector.broadcast %mul3A_336 : i32 to vector<16xi32>
        %mul3A_338 = arith.muli %iota3A, %mul3A_337 : vector<16xi32>
        %mul3A_339 = arith.constant 16 : i32
        %mul3A_340 = arith.muli %scan3A_177, %mul3A_339 : i32
        %mul3A_341 = arith.constant 16 : i32
        %mul3A_342 = arith.muli %mul3A_340, %mul3A_341 : i32
        %add3A_343 = arith.constant 9 : i32
        %add3A_344 = arith.addi %mul3A_342, %add3A_343 : i32
        %add3A_345 = vector.broadcast %add3A_344 : i32 to vector<16xi32>
        %add3A_346 = arith.addi %mul3A_338, %add3A_345 : vector<16xi32>
        tpu.vector_store_idx %arg8[%add3A_346], %get3A_335 : memref<16384xf32, #tpu.memory_space<vmem>>[vector<16xi32>], vector<16xf32>,
        %mul3A_347 = arith.constant 16 : i32
        %mul3A_348 = arith.muli %scan3A_177, %mul3A_347 : i32
        %get3A_349 = arith.constant 10 : i32
        %get3A_350 = arith.index_cast %get3A_349 : i32 to index
        %get3A_351 = arith.index_cast %mul3A_348 : i32 to index
        %get3A_352 = tpu.vector_load %arg6[%get3A_350, %get3A_351] {strides = array<i32>} : memref<16x1024xf32, #tpu.memory_space<vmem>>, vector<16xf32>,
        %mul3A_353 = arith.constant 16 : i32
        %mul3A_354 = vector.broadcast %mul3A_353 : i32 to vector<16xi32>
        %mul3A_355 = arith.muli %iota3A, %mul3A_354 : vector<16xi32>
        %mul3A_356 = arith.constant 16 : i32
        %mul3A_357 = arith.muli %scan3A_177, %mul3A_356 : i32
        %mul3A_358 = arith.constant 16 : i32
        %mul3A_359 = arith.muli %mul3A_357, %mul3A_358 : i32
        %add3A_360 = arith.constant 10 : i32
        %add3A_361 = arith.addi %mul3A_359, %add3A_360 : i32
        %add3A_362 = vector.broadcast %add3A_361 : i32 to vector<16xi32>
        %add3A_363 = arith.addi %mul3A_355, %add3A_362 : vector<16xi32>
        tpu.vector_store_idx %arg8[%add3A_363], %get3A_352 : memref<16384xf32, #tpu.memory_space<vmem>>[vector<16xi32>], vector<16xf32>,
        %mul3A_364 = arith.constant 16 : i32
        %mul3A_365 = arith.muli %scan3A_177, %mul3A_364 : i32
        %get3A_366 = arith.constant 11 : i32
        %get3A_367 = arith.index_cast %get3A_366 : i32 to index
        %get3A_368 = arith.index_cast %mul3A_365 : i32 to index
        %get3A_369 = tpu.vector_load %arg6[%get3A_367, %get3A_368] {strides = array<i32>} : memref<16x1024xf32, #tpu.memory_space<vmem>>, vector<16xf32>,
        %mul3A_370 = arith.constant 16 : i32
        %mul3A_371 = vector.broadcast %mul3A_370 : i32 to vector<16xi32>
        %mul3A_372 = arith.muli %iota3A, %mul3A_371 : vector<16xi32>
        %mul3A_373 = arith.constant 16 : i32
        %mul3A_374 = arith.muli %scan3A_177, %mul3A_373 : i32
        %mul3A_375 = arith.constant 16 : i32
        %mul3A_376 = arith.muli %mul3A_374, %mul3A_375 : i32
        %add3A_377 = arith.constant 11 : i32
        %add3A_378 = arith.addi %mul3A_376, %add3A_377 : i32
        %add3A_379 = vector.broadcast %add3A_378 : i32 to vector<16xi32>
        %add3A_380 = arith.addi %mul3A_372, %add3A_379 : vector<16xi32>
        tpu.vector_store_idx %arg8[%add3A_380], %get3A_369 : memref<16384xf32, #tpu.memory_space<vmem>>[vector<16xi32>], vector<16xf32>,
        %mul3A_381 = arith.constant 16 : i32
        %mul3A_382 = arith.muli %scan3A_177, %mul3A_381 : i32
        %get3A_383 = arith.constant 12 : i32
        %get3A_384 = arith.index_cast %get3A_383 : i32 to index
        %get3A_385 = arith.index_cast %mul3A_382 : i32 to index
        %get3A_386 = tpu.vector_load %arg6[%get3A_384, %get3A_385] {strides = array<i32>} : memref<16x1024xf32, #tpu.memory_space<vmem>>, vector<16xf32>,
        %mul3A_387 = arith.constant 16 : i32
        %mul3A_388 = vector.broadcast %mul3A_387 : i32 to vector<16xi32>
        %mul3A_389 = arith.muli %iota3A, %mul3A_388 : vector<16xi32>
        %mul3A_390 = arith.constant 16 : i32
        %mul3A_391 = arith.muli %scan3A_177, %mul3A_390 : i32
        %mul3A_392 = arith.constant 16 : i32
        %mul3A_393 = arith.muli %mul3A_391, %mul3A_392 : i32
        %add3A_394 = arith.constant 12 : i32
        %add3A_395 = arith.addi %mul3A_393, %add3A_394 : i32
        %add3A_396 = vector.broadcast %add3A_395 : i32 to vector<16xi32>
        %add3A_397 = arith.addi %mul3A_389, %add3A_396 : vector<16xi32>
        tpu.vector_store_idx %arg8[%add3A_397], %get3A_386 : memref<16384xf32, #tpu.memory_space<vmem>>[vector<16xi32>], vector<16xf32>,
        %mul3A_398 = arith.constant 16 : i32
        %mul3A_399 = arith.muli %scan3A_177, %mul3A_398 : i32
        %get3A_400 = arith.constant 13 : i32
        %get3A_401 = arith.index_cast %get3A_400 : i32 to index
        %get3A_402 = arith.index_cast %mul3A_399 : i32 to index
        %get3A_403 = tpu.vector_load %arg6[%get3A_401, %get3A_402] {strides = array<i32>} : memref<16x1024xf32, #tpu.memory_space<vmem>>, vector<16xf32>,
        %mul3A_404 = arith.constant 16 : i32
        %mul3A_405 = vector.broadcast %mul3A_404 : i32 to vector<16xi32>
        %mul3A_406 = arith.muli %iota3A, %mul3A_405 : vector<16xi32>
        %mul3A_407 = arith.constant 16 : i32
        %mul3A_408 = arith.muli %scan3A_177, %mul3A_407 : i32
        %mul3A_409 = arith.constant 16 : i32
        %mul3A_410 = arith.muli %mul3A_408, %mul3A_409 : i32
        %add3A_411 = arith.constant 13 : i32
        %add3A_412 = arith.addi %mul3A_410, %add3A_411 : i32
        %add3A_413 = vector.broadcast %add3A_412 : i32 to vector<16xi32>
        %add3A_414 = arith.addi %mul3A_406, %add3A_413 : vector<16xi32>
        tpu.vector_store_idx %arg8[%add3A_414], %get3A_403 : memref<16384xf32, #tpu.memory_space<vmem>>[vector<16xi32>], vector<16xf32>,
        %mul3A_415 = arith.constant 16 : i32
        %mul3A_416 = arith.muli %scan3A_177, %mul3A_415 : i32
        %get3A_417 = arith.constant 14 : i32
        %get3A_418 = arith.index_cast %get3A_417 : i32 to index
        %get3A_419 = arith.index_cast %mul3A_416 : i32 to index
        %get3A_420 = tpu.vector_load %arg6[%get3A_418, %get3A_419] {strides = array<i32>} : memref<16x1024xf32, #tpu.memory_space<vmem>>, vector<16xf32>,
        %mul3A_421 = arith.constant 16 : i32
        %mul3A_422 = vector.broadcast %mul3A_421 : i32 to vector<16xi32>
        %mul3A_423 = arith.muli %iota3A, %mul3A_422 : vector<16xi32>
        %mul3A_424 = arith.constant 16 : i32
        %mul3A_425 = arith.muli %scan3A_177, %mul3A_424 : i32
        %mul3A_426 = arith.constant 16 : i32
        %mul3A_427 = arith.muli %mul3A_425, %mul3A_426 : i32
        %add3A_428 = arith.constant 14 : i32
        %add3A_429 = arith.addi %mul3A_427, %add3A_428 : i32
        %add3A_430 = vector.broadcast %add3A_429 : i32 to vector<16xi32>
        %add3A_431 = arith.addi %mul3A_423, %add3A_430 : vector<16xi32>
        tpu.vector_store_idx %arg8[%add3A_431], %get3A_420 : memref<16384xf32, #tpu.memory_space<vmem>>[vector<16xi32>], vector<16xf32>,
        %mul3A_432 = arith.constant 16 : i32
        %mul3A_433 = arith.muli %scan3A_177, %mul3A_432 : i32
        %get3A_434 = arith.constant 15 : i32
        %get3A_435 = arith.index_cast %get3A_434 : i32 to index
        %get3A_436 = arith.index_cast %mul3A_433 : i32 to index
        %get3A_437 = tpu.vector_load %arg6[%get3A_435, %get3A_436] {strides = array<i32>} : memref<16x1024xf32, #tpu.memory_space<vmem>>, vector<16xf32>,
        %mul3A_438 = arith.constant 16 : i32
        %mul3A_439 = vector.broadcast %mul3A_438 : i32 to vector<16xi32>
        %mul3A_440 = arith.muli %iota3A, %mul3A_439 : vector<16xi32>
        %mul3A_441 = arith.constant 16 : i32
        %mul3A_442 = arith.muli %scan3A_177, %mul3A_441 : i32
        %mul3A_443 = arith.constant 16 : i32
        %mul3A_444 = arith.muli %mul3A_442, %mul3A_443 : i32
        %add3A_445 = arith.constant 15 : i32
        %add3A_446 = arith.addi %mul3A_444, %add3A_445 : i32
        %add3A_447 = vector.broadcast %add3A_446 : i32 to vector<16xi32>
        %add3A_448 = arith.addi %mul3A_440, %add3A_447 : vector<16xi32>
        tpu.vector_store_idx %arg8[%add3A_448], %get3A_437 : memref<16384xf32, #tpu.memory_space<vmem>>[vector<16xi32>], vector<16xf32>,
      }
      %scan3A_164 = arith.constant 64 : i32
      %add3A_165 = arith.constant 1 : i32
      %add3A_166 = arith.addi %add3A_58, %add3A_165 : i32
      %mul3A_167 = arith.constant 1024 : i32
      %mul3A_168 = arith.muli %add3A_166, %mul3A_167 : i32
      %mul3A_169 = arith.constant 16 : i32
      %mul3A_170 = arith.muli %mul3A_168, %mul3A_169 : i32
      %dma_start3A_171 = arith.constant 0 : i32
      %dma_start3A_172 = tpu.memref_slice %arg8[%dma_start3A_171] : memref<16384xf32, #tpu.memory_space<vmem>> -> memref<16384xf32, #tpu.memory_space<vmem>>
      %dma_start3A_173 = tpu.memref_slice %arg4[%mul3A_170] : memref<16000000xf32, #tpu.memory_space<hbm>> -> memref<16384xf32, #tpu.memory_space<hbm>>
      %dma_start3A_174 = tpu.memref_slice %arg4[%mul3A_170] : memref<16000000xf32, #tpu.memory_space<hbm>> -> memref<16384xf32, #tpu.memory_space<hbm>>
      %dma_start3A_175 = arith.constant 0 : i32
      %dma_start3A_176 = tpu.memref_slice %arg8[%dma_start3A_175] : memref<16384xf32, #tpu.memory_space<vmem>> -> memref<16384xf32, #tpu.memory_space<vmem>>
      tpu.enqueue_dma source(%dma_start3A_176 : memref<16384xf32, #tpu.memory_space<vmem>>) target(%dma_start3A_174 : memref<16384xf32, #tpu.memory_space<hbm>>) target_semaphore(%arg12 : memref<!tpu.dma_semaphore, #tpu.memory_space<semaphore_mem>>)
    }
    %scan3A_28 = arith.constant 15 : i32
    %dma_wait3A = arith.constant 0 : i32
    %dma_wait3A_29 = tpu.memref_slice %arg7[%dma_wait3A] : memref<16384xf32, #tpu.memory_space<vmem>> -> memref<16384xf32, #tpu.memory_space<vmem>>
    %dma_wait3A_30 = arith.constant 0 : i32
    %dma_wait3A_31 = tpu.memref_slice %arg4[%dma_wait3A_30] : memref<16000000xf32, #tpu.memory_space<hbm>> -> memref<16384xf32, #tpu.memory_space<hbm>>
    %dma_wait3A_32 = arith.constant 0 : i32
    %dma_wait3A_33 = tpu.memref_slice %arg4[%dma_wait3A_32] : memref<16000000xf32, #tpu.memory_space<hbm>> -> memref<16384xf32, #tpu.memory_space<hbm>>
    %dma_wait3A_34 = arith.constant 0 : i32
    %dma_wait3A_35 = tpu.memref_slice %arg7[%dma_wait3A_34] : memref<16384xf32, #tpu.memory_space<vmem>> -> memref<16384xf32, #tpu.memory_space<vmem>>
    tpu.wait_dma2 semaphore(%arg11 : memref<!tpu.dma_semaphore, #tpu.memory_space<semaphore_mem>>) src(%dma_wait3A_35 : memref<16384xf32, #tpu.memory_space<vmem>>) dst(%dma_wait3A_33 : memref<16384xf32, #tpu.memory_space<hbm>>)
    %dma_wait3A_36 = arith.constant 0 : i32
    %dma_wait3A_37 = tpu.memref_slice %arg8[%dma_wait3A_36] : memref<16384xf32, #tpu.memory_space<vmem>> -> memref<16384xf32, #tpu.memory_space<vmem>>
    %dma_wait3A_38 = arith.constant 0 : i32
    %dma_wait3A_39 = tpu.memref_slice %arg4[%dma_wait3A_38] : memref<16000000xf32, #tpu.memory_space<hbm>> -> memref<16384xf32, #tpu.memory_space<hbm>>
    %dma_wait3A_40 = arith.constant 0 : i32
    %dma_wait3A_41 = tpu.memref_slice %arg4[%dma_wait3A_40] : memref<16000000xf32, #tpu.memory_space<hbm>> -> memref<16384xf32, #tpu.memory_space<hbm>>
    %dma_wait3A_42 = arith.constant 0 : i32
    %dma_wait3A_43 = tpu.memref_slice %arg8[%dma_wait3A_42] : memref<16384xf32, #tpu.memory_space<vmem>> -> memref<16384xf32, #tpu.memory_space<vmem>>
    tpu.wait_dma2 semaphore(%arg12 : memref<!tpu.dma_semaphore, #tpu.memory_space<semaphore_mem>>) src(%dma_wait3A_43 : memref<16384xf32, #tpu.memory_space<vmem>>) dst(%dma_wait3A_41 : memref<16384xf32, #tpu.memory_space<hbm>>)
    %lt3A = arith.constant 16 : i32
    %lt3A_44 = arith.cmpi slt, %add3A, %lt3A : i32
    %convert_element_type3A = arith.extui %lt3A_44 : i1 to i32
    %cond3A = arith.constant 0 : i32
    %cond3A_45 = arith.cmpi ne, %convert_element_type3A, %cond3A : i32
    scf.if %cond3A_45 {
      %mul3A_55 = arith.constant 1024 : i32
      %mul3A_56 = arith.muli %add3A, %mul3A_55 : i32
      %add3A_57 = arith.constant 983040 : i32
      %add3A_58 = arith.addi %add3A_57, %mul3A_56 : i32
      %dma_start3A_59 = arith.constant 0 : i32
      %dma_start3A_60 = arith.constant 0 : i32
      %dma_start3A_61 = tpu.memref_slice %arg5[%dma_start3A_59, %dma_start3A_60] : memref<16x1024xf32, #tpu.memory_space<vmem>> -> memref<8x1024xf32, #tpu.memory_space<vmem>>
      %dma_start3A_62 = arith.constant 0 : i32
      %dma_start3A_63 = tpu.memref_slice %arg2[%dma_start3A_62, %add3A_58] : memref<16x1000000xf32, #tpu.memory_space<hbm>> -> memref<8x1024xf32, #tpu.memory_space<hbm>>
      %dma_start3A_64 = arith.constant 0 : i32
      %dma_start3A_65 = arith.constant 0 : i32
      %dma_start3A_66 = tpu.memref_slice %arg5[%dma_start3A_64, %dma_start3A_65] : memref<16x1024xf32, #tpu.memory_space<vmem>> -> memref<8x1024xf32, #tpu.memory_space<vmem>>
      %dma_start3A_67 = arith.constant 0 : i32
      %dma_start3A_68 = tpu.memref_slice %arg2[%dma_start3A_67, %add3A_58] : memref<16x1000000xf32, #tpu.memory_space<hbm>> -> memref<8x1024xf32, #tpu.memory_space<hbm>>
      tpu.enqueue_dma source(%dma_start3A_68 : memref<8x1024xf32, #tpu.memory_space<hbm>>) target(%dma_start3A_66 : memref<8x1024xf32, #tpu.memory_space<vmem>>) target_semaphore(%arg9 : memref<!tpu.dma_semaphore, #tpu.memory_space<semaphore_mem>>)
      %dma_start3A_69 = arith.constant 8 : i32
      %dma_start3A_70 = arith.constant 0 : i32
      %dma_start3A_71 = tpu.memref_slice %arg5[%dma_start3A_69, %dma_start3A_70] : memref<16x1024xf32, #tpu.memory_space<vmem>> -> memref<8x1024xf32, #tpu.memory_space<vmem>>
      %dma_start3A_72 = arith.constant 8 : i32
      %dma_start3A_73 = tpu.memref_slice %arg2[%dma_start3A_72, %add3A_58] : memref<16x1000000xf32, #tpu.memory_space<hbm>> -> memref<8x1024xf32, #tpu.memory_space<hbm>>
      %dma_start3A_74 = arith.constant 8 : i32
      %dma_start3A_75 = arith.constant 0 : i32
      %dma_start3A_76 = tpu.memref_slice %arg5[%dma_start3A_74, %dma_start3A_75] : memref<16x1024xf32, #tpu.memory_space<vmem>> -> memref<8x1024xf32, #tpu.memory_space<vmem>>
      %dma_start3A_77 = arith.constant 8 : i32
      %dma_start3A_78 = tpu.memref_slice %arg2[%dma_start3A_77, %add3A_58] : memref<16x1000000xf32, #tpu.memory_space<hbm>> -> memref<8x1024xf32, #tpu.memory_space<hbm>>
      tpu.enqueue_dma source(%dma_start3A_78 : memref<8x1024xf32, #tpu.memory_space<hbm>>) target(%dma_start3A_76 : memref<8x1024xf32, #tpu.memory_space<vmem>>) target_semaphore(%arg9 : memref<!tpu.dma_semaphore, #tpu.memory_space<semaphore_mem>>)
      %dma_wait3A_79 = arith.constant 0 : i32
      %dma_wait3A_80 = arith.constant 0 : i32
      %dma_wait3A_81 = tpu.memref_slice %arg5[%dma_wait3A_79, %dma_wait3A_80] : memref<16x1024xf32, #tpu.memory_space<vmem>> -> memref<8x1024xf32, #tpu.memory_space<vmem>>
      %dma_wait3A_82 = arith.constant 0 : i32
      %dma_wait3A_83 = tpu.memref_slice %arg2[%dma_wait3A_82, %add3A_58] : memref<16x1000000xf32, #tpu.memory_space<hbm>> -> memref<8x1024xf32, #tpu.memory_space<hbm>>
      %dma_wait3A_84 = arith.constant 0 : i32
      %dma_wait3A_85 = arith.constant 0 : i32
      %dma_wait3A_86 = tpu.memref_slice %arg5[%dma_wait3A_84, %dma_wait3A_85] : memref<16x1024xf32, #tpu.memory_space<vmem>> -> memref<8x1024xf32, #tpu.memory_space<vmem>>
      %dma_wait3A_87 = arith.constant 0 : i32
      %dma_wait3A_88 = tpu.memref_slice %arg2[%dma_wait3A_87, %add3A_58] : memref<16x1000000xf32, #tpu.memory_space<hbm>> -> memref<8x1024xf32, #tpu.memory_space<hbm>>
      tpu.wait_dma2 semaphore(%arg9 : memref<!tpu.dma_semaphore, #tpu.memory_space<semaphore_mem>>) src(%dma_wait3A_88 : memref<8x1024xf32, #tpu.memory_space<hbm>>) dst(%dma_wait3A_86 : memref<8x1024xf32, #tpu.memory_space<vmem>>)
      %dma_wait3A_89 = arith.constant 8 : i32
      %dma_wait3A_90 = arith.constant 0 : i32
      %dma_wait3A_91 = tpu.memref_slice %arg5[%dma_wait3A_89, %dma_wait3A_90] : memref<16x1024xf32, #tpu.memory_space<vmem>> -> memref<8x1024xf32, #tpu.memory_space<vmem>>
      %dma_wait3A_92 = arith.constant 8 : i32
      %dma_wait3A_93 = tpu.memref_slice %arg2[%dma_wait3A_92, %add3A_58] : memref<16x1000000xf32, #tpu.memory_space<hbm>> -> memref<8x1024xf32, #tpu.memory_space<hbm>>
      %dma_wait3A_94 = arith.constant 8 : i32
      %dma_wait3A_95 = arith.constant 0 : i32
      %dma_wait3A_96 = tpu.memref_slice %arg5[%dma_wait3A_94, %dma_wait3A_95] : memref<16x1024xf32, #tpu.memory_space<vmem>> -> memref<8x1024xf32, #tpu.memory_space<vmem>>
      %dma_wait3A_97 = arith.constant 8 : i32
      %dma_wait3A_98 = tpu.memref_slice %arg2[%dma_wait3A_97, %add3A_58] : memref<16x1000000xf32, #tpu.memory_space<hbm>> -> memref<8x1024xf32, #tpu.memory_space<hbm>>
      tpu.wait_dma2 semaphore(%arg9 : memref<!tpu.dma_semaphore, #tpu.memory_space<semaphore_mem>>) src(%dma_wait3A_98 : memref<8x1024xf32, #tpu.memory_space<hbm>>) dst(%dma_wait3A_96 : memref<8x1024xf32, #tpu.memory_space<vmem>>)
      %scan3A_99 = arith.constant 0 : i32
      %scan3A_100 = arith.constant 0 : i32
      %scan3A_101 = arith.constant 64 : i32
      %scan3A_102 = arith.addi %scan3A_100, %scan3A_101 : i32
      %scan3A_103 = arith.constant 1 : i32
      scf.for %scan3A_107 = %scan3A_100 to %scan3A_102 step %scan3A_103  : i32 {
        %mul3A_108 = arith.constant 16 : i32
        %mul3A_109 = arith.muli %scan3A_107, %mul3A_108 : i32
        %get3A = arith.constant 0 : i32
        %get3A_110 = arith.index_cast %get3A : i32 to index
        %get3A_111 = arith.index_cast %mul3A_109 : i32 to index
        %get3A_112 = tpu.vector_load %arg5[%get3A_110, %get3A_111] {strides = array<i32>} : memref<16x1024xf32, #tpu.memory_space<vmem>>, vector<16xf32>,
        %mul3A_113 = arith.constant 16 : i32
        %mul3A_114 = vector.broadcast %mul3A_113 : i32 to vector<16xi32>
        %mul3A_115 = arith.muli %iota3A, %mul3A_114 : vector<16xi32>
        %mul3A_116 = arith.constant 16 : i32
        %mul3A_117 = arith.muli %scan3A_107, %mul3A_116 : i32
        %mul3A_118 = arith.constant 16 : i32
        %mul3A_119 = arith.muli %mul3A_117, %mul3A_118 : i32
        %add3A_120 = arith.constant 0 : i32
        %add3A_121 = arith.addi %mul3A_119, %add3A_120 : i32
        %add3A_122 = vector.broadcast %add3A_121 : i32 to vector<16xi32>
        %add3A_123 = arith.addi %mul3A_115, %add3A_122 : vector<16xi32>
        tpu.vector_store_idx %arg7[%add3A_123], %get3A_112 : memref<16384xf32, #tpu.memory_space<vmem>>[vector<16xi32>], vector<16xf32>,
        %mul3A_124 = arith.constant 16 : i32
        %mul3A_125 = arith.muli %scan3A_107, %mul3A_124 : i32
        %get3A_126 = arith.constant 1 : i32
        %get3A_127 = arith.index_cast %get3A_126 : i32 to index
        %get3A_128 = arith.index_cast %mul3A_125 : i32 to index
        %get3A_129 = tpu.vector_load %arg5[%get3A_127, %get3A_128] {strides = array<i32>} : memref<16x1024xf32, #tpu.memory_space<vmem>>, vector<16xf32>,
        %mul3A_130 = arith.constant 16 : i32
        %mul3A_131 = vector.broadcast %mul3A_130 : i32 to vector<16xi32>
        %mul3A_132 = arith.muli %iota3A, %mul3A_131 : vector<16xi32>
        %mul3A_133 = arith.constant 16 : i32
        %mul3A_134 = arith.muli %scan3A_107, %mul3A_133 : i32
        %mul3A_135 = arith.constant 16 : i32
        %mul3A_136 = arith.muli %mul3A_134, %mul3A_135 : i32
        %add3A_137 = arith.constant 1 : i32
        %add3A_138 = arith.addi %mul3A_136, %add3A_137 : i32
        %add3A_139 = vector.broadcast %add3A_138 : i32 to vector<16xi32>
        %add3A_140 = arith.addi %mul3A_132, %add3A_139 : vector<16xi32>
        tpu.vector_store_idx %arg7[%add3A_140], %get3A_129 : memref<16384xf32, #tpu.memory_space<vmem>>[vector<16xi32>], vector<16xf32>,
        %mul3A_141 = arith.constant 16 : i32
        %mul3A_142 = arith.muli %scan3A_107, %mul3A_141 : i32
        %get3A_143 = arith.constant 2 : i32
        %get3A_144 = arith.index_cast %get3A_143 : i32 to index
        %get3A_145 = arith.index_cast %mul3A_142 : i32 to index
        %get3A_146 = tpu.vector_load %arg5[%get3A_144, %get3A_145] {strides = array<i32>} : memref<16x1024xf32, #tpu.memory_space<vmem>>, vector<16xf32>,
        %mul3A_147 = arith.constant 16 : i32
        %mul3A_148 = vector.broadcast %mul3A_147 : i32 to vector<16xi32>
        %mul3A_149 = arith.muli %iota3A, %mul3A_148 : vector<16xi32>
        %mul3A_150 = arith.constant 16 : i32
        %mul3A_151 = arith.muli %scan3A_107, %mul3A_150 : i32
        %mul3A_152 = arith.constant 16 : i32
        %mul3A_153 = arith.muli %mul3A_151, %mul3A_152 : i32
        %add3A_154 = arith.constant 2 : i32
        %add3A_155 = arith.addi %mul3A_153, %add3A_154 : i32
        %add3A_156 = vector.broadcast %add3A_155 : i32 to vector<16xi32>
        %add3A_157 = arith.addi %mul3A_149, %add3A_156 : vector<16xi32>
        tpu.vector_store_idx %arg7[%add3A_157], %get3A_146 : memref<16384xf32, #tpu.memory_space<vmem>>[vector<16xi32>], vector<16xf32>,
        %mul3A_158 = arith.constant 16 : i32
        %mul3A_159 = arith.muli %scan3A_107, %mul3A_158 : i32
        %get3A_160 = arith.constant 3 : i32
        %get3A_161 = arith.index_cast %get3A_160 : i32 to index
        %get3A_162 = arith.index_cast %mul3A_159 : i32 to index
        %get3A_163 = tpu.vector_load %arg5[%get3A_161, %get3A_162] {strides = array<i32>} : memref<16x1024xf32, #tpu.memory_space<vmem>>, vector<16xf32>,
        %mul3A_164 = arith.constant 16 : i32
        %mul3A_165 = vector.broadcast %mul3A_164 : i32 to vector<16xi32>
        %mul3A_166 = arith.muli %iota3A, %mul3A_165 : vector<16xi32>
        %mul3A_167 = arith.constant 16 : i32
        %mul3A_168 = arith.muli %scan3A_107, %mul3A_167 : i32
        %mul3A_169 = arith.constant 16 : i32
        %mul3A_170 = arith.muli %mul3A_168, %mul3A_169 : i32
        %add3A_171 = arith.constant 3 : i32
        %add3A_172 = arith.addi %mul3A_170, %add3A_171 : i32
        %add3A_173 = vector.broadcast %add3A_172 : i32 to vector<16xi32>
        %add3A_174 = arith.addi %mul3A_166, %add3A_173 : vector<16xi32>
        tpu.vector_store_idx %arg7[%add3A_174], %get3A_163 : memref<16384xf32, #tpu.memory_space<vmem>>[vector<16xi32>], vector<16xf32>,
        %mul3A_175 = arith.constant 16 : i32
        %mul3A_176 = arith.muli %scan3A_107, %mul3A_175 : i32
        %get3A_177 = arith.constant 4 : i32
        %get3A_178 = arith.index_cast %get3A_177 : i32 to index
        %get3A_179 = arith.index_cast %mul3A_176 : i32 to index
        %get3A_180 = tpu.vector_load %arg5[%get3A_178, %get3A_179] {strides = array<i32>} : memref<16x1024xf32, #tpu.memory_space<vmem>>, vector<16xf32>,
        %mul3A_181 = arith.constant 16 : i32
        %mul3A_182 = vector.broadcast %mul3A_181 : i32 to vector<16xi32>
        %mul3A_183 = arith.muli %iota3A, %mul3A_182 : vector<16xi32>
        %mul3A_184 = arith.constant 16 : i32
        %mul3A_185 = arith.muli %scan3A_107, %mul3A_184 : i32
        %mul3A_186 = arith.constant 16 : i32
        %mul3A_187 = arith.muli %mul3A_185, %mul3A_186 : i32
        %add3A_188 = arith.constant 4 : i32
        %add3A_189 = arith.addi %mul3A_187, %add3A_188 : i32
        %add3A_190 = vector.broadcast %add3A_189 : i32 to vector<16xi32>
        %add3A_191 = arith.addi %mul3A_183, %add3A_190 : vector<16xi32>
        tpu.vector_store_idx %arg7[%add3A_191], %get3A_180 : memref<16384xf32, #tpu.memory_space<vmem>>[vector<16xi32>], vector<16xf32>,
        %mul3A_192 = arith.constant 16 : i32
        %mul3A_193 = arith.muli %scan3A_107, %mul3A_192 : i32
        %get3A_194 = arith.constant 5 : i32
        %get3A_195 = arith.index_cast %get3A_194 : i32 to index
        %get3A_196 = arith.index_cast %mul3A_193 : i32 to index
        %get3A_197 = tpu.vector_load %arg5[%get3A_195, %get3A_196] {strides = array<i32>} : memref<16x1024xf32, #tpu.memory_space<vmem>>, vector<16xf32>,
        %mul3A_198 = arith.constant 16 : i32
        %mul3A_199 = vector.broadcast %mul3A_198 : i32 to vector<16xi32>
        %mul3A_200 = arith.muli %iota3A, %mul3A_199 : vector<16xi32>
        %mul3A_201 = arith.constant 16 : i32
        %mul3A_202 = arith.muli %scan3A_107, %mul3A_201 : i32
        %mul3A_203 = arith.constant 16 : i32
        %mul3A_204 = arith.muli %mul3A_202, %mul3A_203 : i32
        %add3A_205 = arith.constant 5 : i32
        %add3A_206 = arith.addi %mul3A_204, %add3A_205 : i32
        %add3A_207 = vector.broadcast %add3A_206 : i32 to vector<16xi32>
        %add3A_208 = arith.addi %mul3A_200, %add3A_207 : vector<16xi32>
        tpu.vector_store_idx %arg7[%add3A_208], %get3A_197 : memref<16384xf32, #tpu.memory_space<vmem>>[vector<16xi32>], vector<16xf32>,
        %mul3A_209 = arith.constant 16 : i32
        %mul3A_210 = arith.muli %scan3A_107, %mul3A_209 : i32
        %get3A_211 = arith.constant 6 : i32
        %get3A_212 = arith.index_cast %get3A_211 : i32 to index
        %get3A_213 = arith.index_cast %mul3A_210 : i32 to index
        %get3A_214 = tpu.vector_load %arg5[%get3A_212, %get3A_213] {strides = array<i32>} : memref<16x1024xf32, #tpu.memory_space<vmem>>, vector<16xf32>,
        %mul3A_215 = arith.constant 16 : i32
        %mul3A_216 = vector.broadcast %mul3A_215 : i32 to vector<16xi32>
        %mul3A_217 = arith.muli %iota3A, %mul3A_216 : vector<16xi32>
        %mul3A_218 = arith.constant 16 : i32
        %mul3A_219 = arith.muli %scan3A_107, %mul3A_218 : i32
        %mul3A_220 = arith.constant 16 : i32
        %mul3A_221 = arith.muli %mul3A_219, %mul3A_220 : i32
        %add3A_222 = arith.constant 6 : i32
        %add3A_223 = arith.addi %mul3A_221, %add3A_222 : i32
        %add3A_224 = vector.broadcast %add3A_223 : i32 to vector<16xi32>
        %add3A_225 = arith.addi %mul3A_217, %add3A_224 : vector<16xi32>
        tpu.vector_store_idx %arg7[%add3A_225], %get3A_214 : memref<16384xf32, #tpu.memory_space<vmem>>[vector<16xi32>], vector<16xf32>,
        %mul3A_226 = arith.constant 16 : i32
        %mul3A_227 = arith.muli %scan3A_107, %mul3A_226 : i32
        %get3A_228 = arith.constant 7 : i32
        %get3A_229 = arith.index_cast %get3A_228 : i32 to index
        %get3A_230 = arith.index_cast %mul3A_227 : i32 to index
        %get3A_231 = tpu.vector_load %arg5[%get3A_229, %get3A_230] {strides = array<i32>} : memref<16x1024xf32, #tpu.memory_space<vmem>>, vector<16xf32>,
        %mul3A_232 = arith.constant 16 : i32
        %mul3A_233 = vector.broadcast %mul3A_232 : i32 to vector<16xi32>
        %mul3A_234 = arith.muli %iota3A, %mul3A_233 : vector<16xi32>
        %mul3A_235 = arith.constant 16 : i32
        %mul3A_236 = arith.muli %scan3A_107, %mul3A_235 : i32
        %mul3A_237 = arith.constant 16 : i32
        %mul3A_238 = arith.muli %mul3A_236, %mul3A_237 : i32
        %add3A_239 = arith.constant 7 : i32
        %add3A_240 = arith.addi %mul3A_238, %add3A_239 : i32
        %add3A_241 = vector.broadcast %add3A_240 : i32 to vector<16xi32>
        %add3A_242 = arith.addi %mul3A_234, %add3A_241 : vector<16xi32>
        tpu.vector_store_idx %arg7[%add3A_242], %get3A_231 : memref<16384xf32, #tpu.memory_space<vmem>>[vector<16xi32>], vector<16xf32>,
        %mul3A_243 = arith.constant 16 : i32
        %mul3A_244 = arith.muli %scan3A_107, %mul3A_243 : i32
        %get3A_245 = arith.constant 8 : i32
        %get3A_246 = arith.index_cast %get3A_245 : i32 to index
        %get3A_247 = arith.index_cast %mul3A_244 : i32 to index
        %get3A_248 = tpu.vector_load %arg5[%get3A_246, %get3A_247] {strides = array<i32>} : memref<16x1024xf32, #tpu.memory_space<vmem>>, vector<16xf32>,
        %mul3A_249 = arith.constant 16 : i32
        %mul3A_250 = vector.broadcast %mul3A_249 : i32 to vector<16xi32>
        %mul3A_251 = arith.muli %iota3A, %mul3A_250 : vector<16xi32>
        %mul3A_252 = arith.constant 16 : i32
        %mul3A_253 = arith.muli %scan3A_107, %mul3A_252 : i32
        %mul3A_254 = arith.constant 16 : i32
        %mul3A_255 = arith.muli %mul3A_253, %mul3A_254 : i32
        %add3A_256 = arith.constant 8 : i32
        %add3A_257 = arith.addi %mul3A_255, %add3A_256 : i32
        %add3A_258 = vector.broadcast %add3A_257 : i32 to vector<16xi32>
        %add3A_259 = arith.addi %mul3A_251, %add3A_258 : vector<16xi32>
        tpu.vector_store_idx %arg7[%add3A_259], %get3A_248 : memref<16384xf32, #tpu.memory_space<vmem>>[vector<16xi32>], vector<16xf32>,
        %mul3A_260 = arith.constant 16 : i32
        %mul3A_261 = arith.muli %scan3A_107, %mul3A_260 : i32
        %get3A_262 = arith.constant 9 : i32
        %get3A_263 = arith.index_cast %get3A_262 : i32 to index
        %get3A_264 = arith.index_cast %mul3A_261 : i32 to index
        %get3A_265 = tpu.vector_load %arg5[%get3A_263, %get3A_264] {strides = array<i32>} : memref<16x1024xf32, #tpu.memory_space<vmem>>, vector<16xf32>,
        %mul3A_266 = arith.constant 16 : i32
        %mul3A_267 = vector.broadcast %mul3A_266 : i32 to vector<16xi32>
        %mul3A_268 = arith.muli %iota3A, %mul3A_267 : vector<16xi32>
        %mul3A_269 = arith.constant 16 : i32
        %mul3A_270 = arith.muli %scan3A_107, %mul3A_269 : i32
        %mul3A_271 = arith.constant 16 : i32
        %mul3A_272 = arith.muli %mul3A_270, %mul3A_271 : i32
        %add3A_273 = arith.constant 9 : i32
        %add3A_274 = arith.addi %mul3A_272, %add3A_273 : i32
        %add3A_275 = vector.broadcast %add3A_274 : i32 to vector<16xi32>
        %add3A_276 = arith.addi %mul3A_268, %add3A_275 : vector<16xi32>
        tpu.vector_store_idx %arg7[%add3A_276], %get3A_265 : memref<16384xf32, #tpu.memory_space<vmem>>[vector<16xi32>], vector<16xf32>,
        %mul3A_277 = arith.constant 16 : i32
        %mul3A_278 = arith.muli %scan3A_107, %mul3A_277 : i32
        %get3A_279 = arith.constant 10 : i32
        %get3A_280 = arith.index_cast %get3A_279 : i32 to index
        %get3A_281 = arith.index_cast %mul3A_278 : i32 to index
        %get3A_282 = tpu.vector_load %arg5[%get3A_280, %get3A_281] {strides = array<i32>} : memref<16x1024xf32, #tpu.memory_space<vmem>>, vector<16xf32>,
        %mul3A_283 = arith.constant 16 : i32
        %mul3A_284 = vector.broadcast %mul3A_283 : i32 to vector<16xi32>
        %mul3A_285 = arith.muli %iota3A, %mul3A_284 : vector<16xi32>
        %mul3A_286 = arith.constant 16 : i32
        %mul3A_287 = arith.muli %scan3A_107, %mul3A_286 : i32
        %mul3A_288 = arith.constant 16 : i32
        %mul3A_289 = arith.muli %mul3A_287, %mul3A_288 : i32
        %add3A_290 = arith.constant 10 : i32
        %add3A_291 = arith.addi %mul3A_289, %add3A_290 : i32
        %add3A_292 = vector.broadcast %add3A_291 : i32 to vector<16xi32>
        %add3A_293 = arith.addi %mul3A_285, %add3A_292 : vector<16xi32>
        tpu.vector_store_idx %arg7[%add3A_293], %get3A_282 : memref<16384xf32, #tpu.memory_space<vmem>>[vector<16xi32>], vector<16xf32>,
        %mul3A_294 = arith.constant 16 : i32
        %mul3A_295 = arith.muli %scan3A_107, %mul3A_294 : i32
        %get3A_296 = arith.constant 11 : i32
        %get3A_297 = arith.index_cast %get3A_296 : i32 to index
        %get3A_298 = arith.index_cast %mul3A_295 : i32 to index
        %get3A_299 = tpu.vector_load %arg5[%get3A_297, %get3A_298] {strides = array<i32>} : memref<16x1024xf32, #tpu.memory_space<vmem>>, vector<16xf32>,
        %mul3A_300 = arith.constant 16 : i32
        %mul3A_301 = vector.broadcast %mul3A_300 : i32 to vector<16xi32>
        %mul3A_302 = arith.muli %iota3A, %mul3A_301 : vector<16xi32>
        %mul3A_303 = arith.constant 16 : i32
        %mul3A_304 = arith.muli %scan3A_107, %mul3A_303 : i32
        %mul3A_305 = arith.constant 16 : i32
        %mul3A_306 = arith.muli %mul3A_304, %mul3A_305 : i32
        %add3A_307 = arith.constant 11 : i32
        %add3A_308 = arith.addi %mul3A_306, %add3A_307 : i32
        %add3A_309 = vector.broadcast %add3A_308 : i32 to vector<16xi32>
        %add3A_310 = arith.addi %mul3A_302, %add3A_309 : vector<16xi32>
        tpu.vector_store_idx %arg7[%add3A_310], %get3A_299 : memref<16384xf32, #tpu.memory_space<vmem>>[vector<16xi32>], vector<16xf32>,
        %mul3A_311 = arith.constant 16 : i32
        %mul3A_312 = arith.muli %scan3A_107, %mul3A_311 : i32
        %get3A_313 = arith.constant 12 : i32
        %get3A_314 = arith.index_cast %get3A_313 : i32 to index
        %get3A_315 = arith.index_cast %mul3A_312 : i32 to index
        %get3A_316 = tpu.vector_load %arg5[%get3A_314, %get3A_315] {strides = array<i32>} : memref<16x1024xf32, #tpu.memory_space<vmem>>, vector<16xf32>,
        %mul3A_317 = arith.constant 16 : i32
        %mul3A_318 = vector.broadcast %mul3A_317 : i32 to vector<16xi32>
        %mul3A_319 = arith.muli %iota3A, %mul3A_318 : vector<16xi32>
        %mul3A_320 = arith.constant 16 : i32
        %mul3A_321 = arith.muli %scan3A_107, %mul3A_320 : i32
        %mul3A_322 = arith.constant 16 : i32
        %mul3A_323 = arith.muli %mul3A_321, %mul3A_322 : i32
        %add3A_324 = arith.constant 12 : i32
        %add3A_325 = arith.addi %mul3A_323, %add3A_324 : i32
        %add3A_326 = vector.broadcast %add3A_325 : i32 to vector<16xi32>
        %add3A_327 = arith.addi %mul3A_319, %add3A_326 : vector<16xi32>
        tpu.vector_store_idx %arg7[%add3A_327], %get3A_316 : memref<16384xf32, #tpu.memory_space<vmem>>[vector<16xi32>], vector<16xf32>,
        %mul3A_328 = arith.constant 16 : i32
        %mul3A_329 = arith.muli %scan3A_107, %mul3A_328 : i32
        %get3A_330 = arith.constant 13 : i32
        %get3A_331 = arith.index_cast %get3A_330 : i32 to index
        %get3A_332 = arith.index_cast %mul3A_329 : i32 to index
        %get3A_333 = tpu.vector_load %arg5[%get3A_331, %get3A_332] {strides = array<i32>} : memref<16x1024xf32, #tpu.memory_space<vmem>>, vector<16xf32>,
        %mul3A_334 = arith.constant 16 : i32
        %mul3A_335 = vector.broadcast %mul3A_334 : i32 to vector<16xi32>
        %mul3A_336 = arith.muli %iota3A, %mul3A_335 : vector<16xi32>
        %mul3A_337 = arith.constant 16 : i32
        %mul3A_338 = arith.muli %scan3A_107, %mul3A_337 : i32
        %mul3A_339 = arith.constant 16 : i32
        %mul3A_340 = arith.muli %mul3A_338, %mul3A_339 : i32
        %add3A_341 = arith.constant 13 : i32
        %add3A_342 = arith.addi %mul3A_340, %add3A_341 : i32
        %add3A_343 = vector.broadcast %add3A_342 : i32 to vector<16xi32>
        %add3A_344 = arith.addi %mul3A_336, %add3A_343 : vector<16xi32>
        tpu.vector_store_idx %arg7[%add3A_344], %get3A_333 : memref<16384xf32, #tpu.memory_space<vmem>>[vector<16xi32>], vector<16xf32>,
        %mul3A_345 = arith.constant 16 : i32
        %mul3A_346 = arith.muli %scan3A_107, %mul3A_345 : i32
        %get3A_347 = arith.constant 14 : i32
        %get3A_348 = arith.index_cast %get3A_347 : i32 to index
        %get3A_349 = arith.index_cast %mul3A_346 : i32 to index
        %get3A_350 = tpu.vector_load %arg5[%get3A_348, %get3A_349] {strides = array<i32>} : memref<16x1024xf32, #tpu.memory_space<vmem>>, vector<16xf32>,
        %mul3A_351 = arith.constant 16 : i32
        %mul3A_352 = vector.broadcast %mul3A_351 : i32 to vector<16xi32>
        %mul3A_353 = arith.muli %iota3A, %mul3A_352 : vector<16xi32>
        %mul3A_354 = arith.constant 16 : i32
        %mul3A_355 = arith.muli %scan3A_107, %mul3A_354 : i32
        %mul3A_356 = arith.constant 16 : i32
        %mul3A_357 = arith.muli %mul3A_355, %mul3A_356 : i32
        %add3A_358 = arith.constant 14 : i32
        %add3A_359 = arith.addi %mul3A_357, %add3A_358 : i32
        %add3A_360 = vector.broadcast %add3A_359 : i32 to vector<16xi32>
        %add3A_361 = arith.addi %mul3A_353, %add3A_360 : vector<16xi32>
        tpu.vector_store_idx %arg7[%add3A_361], %get3A_350 : memref<16384xf32, #tpu.memory_space<vmem>>[vector<16xi32>], vector<16xf32>,
        %mul3A_362 = arith.constant 16 : i32
        %mul3A_363 = arith.muli %scan3A_107, %mul3A_362 : i32
        %get3A_364 = arith.constant 15 : i32
        %get3A_365 = arith.index_cast %get3A_364 : i32 to index
        %get3A_366 = arith.index_cast %mul3A_363 : i32 to index
        %get3A_367 = tpu.vector_load %arg5[%get3A_365, %get3A_366] {strides = array<i32>} : memref<16x1024xf32, #tpu.memory_space<vmem>>, vector<16xf32>,
        %mul3A_368 = arith.constant 16 : i32
        %mul3A_369 = vector.broadcast %mul3A_368 : i32 to vector<16xi32>
        %mul3A_370 = arith.muli %iota3A, %mul3A_369 : vector<16xi32>
        %mul3A_371 = arith.constant 16 : i32
        %mul3A_372 = arith.muli %scan3A_107, %mul3A_371 : i32
        %mul3A_373 = arith.constant 16 : i32
        %mul3A_374 = arith.muli %mul3A_372, %mul3A_373 : i32
        %add3A_375 = arith.constant 15 : i32
        %add3A_376 = arith.addi %mul3A_374, %add3A_375 : i32
        %add3A_377 = vector.broadcast %add3A_376 : i32 to vector<16xi32>
        %add3A_378 = arith.addi %mul3A_370, %add3A_377 : vector<16xi32>
        tpu.vector_store_idx %arg7[%add3A_378], %get3A_367 : memref<16384xf32, #tpu.memory_space<vmem>>[vector<16xi32>], vector<16xf32>,
      }
      %scan3A_104 = arith.constant 64 : i32
      %mul3A_105 = arith.constant 16 : i32
      %mul3A_106 = arith.muli %add3A_58, %mul3A_105 : i32
      "tpu.region"() ({
        %run_scoped3A = tpu.sem_alloc : memref<!tpu.dma_semaphore, #tpu.memory_space<semaphore_mem>>
        %dma_start3A_107 = arith.constant 0 : i32
        %dma_start3A_108 = tpu.memref_slice %arg7[%dma_start3A_107] : memref<16384xf32, #tpu.memory_space<vmem>> -> memref<16384xf32, #tpu.memory_space<vmem>>
        %dma_start3A_109 = tpu.memref_slice %arg4[%mul3A_106] : memref<16000000xf32, #tpu.memory_space<hbm>> -> memref<16384xf32, #tpu.memory_space<hbm>>
        %dma_start3A_110 = tpu.memref_slice %arg4[%mul3A_106] : memref<16000000xf32, #tpu.memory_space<hbm>> -> memref<16384xf32, #tpu.memory_space<hbm>>
        %dma_start3A_111 = arith.constant 0 : i32
        %dma_start3A_112 = tpu.memref_slice %arg7[%dma_start3A_111] : memref<16384xf32, #tpu.memory_space<vmem>> -> memref<16384xf32, #tpu.memory_space<vmem>>
        tpu.enqueue_dma source(%dma_start3A_112 : memref<16384xf32, #tpu.memory_space<vmem>>) target(%dma_start3A_110 : memref<16384xf32, #tpu.memory_space<hbm>>) target_semaphore(%run_scoped3A : memref<!tpu.dma_semaphore, #tpu.memory_space<semaphore_mem>>)
        %dma_wait3A_113 = arith.constant 0 : i32
        %dma_wait3A_114 = tpu.memref_slice %arg7[%dma_wait3A_113] : memref<16384xf32, #tpu.memory_space<vmem>> -> memref<16384xf32, #tpu.memory_space<vmem>>
        %dma_wait3A_115 = tpu.memref_slice %arg4[%mul3A_106] : memref<16000000xf32, #tpu.memory_space<hbm>> -> memref<16384xf32, #tpu.memory_space<hbm>>
        %dma_wait3A_116 = tpu.memref_slice %arg4[%mul3A_106] : memref<16000000xf32, #tpu.memory_space<hbm>> -> memref<16384xf32, #tpu.memory_space<hbm>>
        %dma_wait3A_117 = arith.constant 0 : i32
        %dma_wait3A_118 = tpu.memref_slice %arg7[%dma_wait3A_117] : memref<16384xf32, #tpu.memory_space<vmem>> -> memref<16384xf32, #tpu.memory_space<vmem>>
        tpu.wait_dma2 semaphore(%run_scoped3A : memref<!tpu.dma_semaphore, #tpu.memory_space<semaphore_mem>>) src(%dma_wait3A_118 : memref<16384xf32, #tpu.memory_space<vmem>>) dst(%dma_wait3A_116 : memref<16384xf32, #tpu.memory_space<hbm>>)
        tpu.yield
      }) : () -> ()
    } else {
    }
    %eq3A = arith.constant 16 : i32
    %eq3A_46 = arith.cmpi eq, %add3A, %eq3A : i32
    %convert_element_type3A_47 = arith.extui %eq3A_46 : i1 to i32
    %cond3A_48 = arith.constant 0 : i32
    %cond3A_49 = arith.cmpi ne, %convert_element_type3A_47, %cond3A_48 : i32
    scf.if %cond3A_49 {
      %dma_start3A_55 = arith.constant 0 : i32
      %dma_start3A_56 = arith.constant 0 : i32
      %dma_start3A_57 = tpu.memref_slice %arg5[%dma_start3A_55, %dma_start3A_56] : memref<16x1024xf32, #tpu.memory_space<vmem>> -> memref<8x512xf32, #tpu.memory_space<vmem>>
      %dma_start3A_58 = arith.constant 0 : i32
      %dma_start3A_59 = arith.constant 999424 : i32
      %dma_start3A_60 = tpu.memref_slice %arg2[%dma_start3A_58, %dma_start3A_59] : memref<16x1000000xf32, #tpu.memory_space<hbm>> -> memref<8x512xf32, #tpu.memory_space<hbm>>
      %dma_start3A_61 = arith.constant 0 : i32
      %dma_start3A_62 = arith.constant 0 : i32
      %dma_start3A_63 = tpu.memref_slice %arg5[%dma_start3A_61, %dma_start3A_62] : memref<16x1024xf32, #tpu.memory_space<vmem>> -> memref<8x512xf32, #tpu.memory_space<vmem>>
      %dma_start3A_64 = arith.constant 0 : i32
      %dma_start3A_65 = arith.constant 999424 : i32
      %dma_start3A_66 = tpu.memref_slice %arg2[%dma_start3A_64, %dma_start3A_65] : memref<16x1000000xf32, #tpu.memory_space<hbm>> -> memref<8x512xf32, #tpu.memory_space<hbm>>
      tpu.enqueue_dma source(%dma_start3A_66 : memref<8x512xf32, #tpu.memory_space<hbm>>) target(%dma_start3A_63 : memref<8x512xf32, #tpu.memory_space<vmem>>) target_semaphore(%arg9 : memref<!tpu.dma_semaphore, #tpu.memory_space<semaphore_mem>>)
      %dma_start3A_67 = arith.constant 8 : i32
      %dma_start3A_68 = arith.constant 0 : i32
      %dma_start3A_69 = tpu.memref_slice %arg5[%dma_start3A_67, %dma_start3A_68] : memref<16x1024xf32, #tpu.memory_space<vmem>> -> memref<8x512xf32, #tpu.memory_space<vmem>>
      %dma_start3A_70 = arith.constant 8 : i32
      %dma_start3A_71 = arith.constant 999424 : i32
      %dma_start3A_72 = tpu.memref_slice %arg2[%dma_start3A_70, %dma_start3A_71] : memref<16x1000000xf32, #tpu.memory_space<hbm>> -> memref<8x512xf32, #tpu.memory_space<hbm>>
      %dma_start3A_73 = arith.constant 8 : i32
      %dma_start3A_74 = arith.constant 0 : i32
      %dma_start3A_75 = tpu.memref_slice %arg5[%dma_start3A_73, %dma_start3A_74] : memref<16x1024xf32, #tpu.memory_space<vmem>> -> memref<8x512xf32, #tpu.memory_space<vmem>>
      %dma_start3A_76 = arith.constant 8 : i32
      %dma_start3A_77 = arith.constant 999424 : i32
      %dma_start3A_78 = tpu.memref_slice %arg2[%dma_start3A_76, %dma_start3A_77] : memref<16x1000000xf32, #tpu.memory_space<hbm>> -> memref<8x512xf32, #tpu.memory_space<hbm>>
      tpu.enqueue_dma source(%dma_start3A_78 : memref<8x512xf32, #tpu.memory_space<hbm>>) target(%dma_start3A_75 : memref<8x512xf32, #tpu.memory_space<vmem>>) target_semaphore(%arg9 : memref<!tpu.dma_semaphore, #tpu.memory_space<semaphore_mem>>)
      %dma_wait3A_79 = arith.constant 0 : i32
      %dma_wait3A_80 = arith.constant 0 : i32
      %dma_wait3A_81 = tpu.memref_slice %arg5[%dma_wait3A_79, %dma_wait3A_80] : memref<16x1024xf32, #tpu.memory_space<vmem>> -> memref<8x512xf32, #tpu.memory_space<vmem>>
      %dma_wait3A_82 = arith.constant 0 : i32
      %dma_wait3A_83 = arith.constant 999424 : i32
      %dma_wait3A_84 = tpu.memref_slice %arg2[%dma_wait3A_82, %dma_wait3A_83] : memref<16x1000000xf32, #tpu.memory_space<hbm>> -> memref<8x512xf32, #tpu.memory_space<hbm>>
      %dma_wait3A_85 = arith.constant 0 : i32
      %dma_wait3A_86 = arith.constant 0 : i32
      %dma_wait3A_87 = tpu.memref_slice %arg5[%dma_wait3A_85, %dma_wait3A_86] : memref<16x1024xf32, #tpu.memory_space<vmem>> -> memref<8x512xf32, #tpu.memory_space<vmem>>
      %dma_wait3A_88 = arith.constant 0 : i32
      %dma_wait3A_89 = arith.constant 999424 : i32
      %dma_wait3A_90 = tpu.memref_slice %arg2[%dma_wait3A_88, %dma_wait3A_89] : memref<16x1000000xf32, #tpu.memory_space<hbm>> -> memref<8x512xf32, #tpu.memory_space<hbm>>
      tpu.wait_dma2 semaphore(%arg9 : memref<!tpu.dma_semaphore, #tpu.memory_space<semaphore_mem>>) src(%dma_wait3A_90 : memref<8x512xf32, #tpu.memory_space<hbm>>) dst(%dma_wait3A_87 : memref<8x512xf32, #tpu.memory_space<vmem>>)
      %dma_wait3A_91 = arith.constant 8 : i32
      %dma_wait3A_92 = arith.constant 0 : i32
      %dma_wait3A_93 = tpu.memref_slice %arg5[%dma_wait3A_91, %dma_wait3A_92] : memref<16x1024xf32, #tpu.memory_space<vmem>> -> memref<8x512xf32, #tpu.memory_space<vmem>>
      %dma_wait3A_94 = arith.constant 8 : i32
      %dma_wait3A_95 = arith.constant 999424 : i32
      %dma_wait3A_96 = tpu.memref_slice %arg2[%dma_wait3A_94, %dma_wait3A_95] : memref<16x1000000xf32, #tpu.memory_space<hbm>> -> memref<8x512xf32, #tpu.memory_space<hbm>>
      %dma_wait3A_97 = arith.constant 8 : i32
      %dma_wait3A_98 = arith.constant 0 : i32
      %dma_wait3A_99 = tpu.memref_slice %arg5[%dma_wait3A_97, %dma_wait3A_98] : memref<16x1024xf32, #tpu.memory_space<vmem>> -> memref<8x512xf32, #tpu.memory_space<vmem>>
      %dma_wait3A_100 = arith.constant 8 : i32
      %dma_wait3A_101 = arith.constant 999424 : i32
      %dma_wait3A_102 = tpu.memref_slice %arg2[%dma_wait3A_100, %dma_wait3A_101] : memref<16x1000000xf32, #tpu.memory_space<hbm>> -> memref<8x512xf32, #tpu.memory_space<hbm>>
      tpu.wait_dma2 semaphore(%arg9 : memref<!tpu.dma_semaphore, #tpu.memory_space<semaphore_mem>>) src(%dma_wait3A_102 : memref<8x512xf32, #tpu.memory_space<hbm>>) dst(%dma_wait3A_99 : memref<8x512xf32, #tpu.memory_space<vmem>>)
      %scan3A_103 = arith.constant 0 : i32
      %scan3A_104 = arith.constant 0 : i32
      %scan3A_105 = arith.constant 32 : i32
      %scan3A_106 = arith.addi %scan3A_104, %scan3A_105 : i32
      %scan3A_107 = arith.constant 1 : i32
      scf.for %scan3A_109 = %scan3A_104 to %scan3A_106 step %scan3A_107  : i32 {
        %mul3A_110 = arith.constant 16 : i32
        %mul3A_111 = arith.muli %scan3A_109, %mul3A_110 : i32
        %get3A = arith.constant 0 : i32
        %get3A_112 = arith.index_cast %get3A : i32 to index
        %get3A_113 = arith.index_cast %mul3A_111 : i32 to index
        %get3A_114 = tpu.vector_load %arg5[%get3A_112, %get3A_113] {strides = array<i32>} : memref<16x1024xf32, #tpu.memory_space<vmem>>, vector<16xf32>,
        %mul3A_115 = arith.constant 16 : i32
        %mul3A_116 = vector.broadcast %mul3A_115 : i32 to vector<16xi32>
        %mul3A_117 = arith.muli %iota3A, %mul3A_116 : vector<16xi32>
        %mul3A_118 = arith.constant 16 : i32
        %mul3A_119 = arith.muli %scan3A_109, %mul3A_118 : i32
        %mul3A_120 = arith.constant 16 : i32
        %mul3A_121 = arith.muli %mul3A_119, %mul3A_120 : i32
        %add3A_122 = arith.constant 0 : i32
        %add3A_123 = arith.addi %mul3A_121, %add3A_122 : i32
        %add3A_124 = vector.broadcast %add3A_123 : i32 to vector<16xi32>
        %add3A_125 = arith.addi %mul3A_117, %add3A_124 : vector<16xi32>
        tpu.vector_store_idx %arg7[%add3A_125], %get3A_114 : memref<16384xf32, #tpu.memory_space<vmem>>[vector<16xi32>], vector<16xf32>,
        %mul3A_126 = arith.constant 16 : i32
        %mul3A_127 = arith.muli %scan3A_109, %mul3A_126 : i32
        %get3A_128 = arith.constant 1 : i32
        %get3A_129 = arith.index_cast %get3A_128 : i32 to index
        %get3A_130 = arith.index_cast %mul3A_127 : i32 to index
        %get3A_131 = tpu.vector_load %arg5[%get3A_129, %get3A_130] {strides = array<i32>} : memref<16x1024xf32, #tpu.memory_space<vmem>>, vector<16xf32>,
        %mul3A_132 = arith.constant 16 : i32
        %mul3A_133 = vector.broadcast %mul3A_132 : i32 to vector<16xi32>
        %mul3A_134 = arith.muli %iota3A, %mul3A_133 : vector<16xi32>
        %mul3A_135 = arith.constant 16 : i32
        %mul3A_136 = arith.muli %scan3A_109, %mul3A_135 : i32
        %mul3A_137 = arith.constant 16 : i32
        %mul3A_138 = arith.muli %mul3A_136, %mul3A_137 : i32
        %add3A_139 = arith.constant 1 : i32
        %add3A_140 = arith.addi %mul3A_138, %add3A_139 : i32
        %add3A_141 = vector.broadcast %add3A_140 : i32 to vector<16xi32>
        %add3A_142 = arith.addi %mul3A_134, %add3A_141 : vector<16xi32>
        tpu.vector_store_idx %arg7[%add3A_142], %get3A_131 : memref<16384xf32, #tpu.memory_space<vmem>>[vector<16xi32>], vector<16xf32>,
        %mul3A_143 = arith.constant 16 : i32
        %mul3A_144 = arith.muli %scan3A_109, %mul3A_143 : i32
        %get3A_145 = arith.constant 2 : i32
        %get3A_146 = arith.index_cast %get3A_145 : i32 to index
        %get3A_147 = arith.index_cast %mul3A_144 : i32 to index
        %get3A_148 = tpu.vector_load %arg5[%get3A_146, %get3A_147] {strides = array<i32>} : memref<16x1024xf32, #tpu.memory_space<vmem>>, vector<16xf32>,
        %mul3A_149 = arith.constant 16 : i32
        %mul3A_150 = vector.broadcast %mul3A_149 : i32 to vector<16xi32>
        %mul3A_151 = arith.muli %iota3A, %mul3A_150 : vector<16xi32>
        %mul3A_152 = arith.constant 16 : i32
        %mul3A_153 = arith.muli %scan3A_109, %mul3A_152 : i32
        %mul3A_154 = arith.constant 16 : i32
        %mul3A_155 = arith.muli %mul3A_153, %mul3A_154 : i32
        %add3A_156 = arith.constant 2 : i32
        %add3A_157 = arith.addi %mul3A_155, %add3A_156 : i32
        %add3A_158 = vector.broadcast %add3A_157 : i32 to vector<16xi32>
        %add3A_159 = arith.addi %mul3A_151, %add3A_158 : vector<16xi32>
        tpu.vector_store_idx %arg7[%add3A_159], %get3A_148 : memref<16384xf32, #tpu.memory_space<vmem>>[vector<16xi32>], vector<16xf32>,
        %mul3A_160 = arith.constant 16 : i32
        %mul3A_161 = arith.muli %scan3A_109, %mul3A_160 : i32
        %get3A_162 = arith.constant 3 : i32
        %get3A_163 = arith.index_cast %get3A_162 : i32 to index
        %get3A_164 = arith.index_cast %mul3A_161 : i32 to index
        %get3A_165 = tpu.vector_load %arg5[%get3A_163, %get3A_164] {strides = array<i32>} : memref<16x1024xf32, #tpu.memory_space<vmem>>, vector<16xf32>,
        %mul3A_166 = arith.constant 16 : i32
        %mul3A_167 = vector.broadcast %mul3A_166 : i32 to vector<16xi32>
        %mul3A_168 = arith.muli %iota3A, %mul3A_167 : vector<16xi32>
        %mul3A_169 = arith.constant 16 : i32
        %mul3A_170 = arith.muli %scan3A_109, %mul3A_169 : i32
        %mul3A_171 = arith.constant 16 : i32
        %mul3A_172 = arith.muli %mul3A_170, %mul3A_171 : i32
        %add3A_173 = arith.constant 3 : i32
        %add3A_174 = arith.addi %mul3A_172, %add3A_173 : i32
        %add3A_175 = vector.broadcast %add3A_174 : i32 to vector<16xi32>
        %add3A_176 = arith.addi %mul3A_168, %add3A_175 : vector<16xi32>
        tpu.vector_store_idx %arg7[%add3A_176], %get3A_165 : memref<16384xf32, #tpu.memory_space<vmem>>[vector<16xi32>], vector<16xf32>,
        %mul3A_177 = arith.constant 16 : i32
        %mul3A_178 = arith.muli %scan3A_109, %mul3A_177 : i32
        %get3A_179 = arith.constant 4 : i32
        %get3A_180 = arith.index_cast %get3A_179 : i32 to index
        %get3A_181 = arith.index_cast %mul3A_178 : i32 to index
        %get3A_182 = tpu.vector_load %arg5[%get3A_180, %get3A_181] {strides = array<i32>} : memref<16x1024xf32, #tpu.memory_space<vmem>>, vector<16xf32>,
        %mul3A_183 = arith.constant 16 : i32
        %mul3A_184 = vector.broadcast %mul3A_183 : i32 to vector<16xi32>
        %mul3A_185 = arith.muli %iota3A, %mul3A_184 : vector<16xi32>
        %mul3A_186 = arith.constant 16 : i32
        %mul3A_187 = arith.muli %scan3A_109, %mul3A_186 : i32
        %mul3A_188 = arith.constant 16 : i32
        %mul3A_189 = arith.muli %mul3A_187, %mul3A_188 : i32
        %add3A_190 = arith.constant 4 : i32
        %add3A_191 = arith.addi %mul3A_189, %add3A_190 : i32
        %add3A_192 = vector.broadcast %add3A_191 : i32 to vector<16xi32>
        %add3A_193 = arith.addi %mul3A_185, %add3A_192 : vector<16xi32>
        tpu.vector_store_idx %arg7[%add3A_193], %get3A_182 : memref<16384xf32, #tpu.memory_space<vmem>>[vector<16xi32>], vector<16xf32>,
        %mul3A_194 = arith.constant 16 : i32
        %mul3A_195 = arith.muli %scan3A_109, %mul3A_194 : i32
        %get3A_196 = arith.constant 5 : i32
        %get3A_197 = arith.index_cast %get3A_196 : i32 to index
        %get3A_198 = arith.index_cast %mul3A_195 : i32 to index
        %get3A_199 = tpu.vector_load %arg5[%get3A_197, %get3A_198] {strides = array<i32>} : memref<16x1024xf32, #tpu.memory_space<vmem>>, vector<16xf32>,
        %mul3A_200 = arith.constant 16 : i32
        %mul3A_201 = vector.broadcast %mul3A_200 : i32 to vector<16xi32>
        %mul3A_202 = arith.muli %iota3A, %mul3A_201 : vector<16xi32>
        %mul3A_203 = arith.constant 16 : i32
        %mul3A_204 = arith.muli %scan3A_109, %mul3A_203 : i32
        %mul3A_205 = arith.constant 16 : i32
        %mul3A_206 = arith.muli %mul3A_204, %mul3A_205 : i32
        %add3A_207 = arith.constant 5 : i32
        %add3A_208 = arith.addi %mul3A_206, %add3A_207 : i32
        %add3A_209 = vector.broadcast %add3A_208 : i32 to vector<16xi32>
        %add3A_210 = arith.addi %mul3A_202, %add3A_209 : vector<16xi32>
        tpu.vector_store_idx %arg7[%add3A_210], %get3A_199 : memref<16384xf32, #tpu.memory_space<vmem>>[vector<16xi32>], vector<16xf32>,
        %mul3A_211 = arith.constant 16 : i32
        %mul3A_212 = arith.muli %scan3A_109, %mul3A_211 : i32
        %get3A_213 = arith.constant 6 : i32
        %get3A_214 = arith.index_cast %get3A_213 : i32 to index
        %get3A_215 = arith.index_cast %mul3A_212 : i32 to index
        %get3A_216 = tpu.vector_load %arg5[%get3A_214, %get3A_215] {strides = array<i32>} : memref<16x1024xf32, #tpu.memory_space<vmem>>, vector<16xf32>,
        %mul3A_217 = arith.constant 16 : i32
        %mul3A_218 = vector.broadcast %mul3A_217 : i32 to vector<16xi32>
        %mul3A_219 = arith.muli %iota3A, %mul3A_218 : vector<16xi32>
        %mul3A_220 = arith.constant 16 : i32
        %mul3A_221 = arith.muli %scan3A_109, %mul3A_220 : i32
        %mul3A_222 = arith.constant 16 : i32
        %mul3A_223 = arith.muli %mul3A_221, %mul3A_222 : i32
        %add3A_224 = arith.constant 6 : i32
        %add3A_225 = arith.addi %mul3A_223, %add3A_224 : i32
        %add3A_226 = vector.broadcast %add3A_225 : i32 to vector<16xi32>
        %add3A_227 = arith.addi %mul3A_219, %add3A_226 : vector<16xi32>
        tpu.vector_store_idx %arg7[%add3A_227], %get3A_216 : memref<16384xf32, #tpu.memory_space<vmem>>[vector<16xi32>], vector<16xf32>,
        %mul3A_228 = arith.constant 16 : i32
        %mul3A_229 = arith.muli %scan3A_109, %mul3A_228 : i32
        %get3A_230 = arith.constant 7 : i32
        %get3A_231 = arith.index_cast %get3A_230 : i32 to index
        %get3A_232 = arith.index_cast %mul3A_229 : i32 to index
        %get3A_233 = tpu.vector_load %arg5[%get3A_231, %get3A_232] {strides = array<i32>} : memref<16x1024xf32, #tpu.memory_space<vmem>>, vector<16xf32>,
        %mul3A_234 = arith.constant 16 : i32
        %mul3A_235 = vector.broadcast %mul3A_234 : i32 to vector<16xi32>
        %mul3A_236 = arith.muli %iota3A, %mul3A_235 : vector<16xi32>
        %mul3A_237 = arith.constant 16 : i32
        %mul3A_238 = arith.muli %scan3A_109, %mul3A_237 : i32
        %mul3A_239 = arith.constant 16 : i32
        %mul3A_240 = arith.muli %mul3A_238, %mul3A_239 : i32
        %add3A_241 = arith.constant 7 : i32
        %add3A_242 = arith.addi %mul3A_240, %add3A_241 : i32
        %add3A_243 = vector.broadcast %add3A_242 : i32 to vector<16xi32>
        %add3A_244 = arith.addi %mul3A_236, %add3A_243 : vector<16xi32>
        tpu.vector_store_idx %arg7[%add3A_244], %get3A_233 : memref<16384xf32, #tpu.memory_space<vmem>>[vector<16xi32>], vector<16xf32>,
        %mul3A_245 = arith.constant 16 : i32
        %mul3A_246 = arith.muli %scan3A_109, %mul3A_245 : i32
        %get3A_247 = arith.constant 8 : i32
        %get3A_248 = arith.index_cast %get3A_247 : i32 to index
        %get3A_249 = arith.index_cast %mul3A_246 : i32 to index
        %get3A_250 = tpu.vector_load %arg5[%get3A_248, %get3A_249] {strides = array<i32>} : memref<16x1024xf32, #tpu.memory_space<vmem>>, vector<16xf32>,
        %mul3A_251 = arith.constant 16 : i32
        %mul3A_252 = vector.broadcast %mul3A_251 : i32 to vector<16xi32>
        %mul3A_253 = arith.muli %iota3A, %mul3A_252 : vector<16xi32>
        %mul3A_254 = arith.constant 16 : i32
        %mul3A_255 = arith.muli %scan3A_109, %mul3A_254 : i32
        %mul3A_256 = arith.constant 16 : i32
        %mul3A_257 = arith.muli %mul3A_255, %mul3A_256 : i32
        %add3A_258 = arith.constant 8 : i32
        %add3A_259 = arith.addi %mul3A_257, %add3A_258 : i32
        %add3A_260 = vector.broadcast %add3A_259 : i32 to vector<16xi32>
        %add3A_261 = arith.addi %mul3A_253, %add3A_260 : vector<16xi32>
        tpu.vector_store_idx %arg7[%add3A_261], %get3A_250 : memref<16384xf32, #tpu.memory_space<vmem>>[vector<16xi32>], vector<16xf32>,
        %mul3A_262 = arith.constant 16 : i32
        %mul3A_263 = arith.muli %scan3A_109, %mul3A_262 : i32
        %get3A_264 = arith.constant 9 : i32
        %get3A_265 = arith.index_cast %get3A_264 : i32 to index
        %get3A_266 = arith.index_cast %mul3A_263 : i32 to index
        %get3A_267 = tpu.vector_load %arg5[%get3A_265, %get3A_266] {strides = array<i32>} : memref<16x1024xf32, #tpu.memory_space<vmem>>, vector<16xf32>,
        %mul3A_268 = arith.constant 16 : i32
        %mul3A_269 = vector.broadcast %mul3A_268 : i32 to vector<16xi32>
        %mul3A_270 = arith.muli %iota3A, %mul3A_269 : vector<16xi32>
        %mul3A_271 = arith.constant 16 : i32
        %mul3A_272 = arith.muli %scan3A_109, %mul3A_271 : i32
        %mul3A_273 = arith.constant 16 : i32
        %mul3A_274 = arith.muli %mul3A_272, %mul3A_273 : i32
        %add3A_275 = arith.constant 9 : i32
        %add3A_276 = arith.addi %mul3A_274, %add3A_275 : i32
        %add3A_277 = vector.broadcast %add3A_276 : i32 to vector<16xi32>
        %add3A_278 = arith.addi %mul3A_270, %add3A_277 : vector<16xi32>
        tpu.vector_store_idx %arg7[%add3A_278], %get3A_267 : memref<16384xf32, #tpu.memory_space<vmem>>[vector<16xi32>], vector<16xf32>,
        %mul3A_279 = arith.constant 16 : i32
        %mul3A_280 = arith.muli %scan3A_109, %mul3A_279 : i32
        %get3A_281 = arith.constant 10 : i32
        %get3A_282 = arith.index_cast %get3A_281 : i32 to index
        %get3A_283 = arith.index_cast %mul3A_280 : i32 to index
        %get3A_284 = tpu.vector_load %arg5[%get3A_282, %get3A_283] {strides = array<i32>} : memref<16x1024xf32, #tpu.memory_space<vmem>>, vector<16xf32>,
        %mul3A_285 = arith.constant 16 : i32
        %mul3A_286 = vector.broadcast %mul3A_285 : i32 to vector<16xi32>
        %mul3A_287 = arith.muli %iota3A, %mul3A_286 : vector<16xi32>
        %mul3A_288 = arith.constant 16 : i32
        %mul3A_289 = arith.muli %scan3A_109, %mul3A_288 : i32
        %mul3A_290 = arith.constant 16 : i32
        %mul3A_291 = arith.muli %mul3A_289, %mul3A_290 : i32
        %add3A_292 = arith.constant 10 : i32
        %add3A_293 = arith.addi %mul3A_291, %add3A_292 : i32
        %add3A_294 = vector.broadcast %add3A_293 : i32 to vector<16xi32>
        %add3A_295 = arith.addi %mul3A_287, %add3A_294 : vector<16xi32>
        tpu.vector_store_idx %arg7[%add3A_295], %get3A_284 : memref<16384xf32, #tpu.memory_space<vmem>>[vector<16xi32>], vector<16xf32>,
        %mul3A_296 = arith.constant 16 : i32
        %mul3A_297 = arith.muli %scan3A_109, %mul3A_296 : i32
        %get3A_298 = arith.constant 11 : i32
        %get3A_299 = arith.index_cast %get3A_298 : i32 to index
        %get3A_300 = arith.index_cast %mul3A_297 : i32 to index
        %get3A_301 = tpu.vector_load %arg5[%get3A_299, %get3A_300] {strides = array<i32>} : memref<16x1024xf32, #tpu.memory_space<vmem>>, vector<16xf32>,
        %mul3A_302 = arith.constant 16 : i32
        %mul3A_303 = vector.broadcast %mul3A_302 : i32 to vector<16xi32>
        %mul3A_304 = arith.muli %iota3A, %mul3A_303 : vector<16xi32>
        %mul3A_305 = arith.constant 16 : i32
        %mul3A_306 = arith.muli %scan3A_109, %mul3A_305 : i32
        %mul3A_307 = arith.constant 16 : i32
        %mul3A_308 = arith.muli %mul3A_306, %mul3A_307 : i32
        %add3A_309 = arith.constant 11 : i32
        %add3A_310 = arith.addi %mul3A_308, %add3A_309 : i32
        %add3A_311 = vector.broadcast %add3A_310 : i32 to vector<16xi32>
        %add3A_312 = arith.addi %mul3A_304, %add3A_311 : vector<16xi32>
        tpu.vector_store_idx %arg7[%add3A_312], %get3A_301 : memref<16384xf32, #tpu.memory_space<vmem>>[vector<16xi32>], vector<16xf32>,
        %mul3A_313 = arith.constant 16 : i32
        %mul3A_314 = arith.muli %scan3A_109, %mul3A_313 : i32
        %get3A_315 = arith.constant 12 : i32
        %get3A_316 = arith.index_cast %get3A_315 : i32 to index
        %get3A_317 = arith.index_cast %mul3A_314 : i32 to index
        %get3A_318 = tpu.vector_load %arg5[%get3A_316, %get3A_317] {strides = array<i32>} : memref<16x1024xf32, #tpu.memory_space<vmem>>, vector<16xf32>,
        %mul3A_319 = arith.constant 16 : i32
        %mul3A_320 = vector.broadcast %mul3A_319 : i32 to vector<16xi32>
        %mul3A_321 = arith.muli %iota3A, %mul3A_320 : vector<16xi32>
        %mul3A_322 = arith.constant 16 : i32
        %mul3A_323 = arith.muli %scan3A_109, %mul3A_322 : i32
        %mul3A_324 = arith.constant 16 : i32
        %mul3A_325 = arith.muli %mul3A_323, %mul3A_324 : i32
        %add3A_326 = arith.constant 12 : i32
        %add3A_327 = arith.addi %mul3A_325, %add3A_326 : i32
        %add3A_328 = vector.broadcast %add3A_327 : i32 to vector<16xi32>
        %add3A_329 = arith.addi %mul3A_321, %add3A_328 : vector<16xi32>
        tpu.vector_store_idx %arg7[%add3A_329], %get3A_318 : memref<16384xf32, #tpu.memory_space<vmem>>[vector<16xi32>], vector<16xf32>,
        %mul3A_330 = arith.constant 16 : i32
        %mul3A_331 = arith.muli %scan3A_109, %mul3A_330 : i32
        %get3A_332 = arith.constant 13 : i32
        %get3A_333 = arith.index_cast %get3A_332 : i32 to index
        %get3A_334 = arith.index_cast %mul3A_331 : i32 to index
        %get3A_335 = tpu.vector_load %arg5[%get3A_333, %get3A_334] {strides = array<i32>} : memref<16x1024xf32, #tpu.memory_space<vmem>>, vector<16xf32>,
        %mul3A_336 = arith.constant 16 : i32
        %mul3A_337 = vector.broadcast %mul3A_336 : i32 to vector<16xi32>
        %mul3A_338 = arith.muli %iota3A, %mul3A_337 : vector<16xi32>
        %mul3A_339 = arith.constant 16 : i32
        %mul3A_340 = arith.muli %scan3A_109, %mul3A_339 : i32
        %mul3A_341 = arith.constant 16 : i32
        %mul3A_342 = arith.muli %mul3A_340, %mul3A_341 : i32
        %add3A_343 = arith.constant 13 : i32
        %add3A_344 = arith.addi %mul3A_342, %add3A_343 : i32
        %add3A_345 = vector.broadcast %add3A_344 : i32 to vector<16xi32>
        %add3A_346 = arith.addi %mul3A_338, %add3A_345 : vector<16xi32>
        tpu.vector_store_idx %arg7[%add3A_346], %get3A_335 : memref<16384xf32, #tpu.memory_space<vmem>>[vector<16xi32>], vector<16xf32>,
        %mul3A_347 = arith.constant 16 : i32
        %mul3A_348 = arith.muli %scan3A_109, %mul3A_347 : i32
        %get3A_349 = arith.constant 14 : i32
        %get3A_350 = arith.index_cast %get3A_349 : i32 to index
        %get3A_351 = arith.index_cast %mul3A_348 : i32 to index
        %get3A_352 = tpu.vector_load %arg5[%get3A_350, %get3A_351] {strides = array<i32>} : memref<16x1024xf32, #tpu.memory_space<vmem>>, vector<16xf32>,
        %mul3A_353 = arith.constant 16 : i32
        %mul3A_354 = vector.broadcast %mul3A_353 : i32 to vector<16xi32>
        %mul3A_355 = arith.muli %iota3A, %mul3A_354 : vector<16xi32>
        %mul3A_356 = arith.constant 16 : i32
        %mul3A_357 = arith.muli %scan3A_109, %mul3A_356 : i32
        %mul3A_358 = arith.constant 16 : i32
        %mul3A_359 = arith.muli %mul3A_357, %mul3A_358 : i32
        %add3A_360 = arith.constant 14 : i32
        %add3A_361 = arith.addi %mul3A_359, %add3A_360 : i32
        %add3A_362 = vector.broadcast %add3A_361 : i32 to vector<16xi32>
        %add3A_363 = arith.addi %mul3A_355, %add3A_362 : vector<16xi32>
        tpu.vector_store_idx %arg7[%add3A_363], %get3A_352 : memref<16384xf32, #tpu.memory_space<vmem>>[vector<16xi32>], vector<16xf32>,
        %mul3A_364 = arith.constant 16 : i32
        %mul3A_365 = arith.muli %scan3A_109, %mul3A_364 : i32
        %get3A_366 = arith.constant 15 : i32
        %get3A_367 = arith.index_cast %get3A_366 : i32 to index
        %get3A_368 = arith.index_cast %mul3A_365 : i32 to index
        %get3A_369 = tpu.vector_load %arg5[%get3A_367, %get3A_368] {strides = array<i32>} : memref<16x1024xf32, #tpu.memory_space<vmem>>, vector<16xf32>,
        %mul3A_370 = arith.constant 16 : i32
        %mul3A_371 = vector.broadcast %mul3A_370 : i32 to vector<16xi32>
        %mul3A_372 = arith.muli %iota3A, %mul3A_371 : vector<16xi32>
        %mul3A_373 = arith.constant 16 : i32
        %mul3A_374 = arith.muli %scan3A_109, %mul3A_373 : i32
        %mul3A_375 = arith.constant 16 : i32
        %mul3A_376 = arith.muli %mul3A_374, %mul3A_375 : i32
        %add3A_377 = arith.constant 15 : i32
        %add3A_378 = arith.addi %mul3A_376, %add3A_377 : i32
        %add3A_379 = vector.broadcast %add3A_378 : i32 to vector<16xi32>
        %add3A_380 = arith.addi %mul3A_372, %add3A_379 : vector<16xi32>
        tpu.vector_store_idx %arg7[%add3A_380], %get3A_369 : memref<16384xf32, #tpu.memory_space<vmem>>[vector<16xi32>], vector<16xf32>,
      }
      %scan3A_108 = arith.constant 32 : i32
      "tpu.region"() ({
        %run_scoped3A = tpu.sem_alloc : memref<!tpu.dma_semaphore, #tpu.memory_space<semaphore_mem>>
        %dma_start3A_109 = arith.constant 0 : i32
        %dma_start3A_110 = tpu.memref_slice %arg7[%dma_start3A_109] : memref<16384xf32, #tpu.memory_space<vmem>> -> memref<8192xf32, #tpu.memory_space<vmem>>
        %dma_start3A_111 = arith.constant 15990784 : i32
        %dma_start3A_112 = tpu.memref_slice %arg4[%dma_start3A_111] : memref<16000000xf32, #tpu.memory_space<hbm>> -> memref<8192xf32, #tpu.memory_space<hbm>>
        %dma_start3A_113 = arith.constant 15990784 : i32
        %dma_start3A_114 = tpu.memref_slice %arg4[%dma_start3A_113] : memref<16000000xf32, #tpu.memory_space<hbm>> -> memref<8192xf32, #tpu.memory_space<hbm>>
        %dma_start3A_115 = arith.constant 0 : i32
        %dma_start3A_116 = tpu.memref_slice %arg7[%dma_start3A_115] : memref<16384xf32, #tpu.memory_space<vmem>> -> memref<8192xf32, #tpu.memory_space<vmem>>
        tpu.enqueue_dma source(%dma_start3A_116 : memref<8192xf32, #tpu.memory_space<vmem>>) target(%dma_start3A_114 : memref<8192xf32, #tpu.memory_space<hbm>>) target_semaphore(%run_scoped3A : memref<!tpu.dma_semaphore, #tpu.memory_space<semaphore_mem>>)
        %dma_wait3A_117 = arith.constant 0 : i32
        %dma_wait3A_118 = tpu.memref_slice %arg7[%dma_wait3A_117] : memref<16384xf32, #tpu.memory_space<vmem>> -> memref<8192xf32, #tpu.memory_space<vmem>>
        %dma_wait3A_119 = arith.constant 15990784 : i32
        %dma_wait3A_120 = tpu.memref_slice %arg4[%dma_wait3A_119] : memref<16000000xf32, #tpu.memory_space<hbm>> -> memref<8192xf32, #tpu.memory_space<hbm>>
        %dma_wait3A_121 = arith.constant 15990784 : i32
        %dma_wait3A_122 = tpu.memref_slice %arg4[%dma_wait3A_121] : memref<16000000xf32, #tpu.memory_space<hbm>> -> memref<8192xf32, #tpu.memory_space<hbm>>
        %dma_wait3A_123 = arith.constant 0 : i32
        %dma_wait3A_124 = tpu.memref_slice %arg7[%dma_wait3A_123] : memref<16384xf32, #tpu.memory_space<vmem>> -> memref<8192xf32, #tpu.memory_space<vmem>>
        tpu.wait_dma2 semaphore(%run_scoped3A : memref<!tpu.dma_semaphore, #tpu.memory_space<semaphore_mem>>) src(%dma_wait3A_124 : memref<8192xf32, #tpu.memory_space<vmem>>) dst(%dma_wait3A_122 : memref<8192xf32, #tpu.memory_space<hbm>>)
        tpu.yield
      }) : () -> ()
    } else {
    }
    %eq3A_50 = arith.constant 17 : i32
    %eq3A_51 = arith.cmpi eq, %add3A, %eq3A_50 : i32
    %convert_element_type3A_52 = arith.extui %eq3A_51 : i1 to i32
    %cond3A_53 = arith.constant 0 : i32
    %cond3A_54 = arith.cmpi ne, %convert_element_type3A_52, %cond3A_53 : i32
    scf.if %cond3A_54 {
      "tpu.region"() ({
        %run_scoped3A = tpu.sem_alloc : memref<!tpu.dma_semaphore, #tpu.memory_space<semaphore_mem>>
        %dma_start3A_55 = arith.constant 0 : i32
        %dma_start3A_56 = tpu.memref_slice %arg7[%dma_start3A_55] : memref<16384xf32, #tpu.memory_space<vmem>> -> memref<1024xf32, #tpu.memory_space<vmem>>
        %dma_start3A_57 = arith.constant 0 : i32
        %dma_start3A_58 = tpu.memref_slice %arg7[%dma_start3A_57] : memref<16384xf32, #tpu.memory_space<vmem>> -> memref<1024xf32, #tpu.memory_space<vmem>>
        tpu.enqueue_dma source(%arg3 : memref<1024xf32, #tpu.memory_space<hbm>>) target(%dma_start3A_58 : memref<1024xf32, #tpu.memory_space<vmem>>) target_semaphore(%run_scoped3A : memref<!tpu.dma_semaphore, #tpu.memory_space<semaphore_mem>>)
        %dma_wait3A_59 = arith.constant 0 : i32
        %dma_wait3A_60 = tpu.memref_slice %arg7[%dma_wait3A_59] : memref<16384xf32, #tpu.memory_space<vmem>> -> memref<1024xf32, #tpu.memory_space<vmem>>
        %dma_wait3A_61 = arith.constant 0 : i32
        %dma_wait3A_62 = tpu.memref_slice %arg7[%dma_wait3A_61] : memref<16384xf32, #tpu.memory_space<vmem>> -> memref<1024xf32, #tpu.memory_space<vmem>>
        tpu.wait_dma2 semaphore(%run_scoped3A : memref<!tpu.dma_semaphore, #tpu.memory_space<semaphore_mem>>) src(%arg3 : memref<1024xf32, #tpu.memory_space<hbm>>) dst(%dma_wait3A_62 : memref<1024xf32, #tpu.memory_space<vmem>>)
        tpu.yield
      }) : () -> ()
      "tpu.region"() ({
        %run_scoped3A = tpu.sem_alloc : memref<!tpu.dma_semaphore, #tpu.memory_space<semaphore_mem>>
        %dma_start3A_55 = arith.constant 0 : i32
        %dma_start3A_56 = tpu.memref_slice %arg7[%dma_start3A_55] : memref<16384xf32, #tpu.memory_space<vmem>> -> memref<1024xf32, #tpu.memory_space<vmem>>
        %dma_start3A_57 = arith.constant 15998976 : i32
        %dma_start3A_58 = tpu.memref_slice %arg4[%dma_start3A_57] : memref<16000000xf32, #tpu.memory_space<hbm>> -> memref<1024xf32, #tpu.memory_space<hbm>>
        %dma_start3A_59 = arith.constant 15998976 : i32
        %dma_start3A_60 = tpu.memref_slice %arg4[%dma_start3A_59] : memref<16000000xf32, #tpu.memory_space<hbm>> -> memref<1024xf32, #tpu.memory_space<hbm>>
        %dma_start3A_61 = arith.constant 0 : i32
        %dma_start3A_62 = tpu.memref_slice %arg7[%dma_start3A_61] : memref<16384xf32, #tpu.memory_space<vmem>> -> memref<1024xf32, #tpu.memory_space<vmem>>
        tpu.enqueue_dma source(%dma_start3A_62 : memref<1024xf32, #tpu.memory_space<vmem>>) target(%dma_start3A_60 : memref<1024xf32, #tpu.memory_space<hbm>>) target_semaphore(%run_scoped3A : memref<!tpu.dma_semaphore, #tpu.memory_space<semaphore_mem>>)
        %dma_wait3A_63 = arith.constant 0 : i32
        %dma_wait3A_64 = tpu.memref_slice %arg7[%dma_wait3A_63] : memref<16384xf32, #tpu.memory_space<vmem>> -> memref<1024xf32, #tpu.memory_space<vmem>>
        %dma_wait3A_65 = arith.constant 15998976 : i32
        %dma_wait3A_66 = tpu.memref_slice %arg4[%dma_wait3A_65] : memref<16000000xf32, #tpu.memory_space<hbm>> -> memref<1024xf32, #tpu.memory_space<hbm>>
        %dma_wait3A_67 = arith.constant 15998976 : i32
        %dma_wait3A_68 = tpu.memref_slice %arg4[%dma_wait3A_67] : memref<16000000xf32, #tpu.memory_space<hbm>> -> memref<1024xf32, #tpu.memory_space<hbm>>
        %dma_wait3A_69 = arith.constant 0 : i32
        %dma_wait3A_70 = tpu.memref_slice %arg7[%dma_wait3A_69] : memref<16384xf32, #tpu.memory_space<vmem>> -> memref<1024xf32, #tpu.memory_space<vmem>>
        tpu.wait_dma2 semaphore(%run_scoped3A : memref<!tpu.dma_semaphore, #tpu.memory_space<semaphore_mem>>) src(%dma_wait3A_70 : memref<1024xf32, #tpu.memory_space<vmem>>) dst(%dma_wait3A_68 : memref<1024xf32, #tpu.memory_space<hbm>>)
        tpu.yield
      }) : () -> ()
    } else {
    }
    return
  }
}

#map = affine_map<(d0, d1) -> (0)>
#map1 = affine_map<(d0, d1) -> (0, 0)>
module attributes {stable_mosaic.version = 14 : i64} {
  func.func @_gather_body(%arg0: i32, %arg1: i32, %arg2: memref<2129920xi32, #tpu.memory_space<hbm>>, %arg3: memref<4096xi32, #tpu.memory_space<hbm>>, %arg4: memref<1000000x16xf32, #tpu.memory_space<hbm>>, %arg5: memref<5x128xf32, #tpu.memory_space<hbm>>, %arg6: memref<2228224xf32, #tpu.memory_space<hbm>>, %arg7: memref<2080xi32, #tpu.memory_space<vmem>>, %arg8: memref<2080xi32, #tpu.memory_space<vmem>>, %arg9: memref<2080x16xf32, #tpu.memory_space<vmem>>, %arg10: memref<2080x16xf32, #tpu.memory_space<vmem>>, %arg11: memref<2176xf32, #tpu.memory_space<vmem>>, %arg12: memref<128xi32, #tpu.memory_space<vmem>>, %arg13: memref<128x128xf32, #tpu.memory_space<vmem>>, %arg14: memref<!tpu.dma_semaphore, #tpu.memory_space<semaphore_mem>>, %arg15: memref<!tpu.dma_semaphore, #tpu.memory_space<semaphore_mem>>, %arg16: memref<!tpu.dma_semaphore, #tpu.memory_space<semaphore_mem>>, %arg17: memref<!tpu.dma_semaphore, #tpu.memory_space<semaphore_mem>>, %arg18: memref<!tpu.dma_semaphore, #tpu.memory_space<semaphore_mem>>) attributes {dimension_semantics = [#tpu.dimension_semantics<core_parallel>, #tpu.dimension_semantics<subcore_parallel>], iteration_bounds = array<i64: 2, 16>, scalar_prefetch = 0 : i64, scratch_operands = 12 : i64, tpu.core_type = #tpu.core_type<sc_vector_subcore>, window_params = [{transform_indices = #map}, {transform_indices = #map}, {transform_indices = #map1}, {transform_indices = #map1}, {transform_indices = #map}]} {
    %mul3A = arith.constant 2 : i32
    %mul3A_0 = arith.muli %arg1, %mul3A : i32
    %add3A = arith.addi %mul3A_0, %arg0 : i32
    %mul3A_1 = arith.constant 128 : i32
    %mul3A_2 = arith.muli %add3A, %mul3A_1 : i32
    %mul3A_3 = arith.constant 520 : i32
    %mul3A_4 = arith.muli %mul3A_2, %mul3A_3 : i32
    "tpu.region"() ({
      %run_scoped3A = tpu.sem_alloc : memref<!tpu.dma_semaphore, #tpu.memory_space<semaphore_mem>>
      %dma_start3A_29 = tpu.memref_slice %arg3[%mul3A_2] : memref<4096xi32, #tpu.memory_space<hbm>> -> memref<128xi32, #tpu.memory_space<hbm>>
      %dma_start3A_30 = tpu.memref_slice %arg3[%mul3A_2] : memref<4096xi32, #tpu.memory_space<hbm>> -> memref<128xi32, #tpu.memory_space<hbm>>
      tpu.enqueue_dma source(%dma_start3A_30 : memref<128xi32, #tpu.memory_space<hbm>>) target(%arg12 : memref<128xi32, #tpu.memory_space<vmem>>) target_semaphore(%run_scoped3A : memref<!tpu.dma_semaphore, #tpu.memory_space<semaphore_mem>>)
      %dma_wait3A_31 = tpu.memref_slice %arg3[%mul3A_2] : memref<4096xi32, #tpu.memory_space<hbm>> -> memref<128xi32, #tpu.memory_space<hbm>>
      %dma_wait3A_32 = tpu.memref_slice %arg3[%mul3A_2] : memref<4096xi32, #tpu.memory_space<hbm>> -> memref<128xi32, #tpu.memory_space<hbm>>
      tpu.wait_dma2 semaphore(%run_scoped3A : memref<!tpu.dma_semaphore, #tpu.memory_space<semaphore_mem>>) src(%dma_wait3A_32 : memref<128xi32, #tpu.memory_space<hbm>>) dst(%arg12 : memref<128xi32, #tpu.memory_space<vmem>>)
      tpu.yield
    }) : () -> ()
    %dma_start3A = arith.constant 0 : i32
    %dma_start3A_5 = arith.constant 0 : i32
    %dma_start3A_6 = tpu.memref_slice %arg5[%dma_start3A, %dma_start3A_5] : memref<5x128xf32, #tpu.memory_space<hbm>> -> memref<5x128xf32, #tpu.memory_space<hbm>>
    tpu.enqueue_indirect_dma source(%dma_start3A_6 : memref<5x128xf32, #tpu.memory_space<hbm>>) target(%arg13 : memref<128x128xf32, #tpu.memory_space<vmem>>) offsets(%arg12 : memref<128xi32, #tpu.memory_space<vmem>>) semaphore(%arg18 : memref<!tpu.dma_semaphore, #tpu.memory_space<semaphore_mem>>)
    %dma_wait3A = arith.constant 0 : i32
    %dma_wait3A_7 = arith.constant 0 : i32
    %dma_wait3A_8 = tpu.memref_slice %arg5[%dma_wait3A, %dma_wait3A_7] : memref<5x128xf32, #tpu.memory_space<hbm>> -> memref<5x128xf32, #tpu.memory_space<hbm>>
    tpu.wait_indirect_dma semaphore(%arg18 : memref<!tpu.dma_semaphore, #tpu.memory_space<semaphore_mem>>) src(%dma_wait3A_8 : memref<5x128xf32, #tpu.memory_space<hbm>>) dst(%arg13 : memref<128x128xf32, #tpu.memory_space<vmem>>)
    %add3A_9 = arith.constant 0 : i32
    %add3A_10 = arith.addi %mul3A_4, %add3A_9 : i32
    %dma_start3A_11 = tpu.memref_slice %arg2[%add3A_10] : memref<2129920xi32, #tpu.memory_space<hbm>> -> memref<2080xi32, #tpu.memory_space<hbm>>
    %dma_start3A_12 = tpu.memref_slice %arg2[%add3A_10] : memref<2129920xi32, #tpu.memory_space<hbm>> -> memref<2080xi32, #tpu.memory_space<hbm>>
    tpu.enqueue_dma source(%dma_start3A_12 : memref<2080xi32, #tpu.memory_space<hbm>>) target(%arg7 : memref<2080xi32, #tpu.memory_space<vmem>>) target_semaphore(%arg16 : memref<!tpu.dma_semaphore, #tpu.memory_space<semaphore_mem>>)
    %add3A_13 = arith.constant 0 : i32
    %add3A_14 = arith.addi %mul3A_4, %add3A_13 : i32
    %dma_wait3A_15 = tpu.memref_slice %arg2[%add3A_14] : memref<2129920xi32, #tpu.memory_space<hbm>> -> memref<2080xi32, #tpu.memory_space<hbm>>
    %dma_wait3A_16 = tpu.memref_slice %arg2[%add3A_14] : memref<2129920xi32, #tpu.memory_space<hbm>> -> memref<2080xi32, #tpu.memory_space<hbm>>
    tpu.wait_dma2 semaphore(%arg16 : memref<!tpu.dma_semaphore, #tpu.memory_space<semaphore_mem>>) src(%dma_wait3A_16 : memref<2080xi32, #tpu.memory_space<hbm>>) dst(%arg7 : memref<2080xi32, #tpu.memory_space<vmem>>)
    %dma_start3A_17 = arith.constant 0 : i32
    %dma_start3A_18 = arith.constant 0 : i32
    %dma_start3A_19 = tpu.memref_slice %arg4[%dma_start3A_17, %dma_start3A_18] : memref<1000000x16xf32, #tpu.memory_space<hbm>> -> memref<1000000x16xf32, #tpu.memory_space<hbm>>
    tpu.enqueue_indirect_dma source(%dma_start3A_19 : memref<1000000x16xf32, #tpu.memory_space<hbm>>) target(%arg9 : memref<2080x16xf32, #tpu.memory_space<vmem>>) offsets(%arg7 : memref<2080xi32, #tpu.memory_space<vmem>>) semaphore(%arg14 : memref<!tpu.dma_semaphore, #tpu.memory_space<semaphore_mem>>)
    %add3A_20 = arith.constant 2080 : i32
    %add3A_21 = arith.addi %mul3A_4, %add3A_20 : i32
    %dma_start3A_22 = tpu.memref_slice %arg2[%add3A_21] : memref<2129920xi32, #tpu.memory_space<hbm>> -> memref<2080xi32, #tpu.memory_space<hbm>>
    %dma_start3A_23 = tpu.memref_slice %arg2[%add3A_21] : memref<2129920xi32, #tpu.memory_space<hbm>> -> memref<2080xi32, #tpu.memory_space<hbm>>
    tpu.enqueue_dma source(%dma_start3A_23 : memref<2080xi32, #tpu.memory_space<hbm>>) target(%arg8 : memref<2080xi32, #tpu.memory_space<vmem>>) target_semaphore(%arg17 : memref<!tpu.dma_semaphore, #tpu.memory_space<semaphore_mem>>)
    %scan3A = arith.constant 0 : i32
    %scan3A_24 = arith.constant 0 : i32
    %scan3A_25 = arith.constant 16 : i32
    %scan3A_26 = arith.addi %scan3A_24, %scan3A_25 : i32
    %scan3A_27 = arith.constant 1 : i32
    scf.for %scan3A_29 = %scan3A_24 to %scan3A_26 step %scan3A_27  : i32 {
      %mul3A_30 = arith.constant 2 : i32
      %mul3A_31 = arith.muli %mul3A_30, %scan3A_29 : i32
      %add3A_32 = arith.constant 1 : i32
      %add3A_33 = arith.addi %mul3A_31, %add3A_32 : i32
      %mul3A_34 = arith.constant 2080 : i32
      %mul3A_35 = arith.muli %add3A_33, %mul3A_34 : i32
      %add3A_36 = arith.addi %mul3A_4, %mul3A_35 : i32
      %dma_wait3A_37 = tpu.memref_slice %arg2[%add3A_36] : memref<2129920xi32, #tpu.memory_space<hbm>> -> memref<2080xi32, #tpu.memory_space<hbm>>
      %dma_wait3A_38 = tpu.memref_slice %arg2[%add3A_36] : memref<2129920xi32, #tpu.memory_space<hbm>> -> memref<2080xi32, #tpu.memory_space<hbm>>
      tpu.wait_dma2 semaphore(%arg17 : memref<!tpu.dma_semaphore, #tpu.memory_space<semaphore_mem>>) src(%dma_wait3A_38 : memref<2080xi32, #tpu.memory_space<hbm>>) dst(%arg8 : memref<2080xi32, #tpu.memory_space<vmem>>)
      %dma_start3A_39 = arith.constant 0 : i32
      %dma_start3A_40 = arith.constant 0 : i32
      %dma_start3A_41 = tpu.memref_slice %arg4[%dma_start3A_39, %dma_start3A_40] : memref<1000000x16xf32, #tpu.memory_space<hbm>> -> memref<1000000x16xf32, #tpu.memory_space<hbm>>
      tpu.enqueue_indirect_dma source(%dma_start3A_41 : memref<1000000x16xf32, #tpu.memory_space<hbm>>) target(%arg10 : memref<2080x16xf32, #tpu.memory_space<vmem>>) offsets(%arg8 : memref<2080xi32, #tpu.memory_space<vmem>>) semaphore(%arg15 : memref<!tpu.dma_semaphore, #tpu.memory_space<semaphore_mem>>)
      %dma_wait3A_42 = arith.constant 0 : i32
      %dma_wait3A_43 = arith.constant 0 : i32
      %dma_wait3A_44 = tpu.memref_slice %arg4[%dma_wait3A_42, %dma_wait3A_43] : memref<1000000x16xf32, #tpu.memory_space<hbm>> -> memref<1000000x16xf32, #tpu.memory_space<hbm>>
      tpu.wait_indirect_dma semaphore(%arg14 : memref<!tpu.dma_semaphore, #tpu.memory_space<semaphore_mem>>) src(%dma_wait3A_44 : memref<1000000x16xf32, #tpu.memory_space<hbm>>) dst(%arg9 : memref<2080x16xf32, #tpu.memory_space<vmem>>)
      %lt3A = arith.constant 15 : i32
      %lt3A_45 = arith.cmpi slt, %scan3A_29, %lt3A : i32
      %convert_element_type3A = arith.extui %lt3A_45 : i1 to i32
      %cond3A = arith.constant 0 : i32
      %cond3A_46 = arith.cmpi ne, %convert_element_type3A, %cond3A : i32
      scf.if %cond3A_46 {
        %add3A_657 = arith.constant 2 : i32
        %add3A_658 = arith.addi %mul3A_31, %add3A_657 : i32
        %mul3A_659 = arith.constant 2080 : i32
        %mul3A_660 = arith.muli %add3A_658, %mul3A_659 : i32
        %add3A_661 = arith.addi %mul3A_4, %mul3A_660 : i32
        %dma_start3A_662 = tpu.memref_slice %arg2[%add3A_661] : memref<2129920xi32, #tpu.memory_space<hbm>> -> memref<2080xi32, #tpu.memory_space<hbm>>
        %dma_start3A_663 = tpu.memref_slice %arg2[%add3A_661] : memref<2129920xi32, #tpu.memory_space<hbm>> -> memref<2080xi32, #tpu.memory_space<hbm>>
        tpu.enqueue_dma source(%dma_start3A_663 : memref<2080xi32, #tpu.memory_space<hbm>>) target(%arg7 : memref<2080xi32, #tpu.memory_space<vmem>>) target_semaphore(%arg16 : memref<!tpu.dma_semaphore, #tpu.memory_space<semaphore_mem>>)
      } else {
      }
      %scan3A_47 = arith.constant 0 : i32
      %scan3A_48 = arith.constant 0 : i32
      %scan3A_49 = arith.constant 26 : i32
      %scan3A_50 = arith.addi %scan3A_48, %scan3A_49 : i32
      %scan3A_51 = arith.constant 1 : i32
      scf.for %scan3A_657 = %scan3A_48 to %scan3A_50 step %scan3A_51  : i32 {
        %mul3A_658 = arith.constant 20 : i32
        %mul3A_659 = arith.muli %scan3A_657, %mul3A_658 : i32
        %add3A_660 = arith.constant 0 : i32
        %add3A_661 = arith.addi %add3A_660, %mul3A_659 : i32
        %get3A_662 = arith.index_cast %add3A_661 : i32 to index
        %get3A_663 = arith.constant 0 : index
        %get3A_664 = tpu.vector_load %arg9[%get3A_662, %get3A_663] {strides = array<i32>} : memref<2080x16xf32, #tpu.memory_space<vmem>>, vector<1x16xf32>,
        %get3A_665 = vector.shape_cast %get3A_664 : vector<1x16xf32> to vector<16xf32>
        %add3A_666 = arith.constant 1 : i32
        %add3A_667 = arith.addi %add3A_661, %add3A_666 : i32
        %get3A_668 = arith.index_cast %add3A_667 : i32 to index
        %get3A_669 = arith.constant 0 : index
        %get3A_670 = tpu.vector_load %arg9[%get3A_668, %get3A_669] {strides = array<i32>} : memref<2080x16xf32, #tpu.memory_space<vmem>>, vector<1x16xf32>,
        %get3A_671 = vector.shape_cast %get3A_670 : vector<1x16xf32> to vector<16xf32>
        %add3A_672 = arith.addf %get3A_665, %get3A_671 : vector<16xf32>
        %add3A_673 = arith.constant 2 : i32
        %add3A_674 = arith.addi %add3A_661, %add3A_673 : i32
        %get3A_675 = arith.index_cast %add3A_674 : i32 to index
        %get3A_676 = arith.constant 0 : index
        %get3A_677 = tpu.vector_load %arg9[%get3A_675, %get3A_676] {strides = array<i32>} : memref<2080x16xf32, #tpu.memory_space<vmem>>, vector<1x16xf32>,
        %get3A_678 = vector.shape_cast %get3A_677 : vector<1x16xf32> to vector<16xf32>
        %add3A_679 = arith.addf %add3A_672, %get3A_678 : vector<16xf32>
        %add3A_680 = arith.constant 3 : i32
        %add3A_681 = arith.addi %add3A_661, %add3A_680 : i32
        %get3A_682 = arith.index_cast %add3A_681 : i32 to index
        %get3A_683 = arith.constant 0 : index
        %get3A_684 = tpu.vector_load %arg9[%get3A_682, %get3A_683] {strides = array<i32>} : memref<2080x16xf32, #tpu.memory_space<vmem>>, vector<1x16xf32>,
        %get3A_685 = vector.shape_cast %get3A_684 : vector<1x16xf32> to vector<16xf32>
        %add3A_686 = arith.addf %add3A_679, %get3A_685 : vector<16xf32>
        %add3A_687 = arith.constant 4 : i32
        %add3A_688 = arith.addi %add3A_661, %add3A_687 : i32
        %get3A_689 = arith.index_cast %add3A_688 : i32 to index
        %get3A_690 = arith.constant 0 : index
        %get3A_691 = tpu.vector_load %arg9[%get3A_689, %get3A_690] {strides = array<i32>} : memref<2080x16xf32, #tpu.memory_space<vmem>>, vector<1x16xf32>,
        %get3A_692 = vector.shape_cast %get3A_691 : vector<1x16xf32> to vector<16xf32>
        %add3A_693 = arith.addf %add3A_686, %get3A_692 : vector<16xf32>
        %add3A_694 = arith.constant 5 : i32
        %add3A_695 = arith.addi %add3A_661, %add3A_694 : i32
        %get3A_696 = arith.index_cast %add3A_695 : i32 to index
        %get3A_697 = arith.constant 0 : index
        %get3A_698 = tpu.vector_load %arg9[%get3A_696, %get3A_697] {strides = array<i32>} : memref<2080x16xf32, #tpu.memory_space<vmem>>, vector<1x16xf32>,
        %get3A_699 = vector.shape_cast %get3A_698 : vector<1x16xf32> to vector<16xf32>
        %add3A_700 = arith.addf %add3A_693, %get3A_699 : vector<16xf32>
        %add3A_701 = arith.constant 6 : i32
        %add3A_702 = arith.addi %add3A_661, %add3A_701 : i32
        %get3A_703 = arith.index_cast %add3A_702 : i32 to index
        %get3A_704 = arith.constant 0 : index
        %get3A_705 = tpu.vector_load %arg9[%get3A_703, %get3A_704] {strides = array<i32>} : memref<2080x16xf32, #tpu.memory_space<vmem>>, vector<1x16xf32>,
        %get3A_706 = vector.shape_cast %get3A_705 : vector<1x16xf32> to vector<16xf32>
        %add3A_707 = arith.addf %add3A_700, %get3A_706 : vector<16xf32>
        %add3A_708 = arith.constant 7 : i32
        %add3A_709 = arith.addi %add3A_661, %add3A_708 : i32
        %get3A_710 = arith.index_cast %add3A_709 : i32 to index
        %get3A_711 = arith.constant 0 : index
        %get3A_712 = tpu.vector_load %arg9[%get3A_710, %get3A_711] {strides = array<i32>} : memref<2080x16xf32, #tpu.memory_space<vmem>>, vector<1x16xf32>,
        %get3A_713 = vector.shape_cast %get3A_712 : vector<1x16xf32> to vector<16xf32>
        %add3A_714 = arith.addf %add3A_707, %get3A_713 : vector<16xf32>
        %add3A_715 = arith.constant 8 : i32
        %add3A_716 = arith.addi %add3A_661, %add3A_715 : i32
        %get3A_717 = arith.index_cast %add3A_716 : i32 to index
        %get3A_718 = arith.constant 0 : index
        %get3A_719 = tpu.vector_load %arg9[%get3A_717, %get3A_718] {strides = array<i32>} : memref<2080x16xf32, #tpu.memory_space<vmem>>, vector<1x16xf32>,
        %get3A_720 = vector.shape_cast %get3A_719 : vector<1x16xf32> to vector<16xf32>
        %add3A_721 = arith.addf %add3A_714, %get3A_720 : vector<16xf32>
        %add3A_722 = arith.constant 9 : i32
        %add3A_723 = arith.addi %add3A_661, %add3A_722 : i32
        %get3A_724 = arith.index_cast %add3A_723 : i32 to index
        %get3A_725 = arith.constant 0 : index
        %get3A_726 = tpu.vector_load %arg9[%get3A_724, %get3A_725] {strides = array<i32>} : memref<2080x16xf32, #tpu.memory_space<vmem>>, vector<1x16xf32>,
        %get3A_727 = vector.shape_cast %get3A_726 : vector<1x16xf32> to vector<16xf32>
        %add3A_728 = arith.addf %add3A_721, %get3A_727 : vector<16xf32>
        %add3A_729 = arith.constant 10 : i32
        %add3A_730 = arith.addi %add3A_661, %add3A_729 : i32
        %get3A_731 = arith.index_cast %add3A_730 : i32 to index
        %get3A_732 = arith.constant 0 : index
        %get3A_733 = tpu.vector_load %arg9[%get3A_731, %get3A_732] {strides = array<i32>} : memref<2080x16xf32, #tpu.memory_space<vmem>>, vector<1x16xf32>,
        %get3A_734 = vector.shape_cast %get3A_733 : vector<1x16xf32> to vector<16xf32>
        %add3A_735 = arith.addf %add3A_728, %get3A_734 : vector<16xf32>
        %add3A_736 = arith.constant 11 : i32
        %add3A_737 = arith.addi %add3A_661, %add3A_736 : i32
        %get3A_738 = arith.index_cast %add3A_737 : i32 to index
        %get3A_739 = arith.constant 0 : index
        %get3A_740 = tpu.vector_load %arg9[%get3A_738, %get3A_739] {strides = array<i32>} : memref<2080x16xf32, #tpu.memory_space<vmem>>, vector<1x16xf32>,
        %get3A_741 = vector.shape_cast %get3A_740 : vector<1x16xf32> to vector<16xf32>
        %add3A_742 = arith.addf %add3A_735, %get3A_741 : vector<16xf32>
        %add3A_743 = arith.constant 12 : i32
        %add3A_744 = arith.addi %add3A_661, %add3A_743 : i32
        %get3A_745 = arith.index_cast %add3A_744 : i32 to index
        %get3A_746 = arith.constant 0 : index
        %get3A_747 = tpu.vector_load %arg9[%get3A_745, %get3A_746] {strides = array<i32>} : memref<2080x16xf32, #tpu.memory_space<vmem>>, vector<1x16xf32>,
        %get3A_748 = vector.shape_cast %get3A_747 : vector<1x16xf32> to vector<16xf32>
        %add3A_749 = arith.addf %add3A_742, %get3A_748 : vector<16xf32>
        %add3A_750 = arith.constant 13 : i32
        %add3A_751 = arith.addi %add3A_661, %add3A_750 : i32
        %get3A_752 = arith.index_cast %add3A_751 : i32 to index
        %get3A_753 = arith.constant 0 : index
        %get3A_754 = tpu.vector_load %arg9[%get3A_752, %get3A_753] {strides = array<i32>} : memref<2080x16xf32, #tpu.memory_space<vmem>>, vector<1x16xf32>,
        %get3A_755 = vector.shape_cast %get3A_754 : vector<1x16xf32> to vector<16xf32>
        %add3A_756 = arith.addf %add3A_749, %get3A_755 : vector<16xf32>
        %add3A_757 = arith.constant 14 : i32
        %add3A_758 = arith.addi %add3A_661, %add3A_757 : i32
        %get3A_759 = arith.index_cast %add3A_758 : i32 to index
        %get3A_760 = arith.constant 0 : index
        %get3A_761 = tpu.vector_load %arg9[%get3A_759, %get3A_760] {strides = array<i32>} : memref<2080x16xf32, #tpu.memory_space<vmem>>, vector<1x16xf32>,
        %get3A_762 = vector.shape_cast %get3A_761 : vector<1x16xf32> to vector<16xf32>
        %add3A_763 = arith.addf %add3A_756, %get3A_762 : vector<16xf32>
        %add3A_764 = arith.constant 15 : i32
        %add3A_765 = arith.addi %add3A_661, %add3A_764 : i32
        %get3A_766 = arith.index_cast %add3A_765 : i32 to index
        %get3A_767 = arith.constant 0 : index
        %get3A_768 = tpu.vector_load %arg9[%get3A_766, %get3A_767] {strides = array<i32>} : memref<2080x16xf32, #tpu.memory_space<vmem>>, vector<1x16xf32>,
        %get3A_769 = vector.shape_cast %get3A_768 : vector<1x16xf32> to vector<16xf32>
        %add3A_770 = arith.addf %add3A_763, %get3A_769 : vector<16xf32>
        %add3A_771 = arith.constant 16 : i32
        %add3A_772 = arith.addi %add3A_661, %add3A_771 : i32
        %get3A_773 = arith.index_cast %add3A_772 : i32 to index
        %get3A_774 = arith.constant 0 : index
        %get3A_775 = tpu.vector_load %arg9[%get3A_773, %get3A_774] {strides = array<i32>} : memref<2080x16xf32, #tpu.memory_space<vmem>>, vector<1x16xf32>,
        %get3A_776 = vector.shape_cast %get3A_775 : vector<1x16xf32> to vector<16xf32>
        %add3A_777 = arith.addf %add3A_770, %get3A_776 : vector<16xf32>
        %add3A_778 = arith.constant 17 : i32
        %add3A_779 = arith.addi %add3A_661, %add3A_778 : i32
        %get3A_780 = arith.index_cast %add3A_779 : i32 to index
        %get3A_781 = arith.constant 0 : index
        %get3A_782 = tpu.vector_load %arg9[%get3A_780, %get3A_781] {strides = array<i32>} : memref<2080x16xf32, #tpu.memory_space<vmem>>, vector<1x16xf32>,
        %get3A_783 = vector.shape_cast %get3A_782 : vector<1x16xf32> to vector<16xf32>
        %add3A_784 = arith.addf %add3A_777, %get3A_783 : vector<16xf32>
        %add3A_785 = arith.constant 18 : i32
        %add3A_786 = arith.addi %add3A_661, %add3A_785 : i32
        %get3A_787 = arith.index_cast %add3A_786 : i32 to index
        %get3A_788 = arith.constant 0 : index
        %get3A_789 = tpu.vector_load %arg9[%get3A_787, %get3A_788] {strides = array<i32>} : memref<2080x16xf32, #tpu.memory_space<vmem>>, vector<1x16xf32>,
        %get3A_790 = vector.shape_cast %get3A_789 : vector<1x16xf32> to vector<16xf32>
        %add3A_791 = arith.addf %add3A_784, %get3A_790 : vector<16xf32>
        %add3A_792 = arith.constant 19 : i32
        %add3A_793 = arith.addi %add3A_661, %add3A_792 : i32
        %get3A_794 = arith.index_cast %add3A_793 : i32 to index
        %get3A_795 = arith.constant 0 : index
        %get3A_796 = tpu.vector_load %arg9[%get3A_794, %get3A_795] {strides = array<i32>} : memref<2080x16xf32, #tpu.memory_space<vmem>>, vector<1x16xf32>,
        %get3A_797 = vector.shape_cast %get3A_796 : vector<1x16xf32> to vector<16xf32>
        %add3A_798 = arith.addf %add3A_791, %get3A_797 : vector<16xf32>
        %mul3A_799 = arith.constant 16 : i32
        %mul3A_800 = arith.muli %scan3A_657, %mul3A_799 : i32
        %add3A_801 = arith.constant 0 : i32
        %add3A_802 = arith.addi %add3A_801, %mul3A_800 : i32
        %swap3A_803 = arith.index_cast %add3A_802 : i32 to index
        %swap3A_804 = tpu.vector_load %arg11[%swap3A_803] {strides = array<i32>} : memref<2176xf32, #tpu.memory_space<vmem>>, vector<16xf32>,
        %swap3A_805 = vector.shape_cast %swap3A_804 : vector<16xf32> to vector<16xf32>
        %swap3A_806 = vector.shape_cast %add3A_798 : vector<16xf32> to vector<16xf32>
        tpu.vector_store %arg11[%swap3A_803], %swap3A_806 {strides = array<i32>} : memref<2176xf32, #tpu.memory_space<vmem>>, vector<16xf32>,
      }
      %scan3A_52 = arith.constant 26 : i32
      %mul3A_53 = arith.constant 4 : i32
      %mul3A_54 = arith.muli %mul3A_31, %mul3A_53 : i32
      %add3A_55 = arith.constant 0 : i32
      %add3A_56 = arith.addi %mul3A_54, %add3A_55 : i32
      %get3A = arith.index_cast %add3A_56 : i32 to index
      %get3A_57 = arith.constant 0 : index
      %get3A_58 = tpu.vector_load %arg13[%get3A, %get3A_57] {strides = array<i32>} : memref<128x128xf32, #tpu.memory_space<vmem>>, vector<1x16xf32>,
      %get3A_59 = vector.shape_cast %get3A_58 : vector<1x16xf32> to vector<16xf32>
      %swap3A = arith.constant 416 : index
      %swap3A_60 = tpu.vector_load %arg11[%swap3A] {strides = array<i32>} : memref<2176xf32, #tpu.memory_space<vmem>>, vector<16xf32>,
      %swap3A_61 = vector.shape_cast %swap3A_60 : vector<16xf32> to vector<16xf32>
      %swap3A_62 = vector.shape_cast %get3A_59 : vector<16xf32> to vector<16xf32>
      tpu.vector_store %arg11[%swap3A], %swap3A_62 {strides = array<i32>} : memref<2176xf32, #tpu.memory_space<vmem>>, vector<16xf32>,
      %get3A_63 = arith.index_cast %add3A_56 : i32 to index
      %get3A_64 = arith.constant 16 : index
      %get3A_65 = tpu.vector_load %arg13[%get3A_63, %get3A_64] {strides = array<i32>} : memref<128x128xf32, #tpu.memory_space<vmem>>, vector<1x16xf32>,
      %get3A_66 = vector.shape_cast %get3A_65 : vector<1x16xf32> to vector<16xf32>
      %swap3A_67 = arith.constant 432 : index
      %swap3A_68 = tpu.vector_load %arg11[%swap3A_67] {strides = array<i32>} : memref<2176xf32, #tpu.memory_space<vmem>>, vector<16xf32>,
      %swap3A_69 = vector.shape_cast %swap3A_68 : vector<16xf32> to vector<16xf32>
      %swap3A_70 = vector.shape_cast %get3A_66 : vector<16xf32> to vector<16xf32>
      tpu.vector_store %arg11[%swap3A_67], %swap3A_70 {strides = array<i32>} : memref<2176xf32, #tpu.memory_space<vmem>>, vector<16xf32>,
      %get3A_71 = arith.index_cast %add3A_56 : i32 to index
      %get3A_72 = arith.constant 32 : index
      %get3A_73 = tpu.vector_load %arg13[%get3A_71, %get3A_72] {strides = array<i32>} : memref<128x128xf32, #tpu.memory_space<vmem>>, vector<1x16xf32>,
      %get3A_74 = vector.shape_cast %get3A_73 : vector<1x16xf32> to vector<16xf32>
      %swap3A_75 = arith.constant 448 : index
      %swap3A_76 = tpu.vector_load %arg11[%swap3A_75] {strides = array<i32>} : memref<2176xf32, #tpu.memory_space<vmem>>, vector<16xf32>,
      %swap3A_77 = vector.shape_cast %swap3A_76 : vector<16xf32> to vector<16xf32>
      %swap3A_78 = vector.shape_cast %get3A_74 : vector<16xf32> to vector<16xf32>
      tpu.vector_store %arg11[%swap3A_75], %swap3A_78 {strides = array<i32>} : memref<2176xf32, #tpu.memory_space<vmem>>, vector<16xf32>,
      %get3A_79 = arith.index_cast %add3A_56 : i32 to index
      %get3A_80 = arith.constant 48 : index
      %get3A_81 = tpu.vector_load %arg13[%get3A_79, %get3A_80] {strides = array<i32>} : memref<128x128xf32, #tpu.memory_space<vmem>>, vector<1x16xf32>,
      %get3A_82 = vector.shape_cast %get3A_81 : vector<1x16xf32> to vector<16xf32>
      %swap3A_83 = arith.constant 464 : index
      %swap3A_84 = tpu.vector_load %arg11[%swap3A_83] {strides = array<i32>} : memref<2176xf32, #tpu.memory_space<vmem>>, vector<16xf32>,
      %swap3A_85 = vector.shape_cast %swap3A_84 : vector<16xf32> to vector<16xf32>
      %swap3A_86 = vector.shape_cast %get3A_82 : vector<16xf32> to vector<16xf32>
      tpu.vector_store %arg11[%swap3A_83], %swap3A_86 {strides = array<i32>} : memref<2176xf32, #tpu.memory_space<vmem>>, vector<16xf32>,
      %get3A_87 = arith.index_cast %add3A_56 : i32 to index
      %get3A_88 = arith.constant 64 : index
      %get3A_89 = tpu.vector_load %arg13[%get3A_87, %get3A_88] {strides = array<i32>} : memref<128x128xf32, #tpu.memory_space<vmem>>, vector<1x16xf32>,
      %get3A_90 = vector.shape_cast %get3A_89 : vector<1x16xf32> to vector<16xf32>
      %swap3A_91 = arith.constant 480 : index
      %swap3A_92 = tpu.vector_load %arg11[%swap3A_91] {strides = array<i32>} : memref<2176xf32, #tpu.memory_space<vmem>>, vector<16xf32>,
      %swap3A_93 = vector.shape_cast %swap3A_92 : vector<16xf32> to vector<16xf32>
      %swap3A_94 = vector.shape_cast %get3A_90 : vector<16xf32> to vector<16xf32>
      tpu.vector_store %arg11[%swap3A_91], %swap3A_94 {strides = array<i32>} : memref<2176xf32, #tpu.memory_space<vmem>>, vector<16xf32>,
      %get3A_95 = arith.index_cast %add3A_56 : i32 to index
      %get3A_96 = arith.constant 80 : index
      %get3A_97 = tpu.vector_load %arg13[%get3A_95, %get3A_96] {strides = array<i32>} : memref<128x128xf32, #tpu.memory_space<vmem>>, vector<1x16xf32>,
      %get3A_98 = vector.shape_cast %get3A_97 : vector<1x16xf32> to vector<16xf32>
      %swap3A_99 = arith.constant 496 : index
      %swap3A_100 = tpu.vector_load %arg11[%swap3A_99] {strides = array<i32>} : memref<2176xf32, #tpu.memory_space<vmem>>, vector<16xf32>,
      %swap3A_101 = vector.shape_cast %swap3A_100 : vector<16xf32> to vector<16xf32>
      %swap3A_102 = vector.shape_cast %get3A_98 : vector<16xf32> to vector<16xf32>
      tpu.vector_store %arg11[%swap3A_99], %swap3A_102 {strides = array<i32>} : memref<2176xf32, #tpu.memory_space<vmem>>, vector<16xf32>,
      %get3A_103 = arith.index_cast %add3A_56 : i32 to index
      %get3A_104 = arith.constant 96 : index
      %get3A_105 = tpu.vector_load %arg13[%get3A_103, %get3A_104] {strides = array<i32>} : memref<128x128xf32, #tpu.memory_space<vmem>>, vector<1x16xf32>,
      %get3A_106 = vector.shape_cast %get3A_105 : vector<1x16xf32> to vector<16xf32>
      %swap3A_107 = arith.constant 512 : index
      %swap3A_108 = tpu.vector_load %arg11[%swap3A_107] {strides = array<i32>} : memref<2176xf32, #tpu.memory_space<vmem>>, vector<16xf32>,
      %swap3A_109 = vector.shape_cast %swap3A_108 : vector<16xf32> to vector<16xf32>
      %swap3A_110 = vector.shape_cast %get3A_106 : vector<16xf32> to vector<16xf32>
      tpu.vector_store %arg11[%swap3A_107], %swap3A_110 {strides = array<i32>} : memref<2176xf32, #tpu.memory_space<vmem>>, vector<16xf32>,
      %get3A_111 = arith.index_cast %add3A_56 : i32 to index
      %get3A_112 = arith.constant 112 : index
      %get3A_113 = tpu.vector_load %arg13[%get3A_111, %get3A_112] {strides = array<i32>} : memref<128x128xf32, #tpu.memory_space<vmem>>, vector<1x16xf32>,
      %get3A_114 = vector.shape_cast %get3A_113 : vector<1x16xf32> to vector<16xf32>
      %swap3A_115 = arith.constant 528 : index
      %swap3A_116 = tpu.vector_load %arg11[%swap3A_115] {strides = array<i32>} : memref<2176xf32, #tpu.memory_space<vmem>>, vector<16xf32>,
      %swap3A_117 = vector.shape_cast %swap3A_116 : vector<16xf32> to vector<16xf32>
      %swap3A_118 = vector.shape_cast %get3A_114 : vector<16xf32> to vector<16xf32>
      tpu.vector_store %arg11[%swap3A_115], %swap3A_118 {strides = array<i32>} : memref<2176xf32, #tpu.memory_space<vmem>>, vector<16xf32>,
      %scan3A_119 = arith.constant 0 : i32
      %scan3A_120 = arith.constant 0 : i32
      %scan3A_121 = arith.constant 26 : i32
      %scan3A_122 = arith.addi %scan3A_120, %scan3A_121 : i32
      %scan3A_123 = arith.constant 1 : i32
      scf.for %scan3A_657 = %scan3A_120 to %scan3A_122 step %scan3A_123  : i32 {
        %mul3A_658 = arith.constant 20 : i32
        %mul3A_659 = arith.muli %scan3A_657, %mul3A_658 : i32
        %add3A_660 = arith.constant 520 : i32
        %add3A_661 = arith.addi %add3A_660, %mul3A_659 : i32
        %get3A_662 = arith.index_cast %add3A_661 : i32 to index
        %get3A_663 = arith.constant 0 : index
        %get3A_664 = tpu.vector_load %arg9[%get3A_662, %get3A_663] {strides = array<i32>} : memref<2080x16xf32, #tpu.memory_space<vmem>>, vector<1x16xf32>,
        %get3A_665 = vector.shape_cast %get3A_664 : vector<1x16xf32> to vector<16xf32>
        %add3A_666 = arith.constant 1 : i32
        %add3A_667 = arith.addi %add3A_661, %add3A_666 : i32
        %get3A_668 = arith.index_cast %add3A_667 : i32 to index
        %get3A_669 = arith.constant 0 : index
        %get3A_670 = tpu.vector_load %arg9[%get3A_668, %get3A_669] {strides = array<i32>} : memref<2080x16xf32, #tpu.memory_space<vmem>>, vector<1x16xf32>,
        %get3A_671 = vector.shape_cast %get3A_670 : vector<1x16xf32> to vector<16xf32>
        %add3A_672 = arith.addf %get3A_665, %get3A_671 : vector<16xf32>
        %add3A_673 = arith.constant 2 : i32
        %add3A_674 = arith.addi %add3A_661, %add3A_673 : i32
        %get3A_675 = arith.index_cast %add3A_674 : i32 to index
        %get3A_676 = arith.constant 0 : index
        %get3A_677 = tpu.vector_load %arg9[%get3A_675, %get3A_676] {strides = array<i32>} : memref<2080x16xf32, #tpu.memory_space<vmem>>, vector<1x16xf32>,
        %get3A_678 = vector.shape_cast %get3A_677 : vector<1x16xf32> to vector<16xf32>
        %add3A_679 = arith.addf %add3A_672, %get3A_678 : vector<16xf32>
        %add3A_680 = arith.constant 3 : i32
        %add3A_681 = arith.addi %add3A_661, %add3A_680 : i32
        %get3A_682 = arith.index_cast %add3A_681 : i32 to index
        %get3A_683 = arith.constant 0 : index
        %get3A_684 = tpu.vector_load %arg9[%get3A_682, %get3A_683] {strides = array<i32>} : memref<2080x16xf32, #tpu.memory_space<vmem>>, vector<1x16xf32>,
        %get3A_685 = vector.shape_cast %get3A_684 : vector<1x16xf32> to vector<16xf32>
        %add3A_686 = arith.addf %add3A_679, %get3A_685 : vector<16xf32>
        %add3A_687 = arith.constant 4 : i32
        %add3A_688 = arith.addi %add3A_661, %add3A_687 : i32
        %get3A_689 = arith.index_cast %add3A_688 : i32 to index
        %get3A_690 = arith.constant 0 : index
        %get3A_691 = tpu.vector_load %arg9[%get3A_689, %get3A_690] {strides = array<i32>} : memref<2080x16xf32, #tpu.memory_space<vmem>>, vector<1x16xf32>,
        %get3A_692 = vector.shape_cast %get3A_691 : vector<1x16xf32> to vector<16xf32>
        %add3A_693 = arith.addf %add3A_686, %get3A_692 : vector<16xf32>
        %add3A_694 = arith.constant 5 : i32
        %add3A_695 = arith.addi %add3A_661, %add3A_694 : i32
        %get3A_696 = arith.index_cast %add3A_695 : i32 to index
        %get3A_697 = arith.constant 0 : index
        %get3A_698 = tpu.vector_load %arg9[%get3A_696, %get3A_697] {strides = array<i32>} : memref<2080x16xf32, #tpu.memory_space<vmem>>, vector<1x16xf32>,
        %get3A_699 = vector.shape_cast %get3A_698 : vector<1x16xf32> to vector<16xf32>
        %add3A_700 = arith.addf %add3A_693, %get3A_699 : vector<16xf32>
        %add3A_701 = arith.constant 6 : i32
        %add3A_702 = arith.addi %add3A_661, %add3A_701 : i32
        %get3A_703 = arith.index_cast %add3A_702 : i32 to index
        %get3A_704 = arith.constant 0 : index
        %get3A_705 = tpu.vector_load %arg9[%get3A_703, %get3A_704] {strides = array<i32>} : memref<2080x16xf32, #tpu.memory_space<vmem>>, vector<1x16xf32>,
        %get3A_706 = vector.shape_cast %get3A_705 : vector<1x16xf32> to vector<16xf32>
        %add3A_707 = arith.addf %add3A_700, %get3A_706 : vector<16xf32>
        %add3A_708 = arith.constant 7 : i32
        %add3A_709 = arith.addi %add3A_661, %add3A_708 : i32
        %get3A_710 = arith.index_cast %add3A_709 : i32 to index
        %get3A_711 = arith.constant 0 : index
        %get3A_712 = tpu.vector_load %arg9[%get3A_710, %get3A_711] {strides = array<i32>} : memref<2080x16xf32, #tpu.memory_space<vmem>>, vector<1x16xf32>,
        %get3A_713 = vector.shape_cast %get3A_712 : vector<1x16xf32> to vector<16xf32>
        %add3A_714 = arith.addf %add3A_707, %get3A_713 : vector<16xf32>
        %add3A_715 = arith.constant 8 : i32
        %add3A_716 = arith.addi %add3A_661, %add3A_715 : i32
        %get3A_717 = arith.index_cast %add3A_716 : i32 to index
        %get3A_718 = arith.constant 0 : index
        %get3A_719 = tpu.vector_load %arg9[%get3A_717, %get3A_718] {strides = array<i32>} : memref<2080x16xf32, #tpu.memory_space<vmem>>, vector<1x16xf32>,
        %get3A_720 = vector.shape_cast %get3A_719 : vector<1x16xf32> to vector<16xf32>
        %add3A_721 = arith.addf %add3A_714, %get3A_720 : vector<16xf32>
        %add3A_722 = arith.constant 9 : i32
        %add3A_723 = arith.addi %add3A_661, %add3A_722 : i32
        %get3A_724 = arith.index_cast %add3A_723 : i32 to index
        %get3A_725 = arith.constant 0 : index
        %get3A_726 = tpu.vector_load %arg9[%get3A_724, %get3A_725] {strides = array<i32>} : memref<2080x16xf32, #tpu.memory_space<vmem>>, vector<1x16xf32>,
        %get3A_727 = vector.shape_cast %get3A_726 : vector<1x16xf32> to vector<16xf32>
        %add3A_728 = arith.addf %add3A_721, %get3A_727 : vector<16xf32>
        %add3A_729 = arith.constant 10 : i32
        %add3A_730 = arith.addi %add3A_661, %add3A_729 : i32
        %get3A_731 = arith.index_cast %add3A_730 : i32 to index
        %get3A_732 = arith.constant 0 : index
        %get3A_733 = tpu.vector_load %arg9[%get3A_731, %get3A_732] {strides = array<i32>} : memref<2080x16xf32, #tpu.memory_space<vmem>>, vector<1x16xf32>,
        %get3A_734 = vector.shape_cast %get3A_733 : vector<1x16xf32> to vector<16xf32>
        %add3A_735 = arith.addf %add3A_728, %get3A_734 : vector<16xf32>
        %add3A_736 = arith.constant 11 : i32
        %add3A_737 = arith.addi %add3A_661, %add3A_736 : i32
        %get3A_738 = arith.index_cast %add3A_737 : i32 to index
        %get3A_739 = arith.constant 0 : index
        %get3A_740 = tpu.vector_load %arg9[%get3A_738, %get3A_739] {strides = array<i32>} : memref<2080x16xf32, #tpu.memory_space<vmem>>, vector<1x16xf32>,
        %get3A_741 = vector.shape_cast %get3A_740 : vector<1x16xf32> to vector<16xf32>
        %add3A_742 = arith.addf %add3A_735, %get3A_741 : vector<16xf32>
        %add3A_743 = arith.constant 12 : i32
        %add3A_744 = arith.addi %add3A_661, %add3A_743 : i32
        %get3A_745 = arith.index_cast %add3A_744 : i32 to index
        %get3A_746 = arith.constant 0 : index
        %get3A_747 = tpu.vector_load %arg9[%get3A_745, %get3A_746] {strides = array<i32>} : memref<2080x16xf32, #tpu.memory_space<vmem>>, vector<1x16xf32>,
        %get3A_748 = vector.shape_cast %get3A_747 : vector<1x16xf32> to vector<16xf32>
        %add3A_749 = arith.addf %add3A_742, %get3A_748 : vector<16xf32>
        %add3A_750 = arith.constant 13 : i32
        %add3A_751 = arith.addi %add3A_661, %add3A_750 : i32
        %get3A_752 = arith.index_cast %add3A_751 : i32 to index
        %get3A_753 = arith.constant 0 : index
        %get3A_754 = tpu.vector_load %arg9[%get3A_752, %get3A_753] {strides = array<i32>} : memref<2080x16xf32, #tpu.memory_space<vmem>>, vector<1x16xf32>,
        %get3A_755 = vector.shape_cast %get3A_754 : vector<1x16xf32> to vector<16xf32>
        %add3A_756 = arith.addf %add3A_749, %get3A_755 : vector<16xf32>
        %add3A_757 = arith.constant 14 : i32
        %add3A_758 = arith.addi %add3A_661, %add3A_757 : i32
        %get3A_759 = arith.index_cast %add3A_758 : i32 to index
        %get3A_760 = arith.constant 0 : index
        %get3A_761 = tpu.vector_load %arg9[%get3A_759, %get3A_760] {strides = array<i32>} : memref<2080x16xf32, #tpu.memory_space<vmem>>, vector<1x16xf32>,
        %get3A_762 = vector.shape_cast %get3A_761 : vector<1x16xf32> to vector<16xf32>
        %add3A_763 = arith.addf %add3A_756, %get3A_762 : vector<16xf32>
        %add3A_764 = arith.constant 15 : i32
        %add3A_765 = arith.addi %add3A_661, %add3A_764 : i32
        %get3A_766 = arith.index_cast %add3A_765 : i32 to index
        %get3A_767 = arith.constant 0 : index
        %get3A_768 = tpu.vector_load %arg9[%get3A_766, %get3A_767] {strides = array<i32>} : memref<2080x16xf32, #tpu.memory_space<vmem>>, vector<1x16xf32>,
        %get3A_769 = vector.shape_cast %get3A_768 : vector<1x16xf32> to vector<16xf32>
        %add3A_770 = arith.addf %add3A_763, %get3A_769 : vector<16xf32>
        %add3A_771 = arith.constant 16 : i32
        %add3A_772 = arith.addi %add3A_661, %add3A_771 : i32
        %get3A_773 = arith.index_cast %add3A_772 : i32 to index
        %get3A_774 = arith.constant 0 : index
        %get3A_775 = tpu.vector_load %arg9[%get3A_773, %get3A_774] {strides = array<i32>} : memref<2080x16xf32, #tpu.memory_space<vmem>>, vector<1x16xf32>,
        %get3A_776 = vector.shape_cast %get3A_775 : vector<1x16xf32> to vector<16xf32>
        %add3A_777 = arith.addf %add3A_770, %get3A_776 : vector<16xf32>
        %add3A_778 = arith.constant 17 : i32
        %add3A_779 = arith.addi %add3A_661, %add3A_778 : i32
        %get3A_780 = arith.index_cast %add3A_779 : i32 to index
        %get3A_781 = arith.constant 0 : index
        %get3A_782 = tpu.vector_load %arg9[%get3A_780, %get3A_781] {strides = array<i32>} : memref<2080x16xf32, #tpu.memory_space<vmem>>, vector<1x16xf32>,
        %get3A_783 = vector.shape_cast %get3A_782 : vector<1x16xf32> to vector<16xf32>
        %add3A_784 = arith.addf %add3A_777, %get3A_783 : vector<16xf32>
        %add3A_785 = arith.constant 18 : i32
        %add3A_786 = arith.addi %add3A_661, %add3A_785 : i32
        %get3A_787 = arith.index_cast %add3A_786 : i32 to index
        %get3A_788 = arith.constant 0 : index
        %get3A_789 = tpu.vector_load %arg9[%get3A_787, %get3A_788] {strides = array<i32>} : memref<2080x16xf32, #tpu.memory_space<vmem>>, vector<1x16xf32>,
        %get3A_790 = vector.shape_cast %get3A_789 : vector<1x16xf32> to vector<16xf32>
        %add3A_791 = arith.addf %add3A_784, %get3A_790 : vector<16xf32>
        %add3A_792 = arith.constant 19 : i32
        %add3A_793 = arith.addi %add3A_661, %add3A_792 : i32
        %get3A_794 = arith.index_cast %add3A_793 : i32 to index
        %get3A_795 = arith.constant 0 : index
        %get3A_796 = tpu.vector_load %arg9[%get3A_794, %get3A_795] {strides = array<i32>} : memref<2080x16xf32, #tpu.memory_space<vmem>>, vector<1x16xf32>,
        %get3A_797 = vector.shape_cast %get3A_796 : vector<1x16xf32> to vector<16xf32>
        %add3A_798 = arith.addf %add3A_791, %get3A_797 : vector<16xf32>
        %mul3A_799 = arith.constant 16 : i32
        %mul3A_800 = arith.muli %scan3A_657, %mul3A_799 : i32
        %add3A_801 = arith.constant 544 : i32
        %add3A_802 = arith.addi %add3A_801, %mul3A_800 : i32
        %swap3A_803 = arith.index_cast %add3A_802 : i32 to index
        %swap3A_804 = tpu.vector_load %arg11[%swap3A_803] {strides = array<i32>} : memref<2176xf32, #tpu.memory_space<vmem>>, vector<16xf32>,
        %swap3A_805 = vector.shape_cast %swap3A_804 : vector<16xf32> to vector<16xf32>
        %swap3A_806 = vector.shape_cast %add3A_798 : vector<16xf32> to vector<16xf32>
        tpu.vector_store %arg11[%swap3A_803], %swap3A_806 {strides = array<i32>} : memref<2176xf32, #tpu.memory_space<vmem>>, vector<16xf32>,
      }
      %scan3A_124 = arith.constant 26 : i32
      %mul3A_125 = arith.constant 4 : i32
      %mul3A_126 = arith.muli %mul3A_31, %mul3A_125 : i32
      %add3A_127 = arith.constant 1 : i32
      %add3A_128 = arith.addi %mul3A_126, %add3A_127 : i32
      %get3A_129 = arith.index_cast %add3A_128 : i32 to index
      %get3A_130 = arith.constant 0 : index
      %get3A_131 = tpu.vector_load %arg13[%get3A_129, %get3A_130] {strides = array<i32>} : memref<128x128xf32, #tpu.memory_space<vmem>>, vector<1x16xf32>,
      %get3A_132 = vector.shape_cast %get3A_131 : vector<1x16xf32> to vector<16xf32>
      %swap3A_133 = arith.constant 960 : index
      %swap3A_134 = tpu.vector_load %arg11[%swap3A_133] {strides = array<i32>} : memref<2176xf32, #tpu.memory_space<vmem>>, vector<16xf32>,
      %swap3A_135 = vector.shape_cast %swap3A_134 : vector<16xf32> to vector<16xf32>
      %swap3A_136 = vector.shape_cast %get3A_132 : vector<16xf32> to vector<16xf32>
      tpu.vector_store %arg11[%swap3A_133], %swap3A_136 {strides = array<i32>} : memref<2176xf32, #tpu.memory_space<vmem>>, vector<16xf32>,
      %get3A_137 = arith.index_cast %add3A_128 : i32 to index
      %get3A_138 = arith.constant 16 : index
      %get3A_139 = tpu.vector_load %arg13[%get3A_137, %get3A_138] {strides = array<i32>} : memref<128x128xf32, #tpu.memory_space<vmem>>, vector<1x16xf32>,
      %get3A_140 = vector.shape_cast %get3A_139 : vector<1x16xf32> to vector<16xf32>
      %swap3A_141 = arith.constant 976 : index
      %swap3A_142 = tpu.vector_load %arg11[%swap3A_141] {strides = array<i32>} : memref<2176xf32, #tpu.memory_space<vmem>>, vector<16xf32>,
      %swap3A_143 = vector.shape_cast %swap3A_142 : vector<16xf32> to vector<16xf32>
      %swap3A_144 = vector.shape_cast %get3A_140 : vector<16xf32> to vector<16xf32>
      tpu.vector_store %arg11[%swap3A_141], %swap3A_144 {strides = array<i32>} : memref<2176xf32, #tpu.memory_space<vmem>>, vector<16xf32>,
      %get3A_145 = arith.index_cast %add3A_128 : i32 to index
      %get3A_146 = arith.constant 32 : index
      %get3A_147 = tpu.vector_load %arg13[%get3A_145, %get3A_146] {strides = array<i32>} : memref<128x128xf32, #tpu.memory_space<vmem>>, vector<1x16xf32>,
      %get3A_148 = vector.shape_cast %get3A_147 : vector<1x16xf32> to vector<16xf32>
      %swap3A_149 = arith.constant 992 : index
      %swap3A_150 = tpu.vector_load %arg11[%swap3A_149] {strides = array<i32>} : memref<2176xf32, #tpu.memory_space<vmem>>, vector<16xf32>,
      %swap3A_151 = vector.shape_cast %swap3A_150 : vector<16xf32> to vector<16xf32>
      %swap3A_152 = vector.shape_cast %get3A_148 : vector<16xf32> to vector<16xf32>
      tpu.vector_store %arg11[%swap3A_149], %swap3A_152 {strides = array<i32>} : memref<2176xf32, #tpu.memory_space<vmem>>, vector<16xf32>,
      %get3A_153 = arith.index_cast %add3A_128 : i32 to index
      %get3A_154 = arith.constant 48 : index
      %get3A_155 = tpu.vector_load %arg13[%get3A_153, %get3A_154] {strides = array<i32>} : memref<128x128xf32, #tpu.memory_space<vmem>>, vector<1x16xf32>,
      %get3A_156 = vector.shape_cast %get3A_155 : vector<1x16xf32> to vector<16xf32>
      %swap3A_157 = arith.constant 1008 : index
      %swap3A_158 = tpu.vector_load %arg11[%swap3A_157] {strides = array<i32>} : memref<2176xf32, #tpu.memory_space<vmem>>, vector<16xf32>,
      %swap3A_159 = vector.shape_cast %swap3A_158 : vector<16xf32> to vector<16xf32>
      %swap3A_160 = vector.shape_cast %get3A_156 : vector<16xf32> to vector<16xf32>
      tpu.vector_store %arg11[%swap3A_157], %swap3A_160 {strides = array<i32>} : memref<2176xf32, #tpu.memory_space<vmem>>, vector<16xf32>,
      %get3A_161 = arith.index_cast %add3A_128 : i32 to index
      %get3A_162 = arith.constant 64 : index
      %get3A_163 = tpu.vector_load %arg13[%get3A_161, %get3A_162] {strides = array<i32>} : memref<128x128xf32, #tpu.memory_space<vmem>>, vector<1x16xf32>,
      %get3A_164 = vector.shape_cast %get3A_163 : vector<1x16xf32> to vector<16xf32>
      %swap3A_165 = arith.constant 1024 : index
      %swap3A_166 = tpu.vector_load %arg11[%swap3A_165] {strides = array<i32>} : memref<2176xf32, #tpu.memory_space<vmem>>, vector<16xf32>,
      %swap3A_167 = vector.shape_cast %swap3A_166 : vector<16xf32> to vector<16xf32>
      %swap3A_168 = vector.shape_cast %get3A_164 : vector<16xf32> to vector<16xf32>
      tpu.vector_store %arg11[%swap3A_165], %swap3A_168 {strides = array<i32>} : memref<2176xf32, #tpu.memory_space<vmem>>, vector<16xf32>,
      %get3A_169 = arith.index_cast %add3A_128 : i32 to index
      %get3A_170 = arith.constant 80 : index
      %get3A_171 = tpu.vector_load %arg13[%get3A_169, %get3A_170] {strides = array<i32>} : memref<128x128xf32, #tpu.memory_space<vmem>>, vector<1x16xf32>,
      %get3A_172 = vector.shape_cast %get3A_171 : vector<1x16xf32> to vector<16xf32>
      %swap3A_173 = arith.constant 1040 : index
      %swap3A_174 = tpu.vector_load %arg11[%swap3A_173] {strides = array<i32>} : memref<2176xf32, #tpu.memory_space<vmem>>, vector<16xf32>,
      %swap3A_175 = vector.shape_cast %swap3A_174 : vector<16xf32> to vector<16xf32>
      %swap3A_176 = vector.shape_cast %get3A_172 : vector<16xf32> to vector<16xf32>
      tpu.vector_store %arg11[%swap3A_173], %swap3A_176 {strides = array<i32>} : memref<2176xf32, #tpu.memory_space<vmem>>, vector<16xf32>,
      %get3A_177 = arith.index_cast %add3A_128 : i32 to index
      %get3A_178 = arith.constant 96 : index
      %get3A_179 = tpu.vector_load %arg13[%get3A_177, %get3A_178] {strides = array<i32>} : memref<128x128xf32, #tpu.memory_space<vmem>>, vector<1x16xf32>,
      %get3A_180 = vector.shape_cast %get3A_179 : vector<1x16xf32> to vector<16xf32>
      %swap3A_181 = arith.constant 1056 : index
      %swap3A_182 = tpu.vector_load %arg11[%swap3A_181] {strides = array<i32>} : memref<2176xf32, #tpu.memory_space<vmem>>, vector<16xf32>,
      %swap3A_183 = vector.shape_cast %swap3A_182 : vector<16xf32> to vector<16xf32>
      %swap3A_184 = vector.shape_cast %get3A_180 : vector<16xf32> to vector<16xf32>
      tpu.vector_store %arg11[%swap3A_181], %swap3A_184 {strides = array<i32>} : memref<2176xf32, #tpu.memory_space<vmem>>, vector<16xf32>,
      %get3A_185 = arith.index_cast %add3A_128 : i32 to index
      %get3A_186 = arith.constant 112 : index
      %get3A_187 = tpu.vector_load %arg13[%get3A_185, %get3A_186] {strides = array<i32>} : memref<128x128xf32, #tpu.memory_space<vmem>>, vector<1x16xf32>,
      %get3A_188 = vector.shape_cast %get3A_187 : vector<1x16xf32> to vector<16xf32>
      %swap3A_189 = arith.constant 1072 : index
      %swap3A_190 = tpu.vector_load %arg11[%swap3A_189] {strides = array<i32>} : memref<2176xf32, #tpu.memory_space<vmem>>, vector<16xf32>,
      %swap3A_191 = vector.shape_cast %swap3A_190 : vector<16xf32> to vector<16xf32>
      %swap3A_192 = vector.shape_cast %get3A_188 : vector<16xf32> to vector<16xf32>
      tpu.vector_store %arg11[%swap3A_189], %swap3A_192 {strides = array<i32>} : memref<2176xf32, #tpu.memory_space<vmem>>, vector<16xf32>,
      %scan3A_193 = arith.constant 0 : i32
      %scan3A_194 = arith.constant 0 : i32
      %scan3A_195 = arith.constant 26 : i32
      %scan3A_196 = arith.addi %scan3A_194, %scan3A_195 : i32
      %scan3A_197 = arith.constant 1 : i32
      scf.for %scan3A_657 = %scan3A_194 to %scan3A_196 step %scan3A_197  : i32 {
        %mul3A_658 = arith.constant 20 : i32
        %mul3A_659 = arith.muli %scan3A_657, %mul3A_658 : i32
        %add3A_660 = arith.constant 1040 : i32
        %add3A_661 = arith.addi %add3A_660, %mul3A_659 : i32
        %get3A_662 = arith.index_cast %add3A_661 : i32 to index
        %get3A_663 = arith.constant 0 : index
        %get3A_664 = tpu.vector_load %arg9[%get3A_662, %get3A_663] {strides = array<i32>} : memref<2080x16xf32, #tpu.memory_space<vmem>>, vector<1x16xf32>,
        %get3A_665 = vector.shape_cast %get3A_664 : vector<1x16xf32> to vector<16xf32>
        %add3A_666 = arith.constant 1 : i32
        %add3A_667 = arith.addi %add3A_661, %add3A_666 : i32
        %get3A_668 = arith.index_cast %add3A_667 : i32 to index
        %get3A_669 = arith.constant 0 : index
        %get3A_670 = tpu.vector_load %arg9[%get3A_668, %get3A_669] {strides = array<i32>} : memref<2080x16xf32, #tpu.memory_space<vmem>>, vector<1x16xf32>,
        %get3A_671 = vector.shape_cast %get3A_670 : vector<1x16xf32> to vector<16xf32>
        %add3A_672 = arith.addf %get3A_665, %get3A_671 : vector<16xf32>
        %add3A_673 = arith.constant 2 : i32
        %add3A_674 = arith.addi %add3A_661, %add3A_673 : i32
        %get3A_675 = arith.index_cast %add3A_674 : i32 to index
        %get3A_676 = arith.constant 0 : index
        %get3A_677 = tpu.vector_load %arg9[%get3A_675, %get3A_676] {strides = array<i32>} : memref<2080x16xf32, #tpu.memory_space<vmem>>, vector<1x16xf32>,
        %get3A_678 = vector.shape_cast %get3A_677 : vector<1x16xf32> to vector<16xf32>
        %add3A_679 = arith.addf %add3A_672, %get3A_678 : vector<16xf32>
        %add3A_680 = arith.constant 3 : i32
        %add3A_681 = arith.addi %add3A_661, %add3A_680 : i32
        %get3A_682 = arith.index_cast %add3A_681 : i32 to index
        %get3A_683 = arith.constant 0 : index
        %get3A_684 = tpu.vector_load %arg9[%get3A_682, %get3A_683] {strides = array<i32>} : memref<2080x16xf32, #tpu.memory_space<vmem>>, vector<1x16xf32>,
        %get3A_685 = vector.shape_cast %get3A_684 : vector<1x16xf32> to vector<16xf32>
        %add3A_686 = arith.addf %add3A_679, %get3A_685 : vector<16xf32>
        %add3A_687 = arith.constant 4 : i32
        %add3A_688 = arith.addi %add3A_661, %add3A_687 : i32
        %get3A_689 = arith.index_cast %add3A_688 : i32 to index
        %get3A_690 = arith.constant 0 : index
        %get3A_691 = tpu.vector_load %arg9[%get3A_689, %get3A_690] {strides = array<i32>} : memref<2080x16xf32, #tpu.memory_space<vmem>>, vector<1x16xf32>,
        %get3A_692 = vector.shape_cast %get3A_691 : vector<1x16xf32> to vector<16xf32>
        %add3A_693 = arith.addf %add3A_686, %get3A_692 : vector<16xf32>
        %add3A_694 = arith.constant 5 : i32
        %add3A_695 = arith.addi %add3A_661, %add3A_694 : i32
        %get3A_696 = arith.index_cast %add3A_695 : i32 to index
        %get3A_697 = arith.constant 0 : index
        %get3A_698 = tpu.vector_load %arg9[%get3A_696, %get3A_697] {strides = array<i32>} : memref<2080x16xf32, #tpu.memory_space<vmem>>, vector<1x16xf32>,
        %get3A_699 = vector.shape_cast %get3A_698 : vector<1x16xf32> to vector<16xf32>
        %add3A_700 = arith.addf %add3A_693, %get3A_699 : vector<16xf32>
        %add3A_701 = arith.constant 6 : i32
        %add3A_702 = arith.addi %add3A_661, %add3A_701 : i32
        %get3A_703 = arith.index_cast %add3A_702 : i32 to index
        %get3A_704 = arith.constant 0 : index
        %get3A_705 = tpu.vector_load %arg9[%get3A_703, %get3A_704] {strides = array<i32>} : memref<2080x16xf32, #tpu.memory_space<vmem>>, vector<1x16xf32>,
        %get3A_706 = vector.shape_cast %get3A_705 : vector<1x16xf32> to vector<16xf32>
        %add3A_707 = arith.addf %add3A_700, %get3A_706 : vector<16xf32>
        %add3A_708 = arith.constant 7 : i32
        %add3A_709 = arith.addi %add3A_661, %add3A_708 : i32
        %get3A_710 = arith.index_cast %add3A_709 : i32 to index
        %get3A_711 = arith.constant 0 : index
        %get3A_712 = tpu.vector_load %arg9[%get3A_710, %get3A_711] {strides = array<i32>} : memref<2080x16xf32, #tpu.memory_space<vmem>>, vector<1x16xf32>,
        %get3A_713 = vector.shape_cast %get3A_712 : vector<1x16xf32> to vector<16xf32>
        %add3A_714 = arith.addf %add3A_707, %get3A_713 : vector<16xf32>
        %add3A_715 = arith.constant 8 : i32
        %add3A_716 = arith.addi %add3A_661, %add3A_715 : i32
        %get3A_717 = arith.index_cast %add3A_716 : i32 to index
        %get3A_718 = arith.constant 0 : index
        %get3A_719 = tpu.vector_load %arg9[%get3A_717, %get3A_718] {strides = array<i32>} : memref<2080x16xf32, #tpu.memory_space<vmem>>, vector<1x16xf32>,
        %get3A_720 = vector.shape_cast %get3A_719 : vector<1x16xf32> to vector<16xf32>
        %add3A_721 = arith.addf %add3A_714, %get3A_720 : vector<16xf32>
        %add3A_722 = arith.constant 9 : i32
        %add3A_723 = arith.addi %add3A_661, %add3A_722 : i32
        %get3A_724 = arith.index_cast %add3A_723 : i32 to index
        %get3A_725 = arith.constant 0 : index
        %get3A_726 = tpu.vector_load %arg9[%get3A_724, %get3A_725] {strides = array<i32>} : memref<2080x16xf32, #tpu.memory_space<vmem>>, vector<1x16xf32>,
        %get3A_727 = vector.shape_cast %get3A_726 : vector<1x16xf32> to vector<16xf32>
        %add3A_728 = arith.addf %add3A_721, %get3A_727 : vector<16xf32>
        %add3A_729 = arith.constant 10 : i32
        %add3A_730 = arith.addi %add3A_661, %add3A_729 : i32
        %get3A_731 = arith.index_cast %add3A_730 : i32 to index
        %get3A_732 = arith.constant 0 : index
        %get3A_733 = tpu.vector_load %arg9[%get3A_731, %get3A_732] {strides = array<i32>} : memref<2080x16xf32, #tpu.memory_space<vmem>>, vector<1x16xf32>,
        %get3A_734 = vector.shape_cast %get3A_733 : vector<1x16xf32> to vector<16xf32>
        %add3A_735 = arith.addf %add3A_728, %get3A_734 : vector<16xf32>
        %add3A_736 = arith.constant 11 : i32
        %add3A_737 = arith.addi %add3A_661, %add3A_736 : i32
        %get3A_738 = arith.index_cast %add3A_737 : i32 to index
        %get3A_739 = arith.constant 0 : index
        %get3A_740 = tpu.vector_load %arg9[%get3A_738, %get3A_739] {strides = array<i32>} : memref<2080x16xf32, #tpu.memory_space<vmem>>, vector<1x16xf32>,
        %get3A_741 = vector.shape_cast %get3A_740 : vector<1x16xf32> to vector<16xf32>
        %add3A_742 = arith.addf %add3A_735, %get3A_741 : vector<16xf32>
        %add3A_743 = arith.constant 12 : i32
        %add3A_744 = arith.addi %add3A_661, %add3A_743 : i32
        %get3A_745 = arith.index_cast %add3A_744 : i32 to index
        %get3A_746 = arith.constant 0 : index
        %get3A_747 = tpu.vector_load %arg9[%get3A_745, %get3A_746] {strides = array<i32>} : memref<2080x16xf32, #tpu.memory_space<vmem>>, vector<1x16xf32>,
        %get3A_748 = vector.shape_cast %get3A_747 : vector<1x16xf32> to vector<16xf32>
        %add3A_749 = arith.addf %add3A_742, %get3A_748 : vector<16xf32>
        %add3A_750 = arith.constant 13 : i32
        %add3A_751 = arith.addi %add3A_661, %add3A_750 : i32
        %get3A_752 = arith.index_cast %add3A_751 : i32 to index
        %get3A_753 = arith.constant 0 : index
        %get3A_754 = tpu.vector_load %arg9[%get3A_752, %get3A_753] {strides = array<i32>} : memref<2080x16xf32, #tpu.memory_space<vmem>>, vector<1x16xf32>,
        %get3A_755 = vector.shape_cast %get3A_754 : vector<1x16xf32> to vector<16xf32>
        %add3A_756 = arith.addf %add3A_749, %get3A_755 : vector<16xf32>
        %add3A_757 = arith.constant 14 : i32
        %add3A_758 = arith.addi %add3A_661, %add3A_757 : i32
        %get3A_759 = arith.index_cast %add3A_758 : i32 to index
        %get3A_760 = arith.constant 0 : index
        %get3A_761 = tpu.vector_load %arg9[%get3A_759, %get3A_760] {strides = array<i32>} : memref<2080x16xf32, #tpu.memory_space<vmem>>, vector<1x16xf32>,
        %get3A_762 = vector.shape_cast %get3A_761 : vector<1x16xf32> to vector<16xf32>
        %add3A_763 = arith.addf %add3A_756, %get3A_762 : vector<16xf32>
        %add3A_764 = arith.constant 15 : i32
        %add3A_765 = arith.addi %add3A_661, %add3A_764 : i32
        %get3A_766 = arith.index_cast %add3A_765 : i32 to index
        %get3A_767 = arith.constant 0 : index
        %get3A_768 = tpu.vector_load %arg9[%get3A_766, %get3A_767] {strides = array<i32>} : memref<2080x16xf32, #tpu.memory_space<vmem>>, vector<1x16xf32>,
        %get3A_769 = vector.shape_cast %get3A_768 : vector<1x16xf32> to vector<16xf32>
        %add3A_770 = arith.addf %add3A_763, %get3A_769 : vector<16xf32>
        %add3A_771 = arith.constant 16 : i32
        %add3A_772 = arith.addi %add3A_661, %add3A_771 : i32
        %get3A_773 = arith.index_cast %add3A_772 : i32 to index
        %get3A_774 = arith.constant 0 : index
        %get3A_775 = tpu.vector_load %arg9[%get3A_773, %get3A_774] {strides = array<i32>} : memref<2080x16xf32, #tpu.memory_space<vmem>>, vector<1x16xf32>,
        %get3A_776 = vector.shape_cast %get3A_775 : vector<1x16xf32> to vector<16xf32>
        %add3A_777 = arith.addf %add3A_770, %get3A_776 : vector<16xf32>
        %add3A_778 = arith.constant 17 : i32
        %add3A_779 = arith.addi %add3A_661, %add3A_778 : i32
        %get3A_780 = arith.index_cast %add3A_779 : i32 to index
        %get3A_781 = arith.constant 0 : index
        %get3A_782 = tpu.vector_load %arg9[%get3A_780, %get3A_781] {strides = array<i32>} : memref<2080x16xf32, #tpu.memory_space<vmem>>, vector<1x16xf32>,
        %get3A_783 = vector.shape_cast %get3A_782 : vector<1x16xf32> to vector<16xf32>
        %add3A_784 = arith.addf %add3A_777, %get3A_783 : vector<16xf32>
        %add3A_785 = arith.constant 18 : i32
        %add3A_786 = arith.addi %add3A_661, %add3A_785 : i32
        %get3A_787 = arith.index_cast %add3A_786 : i32 to index
        %get3A_788 = arith.constant 0 : index
        %get3A_789 = tpu.vector_load %arg9[%get3A_787, %get3A_788] {strides = array<i32>} : memref<2080x16xf32, #tpu.memory_space<vmem>>, vector<1x16xf32>,
        %get3A_790 = vector.shape_cast %get3A_789 : vector<1x16xf32> to vector<16xf32>
        %add3A_791 = arith.addf %add3A_784, %get3A_790 : vector<16xf32>
        %add3A_792 = arith.constant 19 : i32
        %add3A_793 = arith.addi %add3A_661, %add3A_792 : i32
        %get3A_794 = arith.index_cast %add3A_793 : i32 to index
        %get3A_795 = arith.constant 0 : index
        %get3A_796 = tpu.vector_load %arg9[%get3A_794, %get3A_795] {strides = array<i32>} : memref<2080x16xf32, #tpu.memory_space<vmem>>, vector<1x16xf32>,
        %get3A_797 = vector.shape_cast %get3A_796 : vector<1x16xf32> to vector<16xf32>
        %add3A_798 = arith.addf %add3A_791, %get3A_797 : vector<16xf32>
        %mul3A_799 = arith.constant 16 : i32
        %mul3A_800 = arith.muli %scan3A_657, %mul3A_799 : i32
        %add3A_801 = arith.constant 1088 : i32
        %add3A_802 = arith.addi %add3A_801, %mul3A_800 : i32
        %swap3A_803 = arith.index_cast %add3A_802 : i32 to index
        %swap3A_804 = tpu.vector_load %arg11[%swap3A_803] {strides = array<i32>} : memref<2176xf32, #tpu.memory_space<vmem>>, vector<16xf32>,
        %swap3A_805 = vector.shape_cast %swap3A_804 : vector<16xf32> to vector<16xf32>
        %swap3A_806 = vector.shape_cast %add3A_798 : vector<16xf32> to vector<16xf32>
        tpu.vector_store %arg11[%swap3A_803], %swap3A_806 {strides = array<i32>} : memref<2176xf32, #tpu.memory_space<vmem>>, vector<16xf32>,
      }
      %scan3A_198 = arith.constant 26 : i32
      %mul3A_199 = arith.constant 4 : i32
      %mul3A_200 = arith.muli %mul3A_31, %mul3A_199 : i32
      %add3A_201 = arith.constant 2 : i32
      %add3A_202 = arith.addi %mul3A_200, %add3A_201 : i32
      %get3A_203 = arith.index_cast %add3A_202 : i32 to index
      %get3A_204 = arith.constant 0 : index
      %get3A_205 = tpu.vector_load %arg13[%get3A_203, %get3A_204] {strides = array<i32>} : memref<128x128xf32, #tpu.memory_space<vmem>>, vector<1x16xf32>,
      %get3A_206 = vector.shape_cast %get3A_205 : vector<1x16xf32> to vector<16xf32>
      %swap3A_207 = arith.constant 1504 : index
      %swap3A_208 = tpu.vector_load %arg11[%swap3A_207] {strides = array<i32>} : memref<2176xf32, #tpu.memory_space<vmem>>, vector<16xf32>,
      %swap3A_209 = vector.shape_cast %swap3A_208 : vector<16xf32> to vector<16xf32>
      %swap3A_210 = vector.shape_cast %get3A_206 : vector<16xf32> to vector<16xf32>
      tpu.vector_store %arg11[%swap3A_207], %swap3A_210 {strides = array<i32>} : memref<2176xf32, #tpu.memory_space<vmem>>, vector<16xf32>,
      %get3A_211 = arith.index_cast %add3A_202 : i32 to index
      %get3A_212 = arith.constant 16 : index
      %get3A_213 = tpu.vector_load %arg13[%get3A_211, %get3A_212] {strides = array<i32>} : memref<128x128xf32, #tpu.memory_space<vmem>>, vector<1x16xf32>,
      %get3A_214 = vector.shape_cast %get3A_213 : vector<1x16xf32> to vector<16xf32>
      %swap3A_215 = arith.constant 1520 : index
      %swap3A_216 = tpu.vector_load %arg11[%swap3A_215] {strides = array<i32>} : memref<2176xf32, #tpu.memory_space<vmem>>, vector<16xf32>,
      %swap3A_217 = vector.shape_cast %swap3A_216 : vector<16xf32> to vector<16xf32>
      %swap3A_218 = vector.shape_cast %get3A_214 : vector<16xf32> to vector<16xf32>
      tpu.vector_store %arg11[%swap3A_215], %swap3A_218 {strides = array<i32>} : memref<2176xf32, #tpu.memory_space<vmem>>, vector<16xf32>,
      %get3A_219 = arith.index_cast %add3A_202 : i32 to index
      %get3A_220 = arith.constant 32 : index
      %get3A_221 = tpu.vector_load %arg13[%get3A_219, %get3A_220] {strides = array<i32>} : memref<128x128xf32, #tpu.memory_space<vmem>>, vector<1x16xf32>,
      %get3A_222 = vector.shape_cast %get3A_221 : vector<1x16xf32> to vector<16xf32>
      %swap3A_223 = arith.constant 1536 : index
      %swap3A_224 = tpu.vector_load %arg11[%swap3A_223] {strides = array<i32>} : memref<2176xf32, #tpu.memory_space<vmem>>, vector<16xf32>,
      %swap3A_225 = vector.shape_cast %swap3A_224 : vector<16xf32> to vector<16xf32>
      %swap3A_226 = vector.shape_cast %get3A_222 : vector<16xf32> to vector<16xf32>
      tpu.vector_store %arg11[%swap3A_223], %swap3A_226 {strides = array<i32>} : memref<2176xf32, #tpu.memory_space<vmem>>, vector<16xf32>,
      %get3A_227 = arith.index_cast %add3A_202 : i32 to index
      %get3A_228 = arith.constant 48 : index
      %get3A_229 = tpu.vector_load %arg13[%get3A_227, %get3A_228] {strides = array<i32>} : memref<128x128xf32, #tpu.memory_space<vmem>>, vector<1x16xf32>,
      %get3A_230 = vector.shape_cast %get3A_229 : vector<1x16xf32> to vector<16xf32>
      %swap3A_231 = arith.constant 1552 : index
      %swap3A_232 = tpu.vector_load %arg11[%swap3A_231] {strides = array<i32>} : memref<2176xf32, #tpu.memory_space<vmem>>, vector<16xf32>,
      %swap3A_233 = vector.shape_cast %swap3A_232 : vector<16xf32> to vector<16xf32>
      %swap3A_234 = vector.shape_cast %get3A_230 : vector<16xf32> to vector<16xf32>
      tpu.vector_store %arg11[%swap3A_231], %swap3A_234 {strides = array<i32>} : memref<2176xf32, #tpu.memory_space<vmem>>, vector<16xf32>,
      %get3A_235 = arith.index_cast %add3A_202 : i32 to index
      %get3A_236 = arith.constant 64 : index
      %get3A_237 = tpu.vector_load %arg13[%get3A_235, %get3A_236] {strides = array<i32>} : memref<128x128xf32, #tpu.memory_space<vmem>>, vector<1x16xf32>,
      %get3A_238 = vector.shape_cast %get3A_237 : vector<1x16xf32> to vector<16xf32>
      %swap3A_239 = arith.constant 1568 : index
      %swap3A_240 = tpu.vector_load %arg11[%swap3A_239] {strides = array<i32>} : memref<2176xf32, #tpu.memory_space<vmem>>, vector<16xf32>,
      %swap3A_241 = vector.shape_cast %swap3A_240 : vector<16xf32> to vector<16xf32>
      %swap3A_242 = vector.shape_cast %get3A_238 : vector<16xf32> to vector<16xf32>
      tpu.vector_store %arg11[%swap3A_239], %swap3A_242 {strides = array<i32>} : memref<2176xf32, #tpu.memory_space<vmem>>, vector<16xf32>,
      %get3A_243 = arith.index_cast %add3A_202 : i32 to index
      %get3A_244 = arith.constant 80 : index
      %get3A_245 = tpu.vector_load %arg13[%get3A_243, %get3A_244] {strides = array<i32>} : memref<128x128xf32, #tpu.memory_space<vmem>>, vector<1x16xf32>,
      %get3A_246 = vector.shape_cast %get3A_245 : vector<1x16xf32> to vector<16xf32>
      %swap3A_247 = arith.constant 1584 : index
      %swap3A_248 = tpu.vector_load %arg11[%swap3A_247] {strides = array<i32>} : memref<2176xf32, #tpu.memory_space<vmem>>, vector<16xf32>,
      %swap3A_249 = vector.shape_cast %swap3A_248 : vector<16xf32> to vector<16xf32>
      %swap3A_250 = vector.shape_cast %get3A_246 : vector<16xf32> to vector<16xf32>
      tpu.vector_store %arg11[%swap3A_247], %swap3A_250 {strides = array<i32>} : memref<2176xf32, #tpu.memory_space<vmem>>, vector<16xf32>,
      %get3A_251 = arith.index_cast %add3A_202 : i32 to index
      %get3A_252 = arith.constant 96 : index
      %get3A_253 = tpu.vector_load %arg13[%get3A_251, %get3A_252] {strides = array<i32>} : memref<128x128xf32, #tpu.memory_space<vmem>>, vector<1x16xf32>,
      %get3A_254 = vector.shape_cast %get3A_253 : vector<1x16xf32> to vector<16xf32>
      %swap3A_255 = arith.constant 1600 : index
      %swap3A_256 = tpu.vector_load %arg11[%swap3A_255] {strides = array<i32>} : memref<2176xf32, #tpu.memory_space<vmem>>, vector<16xf32>,
      %swap3A_257 = vector.shape_cast %swap3A_256 : vector<16xf32> to vector<16xf32>
      %swap3A_258 = vector.shape_cast %get3A_254 : vector<16xf32> to vector<16xf32>
      tpu.vector_store %arg11[%swap3A_255], %swap3A_258 {strides = array<i32>} : memref<2176xf32, #tpu.memory_space<vmem>>, vector<16xf32>,
      %get3A_259 = arith.index_cast %add3A_202 : i32 to index
      %get3A_260 = arith.constant 112 : index
      %get3A_261 = tpu.vector_load %arg13[%get3A_259, %get3A_260] {strides = array<i32>} : memref<128x128xf32, #tpu.memory_space<vmem>>, vector<1x16xf32>,
      %get3A_262 = vector.shape_cast %get3A_261 : vector<1x16xf32> to vector<16xf32>
      %swap3A_263 = arith.constant 1616 : index
      %swap3A_264 = tpu.vector_load %arg11[%swap3A_263] {strides = array<i32>} : memref<2176xf32, #tpu.memory_space<vmem>>, vector<16xf32>,
      %swap3A_265 = vector.shape_cast %swap3A_264 : vector<16xf32> to vector<16xf32>
      %swap3A_266 = vector.shape_cast %get3A_262 : vector<16xf32> to vector<16xf32>
      tpu.vector_store %arg11[%swap3A_263], %swap3A_266 {strides = array<i32>} : memref<2176xf32, #tpu.memory_space<vmem>>, vector<16xf32>,
      %scan3A_267 = arith.constant 0 : i32
      %scan3A_268 = arith.constant 0 : i32
      %scan3A_269 = arith.constant 26 : i32
      %scan3A_270 = arith.addi %scan3A_268, %scan3A_269 : i32
      %scan3A_271 = arith.constant 1 : i32
      scf.for %scan3A_657 = %scan3A_268 to %scan3A_270 step %scan3A_271  : i32 {
        %mul3A_658 = arith.constant 20 : i32
        %mul3A_659 = arith.muli %scan3A_657, %mul3A_658 : i32
        %add3A_660 = arith.constant 1560 : i32
        %add3A_661 = arith.addi %add3A_660, %mul3A_659 : i32
        %get3A_662 = arith.index_cast %add3A_661 : i32 to index
        %get3A_663 = arith.constant 0 : index
        %get3A_664 = tpu.vector_load %arg9[%get3A_662, %get3A_663] {strides = array<i32>} : memref<2080x16xf32, #tpu.memory_space<vmem>>, vector<1x16xf32>,
        %get3A_665 = vector.shape_cast %get3A_664 : vector<1x16xf32> to vector<16xf32>
        %add3A_666 = arith.constant 1 : i32
        %add3A_667 = arith.addi %add3A_661, %add3A_666 : i32
        %get3A_668 = arith.index_cast %add3A_667 : i32 to index
        %get3A_669 = arith.constant 0 : index
        %get3A_670 = tpu.vector_load %arg9[%get3A_668, %get3A_669] {strides = array<i32>} : memref<2080x16xf32, #tpu.memory_space<vmem>>, vector<1x16xf32>,
        %get3A_671 = vector.shape_cast %get3A_670 : vector<1x16xf32> to vector<16xf32>
        %add3A_672 = arith.addf %get3A_665, %get3A_671 : vector<16xf32>
        %add3A_673 = arith.constant 2 : i32
        %add3A_674 = arith.addi %add3A_661, %add3A_673 : i32
        %get3A_675 = arith.index_cast %add3A_674 : i32 to index
        %get3A_676 = arith.constant 0 : index
        %get3A_677 = tpu.vector_load %arg9[%get3A_675, %get3A_676] {strides = array<i32>} : memref<2080x16xf32, #tpu.memory_space<vmem>>, vector<1x16xf32>,
        %get3A_678 = vector.shape_cast %get3A_677 : vector<1x16xf32> to vector<16xf32>
        %add3A_679 = arith.addf %add3A_672, %get3A_678 : vector<16xf32>
        %add3A_680 = arith.constant 3 : i32
        %add3A_681 = arith.addi %add3A_661, %add3A_680 : i32
        %get3A_682 = arith.index_cast %add3A_681 : i32 to index
        %get3A_683 = arith.constant 0 : index
        %get3A_684 = tpu.vector_load %arg9[%get3A_682, %get3A_683] {strides = array<i32>} : memref<2080x16xf32, #tpu.memory_space<vmem>>, vector<1x16xf32>,
        %get3A_685 = vector.shape_cast %get3A_684 : vector<1x16xf32> to vector<16xf32>
        %add3A_686 = arith.addf %add3A_679, %get3A_685 : vector<16xf32>
        %add3A_687 = arith.constant 4 : i32
        %add3A_688 = arith.addi %add3A_661, %add3A_687 : i32
        %get3A_689 = arith.index_cast %add3A_688 : i32 to index
        %get3A_690 = arith.constant 0 : index
        %get3A_691 = tpu.vector_load %arg9[%get3A_689, %get3A_690] {strides = array<i32>} : memref<2080x16xf32, #tpu.memory_space<vmem>>, vector<1x16xf32>,
        %get3A_692 = vector.shape_cast %get3A_691 : vector<1x16xf32> to vector<16xf32>
        %add3A_693 = arith.addf %add3A_686, %get3A_692 : vector<16xf32>
        %add3A_694 = arith.constant 5 : i32
        %add3A_695 = arith.addi %add3A_661, %add3A_694 : i32
        %get3A_696 = arith.index_cast %add3A_695 : i32 to index
        %get3A_697 = arith.constant 0 : index
        %get3A_698 = tpu.vector_load %arg9[%get3A_696, %get3A_697] {strides = array<i32>} : memref<2080x16xf32, #tpu.memory_space<vmem>>, vector<1x16xf32>,
        %get3A_699 = vector.shape_cast %get3A_698 : vector<1x16xf32> to vector<16xf32>
        %add3A_700 = arith.addf %add3A_693, %get3A_699 : vector<16xf32>
        %add3A_701 = arith.constant 6 : i32
        %add3A_702 = arith.addi %add3A_661, %add3A_701 : i32
        %get3A_703 = arith.index_cast %add3A_702 : i32 to index
        %get3A_704 = arith.constant 0 : index
        %get3A_705 = tpu.vector_load %arg9[%get3A_703, %get3A_704] {strides = array<i32>} : memref<2080x16xf32, #tpu.memory_space<vmem>>, vector<1x16xf32>,
        %get3A_706 = vector.shape_cast %get3A_705 : vector<1x16xf32> to vector<16xf32>
        %add3A_707 = arith.addf %add3A_700, %get3A_706 : vector<16xf32>
        %add3A_708 = arith.constant 7 : i32
        %add3A_709 = arith.addi %add3A_661, %add3A_708 : i32
        %get3A_710 = arith.index_cast %add3A_709 : i32 to index
        %get3A_711 = arith.constant 0 : index
        %get3A_712 = tpu.vector_load %arg9[%get3A_710, %get3A_711] {strides = array<i32>} : memref<2080x16xf32, #tpu.memory_space<vmem>>, vector<1x16xf32>,
        %get3A_713 = vector.shape_cast %get3A_712 : vector<1x16xf32> to vector<16xf32>
        %add3A_714 = arith.addf %add3A_707, %get3A_713 : vector<16xf32>
        %add3A_715 = arith.constant 8 : i32
        %add3A_716 = arith.addi %add3A_661, %add3A_715 : i32
        %get3A_717 = arith.index_cast %add3A_716 : i32 to index
        %get3A_718 = arith.constant 0 : index
        %get3A_719 = tpu.vector_load %arg9[%get3A_717, %get3A_718] {strides = array<i32>} : memref<2080x16xf32, #tpu.memory_space<vmem>>, vector<1x16xf32>,
        %get3A_720 = vector.shape_cast %get3A_719 : vector<1x16xf32> to vector<16xf32>
        %add3A_721 = arith.addf %add3A_714, %get3A_720 : vector<16xf32>
        %add3A_722 = arith.constant 9 : i32
        %add3A_723 = arith.addi %add3A_661, %add3A_722 : i32
        %get3A_724 = arith.index_cast %add3A_723 : i32 to index
        %get3A_725 = arith.constant 0 : index
        %get3A_726 = tpu.vector_load %arg9[%get3A_724, %get3A_725] {strides = array<i32>} : memref<2080x16xf32, #tpu.memory_space<vmem>>, vector<1x16xf32>,
        %get3A_727 = vector.shape_cast %get3A_726 : vector<1x16xf32> to vector<16xf32>
        %add3A_728 = arith.addf %add3A_721, %get3A_727 : vector<16xf32>
        %add3A_729 = arith.constant 10 : i32
        %add3A_730 = arith.addi %add3A_661, %add3A_729 : i32
        %get3A_731 = arith.index_cast %add3A_730 : i32 to index
        %get3A_732 = arith.constant 0 : index
        %get3A_733 = tpu.vector_load %arg9[%get3A_731, %get3A_732] {strides = array<i32>} : memref<2080x16xf32, #tpu.memory_space<vmem>>, vector<1x16xf32>,
        %get3A_734 = vector.shape_cast %get3A_733 : vector<1x16xf32> to vector<16xf32>
        %add3A_735 = arith.addf %add3A_728, %get3A_734 : vector<16xf32>
        %add3A_736 = arith.constant 11 : i32
        %add3A_737 = arith.addi %add3A_661, %add3A_736 : i32
        %get3A_738 = arith.index_cast %add3A_737 : i32 to index
        %get3A_739 = arith.constant 0 : index
        %get3A_740 = tpu.vector_load %arg9[%get3A_738, %get3A_739] {strides = array<i32>} : memref<2080x16xf32, #tpu.memory_space<vmem>>, vector<1x16xf32>,
        %get3A_741 = vector.shape_cast %get3A_740 : vector<1x16xf32> to vector<16xf32>
        %add3A_742 = arith.addf %add3A_735, %get3A_741 : vector<16xf32>
        %add3A_743 = arith.constant 12 : i32
        %add3A_744 = arith.addi %add3A_661, %add3A_743 : i32
        %get3A_745 = arith.index_cast %add3A_744 : i32 to index
        %get3A_746 = arith.constant 0 : index
        %get3A_747 = tpu.vector_load %arg9[%get3A_745, %get3A_746] {strides = array<i32>} : memref<2080x16xf32, #tpu.memory_space<vmem>>, vector<1x16xf32>,
        %get3A_748 = vector.shape_cast %get3A_747 : vector<1x16xf32> to vector<16xf32>
        %add3A_749 = arith.addf %add3A_742, %get3A_748 : vector<16xf32>
        %add3A_750 = arith.constant 13 : i32
        %add3A_751 = arith.addi %add3A_661, %add3A_750 : i32
        %get3A_752 = arith.index_cast %add3A_751 : i32 to index
        %get3A_753 = arith.constant 0 : index
        %get3A_754 = tpu.vector_load %arg9[%get3A_752, %get3A_753] {strides = array<i32>} : memref<2080x16xf32, #tpu.memory_space<vmem>>, vector<1x16xf32>,
        %get3A_755 = vector.shape_cast %get3A_754 : vector<1x16xf32> to vector<16xf32>
        %add3A_756 = arith.addf %add3A_749, %get3A_755 : vector<16xf32>
        %add3A_757 = arith.constant 14 : i32
        %add3A_758 = arith.addi %add3A_661, %add3A_757 : i32
        %get3A_759 = arith.index_cast %add3A_758 : i32 to index
        %get3A_760 = arith.constant 0 : index
        %get3A_761 = tpu.vector_load %arg9[%get3A_759, %get3A_760] {strides = array<i32>} : memref<2080x16xf32, #tpu.memory_space<vmem>>, vector<1x16xf32>,
        %get3A_762 = vector.shape_cast %get3A_761 : vector<1x16xf32> to vector<16xf32>
        %add3A_763 = arith.addf %add3A_756, %get3A_762 : vector<16xf32>
        %add3A_764 = arith.constant 15 : i32
        %add3A_765 = arith.addi %add3A_661, %add3A_764 : i32
        %get3A_766 = arith.index_cast %add3A_765 : i32 to index
        %get3A_767 = arith.constant 0 : index
        %get3A_768 = tpu.vector_load %arg9[%get3A_766, %get3A_767] {strides = array<i32>} : memref<2080x16xf32, #tpu.memory_space<vmem>>, vector<1x16xf32>,
        %get3A_769 = vector.shape_cast %get3A_768 : vector<1x16xf32> to vector<16xf32>
        %add3A_770 = arith.addf %add3A_763, %get3A_769 : vector<16xf32>
        %add3A_771 = arith.constant 16 : i32
        %add3A_772 = arith.addi %add3A_661, %add3A_771 : i32
        %get3A_773 = arith.index_cast %add3A_772 : i32 to index
        %get3A_774 = arith.constant 0 : index
        %get3A_775 = tpu.vector_load %arg9[%get3A_773, %get3A_774] {strides = array<i32>} : memref<2080x16xf32, #tpu.memory_space<vmem>>, vector<1x16xf32>,
        %get3A_776 = vector.shape_cast %get3A_775 : vector<1x16xf32> to vector<16xf32>
        %add3A_777 = arith.addf %add3A_770, %get3A_776 : vector<16xf32>
        %add3A_778 = arith.constant 17 : i32
        %add3A_779 = arith.addi %add3A_661, %add3A_778 : i32
        %get3A_780 = arith.index_cast %add3A_779 : i32 to index
        %get3A_781 = arith.constant 0 : index
        %get3A_782 = tpu.vector_load %arg9[%get3A_780, %get3A_781] {strides = array<i32>} : memref<2080x16xf32, #tpu.memory_space<vmem>>, vector<1x16xf32>,
        %get3A_783 = vector.shape_cast %get3A_782 : vector<1x16xf32> to vector<16xf32>
        %add3A_784 = arith.addf %add3A_777, %get3A_783 : vector<16xf32>
        %add3A_785 = arith.constant 18 : i32
        %add3A_786 = arith.addi %add3A_661, %add3A_785 : i32
        %get3A_787 = arith.index_cast %add3A_786 : i32 to index
        %get3A_788 = arith.constant 0 : index
        %get3A_789 = tpu.vector_load %arg9[%get3A_787, %get3A_788] {strides = array<i32>} : memref<2080x16xf32, #tpu.memory_space<vmem>>, vector<1x16xf32>,
        %get3A_790 = vector.shape_cast %get3A_789 : vector<1x16xf32> to vector<16xf32>
        %add3A_791 = arith.addf %add3A_784, %get3A_790 : vector<16xf32>
        %add3A_792 = arith.constant 19 : i32
        %add3A_793 = arith.addi %add3A_661, %add3A_792 : i32
        %get3A_794 = arith.index_cast %add3A_793 : i32 to index
        %get3A_795 = arith.constant 0 : index
        %get3A_796 = tpu.vector_load %arg9[%get3A_794, %get3A_795] {strides = array<i32>} : memref<2080x16xf32, #tpu.memory_space<vmem>>, vector<1x16xf32>,
        %get3A_797 = vector.shape_cast %get3A_796 : vector<1x16xf32> to vector<16xf32>
        %add3A_798 = arith.addf %add3A_791, %get3A_797 : vector<16xf32>
        %mul3A_799 = arith.constant 16 : i32
        %mul3A_800 = arith.muli %scan3A_657, %mul3A_799 : i32
        %add3A_801 = arith.constant 1632 : i32
        %add3A_802 = arith.addi %add3A_801, %mul3A_800 : i32
        %swap3A_803 = arith.index_cast %add3A_802 : i32 to index
        %swap3A_804 = tpu.vector_load %arg11[%swap3A_803] {strides = array<i32>} : memref<2176xf32, #tpu.memory_space<vmem>>, vector<16xf32>,
        %swap3A_805 = vector.shape_cast %swap3A_804 : vector<16xf32> to vector<16xf32>
        %swap3A_806 = vector.shape_cast %add3A_798 : vector<16xf32> to vector<16xf32>
        tpu.vector_store %arg11[%swap3A_803], %swap3A_806 {strides = array<i32>} : memref<2176xf32, #tpu.memory_space<vmem>>, vector<16xf32>,
      }
      %scan3A_272 = arith.constant 26 : i32
      %mul3A_273 = arith.constant 4 : i32
      %mul3A_274 = arith.muli %mul3A_31, %mul3A_273 : i32
      %add3A_275 = arith.constant 3 : i32
      %add3A_276 = arith.addi %mul3A_274, %add3A_275 : i32
      %get3A_277 = arith.index_cast %add3A_276 : i32 to index
      %get3A_278 = arith.constant 0 : index
      %get3A_279 = tpu.vector_load %arg13[%get3A_277, %get3A_278] {strides = array<i32>} : memref<128x128xf32, #tpu.memory_space<vmem>>, vector<1x16xf32>,
      %get3A_280 = vector.shape_cast %get3A_279 : vector<1x16xf32> to vector<16xf32>
      %swap3A_281 = arith.constant 2048 : index
      %swap3A_282 = tpu.vector_load %arg11[%swap3A_281] {strides = array<i32>} : memref<2176xf32, #tpu.memory_space<vmem>>, vector<16xf32>,
      %swap3A_283 = vector.shape_cast %swap3A_282 : vector<16xf32> to vector<16xf32>
      %swap3A_284 = vector.shape_cast %get3A_280 : vector<16xf32> to vector<16xf32>
      tpu.vector_store %arg11[%swap3A_281], %swap3A_284 {strides = array<i32>} : memref<2176xf32, #tpu.memory_space<vmem>>, vector<16xf32>,
      %get3A_285 = arith.index_cast %add3A_276 : i32 to index
      %get3A_286 = arith.constant 16 : index
      %get3A_287 = tpu.vector_load %arg13[%get3A_285, %get3A_286] {strides = array<i32>} : memref<128x128xf32, #tpu.memory_space<vmem>>, vector<1x16xf32>,
      %get3A_288 = vector.shape_cast %get3A_287 : vector<1x16xf32> to vector<16xf32>
      %swap3A_289 = arith.constant 2064 : index
      %swap3A_290 = tpu.vector_load %arg11[%swap3A_289] {strides = array<i32>} : memref<2176xf32, #tpu.memory_space<vmem>>, vector<16xf32>,
      %swap3A_291 = vector.shape_cast %swap3A_290 : vector<16xf32> to vector<16xf32>
      %swap3A_292 = vector.shape_cast %get3A_288 : vector<16xf32> to vector<16xf32>
      tpu.vector_store %arg11[%swap3A_289], %swap3A_292 {strides = array<i32>} : memref<2176xf32, #tpu.memory_space<vmem>>, vector<16xf32>,
      %get3A_293 = arith.index_cast %add3A_276 : i32 to index
      %get3A_294 = arith.constant 32 : index
      %get3A_295 = tpu.vector_load %arg13[%get3A_293, %get3A_294] {strides = array<i32>} : memref<128x128xf32, #tpu.memory_space<vmem>>, vector<1x16xf32>,
      %get3A_296 = vector.shape_cast %get3A_295 : vector<1x16xf32> to vector<16xf32>
      %swap3A_297 = arith.constant 2080 : index
      %swap3A_298 = tpu.vector_load %arg11[%swap3A_297] {strides = array<i32>} : memref<2176xf32, #tpu.memory_space<vmem>>, vector<16xf32>,
      %swap3A_299 = vector.shape_cast %swap3A_298 : vector<16xf32> to vector<16xf32>
      %swap3A_300 = vector.shape_cast %get3A_296 : vector<16xf32> to vector<16xf32>
      tpu.vector_store %arg11[%swap3A_297], %swap3A_300 {strides = array<i32>} : memref<2176xf32, #tpu.memory_space<vmem>>, vector<16xf32>,
      %get3A_301 = arith.index_cast %add3A_276 : i32 to index
      %get3A_302 = arith.constant 48 : index
      %get3A_303 = tpu.vector_load %arg13[%get3A_301, %get3A_302] {strides = array<i32>} : memref<128x128xf32, #tpu.memory_space<vmem>>, vector<1x16xf32>,
      %get3A_304 = vector.shape_cast %get3A_303 : vector<1x16xf32> to vector<16xf32>
      %swap3A_305 = arith.constant 2096 : index
      %swap3A_306 = tpu.vector_load %arg11[%swap3A_305] {strides = array<i32>} : memref<2176xf32, #tpu.memory_space<vmem>>, vector<16xf32>,
      %swap3A_307 = vector.shape_cast %swap3A_306 : vector<16xf32> to vector<16xf32>
      %swap3A_308 = vector.shape_cast %get3A_304 : vector<16xf32> to vector<16xf32>
      tpu.vector_store %arg11[%swap3A_305], %swap3A_308 {strides = array<i32>} : memref<2176xf32, #tpu.memory_space<vmem>>, vector<16xf32>,
      %get3A_309 = arith.index_cast %add3A_276 : i32 to index
      %get3A_310 = arith.constant 64 : index
      %get3A_311 = tpu.vector_load %arg13[%get3A_309, %get3A_310] {strides = array<i32>} : memref<128x128xf32, #tpu.memory_space<vmem>>, vector<1x16xf32>,
      %get3A_312 = vector.shape_cast %get3A_311 : vector<1x16xf32> to vector<16xf32>
      %swap3A_313 = arith.constant 2112 : index
      %swap3A_314 = tpu.vector_load %arg11[%swap3A_313] {strides = array<i32>} : memref<2176xf32, #tpu.memory_space<vmem>>, vector<16xf32>,
      %swap3A_315 = vector.shape_cast %swap3A_314 : vector<16xf32> to vector<16xf32>
      %swap3A_316 = vector.shape_cast %get3A_312 : vector<16xf32> to vector<16xf32>
      tpu.vector_store %arg11[%swap3A_313], %swap3A_316 {strides = array<i32>} : memref<2176xf32, #tpu.memory_space<vmem>>, vector<16xf32>,
      %get3A_317 = arith.index_cast %add3A_276 : i32 to index
      %get3A_318 = arith.constant 80 : index
      %get3A_319 = tpu.vector_load %arg13[%get3A_317, %get3A_318] {strides = array<i32>} : memref<128x128xf32, #tpu.memory_space<vmem>>, vector<1x16xf32>,
      %get3A_320 = vector.shape_cast %get3A_319 : vector<1x16xf32> to vector<16xf32>
      %swap3A_321 = arith.constant 2128 : index
      %swap3A_322 = tpu.vector_load %arg11[%swap3A_321] {strides = array<i32>} : memref<2176xf32, #tpu.memory_space<vmem>>, vector<16xf32>,
      %swap3A_323 = vector.shape_cast %swap3A_322 : vector<16xf32> to vector<16xf32>
      %swap3A_324 = vector.shape_cast %get3A_320 : vector<16xf32> to vector<16xf32>
      tpu.vector_store %arg11[%swap3A_321], %swap3A_324 {strides = array<i32>} : memref<2176xf32, #tpu.memory_space<vmem>>, vector<16xf32>,
      %get3A_325 = arith.index_cast %add3A_276 : i32 to index
      %get3A_326 = arith.constant 96 : index
      %get3A_327 = tpu.vector_load %arg13[%get3A_325, %get3A_326] {strides = array<i32>} : memref<128x128xf32, #tpu.memory_space<vmem>>, vector<1x16xf32>,
      %get3A_328 = vector.shape_cast %get3A_327 : vector<1x16xf32> to vector<16xf32>
      %swap3A_329 = arith.constant 2144 : index
      %swap3A_330 = tpu.vector_load %arg11[%swap3A_329] {strides = array<i32>} : memref<2176xf32, #tpu.memory_space<vmem>>, vector<16xf32>,
      %swap3A_331 = vector.shape_cast %swap3A_330 : vector<16xf32> to vector<16xf32>
      %swap3A_332 = vector.shape_cast %get3A_328 : vector<16xf32> to vector<16xf32>
      tpu.vector_store %arg11[%swap3A_329], %swap3A_332 {strides = array<i32>} : memref<2176xf32, #tpu.memory_space<vmem>>, vector<16xf32>,
      %get3A_333 = arith.index_cast %add3A_276 : i32 to index
      %get3A_334 = arith.constant 112 : index
      %get3A_335 = tpu.vector_load %arg13[%get3A_333, %get3A_334] {strides = array<i32>} : memref<128x128xf32, #tpu.memory_space<vmem>>, vector<1x16xf32>,
      %get3A_336 = vector.shape_cast %get3A_335 : vector<1x16xf32> to vector<16xf32>
      %swap3A_337 = arith.constant 2160 : index
      %swap3A_338 = tpu.vector_load %arg11[%swap3A_337] {strides = array<i32>} : memref<2176xf32, #tpu.memory_space<vmem>>, vector<16xf32>,
      %swap3A_339 = vector.shape_cast %swap3A_338 : vector<16xf32> to vector<16xf32>
      %swap3A_340 = vector.shape_cast %get3A_336 : vector<16xf32> to vector<16xf32>
      tpu.vector_store %arg11[%swap3A_337], %swap3A_340 {strides = array<i32>} : memref<2176xf32, #tpu.memory_space<vmem>>, vector<16xf32>,
      %mul3A_341 = arith.constant 4 : i32
      %mul3A_342 = arith.muli %mul3A_31, %mul3A_341 : i32
      %add3A_343 = arith.addi %mul3A_2, %mul3A_342 : i32
      %mul3A_344 = arith.constant 544 : i32
      %mul3A_345 = arith.muli %add3A_343, %mul3A_344 : i32
      "tpu.region"() ({
        %run_scoped3A = tpu.sem_alloc : memref<!tpu.dma_semaphore, #tpu.memory_space<semaphore_mem>>
        %dma_start3A_657 = tpu.memref_slice %arg6[%mul3A_345] : memref<2228224xf32, #tpu.memory_space<hbm>> -> memref<2176xf32, #tpu.memory_space<hbm>>
        %dma_start3A_658 = tpu.memref_slice %arg6[%mul3A_345] : memref<2228224xf32, #tpu.memory_space<hbm>> -> memref<2176xf32, #tpu.memory_space<hbm>>
        tpu.enqueue_dma source(%arg11 : memref<2176xf32, #tpu.memory_space<vmem>>) target(%dma_start3A_658 : memref<2176xf32, #tpu.memory_space<hbm>>) target_semaphore(%run_scoped3A : memref<!tpu.dma_semaphore, #tpu.memory_space<semaphore_mem>>)
        %dma_wait3A_659 = tpu.memref_slice %arg6[%mul3A_345] : memref<2228224xf32, #tpu.memory_space<hbm>> -> memref<2176xf32, #tpu.memory_space<hbm>>
        %dma_wait3A_660 = tpu.memref_slice %arg6[%mul3A_345] : memref<2228224xf32, #tpu.memory_space<hbm>> -> memref<2176xf32, #tpu.memory_space<hbm>>
        tpu.wait_dma2 semaphore(%run_scoped3A : memref<!tpu.dma_semaphore, #tpu.memory_space<semaphore_mem>>) src(%arg11 : memref<2176xf32, #tpu.memory_space<vmem>>) dst(%dma_wait3A_660 : memref<2176xf32, #tpu.memory_space<hbm>>)
        tpu.yield
      }) : () -> ()
      %lt3A_346 = arith.constant 15 : i32
      %lt3A_347 = arith.cmpi slt, %scan3A_29, %lt3A_346 : i32
      %convert_element_type3A_348 = arith.extui %lt3A_347 : i1 to i32
      %cond3A_349 = arith.constant 0 : i32
      %cond3A_350 = arith.cmpi ne, %convert_element_type3A_348, %cond3A_349 : i32
      scf.if %cond3A_350 {
        %add3A_657 = arith.constant 2 : i32
        %add3A_658 = arith.addi %mul3A_31, %add3A_657 : i32
        %mul3A_659 = arith.constant 2080 : i32
        %mul3A_660 = arith.muli %add3A_658, %mul3A_659 : i32
        %add3A_661 = arith.addi %mul3A_4, %mul3A_660 : i32
        %dma_wait3A_662 = tpu.memref_slice %arg2[%add3A_661] : memref<2129920xi32, #tpu.memory_space<hbm>> -> memref<2080xi32, #tpu.memory_space<hbm>>
        %dma_wait3A_663 = tpu.memref_slice %arg2[%add3A_661] : memref<2129920xi32, #tpu.memory_space<hbm>> -> memref<2080xi32, #tpu.memory_space<hbm>>
        tpu.wait_dma2 semaphore(%arg16 : memref<!tpu.dma_semaphore, #tpu.memory_space<semaphore_mem>>) src(%dma_wait3A_663 : memref<2080xi32, #tpu.memory_space<hbm>>) dst(%arg7 : memref<2080xi32, #tpu.memory_space<vmem>>)
        %dma_start3A_664 = arith.constant 0 : i32
        %dma_start3A_665 = arith.constant 0 : i32
        %dma_start3A_666 = tpu.memref_slice %arg4[%dma_start3A_664, %dma_start3A_665] : memref<1000000x16xf32, #tpu.memory_space<hbm>> -> memref<1000000x16xf32, #tpu.memory_space<hbm>>
        tpu.enqueue_indirect_dma source(%dma_start3A_666 : memref<1000000x16xf32, #tpu.memory_space<hbm>>) target(%arg9 : memref<2080x16xf32, #tpu.memory_space<vmem>>) offsets(%arg7 : memref<2080xi32, #tpu.memory_space<vmem>>) semaphore(%arg14 : memref<!tpu.dma_semaphore, #tpu.memory_space<semaphore_mem>>)
        %add3A_667 = arith.constant 3 : i32
        %add3A_668 = arith.addi %mul3A_31, %add3A_667 : i32
        %mul3A_669 = arith.constant 2080 : i32
        %mul3A_670 = arith.muli %add3A_668, %mul3A_669 : i32
        %add3A_671 = arith.addi %mul3A_4, %mul3A_670 : i32
        %dma_start3A_672 = tpu.memref_slice %arg2[%add3A_671] : memref<2129920xi32, #tpu.memory_space<hbm>> -> memref<2080xi32, #tpu.memory_space<hbm>>
        %dma_start3A_673 = tpu.memref_slice %arg2[%add3A_671] : memref<2129920xi32, #tpu.memory_space<hbm>> -> memref<2080xi32, #tpu.memory_space<hbm>>
        tpu.enqueue_dma source(%dma_start3A_673 : memref<2080xi32, #tpu.memory_space<hbm>>) target(%arg8 : memref<2080xi32, #tpu.memory_space<vmem>>) target_semaphore(%arg17 : memref<!tpu.dma_semaphore, #tpu.memory_space<semaphore_mem>>)
      } else {
      }
      %dma_wait3A_351 = arith.constant 0 : i32
      %dma_wait3A_352 = arith.constant 0 : i32
      %dma_wait3A_353 = tpu.memref_slice %arg4[%dma_wait3A_351, %dma_wait3A_352] : memref<1000000x16xf32, #tpu.memory_space<hbm>> -> memref<1000000x16xf32, #tpu.memory_space<hbm>>
      tpu.wait_indirect_dma semaphore(%arg15 : memref<!tpu.dma_semaphore, #tpu.memory_space<semaphore_mem>>) src(%dma_wait3A_353 : memref<1000000x16xf32, #tpu.memory_space<hbm>>) dst(%arg10 : memref<2080x16xf32, #tpu.memory_space<vmem>>)
      %add3A_354 = arith.constant 1 : i32
      %add3A_355 = arith.addi %mul3A_31, %add3A_354 : i32
      %scan3A_356 = arith.constant 0 : i32
      %scan3A_357 = arith.constant 0 : i32
      %scan3A_358 = arith.constant 26 : i32
      %scan3A_359 = arith.addi %scan3A_357, %scan3A_358 : i32
      %scan3A_360 = arith.constant 1 : i32
      scf.for %scan3A_657 = %scan3A_357 to %scan3A_359 step %scan3A_360  : i32 {
        %mul3A_658 = arith.constant 20 : i32
        %mul3A_659 = arith.muli %scan3A_657, %mul3A_658 : i32
        %add3A_660 = arith.constant 0 : i32
        %add3A_661 = arith.addi %add3A_660, %mul3A_659 : i32
        %get3A_662 = arith.index_cast %add3A_661 : i32 to index
        %get3A_663 = arith.constant 0 : index
        %get3A_664 = tpu.vector_load %arg10[%get3A_662, %get3A_663] {strides = array<i32>} : memref<2080x16xf32, #tpu.memory_space<vmem>>, vector<1x16xf32>,
        %get3A_665 = vector.shape_cast %get3A_664 : vector<1x16xf32> to vector<16xf32>
        %add3A_666 = arith.constant 1 : i32
        %add3A_667 = arith.addi %add3A_661, %add3A_666 : i32
        %get3A_668 = arith.index_cast %add3A_667 : i32 to index
        %get3A_669 = arith.constant 0 : index
        %get3A_670 = tpu.vector_load %arg10[%get3A_668, %get3A_669] {strides = array<i32>} : memref<2080x16xf32, #tpu.memory_space<vmem>>, vector<1x16xf32>,
        %get3A_671 = vector.shape_cast %get3A_670 : vector<1x16xf32> to vector<16xf32>
        %add3A_672 = arith.addf %get3A_665, %get3A_671 : vector<16xf32>
        %add3A_673 = arith.constant 2 : i32
        %add3A_674 = arith.addi %add3A_661, %add3A_673 : i32
        %get3A_675 = arith.index_cast %add3A_674 : i32 to index
        %get3A_676 = arith.constant 0 : index
        %get3A_677 = tpu.vector_load %arg10[%get3A_675, %get3A_676] {strides = array<i32>} : memref<2080x16xf32, #tpu.memory_space<vmem>>, vector<1x16xf32>,
        %get3A_678 = vector.shape_cast %get3A_677 : vector<1x16xf32> to vector<16xf32>
        %add3A_679 = arith.addf %add3A_672, %get3A_678 : vector<16xf32>
        %add3A_680 = arith.constant 3 : i32
        %add3A_681 = arith.addi %add3A_661, %add3A_680 : i32
        %get3A_682 = arith.index_cast %add3A_681 : i32 to index
        %get3A_683 = arith.constant 0 : index
        %get3A_684 = tpu.vector_load %arg10[%get3A_682, %get3A_683] {strides = array<i32>} : memref<2080x16xf32, #tpu.memory_space<vmem>>, vector<1x16xf32>,
        %get3A_685 = vector.shape_cast %get3A_684 : vector<1x16xf32> to vector<16xf32>
        %add3A_686 = arith.addf %add3A_679, %get3A_685 : vector<16xf32>
        %add3A_687 = arith.constant 4 : i32
        %add3A_688 = arith.addi %add3A_661, %add3A_687 : i32
        %get3A_689 = arith.index_cast %add3A_688 : i32 to index
        %get3A_690 = arith.constant 0 : index
        %get3A_691 = tpu.vector_load %arg10[%get3A_689, %get3A_690] {strides = array<i32>} : memref<2080x16xf32, #tpu.memory_space<vmem>>, vector<1x16xf32>,
        %get3A_692 = vector.shape_cast %get3A_691 : vector<1x16xf32> to vector<16xf32>
        %add3A_693 = arith.addf %add3A_686, %get3A_692 : vector<16xf32>
        %add3A_694 = arith.constant 5 : i32
        %add3A_695 = arith.addi %add3A_661, %add3A_694 : i32
        %get3A_696 = arith.index_cast %add3A_695 : i32 to index
        %get3A_697 = arith.constant 0 : index
        %get3A_698 = tpu.vector_load %arg10[%get3A_696, %get3A_697] {strides = array<i32>} : memref<2080x16xf32, #tpu.memory_space<vmem>>, vector<1x16xf32>,
        %get3A_699 = vector.shape_cast %get3A_698 : vector<1x16xf32> to vector<16xf32>
        %add3A_700 = arith.addf %add3A_693, %get3A_699 : vector<16xf32>
        %add3A_701 = arith.constant 6 : i32
        %add3A_702 = arith.addi %add3A_661, %add3A_701 : i32
        %get3A_703 = arith.index_cast %add3A_702 : i32 to index
        %get3A_704 = arith.constant 0 : index
        %get3A_705 = tpu.vector_load %arg10[%get3A_703, %get3A_704] {strides = array<i32>} : memref<2080x16xf32, #tpu.memory_space<vmem>>, vector<1x16xf32>,
        %get3A_706 = vector.shape_cast %get3A_705 : vector<1x16xf32> to vector<16xf32>
        %add3A_707 = arith.addf %add3A_700, %get3A_706 : vector<16xf32>
        %add3A_708 = arith.constant 7 : i32
        %add3A_709 = arith.addi %add3A_661, %add3A_708 : i32
        %get3A_710 = arith.index_cast %add3A_709 : i32 to index
        %get3A_711 = arith.constant 0 : index
        %get3A_712 = tpu.vector_load %arg10[%get3A_710, %get3A_711] {strides = array<i32>} : memref<2080x16xf32, #tpu.memory_space<vmem>>, vector<1x16xf32>,
        %get3A_713 = vector.shape_cast %get3A_712 : vector<1x16xf32> to vector<16xf32>
        %add3A_714 = arith.addf %add3A_707, %get3A_713 : vector<16xf32>
        %add3A_715 = arith.constant 8 : i32
        %add3A_716 = arith.addi %add3A_661, %add3A_715 : i32
        %get3A_717 = arith.index_cast %add3A_716 : i32 to index
        %get3A_718 = arith.constant 0 : index
        %get3A_719 = tpu.vector_load %arg10[%get3A_717, %get3A_718] {strides = array<i32>} : memref<2080x16xf32, #tpu.memory_space<vmem>>, vector<1x16xf32>,
        %get3A_720 = vector.shape_cast %get3A_719 : vector<1x16xf32> to vector<16xf32>
        %add3A_721 = arith.addf %add3A_714, %get3A_720 : vector<16xf32>
        %add3A_722 = arith.constant 9 : i32
        %add3A_723 = arith.addi %add3A_661, %add3A_722 : i32
        %get3A_724 = arith.index_cast %add3A_723 : i32 to index
        %get3A_725 = arith.constant 0 : index
        %get3A_726 = tpu.vector_load %arg10[%get3A_724, %get3A_725] {strides = array<i32>} : memref<2080x16xf32, #tpu.memory_space<vmem>>, vector<1x16xf32>,
        %get3A_727 = vector.shape_cast %get3A_726 : vector<1x16xf32> to vector<16xf32>
        %add3A_728 = arith.addf %add3A_721, %get3A_727 : vector<16xf32>
        %add3A_729 = arith.constant 10 : i32
        %add3A_730 = arith.addi %add3A_661, %add3A_729 : i32
        %get3A_731 = arith.index_cast %add3A_730 : i32 to index
        %get3A_732 = arith.constant 0 : index
        %get3A_733 = tpu.vector_load %arg10[%get3A_731, %get3A_732] {strides = array<i32>} : memref<2080x16xf32, #tpu.memory_space<vmem>>, vector<1x16xf32>,
        %get3A_734 = vector.shape_cast %get3A_733 : vector<1x16xf32> to vector<16xf32>
        %add3A_735 = arith.addf %add3A_728, %get3A_734 : vector<16xf32>
        %add3A_736 = arith.constant 11 : i32
        %add3A_737 = arith.addi %add3A_661, %add3A_736 : i32
        %get3A_738 = arith.index_cast %add3A_737 : i32 to index
        %get3A_739 = arith.constant 0 : index
        %get3A_740 = tpu.vector_load %arg10[%get3A_738, %get3A_739] {strides = array<i32>} : memref<2080x16xf32, #tpu.memory_space<vmem>>, vector<1x16xf32>,
        %get3A_741 = vector.shape_cast %get3A_740 : vector<1x16xf32> to vector<16xf32>
        %add3A_742 = arith.addf %add3A_735, %get3A_741 : vector<16xf32>
        %add3A_743 = arith.constant 12 : i32
        %add3A_744 = arith.addi %add3A_661, %add3A_743 : i32
        %get3A_745 = arith.index_cast %add3A_744 : i32 to index
        %get3A_746 = arith.constant 0 : index
        %get3A_747 = tpu.vector_load %arg10[%get3A_745, %get3A_746] {strides = array<i32>} : memref<2080x16xf32, #tpu.memory_space<vmem>>, vector<1x16xf32>,
        %get3A_748 = vector.shape_cast %get3A_747 : vector<1x16xf32> to vector<16xf32>
        %add3A_749 = arith.addf %add3A_742, %get3A_748 : vector<16xf32>
        %add3A_750 = arith.constant 13 : i32
        %add3A_751 = arith.addi %add3A_661, %add3A_750 : i32
        %get3A_752 = arith.index_cast %add3A_751 : i32 to index
        %get3A_753 = arith.constant 0 : index
        %get3A_754 = tpu.vector_load %arg10[%get3A_752, %get3A_753] {strides = array<i32>} : memref<2080x16xf32, #tpu.memory_space<vmem>>, vector<1x16xf32>,
        %get3A_755 = vector.shape_cast %get3A_754 : vector<1x16xf32> to vector<16xf32>
        %add3A_756 = arith.addf %add3A_749, %get3A_755 : vector<16xf32>
        %add3A_757 = arith.constant 14 : i32
        %add3A_758 = arith.addi %add3A_661, %add3A_757 : i32
        %get3A_759 = arith.index_cast %add3A_758 : i32 to index
        %get3A_760 = arith.constant 0 : index
        %get3A_761 = tpu.vector_load %arg10[%get3A_759, %get3A_760] {strides = array<i32>} : memref<2080x16xf32, #tpu.memory_space<vmem>>, vector<1x16xf32>,
        %get3A_762 = vector.shape_cast %get3A_761 : vector<1x16xf32> to vector<16xf32>
        %add3A_763 = arith.addf %add3A_756, %get3A_762 : vector<16xf32>
        %add3A_764 = arith.constant 15 : i32
        %add3A_765 = arith.addi %add3A_661, %add3A_764 : i32
        %get3A_766 = arith.index_cast %add3A_765 : i32 to index
        %get3A_767 = arith.constant 0 : index
        %get3A_768 = tpu.vector_load %arg10[%get3A_766, %get3A_767] {strides = array<i32>} : memref<2080x16xf32, #tpu.memory_space<vmem>>, vector<1x16xf32>,
        %get3A_769 = vector.shape_cast %get3A_768 : vector<1x16xf32> to vector<16xf32>
        %add3A_770 = arith.addf %add3A_763, %get3A_769 : vector<16xf32>
        %add3A_771 = arith.constant 16 : i32
        %add3A_772 = arith.addi %add3A_661, %add3A_771 : i32
        %get3A_773 = arith.index_cast %add3A_772 : i32 to index
        %get3A_774 = arith.constant 0 : index
        %get3A_775 = tpu.vector_load %arg10[%get3A_773, %get3A_774] {strides = array<i32>} : memref<2080x16xf32, #tpu.memory_space<vmem>>, vector<1x16xf32>,
        %get3A_776 = vector.shape_cast %get3A_775 : vector<1x16xf32> to vector<16xf32>
        %add3A_777 = arith.addf %add3A_770, %get3A_776 : vector<16xf32>
        %add3A_778 = arith.constant 17 : i32
        %add3A_779 = arith.addi %add3A_661, %add3A_778 : i32
        %get3A_780 = arith.index_cast %add3A_779 : i32 to index
        %get3A_781 = arith.constant 0 : index
        %get3A_782 = tpu.vector_load %arg10[%get3A_780, %get3A_781] {strides = array<i32>} : memref<2080x16xf32, #tpu.memory_space<vmem>>, vector<1x16xf32>,
        %get3A_783 = vector.shape_cast %get3A_782 : vector<1x16xf32> to vector<16xf32>
        %add3A_784 = arith.addf %add3A_777, %get3A_783 : vector<16xf32>
        %add3A_785 = arith.constant 18 : i32
        %add3A_786 = arith.addi %add3A_661, %add3A_785 : i32
        %get3A_787 = arith.index_cast %add3A_786 : i32 to index
        %get3A_788 = arith.constant 0 : index
        %get3A_789 = tpu.vector_load %arg10[%get3A_787, %get3A_788] {strides = array<i32>} : memref<2080x16xf32, #tpu.memory_space<vmem>>, vector<1x16xf32>,
        %get3A_790 = vector.shape_cast %get3A_789 : vector<1x16xf32> to vector<16xf32>
        %add3A_791 = arith.addf %add3A_784, %get3A_790 : vector<16xf32>
        %add3A_792 = arith.constant 19 : i32
        %add3A_793 = arith.addi %add3A_661, %add3A_792 : i32
        %get3A_794 = arith.index_cast %add3A_793 : i32 to index
        %get3A_795 = arith.constant 0 : index
        %get3A_796 = tpu.vector_load %arg10[%get3A_794, %get3A_795] {strides = array<i32>} : memref<2080x16xf32, #tpu.memory_space<vmem>>, vector<1x16xf32>,
        %get3A_797 = vector.shape_cast %get3A_796 : vector<1x16xf32> to vector<16xf32>
        %add3A_798 = arith.addf %add3A_791, %get3A_797 : vector<16xf32>
        %mul3A_799 = arith.constant 16 : i32
        %mul3A_800 = arith.muli %scan3A_657, %mul3A_799 : i32
        %add3A_801 = arith.constant 0 : i32
        %add3A_802 = arith.addi %add3A_801, %mul3A_800 : i32
        %swap3A_803 = arith.index_cast %add3A_802 : i32 to index
        %swap3A_804 = tpu.vector_load %arg11[%swap3A_803] {strides = array<i32>} : memref<2176xf32, #tpu.memory_space<vmem>>, vector<16xf32>,
        %swap3A_805 = vector.shape_cast %swap3A_804 : vector<16xf32> to vector<16xf32>
        %swap3A_806 = vector.shape_cast %add3A_798 : vector<16xf32> to vector<16xf32>
        tpu.vector_store %arg11[%swap3A_803], %swap3A_806 {strides = array<i32>} : memref<2176xf32, #tpu.memory_space<vmem>>, vector<16xf32>,
      }
      %scan3A_361 = arith.constant 26 : i32
      %mul3A_362 = arith.constant 4 : i32
      %mul3A_363 = arith.muli %add3A_355, %mul3A_362 : i32
      %add3A_364 = arith.constant 0 : i32
      %add3A_365 = arith.addi %mul3A_363, %add3A_364 : i32
      %get3A_366 = arith.index_cast %add3A_365 : i32 to index
      %get3A_367 = arith.constant 0 : index
      %get3A_368 = tpu.vector_load %arg13[%get3A_366, %get3A_367] {strides = array<i32>} : memref<128x128xf32, #tpu.memory_space<vmem>>, vector<1x16xf32>,
      %get3A_369 = vector.shape_cast %get3A_368 : vector<1x16xf32> to vector<16xf32>
      %swap3A_370 = arith.constant 416 : index
      %swap3A_371 = tpu.vector_load %arg11[%swap3A_370] {strides = array<i32>} : memref<2176xf32, #tpu.memory_space<vmem>>, vector<16xf32>,
      %swap3A_372 = vector.shape_cast %swap3A_371 : vector<16xf32> to vector<16xf32>
      %swap3A_373 = vector.shape_cast %get3A_369 : vector<16xf32> to vector<16xf32>
      tpu.vector_store %arg11[%swap3A_370], %swap3A_373 {strides = array<i32>} : memref<2176xf32, #tpu.memory_space<vmem>>, vector<16xf32>,
      %get3A_374 = arith.index_cast %add3A_365 : i32 to index
      %get3A_375 = arith.constant 16 : index
      %get3A_376 = tpu.vector_load %arg13[%get3A_374, %get3A_375] {strides = array<i32>} : memref<128x128xf32, #tpu.memory_space<vmem>>, vector<1x16xf32>,
      %get3A_377 = vector.shape_cast %get3A_376 : vector<1x16xf32> to vector<16xf32>
      %swap3A_378 = arith.constant 432 : index
      %swap3A_379 = tpu.vector_load %arg11[%swap3A_378] {strides = array<i32>} : memref<2176xf32, #tpu.memory_space<vmem>>, vector<16xf32>,
      %swap3A_380 = vector.shape_cast %swap3A_379 : vector<16xf32> to vector<16xf32>
      %swap3A_381 = vector.shape_cast %get3A_377 : vector<16xf32> to vector<16xf32>
      tpu.vector_store %arg11[%swap3A_378], %swap3A_381 {strides = array<i32>} : memref<2176xf32, #tpu.memory_space<vmem>>, vector<16xf32>,
      %get3A_382 = arith.index_cast %add3A_365 : i32 to index
      %get3A_383 = arith.constant 32 : index
      %get3A_384 = tpu.vector_load %arg13[%get3A_382, %get3A_383] {strides = array<i32>} : memref<128x128xf32, #tpu.memory_space<vmem>>, vector<1x16xf32>,
      %get3A_385 = vector.shape_cast %get3A_384 : vector<1x16xf32> to vector<16xf32>
      %swap3A_386 = arith.constant 448 : index
      %swap3A_387 = tpu.vector_load %arg11[%swap3A_386] {strides = array<i32>} : memref<2176xf32, #tpu.memory_space<vmem>>, vector<16xf32>,
      %swap3A_388 = vector.shape_cast %swap3A_387 : vector<16xf32> to vector<16xf32>
      %swap3A_389 = vector.shape_cast %get3A_385 : vector<16xf32> to vector<16xf32>
      tpu.vector_store %arg11[%swap3A_386], %swap3A_389 {strides = array<i32>} : memref<2176xf32, #tpu.memory_space<vmem>>, vector<16xf32>,
      %get3A_390 = arith.index_cast %add3A_365 : i32 to index
      %get3A_391 = arith.constant 48 : index
      %get3A_392 = tpu.vector_load %arg13[%get3A_390, %get3A_391] {strides = array<i32>} : memref<128x128xf32, #tpu.memory_space<vmem>>, vector<1x16xf32>,
      %get3A_393 = vector.shape_cast %get3A_392 : vector<1x16xf32> to vector<16xf32>
      %swap3A_394 = arith.constant 464 : index
      %swap3A_395 = tpu.vector_load %arg11[%swap3A_394] {strides = array<i32>} : memref<2176xf32, #tpu.memory_space<vmem>>, vector<16xf32>,
      %swap3A_396 = vector.shape_cast %swap3A_395 : vector<16xf32> to vector<16xf32>
      %swap3A_397 = vector.shape_cast %get3A_393 : vector<16xf32> to vector<16xf32>
      tpu.vector_store %arg11[%swap3A_394], %swap3A_397 {strides = array<i32>} : memref<2176xf32, #tpu.memory_space<vmem>>, vector<16xf32>,
      %get3A_398 = arith.index_cast %add3A_365 : i32 to index
      %get3A_399 = arith.constant 64 : index
      %get3A_400 = tpu.vector_load %arg13[%get3A_398, %get3A_399] {strides = array<i32>} : memref<128x128xf32, #tpu.memory_space<vmem>>, vector<1x16xf32>,
      %get3A_401 = vector.shape_cast %get3A_400 : vector<1x16xf32> to vector<16xf32>
      %swap3A_402 = arith.constant 480 : index
      %swap3A_403 = tpu.vector_load %arg11[%swap3A_402] {strides = array<i32>} : memref<2176xf32, #tpu.memory_space<vmem>>, vector<16xf32>,
      %swap3A_404 = vector.shape_cast %swap3A_403 : vector<16xf32> to vector<16xf32>
      %swap3A_405 = vector.shape_cast %get3A_401 : vector<16xf32> to vector<16xf32>
      tpu.vector_store %arg11[%swap3A_402], %swap3A_405 {strides = array<i32>} : memref<2176xf32, #tpu.memory_space<vmem>>, vector<16xf32>,
      %get3A_406 = arith.index_cast %add3A_365 : i32 to index
      %get3A_407 = arith.constant 80 : index
      %get3A_408 = tpu.vector_load %arg13[%get3A_406, %get3A_407] {strides = array<i32>} : memref<128x128xf32, #tpu.memory_space<vmem>>, vector<1x16xf32>,
      %get3A_409 = vector.shape_cast %get3A_408 : vector<1x16xf32> to vector<16xf32>
      %swap3A_410 = arith.constant 496 : index
      %swap3A_411 = tpu.vector_load %arg11[%swap3A_410] {strides = array<i32>} : memref<2176xf32, #tpu.memory_space<vmem>>, vector<16xf32>,
      %swap3A_412 = vector.shape_cast %swap3A_411 : vector<16xf32> to vector<16xf32>
      %swap3A_413 = vector.shape_cast %get3A_409 : vector<16xf32> to vector<16xf32>
      tpu.vector_store %arg11[%swap3A_410], %swap3A_413 {strides = array<i32>} : memref<2176xf32, #tpu.memory_space<vmem>>, vector<16xf32>,
      %get3A_414 = arith.index_cast %add3A_365 : i32 to index
      %get3A_415 = arith.constant 96 : index
      %get3A_416 = tpu.vector_load %arg13[%get3A_414, %get3A_415] {strides = array<i32>} : memref<128x128xf32, #tpu.memory_space<vmem>>, vector<1x16xf32>,
      %get3A_417 = vector.shape_cast %get3A_416 : vector<1x16xf32> to vector<16xf32>
      %swap3A_418 = arith.constant 512 : index
      %swap3A_419 = tpu.vector_load %arg11[%swap3A_418] {strides = array<i32>} : memref<2176xf32, #tpu.memory_space<vmem>>, vector<16xf32>,
      %swap3A_420 = vector.shape_cast %swap3A_419 : vector<16xf32> to vector<16xf32>
      %swap3A_421 = vector.shape_cast %get3A_417 : vector<16xf32> to vector<16xf32>
      tpu.vector_store %arg11[%swap3A_418], %swap3A_421 {strides = array<i32>} : memref<2176xf32, #tpu.memory_space<vmem>>, vector<16xf32>,
      %get3A_422 = arith.index_cast %add3A_365 : i32 to index
      %get3A_423 = arith.constant 112 : index
      %get3A_424 = tpu.vector_load %arg13[%get3A_422, %get3A_423] {strides = array<i32>} : memref<128x128xf32, #tpu.memory_space<vmem>>, vector<1x16xf32>,
      %get3A_425 = vector.shape_cast %get3A_424 : vector<1x16xf32> to vector<16xf32>
      %swap3A_426 = arith.constant 528 : index
      %swap3A_427 = tpu.vector_load %arg11[%swap3A_426] {strides = array<i32>} : memref<2176xf32, #tpu.memory_space<vmem>>, vector<16xf32>,
      %swap3A_428 = vector.shape_cast %swap3A_427 : vector<16xf32> to vector<16xf32>
      %swap3A_429 = vector.shape_cast %get3A_425 : vector<16xf32> to vector<16xf32>
      tpu.vector_store %arg11[%swap3A_426], %swap3A_429 {strides = array<i32>} : memref<2176xf32, #tpu.memory_space<vmem>>, vector<16xf32>,
      %scan3A_430 = arith.constant 0 : i32
      %scan3A_431 = arith.constant 0 : i32
      %scan3A_432 = arith.constant 26 : i32
      %scan3A_433 = arith.addi %scan3A_431, %scan3A_432 : i32
      %scan3A_434 = arith.constant 1 : i32
      scf.for %scan3A_657 = %scan3A_431 to %scan3A_433 step %scan3A_434  : i32 {
        %mul3A_658 = arith.constant 20 : i32
        %mul3A_659 = arith.muli %scan3A_657, %mul3A_658 : i32
        %add3A_660 = arith.constant 520 : i32
        %add3A_661 = arith.addi %add3A_660, %mul3A_659 : i32
        %get3A_662 = arith.index_cast %add3A_661 : i32 to index
        %get3A_663 = arith.constant 0 : index
        %get3A_664 = tpu.vector_load %arg10[%get3A_662, %get3A_663] {strides = array<i32>} : memref<2080x16xf32, #tpu.memory_space<vmem>>, vector<1x16xf32>,
        %get3A_665 = vector.shape_cast %get3A_664 : vector<1x16xf32> to vector<16xf32>
        %add3A_666 = arith.constant 1 : i32
        %add3A_667 = arith.addi %add3A_661, %add3A_666 : i32
        %get3A_668 = arith.index_cast %add3A_667 : i32 to index
        %get3A_669 = arith.constant 0 : index
        %get3A_670 = tpu.vector_load %arg10[%get3A_668, %get3A_669] {strides = array<i32>} : memref<2080x16xf32, #tpu.memory_space<vmem>>, vector<1x16xf32>,
        %get3A_671 = vector.shape_cast %get3A_670 : vector<1x16xf32> to vector<16xf32>
        %add3A_672 = arith.addf %get3A_665, %get3A_671 : vector<16xf32>
        %add3A_673 = arith.constant 2 : i32
        %add3A_674 = arith.addi %add3A_661, %add3A_673 : i32
        %get3A_675 = arith.index_cast %add3A_674 : i32 to index
        %get3A_676 = arith.constant 0 : index
        %get3A_677 = tpu.vector_load %arg10[%get3A_675, %get3A_676] {strides = array<i32>} : memref<2080x16xf32, #tpu.memory_space<vmem>>, vector<1x16xf32>,
        %get3A_678 = vector.shape_cast %get3A_677 : vector<1x16xf32> to vector<16xf32>
        %add3A_679 = arith.addf %add3A_672, %get3A_678 : vector<16xf32>
        %add3A_680 = arith.constant 3 : i32
        %add3A_681 = arith.addi %add3A_661, %add3A_680 : i32
        %get3A_682 = arith.index_cast %add3A_681 : i32 to index
        %get3A_683 = arith.constant 0 : index
        %get3A_684 = tpu.vector_load %arg10[%get3A_682, %get3A_683] {strides = array<i32>} : memref<2080x16xf32, #tpu.memory_space<vmem>>, vector<1x16xf32>,
        %get3A_685 = vector.shape_cast %get3A_684 : vector<1x16xf32> to vector<16xf32>
        %add3A_686 = arith.addf %add3A_679, %get3A_685 : vector<16xf32>
        %add3A_687 = arith.constant 4 : i32
        %add3A_688 = arith.addi %add3A_661, %add3A_687 : i32
        %get3A_689 = arith.index_cast %add3A_688 : i32 to index
        %get3A_690 = arith.constant 0 : index
        %get3A_691 = tpu.vector_load %arg10[%get3A_689, %get3A_690] {strides = array<i32>} : memref<2080x16xf32, #tpu.memory_space<vmem>>, vector<1x16xf32>,
        %get3A_692 = vector.shape_cast %get3A_691 : vector<1x16xf32> to vector<16xf32>
        %add3A_693 = arith.addf %add3A_686, %get3A_692 : vector<16xf32>
        %add3A_694 = arith.constant 5 : i32
        %add3A_695 = arith.addi %add3A_661, %add3A_694 : i32
        %get3A_696 = arith.index_cast %add3A_695 : i32 to index
        %get3A_697 = arith.constant 0 : index
        %get3A_698 = tpu.vector_load %arg10[%get3A_696, %get3A_697] {strides = array<i32>} : memref<2080x16xf32, #tpu.memory_space<vmem>>, vector<1x16xf32>,
        %get3A_699 = vector.shape_cast %get3A_698 : vector<1x16xf32> to vector<16xf32>
        %add3A_700 = arith.addf %add3A_693, %get3A_699 : vector<16xf32>
        %add3A_701 = arith.constant 6 : i32
        %add3A_702 = arith.addi %add3A_661, %add3A_701 : i32
        %get3A_703 = arith.index_cast %add3A_702 : i32 to index
        %get3A_704 = arith.constant 0 : index
        %get3A_705 = tpu.vector_load %arg10[%get3A_703, %get3A_704] {strides = array<i32>} : memref<2080x16xf32, #tpu.memory_space<vmem>>, vector<1x16xf32>,
        %get3A_706 = vector.shape_cast %get3A_705 : vector<1x16xf32> to vector<16xf32>
        %add3A_707 = arith.addf %add3A_700, %get3A_706 : vector<16xf32>
        %add3A_708 = arith.constant 7 : i32
        %add3A_709 = arith.addi %add3A_661, %add3A_708 : i32
        %get3A_710 = arith.index_cast %add3A_709 : i32 to index
        %get3A_711 = arith.constant 0 : index
        %get3A_712 = tpu.vector_load %arg10[%get3A_710, %get3A_711] {strides = array<i32>} : memref<2080x16xf32, #tpu.memory_space<vmem>>, vector<1x16xf32>,
        %get3A_713 = vector.shape_cast %get3A_712 : vector<1x16xf32> to vector<16xf32>
        %add3A_714 = arith.addf %add3A_707, %get3A_713 : vector<16xf32>
        %add3A_715 = arith.constant 8 : i32
        %add3A_716 = arith.addi %add3A_661, %add3A_715 : i32
        %get3A_717 = arith.index_cast %add3A_716 : i32 to index
        %get3A_718 = arith.constant 0 : index
        %get3A_719 = tpu.vector_load %arg10[%get3A_717, %get3A_718] {strides = array<i32>} : memref<2080x16xf32, #tpu.memory_space<vmem>>, vector<1x16xf32>,
        %get3A_720 = vector.shape_cast %get3A_719 : vector<1x16xf32> to vector<16xf32>
        %add3A_721 = arith.addf %add3A_714, %get3A_720 : vector<16xf32>
        %add3A_722 = arith.constant 9 : i32
        %add3A_723 = arith.addi %add3A_661, %add3A_722 : i32
        %get3A_724 = arith.index_cast %add3A_723 : i32 to index
        %get3A_725 = arith.constant 0 : index
        %get3A_726 = tpu.vector_load %arg10[%get3A_724, %get3A_725] {strides = array<i32>} : memref<2080x16xf32, #tpu.memory_space<vmem>>, vector<1x16xf32>,
        %get3A_727 = vector.shape_cast %get3A_726 : vector<1x16xf32> to vector<16xf32>
        %add3A_728 = arith.addf %add3A_721, %get3A_727 : vector<16xf32>
        %add3A_729 = arith.constant 10 : i32
        %add3A_730 = arith.addi %add3A_661, %add3A_729 : i32
        %get3A_731 = arith.index_cast %add3A_730 : i32 to index
        %get3A_732 = arith.constant 0 : index
        %get3A_733 = tpu.vector_load %arg10[%get3A_731, %get3A_732] {strides = array<i32>} : memref<2080x16xf32, #tpu.memory_space<vmem>>, vector<1x16xf32>,
        %get3A_734 = vector.shape_cast %get3A_733 : vector<1x16xf32> to vector<16xf32>
        %add3A_735 = arith.addf %add3A_728, %get3A_734 : vector<16xf32>
        %add3A_736 = arith.constant 11 : i32
        %add3A_737 = arith.addi %add3A_661, %add3A_736 : i32
        %get3A_738 = arith.index_cast %add3A_737 : i32 to index
        %get3A_739 = arith.constant 0 : index
        %get3A_740 = tpu.vector_load %arg10[%get3A_738, %get3A_739] {strides = array<i32>} : memref<2080x16xf32, #tpu.memory_space<vmem>>, vector<1x16xf32>,
        %get3A_741 = vector.shape_cast %get3A_740 : vector<1x16xf32> to vector<16xf32>
        %add3A_742 = arith.addf %add3A_735, %get3A_741 : vector<16xf32>
        %add3A_743 = arith.constant 12 : i32
        %add3A_744 = arith.addi %add3A_661, %add3A_743 : i32
        %get3A_745 = arith.index_cast %add3A_744 : i32 to index
        %get3A_746 = arith.constant 0 : index
        %get3A_747 = tpu.vector_load %arg10[%get3A_745, %get3A_746] {strides = array<i32>} : memref<2080x16xf32, #tpu.memory_space<vmem>>, vector<1x16xf32>,
        %get3A_748 = vector.shape_cast %get3A_747 : vector<1x16xf32> to vector<16xf32>
        %add3A_749 = arith.addf %add3A_742, %get3A_748 : vector<16xf32>
        %add3A_750 = arith.constant 13 : i32
        %add3A_751 = arith.addi %add3A_661, %add3A_750 : i32
        %get3A_752 = arith.index_cast %add3A_751 : i32 to index
        %get3A_753 = arith.constant 0 : index
        %get3A_754 = tpu.vector_load %arg10[%get3A_752, %get3A_753] {strides = array<i32>} : memref<2080x16xf32, #tpu.memory_space<vmem>>, vector<1x16xf32>,
        %get3A_755 = vector.shape_cast %get3A_754 : vector<1x16xf32> to vector<16xf32>
        %add3A_756 = arith.addf %add3A_749, %get3A_755 : vector<16xf32>
        %add3A_757 = arith.constant 14 : i32
        %add3A_758 = arith.addi %add3A_661, %add3A_757 : i32
        %get3A_759 = arith.index_cast %add3A_758 : i32 to index
        %get3A_760 = arith.constant 0 : index
        %get3A_761 = tpu.vector_load %arg10[%get3A_759, %get3A_760] {strides = array<i32>} : memref<2080x16xf32, #tpu.memory_space<vmem>>, vector<1x16xf32>,
        %get3A_762 = vector.shape_cast %get3A_761 : vector<1x16xf32> to vector<16xf32>
        %add3A_763 = arith.addf %add3A_756, %get3A_762 : vector<16xf32>
        %add3A_764 = arith.constant 15 : i32
        %add3A_765 = arith.addi %add3A_661, %add3A_764 : i32
        %get3A_766 = arith.index_cast %add3A_765 : i32 to index
        %get3A_767 = arith.constant 0 : index
        %get3A_768 = tpu.vector_load %arg10[%get3A_766, %get3A_767] {strides = array<i32>} : memref<2080x16xf32, #tpu.memory_space<vmem>>, vector<1x16xf32>,
        %get3A_769 = vector.shape_cast %get3A_768 : vector<1x16xf32> to vector<16xf32>
        %add3A_770 = arith.addf %add3A_763, %get3A_769 : vector<16xf32>
        %add3A_771 = arith.constant 16 : i32
        %add3A_772 = arith.addi %add3A_661, %add3A_771 : i32
        %get3A_773 = arith.index_cast %add3A_772 : i32 to index
        %get3A_774 = arith.constant 0 : index
        %get3A_775 = tpu.vector_load %arg10[%get3A_773, %get3A_774] {strides = array<i32>} : memref<2080x16xf32, #tpu.memory_space<vmem>>, vector<1x16xf32>,
        %get3A_776 = vector.shape_cast %get3A_775 : vector<1x16xf32> to vector<16xf32>
        %add3A_777 = arith.addf %add3A_770, %get3A_776 : vector<16xf32>
        %add3A_778 = arith.constant 17 : i32
        %add3A_779 = arith.addi %add3A_661, %add3A_778 : i32
        %get3A_780 = arith.index_cast %add3A_779 : i32 to index
        %get3A_781 = arith.constant 0 : index
        %get3A_782 = tpu.vector_load %arg10[%get3A_780, %get3A_781] {strides = array<i32>} : memref<2080x16xf32, #tpu.memory_space<vmem>>, vector<1x16xf32>,
        %get3A_783 = vector.shape_cast %get3A_782 : vector<1x16xf32> to vector<16xf32>
        %add3A_784 = arith.addf %add3A_777, %get3A_783 : vector<16xf32>
        %add3A_785 = arith.constant 18 : i32
        %add3A_786 = arith.addi %add3A_661, %add3A_785 : i32
        %get3A_787 = arith.index_cast %add3A_786 : i32 to index
        %get3A_788 = arith.constant 0 : index
        %get3A_789 = tpu.vector_load %arg10[%get3A_787, %get3A_788] {strides = array<i32>} : memref<2080x16xf32, #tpu.memory_space<vmem>>, vector<1x16xf32>,
        %get3A_790 = vector.shape_cast %get3A_789 : vector<1x16xf32> to vector<16xf32>
        %add3A_791 = arith.addf %add3A_784, %get3A_790 : vector<16xf32>
        %add3A_792 = arith.constant 19 : i32
        %add3A_793 = arith.addi %add3A_661, %add3A_792 : i32
        %get3A_794 = arith.index_cast %add3A_793 : i32 to index
        %get3A_795 = arith.constant 0 : index
        %get3A_796 = tpu.vector_load %arg10[%get3A_794, %get3A_795] {strides = array<i32>} : memref<2080x16xf32, #tpu.memory_space<vmem>>, vector<1x16xf32>,
        %get3A_797 = vector.shape_cast %get3A_796 : vector<1x16xf32> to vector<16xf32>
        %add3A_798 = arith.addf %add3A_791, %get3A_797 : vector<16xf32>
        %mul3A_799 = arith.constant 16 : i32
        %mul3A_800 = arith.muli %scan3A_657, %mul3A_799 : i32
        %add3A_801 = arith.constant 544 : i32
        %add3A_802 = arith.addi %add3A_801, %mul3A_800 : i32
        %swap3A_803 = arith.index_cast %add3A_802 : i32 to index
        %swap3A_804 = tpu.vector_load %arg11[%swap3A_803] {strides = array<i32>} : memref<2176xf32, #tpu.memory_space<vmem>>, vector<16xf32>,
        %swap3A_805 = vector.shape_cast %swap3A_804 : vector<16xf32> to vector<16xf32>
        %swap3A_806 = vector.shape_cast %add3A_798 : vector<16xf32> to vector<16xf32>
        tpu.vector_store %arg11[%swap3A_803], %swap3A_806 {strides = array<i32>} : memref<2176xf32, #tpu.memory_space<vmem>>, vector<16xf32>,
      }
      %scan3A_435 = arith.constant 26 : i32
      %mul3A_436 = arith.constant 4 : i32
      %mul3A_437 = arith.muli %add3A_355, %mul3A_436 : i32
      %add3A_438 = arith.constant 1 : i32
      %add3A_439 = arith.addi %mul3A_437, %add3A_438 : i32
      %get3A_440 = arith.index_cast %add3A_439 : i32 to index
      %get3A_441 = arith.constant 0 : index
      %get3A_442 = tpu.vector_load %arg13[%get3A_440, %get3A_441] {strides = array<i32>} : memref<128x128xf32, #tpu.memory_space<vmem>>, vector<1x16xf32>,
      %get3A_443 = vector.shape_cast %get3A_442 : vector<1x16xf32> to vector<16xf32>
      %swap3A_444 = arith.constant 960 : index
      %swap3A_445 = tpu.vector_load %arg11[%swap3A_444] {strides = array<i32>} : memref<2176xf32, #tpu.memory_space<vmem>>, vector<16xf32>,
      %swap3A_446 = vector.shape_cast %swap3A_445 : vector<16xf32> to vector<16xf32>
      %swap3A_447 = vector.shape_cast %get3A_443 : vector<16xf32> to vector<16xf32>
      tpu.vector_store %arg11[%swap3A_444], %swap3A_447 {strides = array<i32>} : memref<2176xf32, #tpu.memory_space<vmem>>, vector<16xf32>,
      %get3A_448 = arith.index_cast %add3A_439 : i32 to index
      %get3A_449 = arith.constant 16 : index
      %get3A_450 = tpu.vector_load %arg13[%get3A_448, %get3A_449] {strides = array<i32>} : memref<128x128xf32, #tpu.memory_space<vmem>>, vector<1x16xf32>,
      %get3A_451 = vector.shape_cast %get3A_450 : vector<1x16xf32> to vector<16xf32>
      %swap3A_452 = arith.constant 976 : index
      %swap3A_453 = tpu.vector_load %arg11[%swap3A_452] {strides = array<i32>} : memref<2176xf32, #tpu.memory_space<vmem>>, vector<16xf32>,
      %swap3A_454 = vector.shape_cast %swap3A_453 : vector<16xf32> to vector<16xf32>
      %swap3A_455 = vector.shape_cast %get3A_451 : vector<16xf32> to vector<16xf32>
      tpu.vector_store %arg11[%swap3A_452], %swap3A_455 {strides = array<i32>} : memref<2176xf32, #tpu.memory_space<vmem>>, vector<16xf32>,
      %get3A_456 = arith.index_cast %add3A_439 : i32 to index
      %get3A_457 = arith.constant 32 : index
      %get3A_458 = tpu.vector_load %arg13[%get3A_456, %get3A_457] {strides = array<i32>} : memref<128x128xf32, #tpu.memory_space<vmem>>, vector<1x16xf32>,
      %get3A_459 = vector.shape_cast %get3A_458 : vector<1x16xf32> to vector<16xf32>
      %swap3A_460 = arith.constant 992 : index
      %swap3A_461 = tpu.vector_load %arg11[%swap3A_460] {strides = array<i32>} : memref<2176xf32, #tpu.memory_space<vmem>>, vector<16xf32>,
      %swap3A_462 = vector.shape_cast %swap3A_461 : vector<16xf32> to vector<16xf32>
      %swap3A_463 = vector.shape_cast %get3A_459 : vector<16xf32> to vector<16xf32>
      tpu.vector_store %arg11[%swap3A_460], %swap3A_463 {strides = array<i32>} : memref<2176xf32, #tpu.memory_space<vmem>>, vector<16xf32>,
      %get3A_464 = arith.index_cast %add3A_439 : i32 to index
      %get3A_465 = arith.constant 48 : index
      %get3A_466 = tpu.vector_load %arg13[%get3A_464, %get3A_465] {strides = array<i32>} : memref<128x128xf32, #tpu.memory_space<vmem>>, vector<1x16xf32>,
      %get3A_467 = vector.shape_cast %get3A_466 : vector<1x16xf32> to vector<16xf32>
      %swap3A_468 = arith.constant 1008 : index
      %swap3A_469 = tpu.vector_load %arg11[%swap3A_468] {strides = array<i32>} : memref<2176xf32, #tpu.memory_space<vmem>>, vector<16xf32>,
      %swap3A_470 = vector.shape_cast %swap3A_469 : vector<16xf32> to vector<16xf32>
      %swap3A_471 = vector.shape_cast %get3A_467 : vector<16xf32> to vector<16xf32>
      tpu.vector_store %arg11[%swap3A_468], %swap3A_471 {strides = array<i32>} : memref<2176xf32, #tpu.memory_space<vmem>>, vector<16xf32>,
      %get3A_472 = arith.index_cast %add3A_439 : i32 to index
      %get3A_473 = arith.constant 64 : index
      %get3A_474 = tpu.vector_load %arg13[%get3A_472, %get3A_473] {strides = array<i32>} : memref<128x128xf32, #tpu.memory_space<vmem>>, vector<1x16xf32>,
      %get3A_475 = vector.shape_cast %get3A_474 : vector<1x16xf32> to vector<16xf32>
      %swap3A_476 = arith.constant 1024 : index
      %swap3A_477 = tpu.vector_load %arg11[%swap3A_476] {strides = array<i32>} : memref<2176xf32, #tpu.memory_space<vmem>>, vector<16xf32>,
      %swap3A_478 = vector.shape_cast %swap3A_477 : vector<16xf32> to vector<16xf32>
      %swap3A_479 = vector.shape_cast %get3A_475 : vector<16xf32> to vector<16xf32>
      tpu.vector_store %arg11[%swap3A_476], %swap3A_479 {strides = array<i32>} : memref<2176xf32, #tpu.memory_space<vmem>>, vector<16xf32>,
      %get3A_480 = arith.index_cast %add3A_439 : i32 to index
      %get3A_481 = arith.constant 80 : index
      %get3A_482 = tpu.vector_load %arg13[%get3A_480, %get3A_481] {strides = array<i32>} : memref<128x128xf32, #tpu.memory_space<vmem>>, vector<1x16xf32>,
      %get3A_483 = vector.shape_cast %get3A_482 : vector<1x16xf32> to vector<16xf32>
      %swap3A_484 = arith.constant 1040 : index
      %swap3A_485 = tpu.vector_load %arg11[%swap3A_484] {strides = array<i32>} : memref<2176xf32, #tpu.memory_space<vmem>>, vector<16xf32>,
      %swap3A_486 = vector.shape_cast %swap3A_485 : vector<16xf32> to vector<16xf32>
      %swap3A_487 = vector.shape_cast %get3A_483 : vector<16xf32> to vector<16xf32>
      tpu.vector_store %arg11[%swap3A_484], %swap3A_487 {strides = array<i32>} : memref<2176xf32, #tpu.memory_space<vmem>>, vector<16xf32>,
      %get3A_488 = arith.index_cast %add3A_439 : i32 to index
      %get3A_489 = arith.constant 96 : index
      %get3A_490 = tpu.vector_load %arg13[%get3A_488, %get3A_489] {strides = array<i32>} : memref<128x128xf32, #tpu.memory_space<vmem>>, vector<1x16xf32>,
      %get3A_491 = vector.shape_cast %get3A_490 : vector<1x16xf32> to vector<16xf32>
      %swap3A_492 = arith.constant 1056 : index
      %swap3A_493 = tpu.vector_load %arg11[%swap3A_492] {strides = array<i32>} : memref<2176xf32, #tpu.memory_space<vmem>>, vector<16xf32>,
      %swap3A_494 = vector.shape_cast %swap3A_493 : vector<16xf32> to vector<16xf32>
      %swap3A_495 = vector.shape_cast %get3A_491 : vector<16xf32> to vector<16xf32>
      tpu.vector_store %arg11[%swap3A_492], %swap3A_495 {strides = array<i32>} : memref<2176xf32, #tpu.memory_space<vmem>>, vector<16xf32>,
      %get3A_496 = arith.index_cast %add3A_439 : i32 to index
      %get3A_497 = arith.constant 112 : index
      %get3A_498 = tpu.vector_load %arg13[%get3A_496, %get3A_497] {strides = array<i32>} : memref<128x128xf32, #tpu.memory_space<vmem>>, vector<1x16xf32>,
      %get3A_499 = vector.shape_cast %get3A_498 : vector<1x16xf32> to vector<16xf32>
      %swap3A_500 = arith.constant 1072 : index
      %swap3A_501 = tpu.vector_load %arg11[%swap3A_500] {strides = array<i32>} : memref<2176xf32, #tpu.memory_space<vmem>>, vector<16xf32>,
      %swap3A_502 = vector.shape_cast %swap3A_501 : vector<16xf32> to vector<16xf32>
      %swap3A_503 = vector.shape_cast %get3A_499 : vector<16xf32> to vector<16xf32>
      tpu.vector_store %arg11[%swap3A_500], %swap3A_503 {strides = array<i32>} : memref<2176xf32, #tpu.memory_space<vmem>>, vector<16xf32>,
      %scan3A_504 = arith.constant 0 : i32
      %scan3A_505 = arith.constant 0 : i32
      %scan3A_506 = arith.constant 26 : i32
      %scan3A_507 = arith.addi %scan3A_505, %scan3A_506 : i32
      %scan3A_508 = arith.constant 1 : i32
      scf.for %scan3A_657 = %scan3A_505 to %scan3A_507 step %scan3A_508  : i32 {
        %mul3A_658 = arith.constant 20 : i32
        %mul3A_659 = arith.muli %scan3A_657, %mul3A_658 : i32
        %add3A_660 = arith.constant 1040 : i32
        %add3A_661 = arith.addi %add3A_660, %mul3A_659 : i32
        %get3A_662 = arith.index_cast %add3A_661 : i32 to index
        %get3A_663 = arith.constant 0 : index
        %get3A_664 = tpu.vector_load %arg10[%get3A_662, %get3A_663] {strides = array<i32>} : memref<2080x16xf32, #tpu.memory_space<vmem>>, vector<1x16xf32>,
        %get3A_665 = vector.shape_cast %get3A_664 : vector<1x16xf32> to vector<16xf32>
        %add3A_666 = arith.constant 1 : i32
        %add3A_667 = arith.addi %add3A_661, %add3A_666 : i32
        %get3A_668 = arith.index_cast %add3A_667 : i32 to index
        %get3A_669 = arith.constant 0 : index
        %get3A_670 = tpu.vector_load %arg10[%get3A_668, %get3A_669] {strides = array<i32>} : memref<2080x16xf32, #tpu.memory_space<vmem>>, vector<1x16xf32>,
        %get3A_671 = vector.shape_cast %get3A_670 : vector<1x16xf32> to vector<16xf32>
        %add3A_672 = arith.addf %get3A_665, %get3A_671 : vector<16xf32>
        %add3A_673 = arith.constant 2 : i32
        %add3A_674 = arith.addi %add3A_661, %add3A_673 : i32
        %get3A_675 = arith.index_cast %add3A_674 : i32 to index
        %get3A_676 = arith.constant 0 : index
        %get3A_677 = tpu.vector_load %arg10[%get3A_675, %get3A_676] {strides = array<i32>} : memref<2080x16xf32, #tpu.memory_space<vmem>>, vector<1x16xf32>,
        %get3A_678 = vector.shape_cast %get3A_677 : vector<1x16xf32> to vector<16xf32>
        %add3A_679 = arith.addf %add3A_672, %get3A_678 : vector<16xf32>
        %add3A_680 = arith.constant 3 : i32
        %add3A_681 = arith.addi %add3A_661, %add3A_680 : i32
        %get3A_682 = arith.index_cast %add3A_681 : i32 to index
        %get3A_683 = arith.constant 0 : index
        %get3A_684 = tpu.vector_load %arg10[%get3A_682, %get3A_683] {strides = array<i32>} : memref<2080x16xf32, #tpu.memory_space<vmem>>, vector<1x16xf32>,
        %get3A_685 = vector.shape_cast %get3A_684 : vector<1x16xf32> to vector<16xf32>
        %add3A_686 = arith.addf %add3A_679, %get3A_685 : vector<16xf32>
        %add3A_687 = arith.constant 4 : i32
        %add3A_688 = arith.addi %add3A_661, %add3A_687 : i32
        %get3A_689 = arith.index_cast %add3A_688 : i32 to index
        %get3A_690 = arith.constant 0 : index
        %get3A_691 = tpu.vector_load %arg10[%get3A_689, %get3A_690] {strides = array<i32>} : memref<2080x16xf32, #tpu.memory_space<vmem>>, vector<1x16xf32>,
        %get3A_692 = vector.shape_cast %get3A_691 : vector<1x16xf32> to vector<16xf32>
        %add3A_693 = arith.addf %add3A_686, %get3A_692 : vector<16xf32>
        %add3A_694 = arith.constant 5 : i32
        %add3A_695 = arith.addi %add3A_661, %add3A_694 : i32
        %get3A_696 = arith.index_cast %add3A_695 : i32 to index
        %get3A_697 = arith.constant 0 : index
        %get3A_698 = tpu.vector_load %arg10[%get3A_696, %get3A_697] {strides = array<i32>} : memref<2080x16xf32, #tpu.memory_space<vmem>>, vector<1x16xf32>,
        %get3A_699 = vector.shape_cast %get3A_698 : vector<1x16xf32> to vector<16xf32>
        %add3A_700 = arith.addf %add3A_693, %get3A_699 : vector<16xf32>
        %add3A_701 = arith.constant 6 : i32
        %add3A_702 = arith.addi %add3A_661, %add3A_701 : i32
        %get3A_703 = arith.index_cast %add3A_702 : i32 to index
        %get3A_704 = arith.constant 0 : index
        %get3A_705 = tpu.vector_load %arg10[%get3A_703, %get3A_704] {strides = array<i32>} : memref<2080x16xf32, #tpu.memory_space<vmem>>, vector<1x16xf32>,
        %get3A_706 = vector.shape_cast %get3A_705 : vector<1x16xf32> to vector<16xf32>
        %add3A_707 = arith.addf %add3A_700, %get3A_706 : vector<16xf32>
        %add3A_708 = arith.constant 7 : i32
        %add3A_709 = arith.addi %add3A_661, %add3A_708 : i32
        %get3A_710 = arith.index_cast %add3A_709 : i32 to index
        %get3A_711 = arith.constant 0 : index
        %get3A_712 = tpu.vector_load %arg10[%get3A_710, %get3A_711] {strides = array<i32>} : memref<2080x16xf32, #tpu.memory_space<vmem>>, vector<1x16xf32>,
        %get3A_713 = vector.shape_cast %get3A_712 : vector<1x16xf32> to vector<16xf32>
        %add3A_714 = arith.addf %add3A_707, %get3A_713 : vector<16xf32>
        %add3A_715 = arith.constant 8 : i32
        %add3A_716 = arith.addi %add3A_661, %add3A_715 : i32
        %get3A_717 = arith.index_cast %add3A_716 : i32 to index
        %get3A_718 = arith.constant 0 : index
        %get3A_719 = tpu.vector_load %arg10[%get3A_717, %get3A_718] {strides = array<i32>} : memref<2080x16xf32, #tpu.memory_space<vmem>>, vector<1x16xf32>,
        %get3A_720 = vector.shape_cast %get3A_719 : vector<1x16xf32> to vector<16xf32>
        %add3A_721 = arith.addf %add3A_714, %get3A_720 : vector<16xf32>
        %add3A_722 = arith.constant 9 : i32
        %add3A_723 = arith.addi %add3A_661, %add3A_722 : i32
        %get3A_724 = arith.index_cast %add3A_723 : i32 to index
        %get3A_725 = arith.constant 0 : index
        %get3A_726 = tpu.vector_load %arg10[%get3A_724, %get3A_725] {strides = array<i32>} : memref<2080x16xf32, #tpu.memory_space<vmem>>, vector<1x16xf32>,
        %get3A_727 = vector.shape_cast %get3A_726 : vector<1x16xf32> to vector<16xf32>
        %add3A_728 = arith.addf %add3A_721, %get3A_727 : vector<16xf32>
        %add3A_729 = arith.constant 10 : i32
        %add3A_730 = arith.addi %add3A_661, %add3A_729 : i32
        %get3A_731 = arith.index_cast %add3A_730 : i32 to index
        %get3A_732 = arith.constant 0 : index
        %get3A_733 = tpu.vector_load %arg10[%get3A_731, %get3A_732] {strides = array<i32>} : memref<2080x16xf32, #tpu.memory_space<vmem>>, vector<1x16xf32>,
        %get3A_734 = vector.shape_cast %get3A_733 : vector<1x16xf32> to vector<16xf32>
        %add3A_735 = arith.addf %add3A_728, %get3A_734 : vector<16xf32>
        %add3A_736 = arith.constant 11 : i32
        %add3A_737 = arith.addi %add3A_661, %add3A_736 : i32
        %get3A_738 = arith.index_cast %add3A_737 : i32 to index
        %get3A_739 = arith.constant 0 : index
        %get3A_740 = tpu.vector_load %arg10[%get3A_738, %get3A_739] {strides = array<i32>} : memref<2080x16xf32, #tpu.memory_space<vmem>>, vector<1x16xf32>,
        %get3A_741 = vector.shape_cast %get3A_740 : vector<1x16xf32> to vector<16xf32>
        %add3A_742 = arith.addf %add3A_735, %get3A_741 : vector<16xf32>
        %add3A_743 = arith.constant 12 : i32
        %add3A_744 = arith.addi %add3A_661, %add3A_743 : i32
        %get3A_745 = arith.index_cast %add3A_744 : i32 to index
        %get3A_746 = arith.constant 0 : index
        %get3A_747 = tpu.vector_load %arg10[%get3A_745, %get3A_746] {strides = array<i32>} : memref<2080x16xf32, #tpu.memory_space<vmem>>, vector<1x16xf32>,
        %get3A_748 = vector.shape_cast %get3A_747 : vector<1x16xf32> to vector<16xf32>
        %add3A_749 = arith.addf %add3A_742, %get3A_748 : vector<16xf32>
        %add3A_750 = arith.constant 13 : i32
        %add3A_751 = arith.addi %add3A_661, %add3A_750 : i32
        %get3A_752 = arith.index_cast %add3A_751 : i32 to index
        %get3A_753 = arith.constant 0 : index
        %get3A_754 = tpu.vector_load %arg10[%get3A_752, %get3A_753] {strides = array<i32>} : memref<2080x16xf32, #tpu.memory_space<vmem>>, vector<1x16xf32>,
        %get3A_755 = vector.shape_cast %get3A_754 : vector<1x16xf32> to vector<16xf32>
        %add3A_756 = arith.addf %add3A_749, %get3A_755 : vector<16xf32>
        %add3A_757 = arith.constant 14 : i32
        %add3A_758 = arith.addi %add3A_661, %add3A_757 : i32
        %get3A_759 = arith.index_cast %add3A_758 : i32 to index
        %get3A_760 = arith.constant 0 : index
        %get3A_761 = tpu.vector_load %arg10[%get3A_759, %get3A_760] {strides = array<i32>} : memref<2080x16xf32, #tpu.memory_space<vmem>>, vector<1x16xf32>,
        %get3A_762 = vector.shape_cast %get3A_761 : vector<1x16xf32> to vector<16xf32>
        %add3A_763 = arith.addf %add3A_756, %get3A_762 : vector<16xf32>
        %add3A_764 = arith.constant 15 : i32
        %add3A_765 = arith.addi %add3A_661, %add3A_764 : i32
        %get3A_766 = arith.index_cast %add3A_765 : i32 to index
        %get3A_767 = arith.constant 0 : index
        %get3A_768 = tpu.vector_load %arg10[%get3A_766, %get3A_767] {strides = array<i32>} : memref<2080x16xf32, #tpu.memory_space<vmem>>, vector<1x16xf32>,
        %get3A_769 = vector.shape_cast %get3A_768 : vector<1x16xf32> to vector<16xf32>
        %add3A_770 = arith.addf %add3A_763, %get3A_769 : vector<16xf32>
        %add3A_771 = arith.constant 16 : i32
        %add3A_772 = arith.addi %add3A_661, %add3A_771 : i32
        %get3A_773 = arith.index_cast %add3A_772 : i32 to index
        %get3A_774 = arith.constant 0 : index
        %get3A_775 = tpu.vector_load %arg10[%get3A_773, %get3A_774] {strides = array<i32>} : memref<2080x16xf32, #tpu.memory_space<vmem>>, vector<1x16xf32>,
        %get3A_776 = vector.shape_cast %get3A_775 : vector<1x16xf32> to vector<16xf32>
        %add3A_777 = arith.addf %add3A_770, %get3A_776 : vector<16xf32>
        %add3A_778 = arith.constant 17 : i32
        %add3A_779 = arith.addi %add3A_661, %add3A_778 : i32
        %get3A_780 = arith.index_cast %add3A_779 : i32 to index
        %get3A_781 = arith.constant 0 : index
        %get3A_782 = tpu.vector_load %arg10[%get3A_780, %get3A_781] {strides = array<i32>} : memref<2080x16xf32, #tpu.memory_space<vmem>>, vector<1x16xf32>,
        %get3A_783 = vector.shape_cast %get3A_782 : vector<1x16xf32> to vector<16xf32>
        %add3A_784 = arith.addf %add3A_777, %get3A_783 : vector<16xf32>
        %add3A_785 = arith.constant 18 : i32
        %add3A_786 = arith.addi %add3A_661, %add3A_785 : i32
        %get3A_787 = arith.index_cast %add3A_786 : i32 to index
        %get3A_788 = arith.constant 0 : index
        %get3A_789 = tpu.vector_load %arg10[%get3A_787, %get3A_788] {strides = array<i32>} : memref<2080x16xf32, #tpu.memory_space<vmem>>, vector<1x16xf32>,
        %get3A_790 = vector.shape_cast %get3A_789 : vector<1x16xf32> to vector<16xf32>
        %add3A_791 = arith.addf %add3A_784, %get3A_790 : vector<16xf32>
        %add3A_792 = arith.constant 19 : i32
        %add3A_793 = arith.addi %add3A_661, %add3A_792 : i32
        %get3A_794 = arith.index_cast %add3A_793 : i32 to index
        %get3A_795 = arith.constant 0 : index
        %get3A_796 = tpu.vector_load %arg10[%get3A_794, %get3A_795] {strides = array<i32>} : memref<2080x16xf32, #tpu.memory_space<vmem>>, vector<1x16xf32>,
        %get3A_797 = vector.shape_cast %get3A_796 : vector<1x16xf32> to vector<16xf32>
        %add3A_798 = arith.addf %add3A_791, %get3A_797 : vector<16xf32>
        %mul3A_799 = arith.constant 16 : i32
        %mul3A_800 = arith.muli %scan3A_657, %mul3A_799 : i32
        %add3A_801 = arith.constant 1088 : i32
        %add3A_802 = arith.addi %add3A_801, %mul3A_800 : i32
        %swap3A_803 = arith.index_cast %add3A_802 : i32 to index
        %swap3A_804 = tpu.vector_load %arg11[%swap3A_803] {strides = array<i32>} : memref<2176xf32, #tpu.memory_space<vmem>>, vector<16xf32>,
        %swap3A_805 = vector.shape_cast %swap3A_804 : vector<16xf32> to vector<16xf32>
        %swap3A_806 = vector.shape_cast %add3A_798 : vector<16xf32> to vector<16xf32>
        tpu.vector_store %arg11[%swap3A_803], %swap3A_806 {strides = array<i32>} : memref<2176xf32, #tpu.memory_space<vmem>>, vector<16xf32>,
      }
      %scan3A_509 = arith.constant 26 : i32
      %mul3A_510 = arith.constant 4 : i32
      %mul3A_511 = arith.muli %add3A_355, %mul3A_510 : i32
      %add3A_512 = arith.constant 2 : i32
      %add3A_513 = arith.addi %mul3A_511, %add3A_512 : i32
      %get3A_514 = arith.index_cast %add3A_513 : i32 to index
      %get3A_515 = arith.constant 0 : index
      %get3A_516 = tpu.vector_load %arg13[%get3A_514, %get3A_515] {strides = array<i32>} : memref<128x128xf32, #tpu.memory_space<vmem>>, vector<1x16xf32>,
      %get3A_517 = vector.shape_cast %get3A_516 : vector<1x16xf32> to vector<16xf32>
      %swap3A_518 = arith.constant 1504 : index
      %swap3A_519 = tpu.vector_load %arg11[%swap3A_518] {strides = array<i32>} : memref<2176xf32, #tpu.memory_space<vmem>>, vector<16xf32>,
      %swap3A_520 = vector.shape_cast %swap3A_519 : vector<16xf32> to vector<16xf32>
      %swap3A_521 = vector.shape_cast %get3A_517 : vector<16xf32> to vector<16xf32>
      tpu.vector_store %arg11[%swap3A_518], %swap3A_521 {strides = array<i32>} : memref<2176xf32, #tpu.memory_space<vmem>>, vector<16xf32>,
      %get3A_522 = arith.index_cast %add3A_513 : i32 to index
      %get3A_523 = arith.constant 16 : index
      %get3A_524 = tpu.vector_load %arg13[%get3A_522, %get3A_523] {strides = array<i32>} : memref<128x128xf32, #tpu.memory_space<vmem>>, vector<1x16xf32>,
      %get3A_525 = vector.shape_cast %get3A_524 : vector<1x16xf32> to vector<16xf32>
      %swap3A_526 = arith.constant 1520 : index
      %swap3A_527 = tpu.vector_load %arg11[%swap3A_526] {strides = array<i32>} : memref<2176xf32, #tpu.memory_space<vmem>>, vector<16xf32>,
      %swap3A_528 = vector.shape_cast %swap3A_527 : vector<16xf32> to vector<16xf32>
      %swap3A_529 = vector.shape_cast %get3A_525 : vector<16xf32> to vector<16xf32>
      tpu.vector_store %arg11[%swap3A_526], %swap3A_529 {strides = array<i32>} : memref<2176xf32, #tpu.memory_space<vmem>>, vector<16xf32>,
      %get3A_530 = arith.index_cast %add3A_513 : i32 to index
      %get3A_531 = arith.constant 32 : index
      %get3A_532 = tpu.vector_load %arg13[%get3A_530, %get3A_531] {strides = array<i32>} : memref<128x128xf32, #tpu.memory_space<vmem>>, vector<1x16xf32>,
      %get3A_533 = vector.shape_cast %get3A_532 : vector<1x16xf32> to vector<16xf32>
      %swap3A_534 = arith.constant 1536 : index
      %swap3A_535 = tpu.vector_load %arg11[%swap3A_534] {strides = array<i32>} : memref<2176xf32, #tpu.memory_space<vmem>>, vector<16xf32>,
      %swap3A_536 = vector.shape_cast %swap3A_535 : vector<16xf32> to vector<16xf32>
      %swap3A_537 = vector.shape_cast %get3A_533 : vector<16xf32> to vector<16xf32>
      tpu.vector_store %arg11[%swap3A_534], %swap3A_537 {strides = array<i32>} : memref<2176xf32, #tpu.memory_space<vmem>>, vector<16xf32>,
      %get3A_538 = arith.index_cast %add3A_513 : i32 to index
      %get3A_539 = arith.constant 48 : index
      %get3A_540 = tpu.vector_load %arg13[%get3A_538, %get3A_539] {strides = array<i32>} : memref<128x128xf32, #tpu.memory_space<vmem>>, vector<1x16xf32>,
      %get3A_541 = vector.shape_cast %get3A_540 : vector<1x16xf32> to vector<16xf32>
      %swap3A_542 = arith.constant 1552 : index
      %swap3A_543 = tpu.vector_load %arg11[%swap3A_542] {strides = array<i32>} : memref<2176xf32, #tpu.memory_space<vmem>>, vector<16xf32>,
      %swap3A_544 = vector.shape_cast %swap3A_543 : vector<16xf32> to vector<16xf32>
      %swap3A_545 = vector.shape_cast %get3A_541 : vector<16xf32> to vector<16xf32>
      tpu.vector_store %arg11[%swap3A_542], %swap3A_545 {strides = array<i32>} : memref<2176xf32, #tpu.memory_space<vmem>>, vector<16xf32>,
      %get3A_546 = arith.index_cast %add3A_513 : i32 to index
      %get3A_547 = arith.constant 64 : index
      %get3A_548 = tpu.vector_load %arg13[%get3A_546, %get3A_547] {strides = array<i32>} : memref<128x128xf32, #tpu.memory_space<vmem>>, vector<1x16xf32>,
      %get3A_549 = vector.shape_cast %get3A_548 : vector<1x16xf32> to vector<16xf32>
      %swap3A_550 = arith.constant 1568 : index
      %swap3A_551 = tpu.vector_load %arg11[%swap3A_550] {strides = array<i32>} : memref<2176xf32, #tpu.memory_space<vmem>>, vector<16xf32>,
      %swap3A_552 = vector.shape_cast %swap3A_551 : vector<16xf32> to vector<16xf32>
      %swap3A_553 = vector.shape_cast %get3A_549 : vector<16xf32> to vector<16xf32>
      tpu.vector_store %arg11[%swap3A_550], %swap3A_553 {strides = array<i32>} : memref<2176xf32, #tpu.memory_space<vmem>>, vector<16xf32>,
      %get3A_554 = arith.index_cast %add3A_513 : i32 to index
      %get3A_555 = arith.constant 80 : index
      %get3A_556 = tpu.vector_load %arg13[%get3A_554, %get3A_555] {strides = array<i32>} : memref<128x128xf32, #tpu.memory_space<vmem>>, vector<1x16xf32>,
      %get3A_557 = vector.shape_cast %get3A_556 : vector<1x16xf32> to vector<16xf32>
      %swap3A_558 = arith.constant 1584 : index
      %swap3A_559 = tpu.vector_load %arg11[%swap3A_558] {strides = array<i32>} : memref<2176xf32, #tpu.memory_space<vmem>>, vector<16xf32>,
      %swap3A_560 = vector.shape_cast %swap3A_559 : vector<16xf32> to vector<16xf32>
      %swap3A_561 = vector.shape_cast %get3A_557 : vector<16xf32> to vector<16xf32>
      tpu.vector_store %arg11[%swap3A_558], %swap3A_561 {strides = array<i32>} : memref<2176xf32, #tpu.memory_space<vmem>>, vector<16xf32>,
      %get3A_562 = arith.index_cast %add3A_513 : i32 to index
      %get3A_563 = arith.constant 96 : index
      %get3A_564 = tpu.vector_load %arg13[%get3A_562, %get3A_563] {strides = array<i32>} : memref<128x128xf32, #tpu.memory_space<vmem>>, vector<1x16xf32>,
      %get3A_565 = vector.shape_cast %get3A_564 : vector<1x16xf32> to vector<16xf32>
      %swap3A_566 = arith.constant 1600 : index
      %swap3A_567 = tpu.vector_load %arg11[%swap3A_566] {strides = array<i32>} : memref<2176xf32, #tpu.memory_space<vmem>>, vector<16xf32>,
      %swap3A_568 = vector.shape_cast %swap3A_567 : vector<16xf32> to vector<16xf32>
      %swap3A_569 = vector.shape_cast %get3A_565 : vector<16xf32> to vector<16xf32>
      tpu.vector_store %arg11[%swap3A_566], %swap3A_569 {strides = array<i32>} : memref<2176xf32, #tpu.memory_space<vmem>>, vector<16xf32>,
      %get3A_570 = arith.index_cast %add3A_513 : i32 to index
      %get3A_571 = arith.constant 112 : index
      %get3A_572 = tpu.vector_load %arg13[%get3A_570, %get3A_571] {strides = array<i32>} : memref<128x128xf32, #tpu.memory_space<vmem>>, vector<1x16xf32>,
      %get3A_573 = vector.shape_cast %get3A_572 : vector<1x16xf32> to vector<16xf32>
      %swap3A_574 = arith.constant 1616 : index
      %swap3A_575 = tpu.vector_load %arg11[%swap3A_574] {strides = array<i32>} : memref<2176xf32, #tpu.memory_space<vmem>>, vector<16xf32>,
      %swap3A_576 = vector.shape_cast %swap3A_575 : vector<16xf32> to vector<16xf32>
      %swap3A_577 = vector.shape_cast %get3A_573 : vector<16xf32> to vector<16xf32>
      tpu.vector_store %arg11[%swap3A_574], %swap3A_577 {strides = array<i32>} : memref<2176xf32, #tpu.memory_space<vmem>>, vector<16xf32>,
      %scan3A_578 = arith.constant 0 : i32
      %scan3A_579 = arith.constant 0 : i32
      %scan3A_580 = arith.constant 26 : i32
      %scan3A_581 = arith.addi %scan3A_579, %scan3A_580 : i32
      %scan3A_582 = arith.constant 1 : i32
      scf.for %scan3A_657 = %scan3A_579 to %scan3A_581 step %scan3A_582  : i32 {
        %mul3A_658 = arith.constant 20 : i32
        %mul3A_659 = arith.muli %scan3A_657, %mul3A_658 : i32
        %add3A_660 = arith.constant 1560 : i32
        %add3A_661 = arith.addi %add3A_660, %mul3A_659 : i32
        %get3A_662 = arith.index_cast %add3A_661 : i32 to index
        %get3A_663 = arith.constant 0 : index
        %get3A_664 = tpu.vector_load %arg10[%get3A_662, %get3A_663] {strides = array<i32>} : memref<2080x16xf32, #tpu.memory_space<vmem>>, vector<1x16xf32>,
        %get3A_665 = vector.shape_cast %get3A_664 : vector<1x16xf32> to vector<16xf32>
        %add3A_666 = arith.constant 1 : i32
        %add3A_667 = arith.addi %add3A_661, %add3A_666 : i32
        %get3A_668 = arith.index_cast %add3A_667 : i32 to index
        %get3A_669 = arith.constant 0 : index
        %get3A_670 = tpu.vector_load %arg10[%get3A_668, %get3A_669] {strides = array<i32>} : memref<2080x16xf32, #tpu.memory_space<vmem>>, vector<1x16xf32>,
        %get3A_671 = vector.shape_cast %get3A_670 : vector<1x16xf32> to vector<16xf32>
        %add3A_672 = arith.addf %get3A_665, %get3A_671 : vector<16xf32>
        %add3A_673 = arith.constant 2 : i32
        %add3A_674 = arith.addi %add3A_661, %add3A_673 : i32
        %get3A_675 = arith.index_cast %add3A_674 : i32 to index
        %get3A_676 = arith.constant 0 : index
        %get3A_677 = tpu.vector_load %arg10[%get3A_675, %get3A_676] {strides = array<i32>} : memref<2080x16xf32, #tpu.memory_space<vmem>>, vector<1x16xf32>,
        %get3A_678 = vector.shape_cast %get3A_677 : vector<1x16xf32> to vector<16xf32>
        %add3A_679 = arith.addf %add3A_672, %get3A_678 : vector<16xf32>
        %add3A_680 = arith.constant 3 : i32
        %add3A_681 = arith.addi %add3A_661, %add3A_680 : i32
        %get3A_682 = arith.index_cast %add3A_681 : i32 to index
        %get3A_683 = arith.constant 0 : index
        %get3A_684 = tpu.vector_load %arg10[%get3A_682, %get3A_683] {strides = array<i32>} : memref<2080x16xf32, #tpu.memory_space<vmem>>, vector<1x16xf32>,
        %get3A_685 = vector.shape_cast %get3A_684 : vector<1x16xf32> to vector<16xf32>
        %add3A_686 = arith.addf %add3A_679, %get3A_685 : vector<16xf32>
        %add3A_687 = arith.constant 4 : i32
        %add3A_688 = arith.addi %add3A_661, %add3A_687 : i32
        %get3A_689 = arith.index_cast %add3A_688 : i32 to index
        %get3A_690 = arith.constant 0 : index
        %get3A_691 = tpu.vector_load %arg10[%get3A_689, %get3A_690] {strides = array<i32>} : memref<2080x16xf32, #tpu.memory_space<vmem>>, vector<1x16xf32>,
        %get3A_692 = vector.shape_cast %get3A_691 : vector<1x16xf32> to vector<16xf32>
        %add3A_693 = arith.addf %add3A_686, %get3A_692 : vector<16xf32>
        %add3A_694 = arith.constant 5 : i32
        %add3A_695 = arith.addi %add3A_661, %add3A_694 : i32
        %get3A_696 = arith.index_cast %add3A_695 : i32 to index
        %get3A_697 = arith.constant 0 : index
        %get3A_698 = tpu.vector_load %arg10[%get3A_696, %get3A_697] {strides = array<i32>} : memref<2080x16xf32, #tpu.memory_space<vmem>>, vector<1x16xf32>,
        %get3A_699 = vector.shape_cast %get3A_698 : vector<1x16xf32> to vector<16xf32>
        %add3A_700 = arith.addf %add3A_693, %get3A_699 : vector<16xf32>
        %add3A_701 = arith.constant 6 : i32
        %add3A_702 = arith.addi %add3A_661, %add3A_701 : i32
        %get3A_703 = arith.index_cast %add3A_702 : i32 to index
        %get3A_704 = arith.constant 0 : index
        %get3A_705 = tpu.vector_load %arg10[%get3A_703, %get3A_704] {strides = array<i32>} : memref<2080x16xf32, #tpu.memory_space<vmem>>, vector<1x16xf32>,
        %get3A_706 = vector.shape_cast %get3A_705 : vector<1x16xf32> to vector<16xf32>
        %add3A_707 = arith.addf %add3A_700, %get3A_706 : vector<16xf32>
        %add3A_708 = arith.constant 7 : i32
        %add3A_709 = arith.addi %add3A_661, %add3A_708 : i32
        %get3A_710 = arith.index_cast %add3A_709 : i32 to index
        %get3A_711 = arith.constant 0 : index
        %get3A_712 = tpu.vector_load %arg10[%get3A_710, %get3A_711] {strides = array<i32>} : memref<2080x16xf32, #tpu.memory_space<vmem>>, vector<1x16xf32>,
        %get3A_713 = vector.shape_cast %get3A_712 : vector<1x16xf32> to vector<16xf32>
        %add3A_714 = arith.addf %add3A_707, %get3A_713 : vector<16xf32>
        %add3A_715 = arith.constant 8 : i32
        %add3A_716 = arith.addi %add3A_661, %add3A_715 : i32
        %get3A_717 = arith.index_cast %add3A_716 : i32 to index
        %get3A_718 = arith.constant 0 : index
        %get3A_719 = tpu.vector_load %arg10[%get3A_717, %get3A_718] {strides = array<i32>} : memref<2080x16xf32, #tpu.memory_space<vmem>>, vector<1x16xf32>,
        %get3A_720 = vector.shape_cast %get3A_719 : vector<1x16xf32> to vector<16xf32>
        %add3A_721 = arith.addf %add3A_714, %get3A_720 : vector<16xf32>
        %add3A_722 = arith.constant 9 : i32
        %add3A_723 = arith.addi %add3A_661, %add3A_722 : i32
        %get3A_724 = arith.index_cast %add3A_723 : i32 to index
        %get3A_725 = arith.constant 0 : index
        %get3A_726 = tpu.vector_load %arg10[%get3A_724, %get3A_725] {strides = array<i32>} : memref<2080x16xf32, #tpu.memory_space<vmem>>, vector<1x16xf32>,
        %get3A_727 = vector.shape_cast %get3A_726 : vector<1x16xf32> to vector<16xf32>
        %add3A_728 = arith.addf %add3A_721, %get3A_727 : vector<16xf32>
        %add3A_729 = arith.constant 10 : i32
        %add3A_730 = arith.addi %add3A_661, %add3A_729 : i32
        %get3A_731 = arith.index_cast %add3A_730 : i32 to index
        %get3A_732 = arith.constant 0 : index
        %get3A_733 = tpu.vector_load %arg10[%get3A_731, %get3A_732] {strides = array<i32>} : memref<2080x16xf32, #tpu.memory_space<vmem>>, vector<1x16xf32>,
        %get3A_734 = vector.shape_cast %get3A_733 : vector<1x16xf32> to vector<16xf32>
        %add3A_735 = arith.addf %add3A_728, %get3A_734 : vector<16xf32>
        %add3A_736 = arith.constant 11 : i32
        %add3A_737 = arith.addi %add3A_661, %add3A_736 : i32
        %get3A_738 = arith.index_cast %add3A_737 : i32 to index
        %get3A_739 = arith.constant 0 : index
        %get3A_740 = tpu.vector_load %arg10[%get3A_738, %get3A_739] {strides = array<i32>} : memref<2080x16xf32, #tpu.memory_space<vmem>>, vector<1x16xf32>,
        %get3A_741 = vector.shape_cast %get3A_740 : vector<1x16xf32> to vector<16xf32>
        %add3A_742 = arith.addf %add3A_735, %get3A_741 : vector<16xf32>
        %add3A_743 = arith.constant 12 : i32
        %add3A_744 = arith.addi %add3A_661, %add3A_743 : i32
        %get3A_745 = arith.index_cast %add3A_744 : i32 to index
        %get3A_746 = arith.constant 0 : index
        %get3A_747 = tpu.vector_load %arg10[%get3A_745, %get3A_746] {strides = array<i32>} : memref<2080x16xf32, #tpu.memory_space<vmem>>, vector<1x16xf32>,
        %get3A_748 = vector.shape_cast %get3A_747 : vector<1x16xf32> to vector<16xf32>
        %add3A_749 = arith.addf %add3A_742, %get3A_748 : vector<16xf32>
        %add3A_750 = arith.constant 13 : i32
        %add3A_751 = arith.addi %add3A_661, %add3A_750 : i32
        %get3A_752 = arith.index_cast %add3A_751 : i32 to index
        %get3A_753 = arith.constant 0 : index
        %get3A_754 = tpu.vector_load %arg10[%get3A_752, %get3A_753] {strides = array<i32>} : memref<2080x16xf32, #tpu.memory_space<vmem>>, vector<1x16xf32>,
        %get3A_755 = vector.shape_cast %get3A_754 : vector<1x16xf32> to vector<16xf32>
        %add3A_756 = arith.addf %add3A_749, %get3A_755 : vector<16xf32>
        %add3A_757 = arith.constant 14 : i32
        %add3A_758 = arith.addi %add3A_661, %add3A_757 : i32
        %get3A_759 = arith.index_cast %add3A_758 : i32 to index
        %get3A_760 = arith.constant 0 : index
        %get3A_761 = tpu.vector_load %arg10[%get3A_759, %get3A_760] {strides = array<i32>} : memref<2080x16xf32, #tpu.memory_space<vmem>>, vector<1x16xf32>,
        %get3A_762 = vector.shape_cast %get3A_761 : vector<1x16xf32> to vector<16xf32>
        %add3A_763 = arith.addf %add3A_756, %get3A_762 : vector<16xf32>
        %add3A_764 = arith.constant 15 : i32
        %add3A_765 = arith.addi %add3A_661, %add3A_764 : i32
        %get3A_766 = arith.index_cast %add3A_765 : i32 to index
        %get3A_767 = arith.constant 0 : index
        %get3A_768 = tpu.vector_load %arg10[%get3A_766, %get3A_767] {strides = array<i32>} : memref<2080x16xf32, #tpu.memory_space<vmem>>, vector<1x16xf32>,
        %get3A_769 = vector.shape_cast %get3A_768 : vector<1x16xf32> to vector<16xf32>
        %add3A_770 = arith.addf %add3A_763, %get3A_769 : vector<16xf32>
        %add3A_771 = arith.constant 16 : i32
        %add3A_772 = arith.addi %add3A_661, %add3A_771 : i32
        %get3A_773 = arith.index_cast %add3A_772 : i32 to index
        %get3A_774 = arith.constant 0 : index
        %get3A_775 = tpu.vector_load %arg10[%get3A_773, %get3A_774] {strides = array<i32>} : memref<2080x16xf32, #tpu.memory_space<vmem>>, vector<1x16xf32>,
        %get3A_776 = vector.shape_cast %get3A_775 : vector<1x16xf32> to vector<16xf32>
        %add3A_777 = arith.addf %add3A_770, %get3A_776 : vector<16xf32>
        %add3A_778 = arith.constant 17 : i32
        %add3A_779 = arith.addi %add3A_661, %add3A_778 : i32
        %get3A_780 = arith.index_cast %add3A_779 : i32 to index
        %get3A_781 = arith.constant 0 : index
        %get3A_782 = tpu.vector_load %arg10[%get3A_780, %get3A_781] {strides = array<i32>} : memref<2080x16xf32, #tpu.memory_space<vmem>>, vector<1x16xf32>,
        %get3A_783 = vector.shape_cast %get3A_782 : vector<1x16xf32> to vector<16xf32>
        %add3A_784 = arith.addf %add3A_777, %get3A_783 : vector<16xf32>
        %add3A_785 = arith.constant 18 : i32
        %add3A_786 = arith.addi %add3A_661, %add3A_785 : i32
        %get3A_787 = arith.index_cast %add3A_786 : i32 to index
        %get3A_788 = arith.constant 0 : index
        %get3A_789 = tpu.vector_load %arg10[%get3A_787, %get3A_788] {strides = array<i32>} : memref<2080x16xf32, #tpu.memory_space<vmem>>, vector<1x16xf32>,
        %get3A_790 = vector.shape_cast %get3A_789 : vector<1x16xf32> to vector<16xf32>
        %add3A_791 = arith.addf %add3A_784, %get3A_790 : vector<16xf32>
        %add3A_792 = arith.constant 19 : i32
        %add3A_793 = arith.addi %add3A_661, %add3A_792 : i32
        %get3A_794 = arith.index_cast %add3A_793 : i32 to index
        %get3A_795 = arith.constant 0 : index
        %get3A_796 = tpu.vector_load %arg10[%get3A_794, %get3A_795] {strides = array<i32>} : memref<2080x16xf32, #tpu.memory_space<vmem>>, vector<1x16xf32>,
        %get3A_797 = vector.shape_cast %get3A_796 : vector<1x16xf32> to vector<16xf32>
        %add3A_798 = arith.addf %add3A_791, %get3A_797 : vector<16xf32>
        %mul3A_799 = arith.constant 16 : i32
        %mul3A_800 = arith.muli %scan3A_657, %mul3A_799 : i32
        %add3A_801 = arith.constant 1632 : i32
        %add3A_802 = arith.addi %add3A_801, %mul3A_800 : i32
        %swap3A_803 = arith.index_cast %add3A_802 : i32 to index
        %swap3A_804 = tpu.vector_load %arg11[%swap3A_803] {strides = array<i32>} : memref<2176xf32, #tpu.memory_space<vmem>>, vector<16xf32>,
        %swap3A_805 = vector.shape_cast %swap3A_804 : vector<16xf32> to vector<16xf32>
        %swap3A_806 = vector.shape_cast %add3A_798 : vector<16xf32> to vector<16xf32>
        tpu.vector_store %arg11[%swap3A_803], %swap3A_806 {strides = array<i32>} : memref<2176xf32, #tpu.memory_space<vmem>>, vector<16xf32>,
      }
      %scan3A_583 = arith.constant 26 : i32
      %mul3A_584 = arith.constant 4 : i32
      %mul3A_585 = arith.muli %add3A_355, %mul3A_584 : i32
      %add3A_586 = arith.constant 3 : i32
      %add3A_587 = arith.addi %mul3A_585, %add3A_586 : i32
      %get3A_588 = arith.index_cast %add3A_587 : i32 to index
      %get3A_589 = arith.constant 0 : index
      %get3A_590 = tpu.vector_load %arg13[%get3A_588, %get3A_589] {strides = array<i32>} : memref<128x128xf32, #tpu.memory_space<vmem>>, vector<1x16xf32>,
      %get3A_591 = vector.shape_cast %get3A_590 : vector<1x16xf32> to vector<16xf32>
      %swap3A_592 = arith.constant 2048 : index
      %swap3A_593 = tpu.vector_load %arg11[%swap3A_592] {strides = array<i32>} : memref<2176xf32, #tpu.memory_space<vmem>>, vector<16xf32>,
      %swap3A_594 = vector.shape_cast %swap3A_593 : vector<16xf32> to vector<16xf32>
      %swap3A_595 = vector.shape_cast %get3A_591 : vector<16xf32> to vector<16xf32>
      tpu.vector_store %arg11[%swap3A_592], %swap3A_595 {strides = array<i32>} : memref<2176xf32, #tpu.memory_space<vmem>>, vector<16xf32>,
      %get3A_596 = arith.index_cast %add3A_587 : i32 to index
      %get3A_597 = arith.constant 16 : index
      %get3A_598 = tpu.vector_load %arg13[%get3A_596, %get3A_597] {strides = array<i32>} : memref<128x128xf32, #tpu.memory_space<vmem>>, vector<1x16xf32>,
      %get3A_599 = vector.shape_cast %get3A_598 : vector<1x16xf32> to vector<16xf32>
      %swap3A_600 = arith.constant 2064 : index
      %swap3A_601 = tpu.vector_load %arg11[%swap3A_600] {strides = array<i32>} : memref<2176xf32, #tpu.memory_space<vmem>>, vector<16xf32>,
      %swap3A_602 = vector.shape_cast %swap3A_601 : vector<16xf32> to vector<16xf32>
      %swap3A_603 = vector.shape_cast %get3A_599 : vector<16xf32> to vector<16xf32>
      tpu.vector_store %arg11[%swap3A_600], %swap3A_603 {strides = array<i32>} : memref<2176xf32, #tpu.memory_space<vmem>>, vector<16xf32>,
      %get3A_604 = arith.index_cast %add3A_587 : i32 to index
      %get3A_605 = arith.constant 32 : index
      %get3A_606 = tpu.vector_load %arg13[%get3A_604, %get3A_605] {strides = array<i32>} : memref<128x128xf32, #tpu.memory_space<vmem>>, vector<1x16xf32>,
      %get3A_607 = vector.shape_cast %get3A_606 : vector<1x16xf32> to vector<16xf32>
      %swap3A_608 = arith.constant 2080 : index
      %swap3A_609 = tpu.vector_load %arg11[%swap3A_608] {strides = array<i32>} : memref<2176xf32, #tpu.memory_space<vmem>>, vector<16xf32>,
      %swap3A_610 = vector.shape_cast %swap3A_609 : vector<16xf32> to vector<16xf32>
      %swap3A_611 = vector.shape_cast %get3A_607 : vector<16xf32> to vector<16xf32>
      tpu.vector_store %arg11[%swap3A_608], %swap3A_611 {strides = array<i32>} : memref<2176xf32, #tpu.memory_space<vmem>>, vector<16xf32>,
      %get3A_612 = arith.index_cast %add3A_587 : i32 to index
      %get3A_613 = arith.constant 48 : index
      %get3A_614 = tpu.vector_load %arg13[%get3A_612, %get3A_613] {strides = array<i32>} : memref<128x128xf32, #tpu.memory_space<vmem>>, vector<1x16xf32>,
      %get3A_615 = vector.shape_cast %get3A_614 : vector<1x16xf32> to vector<16xf32>
      %swap3A_616 = arith.constant 2096 : index
      %swap3A_617 = tpu.vector_load %arg11[%swap3A_616] {strides = array<i32>} : memref<2176xf32, #tpu.memory_space<vmem>>, vector<16xf32>,
      %swap3A_618 = vector.shape_cast %swap3A_617 : vector<16xf32> to vector<16xf32>
      %swap3A_619 = vector.shape_cast %get3A_615 : vector<16xf32> to vector<16xf32>
      tpu.vector_store %arg11[%swap3A_616], %swap3A_619 {strides = array<i32>} : memref<2176xf32, #tpu.memory_space<vmem>>, vector<16xf32>,
      %get3A_620 = arith.index_cast %add3A_587 : i32 to index
      %get3A_621 = arith.constant 64 : index
      %get3A_622 = tpu.vector_load %arg13[%get3A_620, %get3A_621] {strides = array<i32>} : memref<128x128xf32, #tpu.memory_space<vmem>>, vector<1x16xf32>,
      %get3A_623 = vector.shape_cast %get3A_622 : vector<1x16xf32> to vector<16xf32>
      %swap3A_624 = arith.constant 2112 : index
      %swap3A_625 = tpu.vector_load %arg11[%swap3A_624] {strides = array<i32>} : memref<2176xf32, #tpu.memory_space<vmem>>, vector<16xf32>,
      %swap3A_626 = vector.shape_cast %swap3A_625 : vector<16xf32> to vector<16xf32>
      %swap3A_627 = vector.shape_cast %get3A_623 : vector<16xf32> to vector<16xf32>
      tpu.vector_store %arg11[%swap3A_624], %swap3A_627 {strides = array<i32>} : memref<2176xf32, #tpu.memory_space<vmem>>, vector<16xf32>,
      %get3A_628 = arith.index_cast %add3A_587 : i32 to index
      %get3A_629 = arith.constant 80 : index
      %get3A_630 = tpu.vector_load %arg13[%get3A_628, %get3A_629] {strides = array<i32>} : memref<128x128xf32, #tpu.memory_space<vmem>>, vector<1x16xf32>,
      %get3A_631 = vector.shape_cast %get3A_630 : vector<1x16xf32> to vector<16xf32>
      %swap3A_632 = arith.constant 2128 : index
      %swap3A_633 = tpu.vector_load %arg11[%swap3A_632] {strides = array<i32>} : memref<2176xf32, #tpu.memory_space<vmem>>, vector<16xf32>,
      %swap3A_634 = vector.shape_cast %swap3A_633 : vector<16xf32> to vector<16xf32>
      %swap3A_635 = vector.shape_cast %get3A_631 : vector<16xf32> to vector<16xf32>
      tpu.vector_store %arg11[%swap3A_632], %swap3A_635 {strides = array<i32>} : memref<2176xf32, #tpu.memory_space<vmem>>, vector<16xf32>,
      %get3A_636 = arith.index_cast %add3A_587 : i32 to index
      %get3A_637 = arith.constant 96 : index
      %get3A_638 = tpu.vector_load %arg13[%get3A_636, %get3A_637] {strides = array<i32>} : memref<128x128xf32, #tpu.memory_space<vmem>>, vector<1x16xf32>,
      %get3A_639 = vector.shape_cast %get3A_638 : vector<1x16xf32> to vector<16xf32>
      %swap3A_640 = arith.constant 2144 : index
      %swap3A_641 = tpu.vector_load %arg11[%swap3A_640] {strides = array<i32>} : memref<2176xf32, #tpu.memory_space<vmem>>, vector<16xf32>,
      %swap3A_642 = vector.shape_cast %swap3A_641 : vector<16xf32> to vector<16xf32>
      %swap3A_643 = vector.shape_cast %get3A_639 : vector<16xf32> to vector<16xf32>
      tpu.vector_store %arg11[%swap3A_640], %swap3A_643 {strides = array<i32>} : memref<2176xf32, #tpu.memory_space<vmem>>, vector<16xf32>,
      %get3A_644 = arith.index_cast %add3A_587 : i32 to index
      %get3A_645 = arith.constant 112 : index
      %get3A_646 = tpu.vector_load %arg13[%get3A_644, %get3A_645] {strides = array<i32>} : memref<128x128xf32, #tpu.memory_space<vmem>>, vector<1x16xf32>,
      %get3A_647 = vector.shape_cast %get3A_646 : vector<1x16xf32> to vector<16xf32>
      %swap3A_648 = arith.constant 2160 : index
      %swap3A_649 = tpu.vector_load %arg11[%swap3A_648] {strides = array<i32>} : memref<2176xf32, #tpu.memory_space<vmem>>, vector<16xf32>,
      %swap3A_650 = vector.shape_cast %swap3A_649 : vector<16xf32> to vector<16xf32>
      %swap3A_651 = vector.shape_cast %get3A_647 : vector<16xf32> to vector<16xf32>
      tpu.vector_store %arg11[%swap3A_648], %swap3A_651 {strides = array<i32>} : memref<2176xf32, #tpu.memory_space<vmem>>, vector<16xf32>,
      %mul3A_652 = arith.constant 4 : i32
      %mul3A_653 = arith.muli %add3A_355, %mul3A_652 : i32
      %add3A_654 = arith.addi %mul3A_2, %mul3A_653 : i32
      %mul3A_655 = arith.constant 544 : i32
      %mul3A_656 = arith.muli %add3A_654, %mul3A_655 : i32
      "tpu.region"() ({
        %run_scoped3A = tpu.sem_alloc : memref<!tpu.dma_semaphore, #tpu.memory_space<semaphore_mem>>
        %dma_start3A_657 = tpu.memref_slice %arg6[%mul3A_656] : memref<2228224xf32, #tpu.memory_space<hbm>> -> memref<2176xf32, #tpu.memory_space<hbm>>
        %dma_start3A_658 = tpu.memref_slice %arg6[%mul3A_656] : memref<2228224xf32, #tpu.memory_space<hbm>> -> memref<2176xf32, #tpu.memory_space<hbm>>
        tpu.enqueue_dma source(%arg11 : memref<2176xf32, #tpu.memory_space<vmem>>) target(%dma_start3A_658 : memref<2176xf32, #tpu.memory_space<hbm>>) target_semaphore(%run_scoped3A : memref<!tpu.dma_semaphore, #tpu.memory_space<semaphore_mem>>)
        %dma_wait3A_659 = tpu.memref_slice %arg6[%mul3A_656] : memref<2228224xf32, #tpu.memory_space<hbm>> -> memref<2176xf32, #tpu.memory_space<hbm>>
        %dma_wait3A_660 = tpu.memref_slice %arg6[%mul3A_656] : memref<2228224xf32, #tpu.memory_space<hbm>> -> memref<2176xf32, #tpu.memory_space<hbm>>
        tpu.wait_dma2 semaphore(%run_scoped3A : memref<!tpu.dma_semaphore, #tpu.memory_space<semaphore_mem>>) src(%arg11 : memref<2176xf32, #tpu.memory_space<vmem>>) dst(%dma_wait3A_660 : memref<2176xf32, #tpu.memory_space<hbm>>)
        tpu.yield
      }) : () -> ()
    }
    %scan3A_28 = arith.constant 16 : i32
    return
  }
}

</mosaic_0001>

<sc_bundles>
// kernel: kernel.4.cloned.1.call-start
scs
__scs_entry_jumppad:
0x0: {  	(pc) =	sbr.rel $0x88, $3  }
0x1: {  	(tag) =	ssettag $0x0;
	lr =	simm.s32 $0x1  }
0x2: {  	[smem:$0x3F9D] =	sst lr;
	_ =	strace $0xD0000000  }
0x3: {  	_ = 	snop  }
0x4: {  	_ = 	snop  }
0x5: {  	_ = 	snop  }
0x6: {  	_ = 	snop  }
0x7: {  	_ = 	snop  }
__scs_overlays_trampoline_lowered:
0x8: {  	[smem:$0x3FAC] =	sst s0  }
0x9: {  	[smem:$0x3FAD] =	sst s1  }
0xa: {  	[smem:$0x3FAE] =	sst s2  }
0xb: {  	[smem:$0x3FAF] =	sst s3  }
0xc: {  	[smem:$0x3FB0] =	sst s4  }
0xd: {  	[smem:$0x3FB1] =	sst s5  }
0xe: {  	[smem:$0x3FB2] =	sst s6  }
0xf: {  	[smem:$0x3FB3] =	sst s7  }
0x10: {  	[smem:$0x3FB4] =	sst s8  }
0x11: {  	[smem:$0x3FB5] =	sst s9;
	s0 =	simm.s32 @!p0 $0x0  }
0x12: {  	s1 =	sld [smem:$0x3F9B];
	s0 =	simm.s32 @p0 $0x1  }
0x13: {  	[smem:$0x3FB6] =	sst s0;
	s0 =	simm.s32 @!p1 $0x0  }
0x14: {  	s2 =	sld [smem:$0x3F9A];
	s0 =	simm.s32 @p1 $0x1  }
0x15: {  	[smem:$0x3FB7] =	sst s0;
	s0 =	simm.s32 @!p2 $0x0  }
0x16: {  	s3 =	sld [smem:$0x3FDB];
	s0 =	simm.s32 @p2 $0x1  }
0x17: {  	s4 =	simm.s32 $0x1BF5;
	[smem:$0x3FB9] =	sst s0  }
0x18: {  	s0 =	sld [smem:$0x3F9C];
	_ =	swait.ge [sflag:s4], $0x0  }
0x19: {  	s7 =	sld [smem:$0x3F9D]  }
0x1a: {  	s8 =	sadd.s32 $0xFFFFE003, lr  }
0x1b: {  	s9 =	sadd.s32 $0xFFFFFEF7, lr;
	s5 =	simm.s32 $0xFFFFFFFF;
	p2 =	slt.u32 s8, $0xFFFFF086  }
0x1c: {  	p1 =	slt.u32 s9, $0xF7A;
	s5 =	simm.s32 @!p2 $0x0  }
0x1d: {  	s5 =	simm.s32 @p1 $0x1;
	p0 =	seq.s32 s7, s2  }
0x1e: {  	s7 =	smul.u32 @!p0 $0xF7A, s2;
	p2 =	seq.s32 @!p0 s5, $0x0  }
0x1f: {  	s9 =	smul.u32 $0xF7A, s1;
	s8 =	simm.s32 @!p0 $0x1BF5;
	p2 =	por !p2, p0  }
0x20: {  	[sflag:s8] =	ssyncset.s32 @!p0 $0xFFFFF086;
	s6 =	sadd.s32 @!p0 s3, s7;
	s7 =	simm.s32 @!p0 $0x108  }
0x21: {  	s3 =	sadd.s32 s3, s9;
	s6 =	sadd.s32 @!p0 $0x88, s6;
	s7 =	simm.s32 @p2 $0x1082  }
0x22: {  	[simem:s7], [sflag:s8] =	dma.local @!p0 [hbm:s6], $0xF7A  }
0x23: {  	s9 =	sor.u32 $0xD0000000, s2;
	s6 =	simm.s32 $0x108;
	_ =	swait.ge @!p0 [sflag:s8], $0x0  }
0x24: {  	s3 =	sadd.s32 $0x88, s3;
	s6 =	simm.s32 @!p1 $0x1082;
	[sflag:s4] =	ssyncset.s32 $0xFFFFF086  }
0x25: {  	[simem:s6], [sflag:s4] =	dma.local [hbm:s3], $0xF7A  }
0x26: {  	[smem:$0x3F9D] =	sst s1;
	(tag) =	ssettag s2;
	_ =	strace s9  }
0x27: {  	s1 =	sld [smem:$0x3FAD]  }
0x28: {  	s2 =	sld [smem:$0x3FAE]  }
0x29: {  	s4 =	sld [smem:$0x3FB0]  }
0x2a: {  	p0 =	seq.s32 s5, $0x0;
	s5 =	sld [smem:$0x3FB1]  }
0x2b: {  	s6 =	sld [smem:$0x3FB2]  }
0x2c: {  	s7 =	sld [smem:$0x3FB3]  }
0x2d: {  	s3 =	simm.s32 $0x108;
	s8 =	sld [smem:$0x3FB4]  }
0x2e: {  	s3 =	simm.s32 @!p0 $0x1082;
	s9 =	sld [smem:$0x3FB5]  }
0x2f: {  	lr =	sadd.s32 s0, s3;
	s0 =	sld [smem:$0x3FAC]  }
0x30: {  	s3 =	sld [smem:$0x3FAF]  }
0x31: {  	[smem:$0x3FB8] =	sst s10  }
0x32: {  	s10 =	sld [smem:$0x3FB6];
	_ =	sdelay $0x3  }
0x33: {  	p0 =	seq.s32 s10, $0x1;
	s10 =	sld [smem:$0x3FB8];
	_ =	sdelay $0x3  }
0x34: {  	[smem:$0x3FB8] =	sst s10  }
0x35: {  	s10 =	sld [smem:$0x3FB7];
	_ =	sdelay $0x3  }
0x36: {  	p1 =	seq.s32 s10, $0x1;
	s10 =	sld [smem:$0x3FB8];
	_ =	sdelay $0x3  }
0x37: {  	[smem:$0x3FB8] =	sst s10  }
0x38: {  	s10 =	sld [smem:$0x3FB9]  }
0x39: {  	_ = 	snop;
	(pc) =	sbr.ind lr, $3  }
0x3a: {  	_ = 	snop  }
0x3b: {  	_ = 	snop  }
0x3c: {  	p2 =	seq.s32 s10, $0x1;
	s10 =	sld [smem:$0x3FB8]  }
0x3d: {  	_ =	shalt  }
0x3e: {  	_ =	shalt  }
0x3f: {  	_ =	shalt  }
0x40: {  	_ =	shalt  }
0x41: {  	_ =	shalt  }
0x42: {  	_ =	shalt  }
0x43: {  	_ =	shalt  }
0x44: {  	_ =	shalt  }
0x45: {  	_ =	shalt  }
0x46: {  	_ =	shalt  }
0x47: {  	_ =	shalt  }
0x48: {  	_ =	shalt  }
0x49: {  	_ =	shalt  }
0x4a: {  	_ =	shalt  }
0x4b: {  	_ =	shalt  }
0x4c: {  	_ =	shalt  }
0x4d: {  	_ =	shalt  }
0x4e: {  	_ =	shalt  }
0x4f: {  	_ =	shalt  }
0x50: {  	_ =	shalt  }
0x51: {  	_ =	shalt  }
0x52: {  	_ =	shalt  }
0x53: {  	_ =	shalt  }
0x54: {  	_ =	shalt  }
0x55: {  	_ =	shalt  }
0x56: {  	_ =	shalt  }
0x57: {  	_ =	shalt  }
0x58: {  	_ =	shalt  }
0x59: {  	_ =	shalt  }
0x5a: {  	_ =	shalt  }
0x5b: {  	_ =	shalt  }
0x5c: {  	_ =	shalt  }
0x5d: {  	_ =	shalt  }
0x5e: {  	_ =	shalt  }
0x5f: {  	_ =	shalt  }
0x60: {  	_ =	shalt  }
0x61: {  	_ =	shalt  }
0x62: {  	_ =	shalt  }
0x63: {  	_ =	shalt  }
0x64: {  	_ =	shalt  }
0x65: {  	_ =	shalt  }
0x66: {  	_ =	shalt  }
0x67: {  	_ =	shalt  }
0x68: {  	_ =	shalt  }
0x69: {  	_ =	shalt  }
0x6a: {  	_ =	shalt  }
0x6b: {  	_ =	shalt  }
0x6c: {  	_ =	shalt  }
0x6d: {  	_ =	shalt  }
0x6e: {  	_ =	shalt  }
0x6f: {  	_ =	shalt  }
0x70: {  	_ =	shalt  }
0x71: {  	_ =	shalt  }
0x72: {  	_ =	shalt  }
0x73: {  	_ =	shalt  }
0x74: {  	_ =	shalt  }
0x75: {  	_ =	shalt  }
0x76: {  	_ =	shalt  }
0x77: {  	_ =	shalt  }
0x78: {  	_ =	shalt  }
0x79: {  	_ =	shalt  }
0x7a: {  	_ =	shalt  }
0x7b: {  	_ =	shalt  }
0x7c: {  	_ =	shalt  }
0x7d: {  	_ =	shalt  }
0x7e: {  	_ =	shalt  }
0x7f: {  	_ =	shalt  }
0x80: {  	_ =	shalt  }
0x81: {  	_ =	shalt  }
0x82: {  	_ =	shalt  }
0x83: {  	_ =	shalt  }
0x84: {  	_ =	shalt  }
0x85: {  	_ =	shalt  }
0x86: {  	_ =	shalt  }
0x87: {  	_ =	shalt  }
.Lfunc_end0:
.L_simem_size_0:
called_computation_lowered:
.L_overlay_start_0:
0x88: {  	s2 =	sld [smem:$0x3FD9]  }
0x89: {  	s3 =	sld [smem:$0x3FFE];
	_ =	sdelay $0x1  }
0x8a: {  	s1 =	srdreg.scid  }
0x8b: {  	s0 =	sand.u32 $0x1, s1  }
0x8c: {  	s17 =	sshll.u32 s0, $0xA;
	s2 =	sadd.s32 s3, s2  }
0x8d: {  	s2 =	sadd.s32 s2, s17  }
0x8e: {  	[smem:$0x3FC4] =	sst s2  }
0x8f: {  	_ = 	snop  }
0x90: {  	s2 =	sld [smem:$0x3FC7]  }
0x91: {  	s18 =	sld [smem:$0x3FD0];
	(tm) =	ssettm $0x1  }
0x92: {  	s4 =	sld [smem:$0x3FFB];
	_ =	sdelay $0x3  }
0x93: {  	_ =	strace s4  }
0x94: {  	s4 =	sld [smem:$0x3FFC];
	_ =	sdelay $0x3  }
0x95: {  	_ =	strace s4  }
0x96: {  	s4 =	sld [smem:$0x3FFD];
	_ =	sdelay $0x3  }
0x97: {  	_ =	strace s4  }
0x98: {  	_ =	strace $0x8FFFFFFF  }
0x99: {  	s19 =	sld [smem:$0x3FDB];
	_ =	sdelay $0x1  }
0x9a: {  	s5 =	simm.s32 $_scs_section_size  }
0x9b: {  	s6 =	simm.s32 $_size__tile_overlayer_lowered;
	s7 =	simm.s32 $_tile_overlayer_lowered  }
0x9c: {  	s22 =	simm.s32 $0x1BFF;
	s21 =	sshll.u32 s7, $0x1;
	s4 =	sadd.s32 s5, s19  }
0x9d: {  	s8 =	simm.s32 $0x0;
	s20 =	sshll.u32 s6, $0x1;
	s6 =	sadd.s32 s21, s4  }
0x9e: {  	[timem:s8], [sflag:s22] =	dma.local [hbm:s6], s20  }
0x9f: {  	_ =	swait.ge [sflag:s22], s20  }
0xa0: {  	s5 =	ssub.s32 $0x0, s20;
	[sflag:s22] =	ssyncset.done $0x0  }
0xa1: {  	[sflag:s22] =	ssyncadd.s32 s5;
	_ =	sdelay $0x1  }
0xa2: {  	s23 =	simm.s32 $0x1B8B  }
0xa3: {  	_ =	swait.ge [sflag:s23], $0x1  }
0xa4: {  	[sflag:s23] =	ssyncset.done $0x0  }
0xa5: {  	s25 =	simm.s32 $0x1B8E;
	s24 =	sld [smem:$0x3FFE];
	[sflag:s23] =	ssyncadd.s32 $0xFFFFFFFF  }
0xa6: {  	s26 =	simm.s32 $execute0_lowered;
	[smem:$0x3FD2] =	sst s25  }
0xa7: {  	s6 =	sshll.u32 s26, $0x1;
	_ =	strace $0x80000046;
	[dreg:$0x1] =	wrdreg $0xFFFFFFFF  }
0xa8: {  	s28 =	simm.s32 $_size_execute0_lowered;
	s4 =	sadd.s32 s4, s6;
	[dreg:$0x0] =	wrdreg $0x0  }
0xa9: {  	s6 =	sshll.u32 s28, $0x1;
	[dreg:$0x2] =	wrdreg s4  }
0xaa: {  	[dreg:$0x3] =	wrdreg s6  }
0xab: {  	[dreg:$0x4] =	wrdreg $0xC0  }
0xac: {  	_ =	task [dreg:s8], $0x5FFFF  }
0xad: {  	[dreg:$0x1] =	wrdreg $0xFFFFFFFF  }
0xae: {  	[dreg:$0x0] =	wrdreg $0x60  }
0xaf: {  	[dreg:$0x2] =	wrdreg s2  }
0xb0: {  	[dreg:$0x3] =	wrdreg s18  }
0xb1: {  	[dreg:$0x4] =	wrdreg s24  }
0xb2: {  	[dreg:$0x5] =	wrdreg $0x9  }
0xb3: {  	_ =	task.clear_ibuf [dreg:s8], $0x6FFFF;
	_ =	strace $0x90000046  }
0xb4: {  	s29 =	simm.s32 $0x9;
	_ =	strace $0x80000048  }
0xb5: {  	_ =	swait.ge [sflag:s29], $0x1  }
0xb6: {  	[sflag:s29] =	ssyncadd.s32 $0xFFFFFFFF  }
0xb7: {  	_ =	strace $0x90000048  }
0xb8: {  	_ =	sfence  }
0xb9: {  	s30 =	sld [smem:$0x0];
	_ =	sdelay $0x2  }
0xba: {  	s31 =	sshll.u32 s1, $0xD;
	s1 =	sshrl.u32 s1, $0x2  }
0xbb: {  	s3 =	sand.u32 $0x4000, s31;
	s1 =	sadd.s32 s1, s30  }
0xbc: {  	s0 =	sor.u32 s3, s0;
	s1 =	sshll.u32 s1, $0x11  }
0xbd: {  	s0 =	sor.u32 s1, s0  }
0xbe: {  	s0 =	sadd.s32 $0x8F2B, s0  }
0xbf: {  	[sflag:s0] =	ssyncadd.remote.s32 $0x1  }
0xc0: {  	_ =	sfence.sel $0xFFFF  }
0xc1: {  	[dreg:$0x0] =	wrdreg $0xFFFFFFFF;
	(pc) =	sbr.abs _section_cstart, $3  }
0xc2: {  	[dreg:$0x1] =	wrdreg $0xFFFFFFFF  }
0xc3: {  	_ =	task.clear_ibuf [dreg:s8], $0x2FFFF;
	_ =	strace $0x9FFFFFFF  }
0xc4: {  	(tm) =	ssettm $0x7FFFFFFF  }
0xc5: {  	_ =	shalt  }
tec
execute0_lowered:
.L_overlay_start_1:
0x0: {  	(tag) =	ssettag $0x1  }
0x1: {  	s1 =	rddreg [dreg:$0x0];
	s0 =	srdreg.scid  }
0x2: {  	s10 =	stileid.u32;
	s2 =	rddreg [dreg:$0x2]  }
0x3: {  	s4 =	simm.s32 $0x0;
	s18 =	simm.s32 $0x2000;
	s19 =	simm.s32 $0x4000  }
0x4: {  	s20 =	simm.s32 $0x6000;
	s21 =	simm.s32 $0x1;
	s22 =	simm.s32 $0x8000  }
0x5: {  	s23 =	simm.s32 $0x2;
	s24 =	simm.s32 $0xC000;
	s28 =	simm.s32 $0x5  }
0x6: {  	s29 =	simm.s32 $0x0;
	s0 =	sand.u32 $0x1, s0;
	s3 =	sshll.u32 s10, $0x1  }
0x7: {  	[smem:$0x7FF] =	sst s4;
	s5 =	sadd.s32 $0xA00, s2;
	s26 =	sadd.s32 $0x1E8E00, s2  }
0x8: {  	s30 =	sadd.s32 $0xF4000, s1;
	_ =	strace $0x80000047;
	[dreg:$0x5] =	wrdreg s26  }
0x9: {  	s31 =	sadd.s32 $0x1E8280, s1;
	s2 =	sadd.s32 $0x1E8A00, s2;
	[dreg:$0x6] =	wrdreg s30  }
0xa: {  	p0 =	sgt.u32 s10, $0x7;
	s3 =	sor.u32 s0, s3;
	[dreg:$0x7] =	wrdreg s31  }
0xb: {  	s0 =	ssub.s32 $0x2, s0;
	[dreg:$0x8] =	wrdreg s2;
	s26 =	simm.s32 $0x4  }
0xc: {  	s6 =	smul.u32 $0x3C000, s3;
	s7 =	sshrl.u32 s0, $0x1;
	s9 =	sshll.u32 s3, $0xA  }
0xd: {  	p1 =	seq.s32 s3, $0x11;
	p2 =	sne.s32 s3, $0x10;
	s0 =	ssub.s32 s0, s7  }
.Ltmp0:
0xe: {  	s12 =	sor.u32 $0xF0000, s9;
	s11 =	sadd.s32 s9, s1;
	(pc) =	sbr.rel .LBB2_1-.Ltmp0, $4  }
0xf: {  	s9 =	sadd.s32 $0xF4280, s1;
	s25 =	sshrl.u32 s6, $0x3;
	s6 =	smul.u32 $0x1E, s3  }
0x10: {  	s13 =	sadd.s32 s1, s12;
	s11 =	sadd.s32 $0x1E4280, s11;
	s12 =	sshll.u32 s12, $0x1  }
0x11: {  	v0 =	vlaneseq.u32;
	s17 =	smax.u32 s0, $0x1;
	s7 =	sadd.s32 s1, s25;
	[dreg:$0x4] =	wrdreg s13  }
0x12: {  	v0 =	vmul.u32 $0x10, v0;
	s14 =	sadd.s32 s5, s12;
	s25 =	simm.s32 $0x3;
	s8 =	sadd.s32 $0xF4280, s7  }
.LBB2_16:
0x13: {  	s0 =	rddreg [dreg:$0x1]  }
0x14: {  	[tilespmem:s22], [sflag:$0x5] =	stream.linear.gather [hbm4b:s0+s4], $0x400, $0x38;
	[tilespmem:$0x10000] =	vst v63  }
0x15: {  	_ =	swait.ge [sflag:s28], $0x400  }
0x16: {  	[sflag:s28] =	ssyncset.done $0x0  }
0x17: {  	s31 =	rddreg [dreg:$0x5];
	[sflag:s28] =	ssyncadd.s32 $0xFFFFFC00  }
0x18: {  	[hbm4b:s31+s4] =	stream.linear.scatter [tilespmem:s22], [sflag:$0x5], $0x400, $0x38;
	[tilespmem:$0x10000] =	vst v63  }
0x19: {  	_ =	swait.ge [sflag:s28], $0x400  }
0x1a: {  	[sflag:s28] =	ssyncset.done $0x0  }
0x1b: {  	[sflag:s28] =	ssyncadd.s32 $0xFFFFFC00  }
.LBB2_17:
0x1c: {  	s29 =	sadd.s32 $0x1, s29  }
0x1d: {  	p3 =	sne.s32 s29, s17  }
.Ltmp1:
0x1e: {  	_ = 	snop;
	(pc) =	sbr.rel @!p3 .LBB2_18-.Ltmp1, $1  }
0x1f: {  	_ =	sdelay $0x3  }
.LBB2_1:
0x20: {  	[tilespmem:s4], [sflag:$0x1] =	stream.linear.gather [hbm4b:s7+s4], $0x2000, $0x38;
	[tilespmem:$0x10000] =	vst v63  }
0x21: {  	s30 =	simm.s32 $0x0  }
0x22: {  	[tilespmem:s18], [sflag:$0x1] =	stream.linear.gather [hbm4b:s8+s4], $0x2000, $0x38;
	[tilespmem:$0x10000] =	vst v63  }
.LBB2_2:
0x23: {  	s0 =	sshll.u32 s30, $0x1  }
0x24: {  	s2 =	sadd.s32 s6, s0  }
0x25: {  	s31 =	sor.u32 $0x1, s2  }
0x26: {  	s10 =	sshll.u32 s31, $0xA  }
0x27: {  	s3 =	sadd.s32 s1, s10  }
0x28: {  	[tilespmem:s19], [sflag:$0x2] =	stream.linear.gather [hbm4b:s3+s4], $0x2000, $0x38;
	[tilespmem:$0x10000] =	vst v63  }
0x29: {  	s0 =	sadd.s32 s10, s9  }
0x2a: {  	[tilespmem:s20], [sflag:$0x2] =	stream.linear.gather [hbm4b:s0+s4], $0x2000, $0x38;
	[tilespmem:$0x10000] =	vst v63  }
0x2b: {  	_ =	swait.ge [sflag:s21], $0x2000  }
0x2c: {  	[sflag:s21] =	ssyncset.done $0x0  }
0x2d: {  	[sflag:s21] =	ssyncadd.s32 $0xFFFFE000  }
0x2e: {  	_ =	swait.ge [sflag:s21], $0x2000  }
0x2f: {  	p3 =	seq.s32 s30, $0x0;
	[sflag:s21] =	ssyncset.done $0x0  }
0x30: {  	s0 =	simm.s32 @!p3 $0x3;
	[sflag:s21] =	ssyncadd.s32 $0xFFFFE000  }
0x31: {  	s3 =	simm.s32 $0x0;
	_ =	swait.ge @!p3 [sflag:s0], $0x4000  }
0x32: {  	s12 =	sand.u32 $0x70, s3;
	s13 =	sand.u32 $0x1C00, s3;
	[sflag:s0] =	ssyncset.done @!p3 $0x0  }
0x33: {  	s13 =	sor.u32 s12, s13;
	s12 =	simm.s32 $0x0;
	[sflag:s0] =	ssyncadd.s32 @!p3 $0xFFFFC000  }
0x34: {  	v2 =	vor.u32 s12, v0;
	v1 =	vld [tilespmem:s13+$0x0];
	_ =	sdelay $0x4  }
0x35: {  	s15 =	simm.s32 $0x1;
	[tilespmem:v2+s22+$0x0] =	vst.idx.msk $0xffff, v1  }
0x36: {  	v2 =	vor.u32 s15, v0;
	v1 =	vld [tilespmem:s13+$0x80];
	_ =	sdelay $0x4  }
0x37: {  	s16 =	simm.s32 $0x2;
	[tilespmem:v2+s22+$0x0] =	vst.idx.msk $0xffff, v1  }
0x38: {  	v2 =	vor.u32 s16, v0;
	v1 =	vld [tilespmem:s13+$0x100];
	_ =	sdelay $0x4  }
0x39: {  	s10 =	simm.s32 $0x3;
	[tilespmem:v2+s22+$0x0] =	vst.idx.msk $0xffff, v1  }
0x3a: {  	v2 =	vor.u32 s10, v0;
	v1 =	vld [tilespmem:s13+$0x180];
	_ =	sdelay $0x4  }
0x3b: {  	s12 =	simm.s32 $0x4;
	[tilespmem:v2+s22+$0x0] =	vst.idx.msk $0xffff, v1  }
0x3c: {  	v2 =	vor.u32 s12, v0;
	v1 =	vld [tilespmem:s13+$0x200];
	_ =	sdelay $0x4  }
0x3d: {  	s15 =	simm.s32 $0x5;
	[tilespmem:v2+s22+$0x0] =	vst.idx.msk $0xffff, v1  }
0x3e: {  	v2 =	vor.u32 s15, v0;
	v1 =	vld [tilespmem:s13+$0x280];
	_ =	sdelay $0x4  }
0x3f: {  	s16 =	simm.s32 $0x6;
	[tilespmem:v2+s22+$0x0] =	vst.idx.msk $0xffff, v1  }
0x40: {  	v2 =	vor.u32 s16, v0;
	v1 =	vld [tilespmem:s13+$0x300];
	_ =	sdelay $0x3  }
0x41: {  	s10 =	sor.u32 s3, s3  }
0x42: {  	s0 =	sor.u32 $0x380, s10;
	s12 =	simm.s32 $0x7;
	[tilespmem:v2+s22+$0x0] =	vst.idx.msk $0xffff, v1  }
0x43: {  	v2 =	vor.u32 s12, v0;
	v1 =	vld [tilespmem:s0+$0x0];
	_ =	sdelay $0x4  }
0x44: {  	s15 =	simm.s32 $0x8;
	[tilespmem:v2+s22+$0x0] =	vst.idx.msk $0xffff, v1  }
0x45: {  	v2 =	vor.u32 s15, v0;
	v1 =	vld [tilespmem:s13+$0x2000];
	_ =	sdelay $0x4  }
0x46: {  	s16 =	simm.s32 $0x9;
	[tilespmem:v2+s22+$0x0] =	vst.idx.msk $0xffff, v1  }
0x47: {  	v2 =	vor.u32 s16, v0;
	v1 =	vld [tilespmem:s13+$0x2080];
	_ =	sdelay $0x4  }
0x48: {  	s3 =	simm.s32 $0xA;
	[tilespmem:v2+s22+$0x0] =	vst.idx.msk $0xffff, v1  }
0x49: {  	v2 =	vor.u32 s3, v0;
	v1 =	vld [tilespmem:s13+$0x2100];
	_ =	sdelay $0x4  }
0x4a: {  	s10 =	simm.s32 $0xB;
	[tilespmem:v2+s22+$0x0] =	vst.idx.msk $0xffff, v1  }
0x4b: {  	v2 =	vor.u32 s10, v0;
	v1 =	vld [tilespmem:s13+$0x2180];
	_ =	sdelay $0x4  }
0x4c: {  	s12 =	simm.s32 $0xC;
	[tilespmem:v2+s22+$0x0] =	vst.idx.msk $0xffff, v1  }
0x4d: {  	v2 =	vor.u32 s12, v0;
	v1 =	vld [tilespmem:s13+$0x2200];
	_ =	sdelay $0x4  }
0x4e: {  	s15 =	simm.s32 $0xD;
	[tilespmem:v2+s22+$0x0] =	vst.idx.msk $0xffff, v1  }
0x4f: {  	v2 =	vor.u32 s15, v0;
	v1 =	vld [tilespmem:s13+$0x2280];
	_ =	sdelay $0x4  }
0x50: {  	s16 =	simm.s32 $0xE;
	[tilespmem:v2+s22+$0x0] =	vst.idx.msk $0xffff, v1  }
0x51: {  	v2 =	vor.u32 s16, v0;
	v1 =	vld [tilespmem:s13+$0x2300];
	_ =	sdelay $0x4  }
0x52: {  	s15 =	simm.s32 $0xF;
	[tilespmem:v2+s22+$0x0] =	vst.idx.msk $0xffff, v1  }
0x53: {  	v2 =	vor.u32 s15, v0;
	v1 =	vld [tilespmem:s13+$0x2380];
	_ =	sdelay $0x2  }
0x54: {  	s0 =	simm.s32 $0x10F;
	s3 =	simm.s32 $0x80;
	s12 =	simm.s32 $0x10  }
0x55: {  	s16 =	sand.u32 $0x1C00, s3;
	s15 =	sand.u32 $0x70, s12;
	s13 =	simm.s32 $0x20F  }
.LBB2_3:
0x56: {  	p4 =	sne.s32 s13, $0x3F0F;
	s15 =	sor.u32 s15, s16;
	s16 =	sadd.s32 $0xFFFFFFF1, s0;
	[tilespmem:v2+s22+$0x0] =	vst.idx.msk $0xffff, v1  }
0x57: {  	v1 =	vld [tilespmem:s15+$0x0];
	v2 =	vor.u32 s16, v0;
	_ =	sdelay $0x4  }
0x58: {  	s16 =	sadd.s32 $0xFFFFFFF2, s0;
	[tilespmem:v2+s22+$0x0] =	vst.idx.msk $0xffff, v1  }
0x59: {  	v2 =	vor.u32 s16, v0;
	v1 =	vld [tilespmem:s15+$0x80];
	_ =	sdelay $0x4  }
0x5a: {  	s16 =	sadd.s32 $0xFFFFFFF3, s0;
	[tilespmem:v2+s22+$0x0] =	vst.idx.msk $0xffff, v1  }
0x5b: {  	v2 =	vor.u32 s16, v0;
	v1 =	vld [tilespmem:s15+$0x100];
	_ =	sdelay $0x4  }
0x5c: {  	s16 =	sadd.s32 $0xFFFFFFF4, s0;
	[tilespmem:v2+s22+$0x0] =	vst.idx.msk $0xffff, v1  }
0x5d: {  	v2 =	vor.u32 s16, v0;
	v1 =	vld [tilespmem:s15+$0x180];
	_ =	sdelay $0x4  }
0x5e: {  	s16 =	sadd.s32 $0xFFFFFFF5, s0;
	[tilespmem:v2+s22+$0x0] =	vst.idx.msk $0xffff, v1  }
0x5f: {  	v2 =	vor.u32 s16, v0;
	v1 =	vld [tilespmem:s15+$0x200];
	_ =	sdelay $0x4  }
0x60: {  	s16 =	sadd.s32 $0xFFFFFFF6, s0;
	[tilespmem:v2+s22+$0x0] =	vst.idx.msk $0xffff, v1  }
0x61: {  	v2 =	vor.u32 s16, v0;
	v1 =	vld [tilespmem:s15+$0x280];
	_ =	sdelay $0x4  }
0x62: {  	s16 =	sadd.s32 $0xFFFFFFF7, s0;
	[tilespmem:v2+s22+$0x0] =	vst.idx.msk $0xffff, v1  }
0x63: {  	v2 =	vor.u32 s16, v0;
	v1 =	vld [tilespmem:s15+$0x300];
	_ =	sdelay $0x3  }
0x64: {  	s16 =	sor.u32 s3, s12  }
0x65: {  	s10 =	sadd.s32 $0xFFFFFFF8, s0;
	s16 =	sor.u32 $0x380, s16;
	[tilespmem:v2+s22+$0x0] =	vst.idx.msk $0xffff, v1  }
0x66: {  	v2 =	vor.u32 s10, v0;
	v1 =	vld [tilespmem:s16+$0x0];
	_ =	sdelay $0x4  }
0x67: {  	s10 =	sadd.s32 $0xFFFFFFF9, s0;
	[tilespmem:v2+s22+$0x0] =	vst.idx.msk $0xffff, v1  }
0x68: {  	v2 =	vor.u32 s10, v0;
	v1 =	vld [tilespmem:s15+$0x2000];
	_ =	sdelay $0x4  }
0x69: {  	s10 =	sadd.s32 $0xFFFFFFFA, s0;
	[tilespmem:v2+s22+$0x0] =	vst.idx.msk $0xffff, v1  }
0x6a: {  	v2 =	vor.u32 s10, v0;
	v1 =	vld [tilespmem:s15+$0x2080];
	_ =	sdelay $0x4  }
0x6b: {  	s10 =	sadd.s32 $0xFFFFFFFB, s0;
	[tilespmem:v2+s22+$0x0] =	vst.idx.msk $0xffff, v1  }
0x6c: {  	v2 =	vor.u32 s10, v0;
	v1 =	vld [tilespmem:s15+$0x2100];
	_ =	sdelay $0x4  }
0x6d: {  	s10 =	sadd.s32 $0xFFFFFFFC, s0;
	[tilespmem:v2+s22+$0x0] =	vst.idx.msk $0xffff, v1  }
0x6e: {  	v2 =	vor.u32 s10, v0;
	v1 =	vld [tilespmem:s15+$0x2180];
	_ =	sdelay $0x4  }
0x6f: {  	s10 =	sadd.s32 $0xFFFFFFFD, s0;
	[tilespmem:v2+s22+$0x0] =	vst.idx.msk $0xffff, v1  }
0x70: {  	v2 =	vor.u32 s10, v0;
	v1 =	vld [tilespmem:s15+$0x2200];
	_ =	sdelay $0x4  }
0x71: {  	s10 =	sadd.s32 $0xFFFFFFFE, s0;
	[tilespmem:v2+s22+$0x0] =	vst.idx.msk $0xffff, v1  }
0x72: {  	v2 =	vor.u32 s10, v0;
	v1 =	vld [tilespmem:s15+$0x2280];
	_ =	sdelay $0x4  }
0x73: {  	s10 =	sadd.s32 $0xFFFFFFFF, s0;
	[tilespmem:v2+s22+$0x0] =	vst.idx.msk $0xffff, v1  }
0x74: {  	v2 =	vor.u32 s10, v0;
	v1 =	vld [tilespmem:s15+$0x2300];
	_ =	sdelay $0x4  }
0x75: {  	[tilespmem:v2+s22+$0x0] =	vst.idx.msk $0xffff, v1  }
.Ltmp2:
0x76: {  	v2 =	vor.u32 s0, v0;
	s0 =	smov.u32 s13;
	v1 =	vld [tilespmem:s15+$0x2380];
	(pc) =	sbr.rel @p4 .LBB2_3-.Ltmp2, $3  }
0x77: {  	_ =	sdelay $0x1  }
0x78: {  	s3 =	sadd.s32 $0x80, s3;
	s12 =	sadd.s32 $0x10, s12  }
0x79: {  	s16 =	sand.u32 $0x1C00, s3;
	s13 =	sadd.s32 $0x100, s13;
	s15 =	sand.u32 $0x70, s12  }
0x7a: {  	_ =	sdelay $0x3  }
0x7b: {  	s13 =	sor.u32 s15, s16;
	s10 =	sadd.s32 $0xFFFFFFF1, s0;
	[tilespmem:v2+s22+$0x0] =	vst.idx.msk $0xffff, v1  }
0x7c: {  	v1 =	vld [tilespmem:s13+$0x0];
	v2 =	vor.u32 s10, v0;
	_ =	sdelay $0x4  }
0x7d: {  	s15 =	sadd.s32 $0xFFFFFFF2, s0;
	[tilespmem:v2+s22+$0x0] =	vst.idx.msk $0xffff, v1  }
0x7e: {  	v2 =	vor.u32 s15, v0;
	v1 =	vld [tilespmem:s13+$0x80];
	_ =	sdelay $0x4  }
0x7f: {  	s16 =	sadd.s32 $0xFFFFFFF3, s0;
	[tilespmem:v2+s22+$0x0] =	vst.idx.msk $0xffff, v1  }
0x80: {  	v2 =	vor.u32 s16, v0;
	v1 =	vld [tilespmem:s13+$0x100];
	_ =	sdelay $0x4  }
0x81: {  	s15 =	sadd.s32 $0xFFFFFFF4, s0;
	[tilespmem:v2+s22+$0x0] =	vst.idx.msk $0xffff, v1  }
0x82: {  	v2 =	vor.u32 s15, v0;
	v1 =	vld [tilespmem:s13+$0x180];
	_ =	sdelay $0x4  }
0x83: {  	s16 =	sadd.s32 $0xFFFFFFF5, s0;
	[tilespmem:v2+s22+$0x0] =	vst.idx.msk $0xffff, v1  }
0x84: {  	v2 =	vor.u32 s16, v0;
	v1 =	vld [tilespmem:s13+$0x200];
	_ =	sdelay $0x4  }
0x85: {  	s15 =	sadd.s32 $0xFFFFFFF6, s0;
	[tilespmem:v2+s22+$0x0] =	vst.idx.msk $0xffff, v1  }
0x86: {  	v2 =	vor.u32 s15, v0;
	v1 =	vld [tilespmem:s13+$0x280];
	_ =	sdelay $0x4  }
0x87: {  	s16 =	sadd.s32 $0xFFFFFFF7, s0;
	[tilespmem:v2+s22+$0x0] =	vst.idx.msk $0xffff, v1  }
0x88: {  	v2 =	vor.u32 s16, v0;
	v1 =	vld [tilespmem:s13+$0x300];
	_ =	sdelay $0x3  }
0x89: {  	s3 =	sor.u32 s3, s12  }
0x8a: {  	s12 =	sadd.s32 $0xFFFFFFF8, s0;
	s3 =	sor.u32 $0x380, s3;
	[tilespmem:v2+s22+$0x0] =	vst.idx.msk $0xffff, v1  }
0x8b: {  	v2 =	vor.u32 s12, v0;
	v1 =	vld [tilespmem:s3+$0x0];
	_ =	sdelay $0x4  }
0x8c: {  	s15 =	sadd.s32 $0xFFFFFFF9, s0;
	[tilespmem:v2+s22+$0x0] =	vst.idx.msk $0xffff, v1  }
0x8d: {  	v2 =	vor.u32 s15, v0;
	v1 =	vld [tilespmem:s13+$0x2000];
	_ =	sdelay $0x4  }
0x8e: {  	s16 =	sadd.s32 $0xFFFFFFFA, s0;
	[tilespmem:v2+s22+$0x0] =	vst.idx.msk $0xffff, v1  }
0x8f: {  	v2 =	vor.u32 s16, v0;
	v1 =	vld [tilespmem:s13+$0x2080];
	_ =	sdelay $0x4  }
0x90: {  	s10 =	sadd.s32 $0xFFFFFFFB, s0;
	[tilespmem:v2+s22+$0x0] =	vst.idx.msk $0xffff, v1  }
0x91: {  	v2 =	vor.u32 s10, v0;
	v1 =	vld [tilespmem:s13+$0x2100];
	_ =	sdelay $0x4  }
0x92: {  	s12 =	sadd.s32 $0xFFFFFFFC, s0;
	[tilespmem:v2+s22+$0x0] =	vst.idx.msk $0xffff, v1  }
0x93: {  	v2 =	vor.u32 s12, v0;
	v1 =	vld [tilespmem:s13+$0x2180];
	_ =	sdelay $0x4  }
0x94: {  	s15 =	sadd.s32 $0xFFFFFFFD, s0;
	[tilespmem:v2+s22+$0x0] =	vst.idx.msk $0xffff, v1  }
0x95: {  	v2 =	vor.u32 s15, v0;
	v1 =	vld [tilespmem:s13+$0x2200];
	_ =	sdelay $0x4  }
0x96: {  	s16 =	sadd.s32 $0xFFFFFFFE, s0;
	[tilespmem:v2+s22+$0x0] =	vst.idx.msk $0xffff, v1  }
0x97: {  	v2 =	vor.u32 s16, v0;
	v1 =	vld [tilespmem:s13+$0x2280];
	_ =	sdelay $0x4  }
0x98: {  	s10 =	sadd.s32 $0xFFFFFFFF, s0;
	[tilespmem:v2+s22+$0x0] =	vst.idx.msk $0xffff, v1  }
0x99: {  	v2 =	vor.u32 s10, v0;
	v1 =	vld [tilespmem:s13+$0x2300];
	_ =	sdelay $0x4  }
0x9a: {  	[tilespmem:v2+s22+$0x0] =	vst.idx.msk $0xffff, v1  }
0x9b: {  	v2 =	vor.u32 s0, v0;
	v1 =	vld [tilespmem:s13+$0x2380];
	_ =	sdelay $0x3  }
0x9c: {  	s12 =	sshll.u32 s2, $0xB  }
0x9d: {  	p4 =	seq.s32 s30, $0xE;
	s0 =	sadd.s32 s5, s12;
	[tilespmem:v2+s22+$0x0] =	vst.idx.msk $0xffff, v1  }
0x9e: {  	[hbm4b:s0+s4] =	stream.linear.scatter [tilespmem:s22], [sflag:$0x3], $0x4000, $0x38;
	[tilespmem:$0x10000] =	vst v63  }
0x9f: {  	s0 =	sshll.u32 @!p4 s2, $0xA  }
0xa0: {  	s0 =	sand.u32 @!p4 $0x1FFFFC00, s0  }
0xa1: {  	s0 =	sadd.s32 @!p4 s1, s0  }
0xa2: {  	s3 =	simm.s32 @!p4 $0x0;
	s2 =	sadd.s32 @!p4 $0x800, s0  }
0xa3: {  	[tilespmem:s3], [sflag:$0x1] =	stream.linear.gather @!p4 [hbm4b:s2+s3], $0x2000, $0x38;
	[tilespmem:$0x10000] =	vst v63  }
0xa4: {  	s0 =	sadd.s32 @!p4 $0xF4A80, s0;
	s2 =	simm.s32 @!p4 $0x2000  }
0xa5: {  	[tilespmem:s2], [sflag:$0x1] =	stream.linear.gather @!p4 [hbm4b:s0+s3], $0x2000, $0x38;
	[tilespmem:$0x10000] =	vst v63  }
0xa6: {  	_ =	swait.ge [sflag:s23], $0x2000  }
0xa7: {  	[sflag:s23] =	ssyncset.done $0x0  }
0xa8: {  	[sflag:s23] =	ssyncadd.s32 $0xFFFFE000  }
0xa9: {  	_ =	swait.ge [sflag:s23], $0x2000  }
0xaa: {  	[sflag:s23] =	ssyncset.done $0x0  }
0xab: {  	s0 =	simm.s32 @!p3 $0x4;
	[sflag:s23] =	ssyncadd.s32 $0xFFFFE000  }
0xac: {  	s2 =	simm.s32 $0x0;
	_ =	swait.ge @!p3 [sflag:s0], $0x4000  }
0xad: {  	s13 =	sand.u32 $0x70, s2;
	s15 =	sand.u32 $0x1C00, s2;
	[sflag:s0] =	ssyncset.done @!p3 $0x0  }
0xae: {  	s16 =	simm.s32 $0x0;
	s12 =	sor.u32 s13, s15;
	[sflag:s0] =	ssyncadd.s32 @!p3 $0xFFFFC000  }
0xaf: {  	v2 =	vor.u32 s16, v0;
	v1 =	vld [tilespmem:s12+$0x4000];
	_ =	sdelay $0x4  }
0xb0: {  	s3 =	simm.s32 $0x1;
	[tilespmem:v2+s24+$0x0] =	vst.idx.msk $0xffff, v1  }
0xb1: {  	v2 =	vor.u32 s3, v0;
	v1 =	vld [tilespmem:s12+$0x4080];
	_ =	sdelay $0x4  }
0xb2: {  	s10 =	simm.s32 $0x2;
	[tilespmem:v2+s24+$0x0] =	vst.idx.msk $0xffff, v1  }
0xb3: {  	v2 =	vor.u32 s10, v0;
	v1 =	vld [tilespmem:s12+$0x4100];
	_ =	sdelay $0x4  }
0xb4: {  	s13 =	simm.s32 $0x3;
	[tilespmem:v2+s24+$0x0] =	vst.idx.msk $0xffff, v1  }
0xb5: {  	v2 =	vor.u32 s13, v0;
	v1 =	vld [tilespmem:s12+$0x4180];
	_ =	sdelay $0x4  }
0xb6: {  	s15 =	simm.s32 $0x4;
	[tilespmem:v2+s24+$0x0] =	vst.idx.msk $0xffff, v1  }
0xb7: {  	v2 =	vor.u32 s15, v0;
	v1 =	vld [tilespmem:s12+$0x4200];
	_ =	sdelay $0x4  }
0xb8: {  	s16 =	simm.s32 $0x5;
	[tilespmem:v2+s24+$0x0] =	vst.idx.msk $0xffff, v1  }
0xb9: {  	v2 =	vor.u32 s16, v0;
	v1 =	vld [tilespmem:s12+$0x4280];
	_ =	sdelay $0x4  }
0xba: {  	s3 =	simm.s32 $0x6;
	[tilespmem:v2+s24+$0x0] =	vst.idx.msk $0xffff, v1  }
0xbb: {  	v2 =	vor.u32 s3, v0;
	v1 =	vld [tilespmem:s12+$0x4300];
	_ =	sdelay $0x3  }
0xbc: {  	s10 =	sor.u32 s2, s2  }
0xbd: {  	s0 =	sor.u32 $0x380, s10;
	s13 =	simm.s32 $0x7;
	[tilespmem:v2+s24+$0x0] =	vst.idx.msk $0xffff, v1  }
0xbe: {  	v2 =	vor.u32 s13, v0;
	v1 =	vld [tilespmem:s0+$0x4000];
	_ =	sdelay $0x4  }
0xbf: {  	s15 =	simm.s32 $0x8;
	[tilespmem:v2+s24+$0x0] =	vst.idx.msk $0xffff, v1  }
0xc0: {  	v2 =	vor.u32 s15, v0;
	v1 =	vld [tilespmem:s12+$0x6000];
	_ =	sdelay $0x4  }
0xc1: {  	s16 =	simm.s32 $0x9;
	[tilespmem:v2+s24+$0x0] =	vst.idx.msk $0xffff, v1  }
0xc2: {  	v2 =	vor.u32 s16, v0;
	v1 =	vld [tilespmem:s12+$0x6080];
	_ =	sdelay $0x4  }
0xc3: {  	s2 =	simm.s32 $0xA;
	[tilespmem:v2+s24+$0x0] =	vst.idx.msk $0xffff, v1  }
0xc4: {  	v2 =	vor.u32 s2, v0;
	v1 =	vld [tilespmem:s12+$0x6100];
	_ =	sdelay $0x4  }
0xc5: {  	s3 =	simm.s32 $0xB;
	[tilespmem:v2+s24+$0x0] =	vst.idx.msk $0xffff, v1  }
0xc6: {  	v2 =	vor.u32 s3, v0;
	v1 =	vld [tilespmem:s12+$0x6180];
	_ =	sdelay $0x4  }
0xc7: {  	s10 =	simm.s32 $0xC;
	[tilespmem:v2+s24+$0x0] =	vst.idx.msk $0xffff, v1  }
0xc8: {  	v2 =	vor.u32 s10, v0;
	v1 =	vld [tilespmem:s12+$0x6200];
	_ =	sdelay $0x4  }
0xc9: {  	s13 =	simm.s32 $0xD;
	[tilespmem:v2+s24+$0x0] =	vst.idx.msk $0xffff, v1  }
0xca: {  	v2 =	vor.u32 s13, v0;
	v1 =	vld [tilespmem:s12+$0x6280];
	_ =	sdelay $0x4  }
0xcb: {  	s15 =	simm.s32 $0xE;
	[tilespmem:v2+s24+$0x0] =	vst.idx.msk $0xffff, v1  }
0xcc: {  	v2 =	vor.u32 s15, v0;
	v1 =	vld [tilespmem:s12+$0x6300];
	_ =	sdelay $0x4  }
0xcd: {  	s16 =	simm.s32 $0xF;
	[tilespmem:v2+s24+$0x0] =	vst.idx.msk $0xffff, v1  }
0xce: {  	v2 =	vor.u32 s16, v0;
	v1 =	vld [tilespmem:s12+$0x6380];
	_ =	sdelay $0x2  }
0xcf: {  	s0 =	simm.s32 $0x10F;
	s2 =	simm.s32 $0x80;
	s3 =	simm.s32 $0x10  }
0xd0: {  	s13 =	sand.u32 $0x70, s3;
	s15 =	sand.u32 $0x1C00, s2;
	s12 =	simm.s32 $0x20F  }
.LBB2_5:
0xd1: {  	p3 =	sne.s32 s12, $0x3F0F;
	s13 =	sor.u32 s13, s15;
	s10 =	sadd.s32 $0xFFFFFFF1, s0;
	[tilespmem:v2+s24+$0x0] =	vst.idx.msk $0xffff, v1  }
0xd2: {  	v1 =	vld [tilespmem:s13+$0x4000];
	v2 =	vor.u32 s10, v0;
	_ =	sdelay $0x4  }
0xd3: {  	s10 =	sadd.s32 $0xFFFFFFF2, s0;
	[tilespmem:v2+s24+$0x0] =	vst.idx.msk $0xffff, v1  }
0xd4: {  	v2 =	vor.u32 s10, v0;
	v1 =	vld [tilespmem:s13+$0x4080];
	_ =	sdelay $0x4  }
0xd5: {  	s10 =	sadd.s32 $0xFFFFFFF3, s0;
	[tilespmem:v2+s24+$0x0] =	vst.idx.msk $0xffff, v1  }
0xd6: {  	v2 =	vor.u32 s10, v0;
	v1 =	vld [tilespmem:s13+$0x4100];
	_ =	sdelay $0x4  }
0xd7: {  	s10 =	sadd.s32 $0xFFFFFFF4, s0;
	[tilespmem:v2+s24+$0x0] =	vst.idx.msk $0xffff, v1  }
0xd8: {  	v2 =	vor.u32 s10, v0;
	v1 =	vld [tilespmem:s13+$0x4180];
	_ =	sdelay $0x4  }
0xd9: {  	s10 =	sadd.s32 $0xFFFFFFF5, s0;
	[tilespmem:v2+s24+$0x0] =	vst.idx.msk $0xffff, v1  }
0xda: {  	v2 =	vor.u32 s10, v0;
	v1 =	vld [tilespmem:s13+$0x4200];
	_ =	sdelay $0x4  }
0xdb: {  	s10 =	sadd.s32 $0xFFFFFFF6, s0;
	[tilespmem:v2+s24+$0x0] =	vst.idx.msk $0xffff, v1  }
0xdc: {  	v2 =	vor.u32 s10, v0;
	v1 =	vld [tilespmem:s13+$0x4280];
	_ =	sdelay $0x4  }
0xdd: {  	s10 =	sadd.s32 $0xFFFFFFF7, s0;
	[tilespmem:v2+s24+$0x0] =	vst.idx.msk $0xffff, v1  }
0xde: {  	v2 =	vor.u32 s10, v0;
	v1 =	vld [tilespmem:s13+$0x4300];
	_ =	sdelay $0x3  }
0xdf: {  	s10 =	sor.u32 s2, s3  }
0xe0: {  	s15 =	sadd.s32 $0xFFFFFFF8, s0;
	s10 =	sor.u32 $0x380, s10;
	[tilespmem:v2+s24+$0x0] =	vst.idx.msk $0xffff, v1  }
0xe1: {  	v2 =	vor.u32 s15, v0;
	v1 =	vld [tilespmem:s10+$0x4000];
	_ =	sdelay $0x4  }
0xe2: {  	s10 =	sadd.s32 $0xFFFFFFF9, s0;
	[tilespmem:v2+s24+$0x0] =	vst.idx.msk $0xffff, v1  }
0xe3: {  	v2 =	vor.u32 s10, v0;
	v1 =	vld [tilespmem:s13+$0x6000];
	_ =	sdelay $0x4  }
0xe4: {  	s10 =	sadd.s32 $0xFFFFFFFA, s0;
	[tilespmem:v2+s24+$0x0] =	vst.idx.msk $0xffff, v1  }
0xe5: {  	v2 =	vor.u32 s10, v0;
	v1 =	vld [tilespmem:s13+$0x6080];
	_ =	sdelay $0x4  }
0xe6: {  	s10 =	sadd.s32 $0xFFFFFFFB, s0;
	[tilespmem:v2+s24+$0x0] =	vst.idx.msk $0xffff, v1  }
0xe7: {  	v2 =	vor.u32 s10, v0;
	v1 =	vld [tilespmem:s13+$0x6100];
	_ =	sdelay $0x4  }
0xe8: {  	s10 =	sadd.s32 $0xFFFFFFFC, s0;
	[tilespmem:v2+s24+$0x0] =	vst.idx.msk $0xffff, v1  }
0xe9: {  	v2 =	vor.u32 s10, v0;
	v1 =	vld [tilespmem:s13+$0x6180];
	_ =	sdelay $0x4  }
0xea: {  	s10 =	sadd.s32 $0xFFFFFFFD, s0;
	[tilespmem:v2+s24+$0x0] =	vst.idx.msk $0xffff, v1  }
0xeb: {  	v2 =	vor.u32 s10, v0;
	v1 =	vld [tilespmem:s13+$0x6200];
	_ =	sdelay $0x4  }
0xec: {  	s10 =	sadd.s32 $0xFFFFFFFE, s0;
	[tilespmem:v2+s24+$0x0] =	vst.idx.msk $0xffff, v1  }
0xed: {  	v2 =	vor.u32 s10, v0;
	v1 =	vld [tilespmem:s13+$0x6280];
	_ =	sdelay $0x4  }
0xee: {  	s10 =	sadd.s32 $0xFFFFFFFF, s0;
	[tilespmem:v2+s24+$0x0] =	vst.idx.msk $0xffff, v1  }
0xef: {  	v2 =	vor.u32 s10, v0;
	v1 =	vld [tilespmem:s13+$0x6300];
	_ =	sdelay $0x4  }
0xf0: {  	[tilespmem:v2+s24+$0x0] =	vst.idx.msk $0xffff, v1  }
.Ltmp3:
0xf1: {  	v2 =	vor.u32 s0, v0;
	s0 =	smov.u32 s12;
	v1 =	vld [tilespmem:s13+$0x6380];
	(pc) =	sbr.rel @p3 .LBB2_5-.Ltmp3, $3  }
0xf2: {  	_ =	sdelay $0x1  }
0xf3: {  	s2 =	sadd.s32 $0x80, s2;
	s3 =	sadd.s32 $0x10, s3  }
0xf4: {  	s15 =	sand.u32 $0x1C00, s2;
	s12 =	sadd.s32 $0x100, s12;
	s13 =	sand.u32 $0x70, s3  }
0xf5: {  	_ =	sdelay $0x3  }
0xf6: {  	s12 =	sor.u32 s13, s15;
	s10 =	sadd.s32 $0xFFFFFFF1, s0;
	[tilespmem:v2+s24+$0x0] =	vst.idx.msk $0xffff, v1  }
0xf7: {  	v1 =	vld [tilespmem:s12+$0x4000];
	v2 =	vor.u32 s10, v0;
	_ =	sdelay $0x4  }
0xf8: {  	s13 =	sadd.s32 $0xFFFFFFF2, s0;
	[tilespmem:v2+s24+$0x0] =	vst.idx.msk $0xffff, v1  }
0xf9: {  	v2 =	vor.u32 s13, v0;
	v1 =	vld [tilespmem:s12+$0x4080];
	_ =	sdelay $0x4  }
0xfa: {  	s15 =	sadd.s32 $0xFFFFFFF3, s0;
	[tilespmem:v2+s24+$0x0] =	vst.idx.msk $0xffff, v1  }
0xfb: {  	v2 =	vor.u32 s15, v0;
	v1 =	vld [tilespmem:s12+$0x4100];
	_ =	sdelay $0x4  }
0xfc: {  	s16 =	sadd.s32 $0xFFFFFFF4, s0;
	[tilespmem:v2+s24+$0x0] =	vst.idx.msk $0xffff, v1  }
0xfd: {  	v2 =	vor.u32 s16, v0;
	v1 =	vld [tilespmem:s12+$0x4180];
	_ =	sdelay $0x4  }
0xfe: {  	s13 =	sadd.s32 $0xFFFFFFF5, s0;
	[tilespmem:v2+s24+$0x0] =	vst.idx.msk $0xffff, v1  }
0xff: {  	v2 =	vor.u32 s13, v0;
	v1 =	vld [tilespmem:s12+$0x4200];
	_ =	sdelay $0x4  }
0x100: {  	s15 =	sadd.s32 $0xFFFFFFF6, s0;
	[tilespmem:v2+s24+$0x0] =	vst.idx.msk $0xffff, v1  }
0x101: {  	v2 =	vor.u32 s15, v0;
	v1 =	vld [tilespmem:s12+$0x4280];
	_ =	sdelay $0x4  }
0x102: {  	s16 =	sadd.s32 $0xFFFFFFF7, s0;
	[tilespmem:v2+s24+$0x0] =	vst.idx.msk $0xffff, v1  }
0x103: {  	v2 =	vor.u32 s16, v0;
	v1 =	vld [tilespmem:s12+$0x4300];
	_ =	sdelay $0x3  }
0x104: {  	s2 =	sor.u32 s2, s3  }
0x105: {  	s2 =	sor.u32 $0x380, s2;
	s13 =	sadd.s32 $0xFFFFFFF8, s0;
	[tilespmem:v2+s24+$0x0] =	vst.idx.msk $0xffff, v1  }
0x106: {  	v2 =	vor.u32 s13, v0;
	v1 =	vld [tilespmem:s2+$0x4000];
	_ =	sdelay $0x4  }
0x107: {  	s15 =	sadd.s32 $0xFFFFFFF9, s0;
	[tilespmem:v2+s24+$0x0] =	vst.idx.msk $0xffff, v1  }
0x108: {  	v2 =	vor.u32 s15, v0;
	v1 =	vld [tilespmem:s12+$0x6000];
	_ =	sdelay $0x4  }
0x109: {  	s16 =	sadd.s32 $0xFFFFFFFA, s0;
	[tilespmem:v2+s24+$0x0] =	vst.idx.msk $0xffff, v1  }
0x10a: {  	v2 =	vor.u32 s16, v0;
	v1 =	vld [tilespmem:s12+$0x6080];
	_ =	sdelay $0x4  }
0x10b: {  	s3 =	sadd.s32 $0xFFFFFFFB, s0;
	[tilespmem:v2+s24+$0x0] =	vst.idx.msk $0xffff, v1  }
0x10c: {  	v2 =	vor.u32 s3, v0;
	v1 =	vld [tilespmem:s12+$0x6100];
	_ =	sdelay $0x4  }
0x10d: {  	s10 =	sadd.s32 $0xFFFFFFFC, s0;
	[tilespmem:v2+s24+$0x0] =	vst.idx.msk $0xffff, v1  }
0x10e: {  	v2 =	vor.u32 s10, v0;
	v1 =	vld [tilespmem:s12+$0x6180];
	_ =	sdelay $0x4  }
0x10f: {  	s13 =	sadd.s32 $0xFFFFFFFD, s0;
	[tilespmem:v2+s24+$0x0] =	vst.idx.msk $0xffff, v1  }
0x110: {  	v2 =	vor.u32 s13, v0;
	v1 =	vld [tilespmem:s12+$0x6200];
	_ =	sdelay $0x4  }
0x111: {  	s15 =	sadd.s32 $0xFFFFFFFE, s0;
	[tilespmem:v2+s24+$0x0] =	vst.idx.msk $0xffff, v1  }
0x112: {  	v2 =	vor.u32 s15, v0;
	v1 =	vld [tilespmem:s12+$0x6280];
	_ =	sdelay $0x4  }
0x113: {  	s16 =	sadd.s32 $0xFFFFFFFF, s0;
	[tilespmem:v2+s24+$0x0] =	vst.idx.msk $0xffff, v1  }
0x114: {  	v2 =	vor.u32 s16, v0;
	v1 =	vld [tilespmem:s12+$0x6300];
	_ =	sdelay $0x4  }
0x115: {  	[tilespmem:v2+s24+$0x0] =	vst.idx.msk $0xffff, v1  }
0x116: {  	s30 =	sadd.s32 $0x1, s30;
	v2 =	vor.u32 s0, v0;
	v1 =	vld [tilespmem:s12+$0x6380]  }
0x117: {  	p3 =	sne.s32 s30, $0xF  }
.Ltmp4:
0x118: {  	_ = 	snop;
	(pc) =	sbr.rel @p3 .LBB2_2-.Ltmp4, $4  }
0x119: {  	s31 =	sshll.u32 s31, $0xB  }
0x11a: {  	s0 =	sand.u32 $0x1FFFF800, s31  }
0x11b: {  	s0 =	sadd.s32 s5, s0;
	[tilespmem:v2+s24+$0x0] =	vst.idx.msk $0xffff, v1  }
0x11c: {  	[hbm4b:s0+s4] =	stream.linear.scatter [tilespmem:s24], [sflag:$0x4], $0x4000, $0x38;
	[tilespmem:$0x10000] =	vst v63  }
0x11d: {  	_ =	swait.ge [sflag:s25], $0x4000  }
.Ltmp5:
0x11e: {  	[sflag:s25] =	ssyncset.done $0x0;
	(pc) =	sbr.rel @p0 .LBB2_11-.Ltmp5, $4  }
0x11f: {  	[sflag:s25] =	ssyncadd.s32 $0xFFFFC000  }
0x120: {  	_ =	swait.ge [sflag:s26], $0x4000  }
0x121: {  	[sflag:s26] =	ssyncset.done $0x0  }
0x122: {  	[sflag:s26] =	ssyncadd.s32 $0xFFFFC000  }
0x123: {  	s0 =	simm.s32 $0x0;
	s2 =	rddreg [dreg:$0x4]  }
0x124: {  	[tilespmem:s0], [sflag:$0x1] =	stream.linear.gather [hbm4b:s2+s0], $0x2000, $0x38;
	[tilespmem:$0x10000] =	vst v63  }
0x125: {  	_ = 	snop  }
0x126: {  	[tilespmem:s18], [sflag:$0x1] =	stream.linear.gather [hbm4b:s11+s0], $0x2000, $0x38;
	[tilespmem:$0x10000] =	vst v63  }
0x127: {  	_ =	swait.ge [sflag:s21], $0x2000  }
0x128: {  	[sflag:s21] =	ssyncset.done $0x0  }
0x129: {  	[sflag:s21] =	ssyncadd.s32 $0xFFFFE000  }
0x12a: {  	_ =	swait.ge [sflag:s21], $0x2000  }
0x12b: {  	s30 =	sand.u32 $0x70, s0;
	s3 =	sand.u32 $0x1C00, s0;
	[sflag:s21] =	ssyncset.done $0x0  }
0x12c: {  	s31 =	simm.s32 $0x0;
	s12 =	sor.u32 s30, s3;
	[sflag:s21] =	ssyncadd.s32 $0xFFFFE000  }
0x12d: {  	v2 =	vor.u32 s31, v0;
	v1 =	vld [tilespmem:s12+$0x0];
	_ =	sdelay $0x4  }
0x12e: {  	s3 =	simm.s32 $0x1;
	[tilespmem:v2+s22+$0x0] =	vst.idx.msk $0xffff, v1  }
0x12f: {  	v2 =	vor.u32 s3, v0;
	v1 =	vld [tilespmem:s12+$0x80];
	_ =	sdelay $0x4  }
0x130: {  	s10 =	simm.s32 $0x2;
	[tilespmem:v2+s22+$0x0] =	vst.idx.msk $0xffff, v1  }
0x131: {  	v2 =	vor.u32 s10, v0;
	v1 =	vld [tilespmem:s12+$0x100];
	_ =	sdelay $0x4  }
0x132: {  	s13 =	simm.s32 $0x3;
	[tilespmem:v2+s22+$0x0] =	vst.idx.msk $0xffff, v1  }
0x133: {  	v2 =	vor.u32 s13, v0;
	v1 =	vld [tilespmem:s12+$0x180];
	_ =	sdelay $0x4  }
0x134: {  	s15 =	simm.s32 $0x4;
	[tilespmem:v2+s22+$0x0] =	vst.idx.msk $0xffff, v1  }
0x135: {  	v2 =	vor.u32 s15, v0;
	v1 =	vld [tilespmem:s12+$0x200];
	_ =	sdelay $0x4  }
0x136: {  	s16 =	simm.s32 $0x5;
	[tilespmem:v2+s22+$0x0] =	vst.idx.msk $0xffff, v1  }
0x137: {  	v2 =	vor.u32 s16, v0;
	v1 =	vld [tilespmem:s12+$0x280];
	_ =	sdelay $0x4  }
0x138: {  	s30 =	simm.s32 $0x6;
	[tilespmem:v2+s22+$0x0] =	vst.idx.msk $0xffff, v1  }
0x139: {  	v2 =	vor.u32 s30, v0;
	v1 =	vld [tilespmem:s12+$0x300];
	_ =	sdelay $0x3  }
0x13a: {  	s0 =	sor.u32 s0, s0  }
0x13b: {  	s31 =	simm.s32 $0x7;
	s0 =	sor.u32 $0x380, s0;
	[tilespmem:v2+s22+$0x0] =	vst.idx.msk $0xffff, v1  }
0x13c: {  	v2 =	vor.u32 s31, v0;
	v1 =	vld [tilespmem:s0+$0x0];
	_ =	sdelay $0x4  }
0x13d: {  	s3 =	simm.s32 $0x8;
	[tilespmem:v2+s22+$0x0] =	vst.idx.msk $0xffff, v1  }
0x13e: {  	v2 =	vor.u32 s3, v0;
	v1 =	vld [tilespmem:s12+$0x2000];
	_ =	sdelay $0x4  }
0x13f: {  	s10 =	simm.s32 $0x9;
	[tilespmem:v2+s22+$0x0] =	vst.idx.msk $0xffff, v1  }
0x140: {  	v2 =	vor.u32 s10, v0;
	v1 =	vld [tilespmem:s12+$0x2080];
	_ =	sdelay $0x4  }
0x141: {  	s13 =	simm.s32 $0xA;
	[tilespmem:v2+s22+$0x0] =	vst.idx.msk $0xffff, v1  }
0x142: {  	v2 =	vor.u32 s13, v0;
	v1 =	vld [tilespmem:s12+$0x2100];
	_ =	sdelay $0x4  }
0x143: {  	s15 =	simm.s32 $0xB;
	[tilespmem:v2+s22+$0x0] =	vst.idx.msk $0xffff, v1  }
0x144: {  	v2 =	vor.u32 s15, v0;
	v1 =	vld [tilespmem:s12+$0x2180];
	_ =	sdelay $0x4  }
0x145: {  	s16 =	simm.s32 $0xC;
	[tilespmem:v2+s22+$0x0] =	vst.idx.msk $0xffff, v1  }
0x146: {  	v2 =	vor.u32 s16, v0;
	v1 =	vld [tilespmem:s12+$0x2200];
	_ =	sdelay $0x4  }
0x147: {  	s30 =	simm.s32 $0xD;
	[tilespmem:v2+s22+$0x0] =	vst.idx.msk $0xffff, v1  }
0x148: {  	v2 =	vor.u32 s30, v0;
	v1 =	vld [tilespmem:s12+$0x2280];
	_ =	sdelay $0x4  }
0x149: {  	s31 =	simm.s32 $0xE;
	[tilespmem:v2+s22+$0x0] =	vst.idx.msk $0xffff, v1  }
0x14a: {  	v2 =	vor.u32 s31, v0;
	v1 =	vld [tilespmem:s12+$0x2300];
	_ =	sdelay $0x4  }
0x14b: {  	s10 =	simm.s32 $0xF;
	[tilespmem:v2+s22+$0x0] =	vst.idx.msk $0xffff, v1  }
0x14c: {  	v2 =	vor.u32 s10, v0;
	v1 =	vld [tilespmem:s12+$0x2380];
	_ =	sdelay $0x2  }
0x14d: {  	s2 =	simm.s32 $0x80;
	s0 =	simm.s32 $0x10F;
	s3 =	simm.s32 $0x10  }
0x14e: {  	s13 =	sand.u32 $0x70, s3;
	s15 =	sand.u32 $0x1C00, s2;
	s12 =	simm.s32 $0x20F  }
.LBB2_9:
0x14f: {  	p3 =	sne.s32 s12, $0x3F0F;
	s13 =	sor.u32 s13, s15;
	s10 =	sadd.s32 $0xFFFFFFF1, s0;
	[tilespmem:v2+s22+$0x0] =	vst.idx.msk $0xffff, v1  }
0x150: {  	v1 =	vld [tilespmem:s13+$0x0];
	v2 =	vor.u32 s10, v0;
	_ =	sdelay $0x4  }
0x151: {  	s10 =	sadd.s32 $0xFFFFFFF2, s0;
	[tilespmem:v2+s22+$0x0] =	vst.idx.msk $0xffff, v1  }
0x152: {  	v2 =	vor.u32 s10, v0;
	v1 =	vld [tilespmem:s13+$0x80];
	_ =	sdelay $0x4  }
0x153: {  	s10 =	sadd.s32 $0xFFFFFFF3, s0;
	[tilespmem:v2+s22+$0x0] =	vst.idx.msk $0xffff, v1  }
0x154: {  	v2 =	vor.u32 s10, v0;
	v1 =	vld [tilespmem:s13+$0x100];
	_ =	sdelay $0x4  }
0x155: {  	s10 =	sadd.s32 $0xFFFFFFF4, s0;
	[tilespmem:v2+s22+$0x0] =	vst.idx.msk $0xffff, v1  }
0x156: {  	v2 =	vor.u32 s10, v0;
	v1 =	vld [tilespmem:s13+$0x180];
	_ =	sdelay $0x4  }
0x157: {  	s10 =	sadd.s32 $0xFFFFFFF5, s0;
	[tilespmem:v2+s22+$0x0] =	vst.idx.msk $0xffff, v1  }
0x158: {  	v2 =	vor.u32 s10, v0;
	v1 =	vld [tilespmem:s13+$0x200];
	_ =	sdelay $0x4  }
0x159: {  	s10 =	sadd.s32 $0xFFFFFFF6, s0;
	[tilespmem:v2+s22+$0x0] =	vst.idx.msk $0xffff, v1  }
0x15a: {  	v2 =	vor.u32 s10, v0;
	v1 =	vld [tilespmem:s13+$0x280];
	_ =	sdelay $0x4  }
0x15b: {  	s10 =	sadd.s32 $0xFFFFFFF7, s0;
	[tilespmem:v2+s22+$0x0] =	vst.idx.msk $0xffff, v1  }
0x15c: {  	v2 =	vor.u32 s10, v0;
	v1 =	vld [tilespmem:s13+$0x300];
	_ =	sdelay $0x3  }
0x15d: {  	s10 =	sor.u32 s2, s3  }
0x15e: {  	s15 =	sadd.s32 $0xFFFFFFF8, s0;
	s10 =	sor.u32 $0x380, s10;
	[tilespmem:v2+s22+$0x0] =	vst.idx.msk $0xffff, v1  }
0x15f: {  	v2 =	vor.u32 s15, v0;
	v1 =	vld [tilespmem:s10+$0x0];
	_ =	sdelay $0x4  }
0x160: {  	s10 =	sadd.s32 $0xFFFFFFF9, s0;
	[tilespmem:v2+s22+$0x0] =	vst.idx.msk $0xffff, v1  }
0x161: {  	v2 =	vor.u32 s10, v0;
	v1 =	vld [tilespmem:s13+$0x2000];
	_ =	sdelay $0x4  }
0x162: {  	s10 =	sadd.s32 $0xFFFFFFFA, s0;
	[tilespmem:v2+s22+$0x0] =	vst.idx.msk $0xffff, v1  }
0x163: {  	v2 =	vor.u32 s10, v0;
	v1 =	vld [tilespmem:s13+$0x2080];
	_ =	sdelay $0x4  }
0x164: {  	s10 =	sadd.s32 $0xFFFFFFFB, s0;
	[tilespmem:v2+s22+$0x0] =	vst.idx.msk $0xffff, v1  }
0x165: {  	v2 =	vor.u32 s10, v0;
	v1 =	vld [tilespmem:s13+$0x2100];
	_ =	sdelay $0x4  }
0x166: {  	s10 =	sadd.s32 $0xFFFFFFFC, s0;
	[tilespmem:v2+s22+$0x0] =	vst.idx.msk $0xffff, v1  }
0x167: {  	v2 =	vor.u32 s10, v0;
	v1 =	vld [tilespmem:s13+$0x2180];
	_ =	sdelay $0x4  }
0x168: {  	s10 =	sadd.s32 $0xFFFFFFFD, s0;
	[tilespmem:v2+s22+$0x0] =	vst.idx.msk $0xffff, v1  }
0x169: {  	v2 =	vor.u32 s10, v0;
	v1 =	vld [tilespmem:s13+$0x2200];
	_ =	sdelay $0x4  }
0x16a: {  	s10 =	sadd.s32 $0xFFFFFFFE, s0;
	[tilespmem:v2+s22+$0x0] =	vst.idx.msk $0xffff, v1  }
0x16b: {  	v2 =	vor.u32 s10, v0;
	v1 =	vld [tilespmem:s13+$0x2280];
	_ =	sdelay $0x4  }
0x16c: {  	s10 =	sadd.s32 $0xFFFFFFFF, s0;
	[tilespmem:v2+s22+$0x0] =	vst.idx.msk $0xffff, v1  }
0x16d: {  	v2 =	vor.u32 s10, v0;
	v1 =	vld [tilespmem:s13+$0x2300];
	_ =	sdelay $0x4  }
0x16e: {  	[tilespmem:v2+s22+$0x0] =	vst.idx.msk $0xffff, v1  }
.Ltmp6:
0x16f: {  	v2 =	vor.u32 s0, v0;
	s0 =	smov.u32 s12;
	v1 =	vld [tilespmem:s13+$0x2380];
	(pc) =	sbr.rel @p3 .LBB2_9-.Ltmp6, $3  }
0x170: {  	_ =	sdelay $0x1  }
0x171: {  	s2 =	sadd.s32 $0x80, s2;
	s3 =	sadd.s32 $0x10, s3  }
0x172: {  	s15 =	sand.u32 $0x1C00, s2;
	s12 =	sadd.s32 $0x100, s12;
	s13 =	sand.u32 $0x70, s3  }
0x173: {  	_ =	sdelay $0x3  }
0x174: {  	s12 =	sor.u32 s13, s15;
	s10 =	sadd.s32 $0xFFFFFFF1, s0;
	[tilespmem:v2+s22+$0x0] =	vst.idx.msk $0xffff, v1  }
0x175: {  	v1 =	vld [tilespmem:s12+$0x0];
	v2 =	vor.u32 s10, v0;
	_ =	sdelay $0x4  }
0x176: {  	s30 =	sadd.s32 $0xFFFFFFF2, s0;
	[tilespmem:v2+s22+$0x0] =	vst.idx.msk $0xffff, v1  }
0x177: {  	v2 =	vor.u32 s30, v0;
	v1 =	vld [tilespmem:s12+$0x80];
	_ =	sdelay $0x4  }
0x178: {  	s31 =	sadd.s32 $0xFFFFFFF3, s0;
	[tilespmem:v2+s22+$0x0] =	vst.idx.msk $0xffff, v1  }
0x179: {  	v2 =	vor.u32 s31, v0;
	v1 =	vld [tilespmem:s12+$0x100];
	_ =	sdelay $0x4  }
0x17a: {  	s13 =	sadd.s32 $0xFFFFFFF4, s0;
	[tilespmem:v2+s22+$0x0] =	vst.idx.msk $0xffff, v1  }
0x17b: {  	v2 =	vor.u32 s13, v0;
	v1 =	vld [tilespmem:s12+$0x180];
	_ =	sdelay $0x4  }
0x17c: {  	s15 =	sadd.s32 $0xFFFFFFF5, s0;
	[tilespmem:v2+s22+$0x0] =	vst.idx.msk $0xffff, v1  }
0x17d: {  	v2 =	vor.u32 s15, v0;
	v1 =	vld [tilespmem:s12+$0x200];
	_ =	sdelay $0x4  }
0x17e: {  	s16 =	sadd.s32 $0xFFFFFFF6, s0;
	[tilespmem:v2+s22+$0x0] =	vst.idx.msk $0xffff, v1  }
0x17f: {  	v2 =	vor.u32 s16, v0;
	v1 =	vld [tilespmem:s12+$0x280];
	_ =	sdelay $0x4  }
0x180: {  	s30 =	sadd.s32 $0xFFFFFFF7, s0;
	[tilespmem:v2+s22+$0x0] =	vst.idx.msk $0xffff, v1  }
0x181: {  	v2 =	vor.u32 s30, v0;
	v1 =	vld [tilespmem:s12+$0x300];
	_ =	sdelay $0x3  }
0x182: {  	s2 =	sor.u32 s2, s3  }
0x183: {  	s2 =	sor.u32 $0x380, s2;
	s31 =	sadd.s32 $0xFFFFFFF8, s0;
	[tilespmem:v2+s22+$0x0] =	vst.idx.msk $0xffff, v1  }
0x184: {  	v2 =	vor.u32 s31, v0;
	v1 =	vld [tilespmem:s2+$0x0];
	_ =	sdelay $0x4  }
0x185: {  	s3 =	sadd.s32 $0xFFFFFFF9, s0;
	[tilespmem:v2+s22+$0x0] =	vst.idx.msk $0xffff, v1  }
0x186: {  	v2 =	vor.u32 s3, v0;
	v1 =	vld [tilespmem:s12+$0x2000];
	_ =	sdelay $0x4  }
0x187: {  	s10 =	sadd.s32 $0xFFFFFFFA, s0;
	[tilespmem:v2+s22+$0x0] =	vst.idx.msk $0xffff, v1  }
0x188: {  	v2 =	vor.u32 s10, v0;
	v1 =	vld [tilespmem:s12+$0x2080];
	_ =	sdelay $0x4  }
0x189: {  	s13 =	sadd.s32 $0xFFFFFFFB, s0;
	[tilespmem:v2+s22+$0x0] =	vst.idx.msk $0xffff, v1  }
0x18a: {  	v2 =	vor.u32 s13, v0;
	v1 =	vld [tilespmem:s12+$0x2100];
	_ =	sdelay $0x4  }
0x18b: {  	s15 =	sadd.s32 $0xFFFFFFFC, s0;
	[tilespmem:v2+s22+$0x0] =	vst.idx.msk $0xffff, v1  }
0x18c: {  	v2 =	vor.u32 s15, v0;
	v1 =	vld [tilespmem:s12+$0x2180];
	_ =	sdelay $0x4  }
0x18d: {  	s16 =	sadd.s32 $0xFFFFFFFD, s0;
	[tilespmem:v2+s22+$0x0] =	vst.idx.msk $0xffff, v1  }
0x18e: {  	v2 =	vor.u32 s16, v0;
	v1 =	vld [tilespmem:s12+$0x2200];
	_ =	sdelay $0x4  }
0x18f: {  	s30 =	sadd.s32 $0xFFFFFFFE, s0;
	[tilespmem:v2+s22+$0x0] =	vst.idx.msk $0xffff, v1  }
0x190: {  	v2 =	vor.u32 s30, v0;
	v1 =	vld [tilespmem:s12+$0x2280];
	_ =	sdelay $0x4  }
0x191: {  	s31 =	sadd.s32 $0xFFFFFFFF, s0;
	[tilespmem:v2+s22+$0x0] =	vst.idx.msk $0xffff, v1  }
0x192: {  	v2 =	vor.u32 s31, v0;
	v1 =	vld [tilespmem:s12+$0x2300];
	_ =	sdelay $0x4  }
0x193: {  	[tilespmem:v2+s22+$0x0] =	vst.idx.msk $0xffff, v1  }
0x194: {  	v2 =	vor.u32 s0, v0;
	v1 =	vld [tilespmem:s12+$0x2380];
	_ =	sdelay $0x4  }
0x195: {  	[tilespmem:v2+s22+$0x0] =	vst.idx.msk $0xffff, v1  }
0x196: {  	[hbm4b:s14+s4] =	stream.linear.scatter [tilespmem:s22], [sflag:$0x5], $0x4000, $0x38;
	[tilespmem:$0x10000] =	vst v63  }
0x197: {  	_ =	swait.ge [sflag:s28], $0x4000  }
0x198: {  	[sflag:s28] =	ssyncset.done $0x0  }
0x199: {  	[sflag:s28] =	ssyncadd.s32 $0xFFFFC000  }
.LBB2_11:
.Ltmp7:
0x19a: {  	(pc) =	sbr.rel @p1 .LBB2_16-.Ltmp7, $1  }
0x19b: {  	_ =	sdelay $0x3  }
.Ltmp8:
0x19c: {  	(pc) =	sbr.rel @p2 .LBB2_17-.Ltmp8, $1  }
0x19d: {  	_ =	sdelay $0x3  }
0x19e: {  	s0 =	simm.s32 $0x0;
	s2 =	rddreg [dreg:$0x6]  }
0x19f: {  	[tilespmem:s0], [sflag:$0x1] =	stream.linear.gather [hbm4b:s2+s0], $0x1000, $0x38;
	[tilespmem:$0x10000] =	vst v63  }
0x1a0: {  	s16 =	rddreg [dreg:$0x7]  }
0x1a1: {  	[tilespmem:s18], [sflag:$0x1] =	stream.linear.gather [hbm4b:s16+s0], $0x1000, $0x38;
	[tilespmem:$0x10000] =	vst v63  }
0x1a2: {  	_ =	swait.ge [sflag:s21], $0x1000  }
0x1a3: {  	[sflag:s21] =	ssyncset.done $0x0  }
0x1a4: {  	[sflag:s21] =	ssyncadd.s32 $0xFFFFF000  }
0x1a5: {  	_ =	swait.ge [sflag:s21], $0x1000  }
0x1a6: {  	s30 =	sand.u32 $0x70, s0;
	s3 =	sand.u32 $0xC00, s0;
	[sflag:s21] =	ssyncset.done $0x0  }
0x1a7: {  	s31 =	simm.s32 $0x0;
	s12 =	sor.u32 s30, s3;
	[sflag:s21] =	ssyncadd.s32 $0xFFFFF000  }
0x1a8: {  	v2 =	vor.u32 s31, v0;
	v1 =	vld [tilespmem:s12+$0x0];
	_ =	sdelay $0x4  }
0x1a9: {  	s3 =	simm.s32 $0x1;
	[tilespmem:v2+s22+$0x0] =	vst.idx.msk $0xffff, v1  }
0x1aa: {  	v2 =	vor.u32 s3, v0;
	v1 =	vld [tilespmem:s12+$0x80];
	_ =	sdelay $0x4  }
0x1ab: {  	s10 =	simm.s32 $0x2;
	[tilespmem:v2+s22+$0x0] =	vst.idx.msk $0xffff, v1  }
0x1ac: {  	v2 =	vor.u32 s10, v0;
	v1 =	vld [tilespmem:s12+$0x100];
	_ =	sdelay $0x4  }
0x1ad: {  	s13 =	simm.s32 $0x3;
	[tilespmem:v2+s22+$0x0] =	vst.idx.msk $0xffff, v1  }
0x1ae: {  	v2 =	vor.u32 s13, v0;
	v1 =	vld [tilespmem:s12+$0x180];
	_ =	sdelay $0x4  }
0x1af: {  	s15 =	simm.s32 $0x4;
	[tilespmem:v2+s22+$0x0] =	vst.idx.msk $0xffff, v1  }
0x1b0: {  	v2 =	vor.u32 s15, v0;
	v1 =	vld [tilespmem:s12+$0x200];
	_ =	sdelay $0x4  }
0x1b1: {  	s16 =	simm.s32 $0x5;
	[tilespmem:v2+s22+$0x0] =	vst.idx.msk $0xffff, v1  }
0x1b2: {  	v2 =	vor.u32 s16, v0;
	v1 =	vld [tilespmem:s12+$0x280];
	_ =	sdelay $0x4  }
0x1b3: {  	s30 =	simm.s32 $0x6;
	[tilespmem:v2+s22+$0x0] =	vst.idx.msk $0xffff, v1  }
0x1b4: {  	v2 =	vor.u32 s30, v0;
	v1 =	vld [tilespmem:s12+$0x300];
	_ =	sdelay $0x3  }
0x1b5: {  	s0 =	sor.u32 s0, s0  }
0x1b6: {  	s31 =	simm.s32 $0x7;
	s0 =	sor.u32 $0x380, s0;
	[tilespmem:v2+s22+$0x0] =	vst.idx.msk $0xffff, v1  }
0x1b7: {  	v2 =	vor.u32 s31, v0;
	v1 =	vld [tilespmem:s0+$0x0];
	_ =	sdelay $0x4  }
0x1b8: {  	s3 =	simm.s32 $0x8;
	[tilespmem:v2+s22+$0x0] =	vst.idx.msk $0xffff, v1  }
0x1b9: {  	v2 =	vor.u32 s3, v0;
	v1 =	vld [tilespmem:s12+$0x2000];
	_ =	sdelay $0x4  }
0x1ba: {  	s10 =	simm.s32 $0x9;
	[tilespmem:v2+s22+$0x0] =	vst.idx.msk $0xffff, v1  }
0x1bb: {  	v2 =	vor.u32 s10, v0;
	v1 =	vld [tilespmem:s12+$0x2080];
	_ =	sdelay $0x4  }
0x1bc: {  	s13 =	simm.s32 $0xA;
	[tilespmem:v2+s22+$0x0] =	vst.idx.msk $0xffff, v1  }
0x1bd: {  	v2 =	vor.u32 s13, v0;
	v1 =	vld [tilespmem:s12+$0x2100];
	_ =	sdelay $0x4  }
0x1be: {  	s15 =	simm.s32 $0xB;
	[tilespmem:v2+s22+$0x0] =	vst.idx.msk $0xffff, v1  }
0x1bf: {  	v2 =	vor.u32 s15, v0;
	v1 =	vld [tilespmem:s12+$0x2180];
	_ =	sdelay $0x4  }
0x1c0: {  	s16 =	simm.s32 $0xC;
	[tilespmem:v2+s22+$0x0] =	vst.idx.msk $0xffff, v1  }
0x1c1: {  	v2 =	vor.u32 s16, v0;
	v1 =	vld [tilespmem:s12+$0x2200];
	_ =	sdelay $0x4  }
0x1c2: {  	s30 =	simm.s32 $0xD;
	[tilespmem:v2+s22+$0x0] =	vst.idx.msk $0xffff, v1  }
0x1c3: {  	v2 =	vor.u32 s30, v0;
	v1 =	vld [tilespmem:s12+$0x2280];
	_ =	sdelay $0x4  }
0x1c4: {  	s31 =	simm.s32 $0xE;
	[tilespmem:v2+s22+$0x0] =	vst.idx.msk $0xffff, v1  }
0x1c5: {  	v2 =	vor.u32 s31, v0;
	v1 =	vld [tilespmem:s12+$0x2300];
	_ =	sdelay $0x4  }
0x1c6: {  	s10 =	simm.s32 $0xF;
	[tilespmem:v2+s22+$0x0] =	vst.idx.msk $0xffff, v1  }
0x1c7: {  	v2 =	vor.u32 s10, v0;
	v1 =	vld [tilespmem:s12+$0x2380];
	_ =	sdelay $0x2  }
0x1c8: {  	s2 =	simm.s32 $0x80;
	s0 =	simm.s32 $0x10F;
	s3 =	simm.s32 $0x10  }
0x1c9: {  	s13 =	sand.u32 $0x70, s3;
	s15 =	sand.u32 $0xC00, s2;
	s12 =	simm.s32 $0x20F  }
.LBB2_14:
0x1ca: {  	p3 =	sne.s32 s12, $0x1F0F;
	s13 =	sor.u32 s13, s15;
	s10 =	sadd.s32 $0xFFFFFFF1, s0;
	[tilespmem:v2+s22+$0x0] =	vst.idx.msk $0xffff, v1  }
0x1cb: {  	v1 =	vld [tilespmem:s13+$0x0];
	v2 =	vor.u32 s10, v0;
	_ =	sdelay $0x4  }
0x1cc: {  	s10 =	sadd.s32 $0xFFFFFFF2, s0;
	[tilespmem:v2+s22+$0x0] =	vst.idx.msk $0xffff, v1  }
0x1cd: {  	v2 =	vor.u32 s10, v0;
	v1 =	vld [tilespmem:s13+$0x80];
	_ =	sdelay $0x4  }
0x1ce: {  	s10 =	sadd.s32 $0xFFFFFFF3, s0;
	[tilespmem:v2+s22+$0x0] =	vst.idx.msk $0xffff, v1  }
0x1cf: {  	v2 =	vor.u32 s10, v0;
	v1 =	vld [tilespmem:s13+$0x100];
	_ =	sdelay $0x4  }
0x1d0: {  	s10 =	sadd.s32 $0xFFFFFFF4, s0;
	[tilespmem:v2+s22+$0x0] =	vst.idx.msk $0xffff, v1  }
0x1d1: {  	v2 =	vor.u32 s10, v0;
	v1 =	vld [tilespmem:s13+$0x180];
	_ =	sdelay $0x4  }
0x1d2: {  	s10 =	sadd.s32 $0xFFFFFFF5, s0;
	[tilespmem:v2+s22+$0x0] =	vst.idx.msk $0xffff, v1  }
0x1d3: {  	v2 =	vor.u32 s10, v0;
	v1 =	vld [tilespmem:s13+$0x200];
	_ =	sdelay $0x4  }
0x1d4: {  	s10 =	sadd.s32 $0xFFFFFFF6, s0;
	[tilespmem:v2+s22+$0x0] =	vst.idx.msk $0xffff, v1  }
0x1d5: {  	v2 =	vor.u32 s10, v0;
	v1 =	vld [tilespmem:s13+$0x280];
	_ =	sdelay $0x4  }
0x1d6: {  	s10 =	sadd.s32 $0xFFFFFFF7, s0;
	[tilespmem:v2+s22+$0x0] =	vst.idx.msk $0xffff, v1  }
0x1d7: {  	v2 =	vor.u32 s10, v0;
	v1 =	vld [tilespmem:s13+$0x300];
	_ =	sdelay $0x3  }
0x1d8: {  	s10 =	sor.u32 s2, s3  }
0x1d9: {  	s15 =	sadd.s32 $0xFFFFFFF8, s0;
	s10 =	sor.u32 $0x380, s10;
	[tilespmem:v2+s22+$0x0] =	vst.idx.msk $0xffff, v1  }
0x1da: {  	v2 =	vor.u32 s15, v0;
	v1 =	vld [tilespmem:s10+$0x0];
	_ =	sdelay $0x4  }
0x1db: {  	s10 =	sadd.s32 $0xFFFFFFF9, s0;
	[tilespmem:v2+s22+$0x0] =	vst.idx.msk $0xffff, v1  }
0x1dc: {  	v2 =	vor.u32 s10, v0;
	v1 =	vld [tilespmem:s13+$0x2000];
	_ =	sdelay $0x4  }
0x1dd: {  	s10 =	sadd.s32 $0xFFFFFFFA, s0;
	[tilespmem:v2+s22+$0x0] =	vst.idx.msk $0xffff, v1  }
0x1de: {  	v2 =	vor.u32 s10, v0;
	v1 =	vld [tilespmem:s13+$0x2080];
	_ =	sdelay $0x4  }
0x1df: {  	s10 =	sadd.s32 $0xFFFFFFFB, s0;
	[tilespmem:v2+s22+$0x0] =	vst.idx.msk $0xffff, v1  }
0x1e0: {  	v2 =	vor.u32 s10, v0;
	v1 =	vld [tilespmem:s13+$0x2100];
	_ =	sdelay $0x4  }
0x1e1: {  	s10 =	sadd.s32 $0xFFFFFFFC, s0;
	[tilespmem:v2+s22+$0x0] =	vst.idx.msk $0xffff, v1  }
0x1e2: {  	v2 =	vor.u32 s10, v0;
	v1 =	vld [tilespmem:s13+$0x2180];
	_ =	sdelay $0x4  }
0x1e3: {  	s10 =	sadd.s32 $0xFFFFFFFD, s0;
	[tilespmem:v2+s22+$0x0] =	vst.idx.msk $0xffff, v1  }
0x1e4: {  	v2 =	vor.u32 s10, v0;
	v1 =	vld [tilespmem:s13+$0x2200];
	_ =	sdelay $0x4  }
0x1e5: {  	s10 =	sadd.s32 $0xFFFFFFFE, s0;
	[tilespmem:v2+s22+$0x0] =	vst.idx.msk $0xffff, v1  }
0x1e6: {  	v2 =	vor.u32 s10, v0;
	v1 =	vld [tilespmem:s13+$0x2280];
	_ =	sdelay $0x4  }
0x1e7: {  	s10 =	sadd.s32 $0xFFFFFFFF, s0;
	[tilespmem:v2+s22+$0x0] =	vst.idx.msk $0xffff, v1  }
0x1e8: {  	v2 =	vor.u32 s10, v0;
	v1 =	vld [tilespmem:s13+$0x2300];
	_ =	sdelay $0x4  }
0x1e9: {  	[tilespmem:v2+s22+$0x0] =	vst.idx.msk $0xffff, v1  }
.Ltmp9:
0x1ea: {  	v2 =	vor.u32 s0, v0;
	s0 =	smov.u32 s12;
	v1 =	vld [tilespmem:s13+$0x2380];
	(pc) =	sbr.rel @p3 .LBB2_14-.Ltmp9, $3  }
0x1eb: {  	_ =	sdelay $0x1  }
0x1ec: {  	s2 =	sadd.s32 $0x80, s2;
	s3 =	sadd.s32 $0x10, s3  }
0x1ed: {  	s15 =	sand.u32 $0xC00, s2;
	s12 =	sadd.s32 $0x100, s12;
	s13 =	sand.u32 $0x70, s3  }
0x1ee: {  	_ =	sdelay $0x3  }
0x1ef: {  	s12 =	sor.u32 s13, s15;
	s10 =	sadd.s32 $0xFFFFFFF1, s0;
	[tilespmem:v2+s22+$0x0] =	vst.idx.msk $0xffff, v1  }
0x1f0: {  	v1 =	vld [tilespmem:s12+$0x0];
	v2 =	vor.u32 s10, v0;
	_ =	sdelay $0x4  }
0x1f1: {  	s16 =	sadd.s32 $0xFFFFFFF2, s0;
	[tilespmem:v2+s22+$0x0] =	vst.idx.msk $0xffff, v1  }
0x1f2: {  	v2 =	vor.u32 s16, v0;
	v1 =	vld [tilespmem:s12+$0x80];
	_ =	sdelay $0x4  }
0x1f3: {  	s30 =	sadd.s32 $0xFFFFFFF3, s0;
	[tilespmem:v2+s22+$0x0] =	vst.idx.msk $0xffff, v1  }
0x1f4: {  	v2 =	vor.u32 s30, v0;
	v1 =	vld [tilespmem:s12+$0x100];
	_ =	sdelay $0x4  }
0x1f5: {  	s31 =	sadd.s32 $0xFFFFFFF4, s0;
	[tilespmem:v2+s22+$0x0] =	vst.idx.msk $0xffff, v1  }
0x1f6: {  	v2 =	vor.u32 s31, v0;
	v1 =	vld [tilespmem:s12+$0x180];
	_ =	sdelay $0x4  }
0x1f7: {  	s13 =	sadd.s32 $0xFFFFFFF5, s0;
	[tilespmem:v2+s22+$0x0] =	vst.idx.msk $0xffff, v1  }
0x1f8: {  	v2 =	vor.u32 s13, v0;
	v1 =	vld [tilespmem:s12+$0x200];
	_ =	sdelay $0x4  }
0x1f9: {  	s15 =	sadd.s32 $0xFFFFFFF6, s0;
	[tilespmem:v2+s22+$0x0] =	vst.idx.msk $0xffff, v1  }
0x1fa: {  	v2 =	vor.u32 s15, v0;
	v1 =	vld [tilespmem:s12+$0x280];
	_ =	sdelay $0x4  }
0x1fb: {  	s16 =	sadd.s32 $0xFFFFFFF7, s0;
	[tilespmem:v2+s22+$0x0] =	vst.idx.msk $0xffff, v1  }
0x1fc: {  	v2 =	vor.u32 s16, v0;
	v1 =	vld [tilespmem:s12+$0x300];
	_ =	sdelay $0x3  }
0x1fd: {  	s2 =	sor.u32 s2, s3  }
0x1fe: {  	s2 =	sor.u32 $0x380, s2;
	s30 =	sadd.s32 $0xFFFFFFF8, s0;
	[tilespmem:v2+s22+$0x0] =	vst.idx.msk $0xffff, v1  }
0x1ff: {  	v2 =	vor.u32 s30, v0;
	v1 =	vld [tilespmem:s2+$0x0];
	_ =	sdelay $0x4  }
0x200: {  	s31 =	sadd.s32 $0xFFFFFFF9, s0;
	[tilespmem:v2+s22+$0x0] =	vst.idx.msk $0xffff, v1  }
0x201: {  	v2 =	vor.u32 s31, v0;
	v1 =	vld [tilespmem:s12+$0x2000];
	_ =	sdelay $0x4  }
0x202: {  	s3 =	sadd.s32 $0xFFFFFFFA, s0;
	[tilespmem:v2+s22+$0x0] =	vst.idx.msk $0xffff, v1  }
0x203: {  	v2 =	vor.u32 s3, v0;
	v1 =	vld [tilespmem:s12+$0x2080];
	_ =	sdelay $0x4  }
0x204: {  	s10 =	sadd.s32 $0xFFFFFFFB, s0;
	[tilespmem:v2+s22+$0x0] =	vst.idx.msk $0xffff, v1  }
0x205: {  	v2 =	vor.u32 s10, v0;
	v1 =	vld [tilespmem:s12+$0x2100];
	_ =	sdelay $0x4  }
0x206: {  	s13 =	sadd.s32 $0xFFFFFFFC, s0;
	[tilespmem:v2+s22+$0x0] =	vst.idx.msk $0xffff, v1  }
0x207: {  	v2 =	vor.u32 s13, v0;
	v1 =	vld [tilespmem:s12+$0x2180];
	_ =	sdelay $0x4  }
0x208: {  	s15 =	sadd.s32 $0xFFFFFFFD, s0;
	[tilespmem:v2+s22+$0x0] =	vst.idx.msk $0xffff, v1  }
0x209: {  	v2 =	vor.u32 s15, v0;
	v1 =	vld [tilespmem:s12+$0x2200];
	_ =	sdelay $0x4  }
0x20a: {  	s16 =	sadd.s32 $0xFFFFFFFE, s0;
	[tilespmem:v2+s22+$0x0] =	vst.idx.msk $0xffff, v1  }
0x20b: {  	v2 =	vor.u32 s16, v0;
	v1 =	vld [tilespmem:s12+$0x2280];
	_ =	sdelay $0x4  }
0x20c: {  	s30 =	sadd.s32 $0xFFFFFFFF, s0;
	[tilespmem:v2+s22+$0x0] =	vst.idx.msk $0xffff, v1  }
0x20d: {  	v2 =	vor.u32 s30, v0;
	v1 =	vld [tilespmem:s12+$0x2300];
	_ =	sdelay $0x4  }
0x20e: {  	[tilespmem:v2+s22+$0x0] =	vst.idx.msk $0xffff, v1  }
0x20f: {  	v2 =	vor.u32 s0, v0;
	v1 =	vld [tilespmem:s12+$0x2380];
	_ =	sdelay $0x4  }
.Ltmp10:
0x210: {  	s31 =	rddreg [dreg:$0x8];
	[tilespmem:v2+s22+$0x0] =	vst.idx.msk $0xffff, v1;
	(pc) =	sbr.rel .LBB2_17-.Ltmp10, $4  }
0x211: {  	[hbm4b:s31+s4] =	stream.linear.scatter [tilespmem:s22], [sflag:$0x5], $0x2000, $0x38;
	[tilespmem:$0x10000] =	vst v63  }
0x212: {  	_ =	swait.ge [sflag:s28], $0x2000  }
0x213: {  	[sflag:s28] =	ssyncset.done $0x0  }
0x214: {  	[sflag:s28] =	ssyncadd.s32 $0xFFFFE000  }
.LBB2_18:
0x215: {  	_ =	sfence.sel $0x180000  }
0x216: {  	[bflag:$0x0] =	sbarrier.arrive $0xFFFF  }
0x217: {  	_ =	strace $0x90000047  }
0x218: {  	s0 =	stileid.u32;
	[bflag:$0x2] =	sbarrier.arrive $0xFFFF  }
0x219: {  	p0 =	sne.s32 s0, $0x0;
	s0 =	rddreg [dreg:$0x3]  }
0x21a: {  	s0 =	sadd.s32 @!p0 $0x100000, s0  }
0x21b: {  	[sflag:s0] =	ssyncadd.tile.s32 @!p0 $0x1;
	_ =	shalt  }
.Lfunc_end2:
_tile_overlayer_lowered:
.L_overlay_start_2:
0x21c: {  	(tag) =	ssettag $0x2  }
0x21d: {  	s0 =	rddreg [dreg:$0x0];
	s2 =	stileid.u32  }
0x21e: {  	s1 =	rddreg [dreg:$0x1];
	p0 =	sne.s32 s2, $0x0  }
0x21f: {  	s3 =	rddreg [dreg:$0x2];
	[bflag:$0x3] =	sbarrier.arrive $0xFFFF;
	s2 =	simm.s32 @!p0 $0x1C05  }
0x220: {  	[timem:s3], [sflag:s2] =	dma.local @!p0 [hbm:s0], s1  }
0x221: {  	s0 =	simm.s32 @!p0 $0x5  }
0x222: {  	_ =	swait.ge @!p0 [sflag:s0], s1  }
0x223: {  	s1 =	ssub.s32 @!p0 $0x0, s1;
	[sflag:s0] =	ssyncset.done @!p0 $0x0  }
0x224: {  	[sflag:s0] =	ssyncadd.s32 @!p0 s1  }
0x225: {  	[bflag:$0x3] =	sbarrier.arrive $0xFFFF  }
0x226: {  	_ =	shalt  }

// kernel: kernel.7.cloned.1.call-start
scs
__scs_entry_jumppad:
0x0: {  	(pc) =	sbr.rel $0x88, $3  }
0x1: {  	(tag) =	ssettag $0x0;
	lr =	simm.s32 $0x1  }
0x2: {  	[smem:$0x3F9D] =	sst lr;
	_ =	strace $0xD0000000  }
0x3: {  	_ = 	snop  }
0x4: {  	_ = 	snop  }
0x5: {  	_ = 	snop  }
0x6: {  	_ = 	snop  }
0x7: {  	_ = 	snop  }
__scs_overlays_trampoline_lowered:
0x8: {  	[smem:$0x3FAC] =	sst s0  }
0x9: {  	[smem:$0x3FAD] =	sst s1  }
0xa: {  	[smem:$0x3FAE] =	sst s2  }
0xb: {  	[smem:$0x3FAF] =	sst s3  }
0xc: {  	[smem:$0x3FB0] =	sst s4  }
0xd: {  	[smem:$0x3FB1] =	sst s5  }
0xe: {  	[smem:$0x3FB2] =	sst s6  }
0xf: {  	[smem:$0x3FB3] =	sst s7  }
0x10: {  	[smem:$0x3FB4] =	sst s8  }
0x11: {  	[smem:$0x3FB5] =	sst s9;
	s0 =	simm.s32 @!p0 $0x0  }
0x12: {  	s1 =	sld [smem:$0x3F9B];
	s0 =	simm.s32 @p0 $0x1  }
0x13: {  	[smem:$0x3FB6] =	sst s0;
	s0 =	simm.s32 @!p1 $0x0  }
0x14: {  	s2 =	sld [smem:$0x3F9A];
	s0 =	simm.s32 @p1 $0x1  }
0x15: {  	[smem:$0x3FB7] =	sst s0;
	s0 =	simm.s32 @!p2 $0x0  }
0x16: {  	s3 =	sld [smem:$0x3FDB];
	s0 =	simm.s32 @p2 $0x1  }
0x17: {  	s4 =	simm.s32 $0x1BF5;
	[smem:$0x3FB9] =	sst s0  }
0x18: {  	s0 =	sld [smem:$0x3F9C];
	_ =	swait.ge [sflag:s4], $0x0  }
0x19: {  	s7 =	sld [smem:$0x3F9D]  }
0x1a: {  	s8 =	sadd.s32 $0xFFFFE003, lr  }
0x1b: {  	s9 =	sadd.s32 $0xFFFFFEF7, lr;
	s5 =	simm.s32 $0xFFFFFFFF;
	p2 =	slt.u32 s8, $0xFFFFF086  }
0x1c: {  	p1 =	slt.u32 s9, $0xF7A;
	s5 =	simm.s32 @!p2 $0x0  }
0x1d: {  	s5 =	simm.s32 @p1 $0x1;
	p0 =	seq.s32 s7, s2  }
0x1e: {  	s7 =	smul.u32 @!p0 $0xF7A, s2;
	p2 =	seq.s32 @!p0 s5, $0x0  }
0x1f: {  	s9 =	smul.u32 $0xF7A, s1;
	s8 =	simm.s32 @!p0 $0x1BF5;
	p2 =	por !p2, p0  }
0x20: {  	[sflag:s8] =	ssyncset.s32 @!p0 $0xFFFFF086;
	s6 =	sadd.s32 @!p0 s3, s7;
	s7 =	simm.s32 @!p0 $0x108  }
0x21: {  	s3 =	sadd.s32 s3, s9;
	s6 =	sadd.s32 @!p0 $0x88, s6;
	s7 =	simm.s32 @p2 $0x1082  }
0x22: {  	[simem:s7], [sflag:s8] =	dma.local @!p0 [hbm:s6], $0xF7A  }
0x23: {  	s9 =	sor.u32 $0xD0000000, s2;
	s6 =	simm.s32 $0x108;
	_ =	swait.ge @!p0 [sflag:s8], $0x0  }
0x24: {  	s3 =	sadd.s32 $0x88, s3;
	s6 =	simm.s32 @!p1 $0x1082;
	[sflag:s4] =	ssyncset.s32 $0xFFFFF086  }
0x25: {  	[simem:s6], [sflag:s4] =	dma.local [hbm:s3], $0xF7A  }
0x26: {  	[smem:$0x3F9D] =	sst s1;
	(tag) =	ssettag s2;
	_ =	strace s9  }
0x27: {  	s1 =	sld [smem:$0x3FAD]  }
0x28: {  	s2 =	sld [smem:$0x3FAE]  }
0x29: {  	s4 =	sld [smem:$0x3FB0]  }
0x2a: {  	p0 =	seq.s32 s5, $0x0;
	s5 =	sld [smem:$0x3FB1]  }
0x2b: {  	s6 =	sld [smem:$0x3FB2]  }
0x2c: {  	s7 =	sld [smem:$0x3FB3]  }
0x2d: {  	s3 =	simm.s32 $0x108;
	s8 =	sld [smem:$0x3FB4]  }
0x2e: {  	s3 =	simm.s32 @!p0 $0x1082;
	s9 =	sld [smem:$0x3FB5]  }
0x2f: {  	lr =	sadd.s32 s0, s3;
	s0 =	sld [smem:$0x3FAC]  }
0x30: {  	s3 =	sld [smem:$0x3FAF]  }
0x31: {  	[smem:$0x3FB8] =	sst s10  }
0x32: {  	s10 =	sld [smem:$0x3FB6];
	_ =	sdelay $0x3  }
0x33: {  	p0 =	seq.s32 s10, $0x1;
	s10 =	sld [smem:$0x3FB8];
	_ =	sdelay $0x3  }
0x34: {  	[smem:$0x3FB8] =	sst s10  }
0x35: {  	s10 =	sld [smem:$0x3FB7];
	_ =	sdelay $0x3  }
0x36: {  	p1 =	seq.s32 s10, $0x1;
	s10 =	sld [smem:$0x3FB8];
	_ =	sdelay $0x3  }
0x37: {  	[smem:$0x3FB8] =	sst s10  }
0x38: {  	s10 =	sld [smem:$0x3FB9]  }
0x39: {  	_ = 	snop;
	(pc) =	sbr.ind lr, $3  }
0x3a: {  	_ = 	snop  }
0x3b: {  	_ = 	snop  }
0x3c: {  	p2 =	seq.s32 s10, $0x1;
	s10 =	sld [smem:$0x3FB8]  }
0x3d: {  	_ =	shalt  }
0x3e: {  	_ =	shalt  }
0x3f: {  	_ =	shalt  }
0x40: {  	_ =	shalt  }
0x41: {  	_ =	shalt  }
0x42: {  	_ =	shalt  }
0x43: {  	_ =	shalt  }
0x44: {  	_ =	shalt  }
0x45: {  	_ =	shalt  }
0x46: {  	_ =	shalt  }
0x47: {  	_ =	shalt  }
0x48: {  	_ =	shalt  }
0x49: {  	_ =	shalt  }
0x4a: {  	_ =	shalt  }
0x4b: {  	_ =	shalt  }
0x4c: {  	_ =	shalt  }
0x4d: {  	_ =	shalt  }
0x4e: {  	_ =	shalt  }
0x4f: {  	_ =	shalt  }
0x50: {  	_ =	shalt  }
0x51: {  	_ =	shalt  }
0x52: {  	_ =	shalt  }
0x53: {  	_ =	shalt  }
0x54: {  	_ =	shalt  }
0x55: {  	_ =	shalt  }
0x56: {  	_ =	shalt  }
0x57: {  	_ =	shalt  }
0x58: {  	_ =	shalt  }
0x59: {  	_ =	shalt  }
0x5a: {  	_ =	shalt  }
0x5b: {  	_ =	shalt  }
0x5c: {  	_ =	shalt  }
0x5d: {  	_ =	shalt  }
0x5e: {  	_ =	shalt  }
0x5f: {  	_ =	shalt  }
0x60: {  	_ =	shalt  }
0x61: {  	_ =	shalt  }
0x62: {  	_ =	shalt  }
0x63: {  	_ =	shalt  }
0x64: {  	_ =	shalt  }
0x65: {  	_ =	shalt  }
0x66: {  	_ =	shalt  }
0x67: {  	_ =	shalt  }
0x68: {  	_ =	shalt  }
0x69: {  	_ =	shalt  }
0x6a: {  	_ =	shalt  }
0x6b: {  	_ =	shalt  }
0x6c: {  	_ =	shalt  }
0x6d: {  	_ =	shalt  }
0x6e: {  	_ =	shalt  }
0x6f: {  	_ =	shalt  }
0x70: {  	_ =	shalt  }
0x71: {  	_ =	shalt  }
0x72: {  	_ =	shalt  }
0x73: {  	_ =	shalt  }
0x74: {  	_ =	shalt  }
0x75: {  	_ =	shalt  }
0x76: {  	_ =	shalt  }
0x77: {  	_ =	shalt  }
0x78: {  	_ =	shalt  }
0x79: {  	_ =	shalt  }
0x7a: {  	_ =	shalt  }
0x7b: {  	_ =	shalt  }
0x7c: {  	_ =	shalt  }
0x7d: {  	_ =	shalt  }
0x7e: {  	_ =	shalt  }
0x7f: {  	_ =	shalt  }
0x80: {  	_ =	shalt  }
0x81: {  	_ =	shalt  }
0x82: {  	_ =	shalt  }
0x83: {  	_ =	shalt  }
0x84: {  	_ =	shalt  }
0x85: {  	_ =	shalt  }
0x86: {  	_ =	shalt  }
0x87: {  	_ =	shalt  }
.Lfunc_end0:
.L_simem_size_0:
called_computation.1_lowered:
.L_overlay_start_0:
0x88: {  	s2 =	sld [smem:$0x3FD9]  }
0x89: {  	s3 =	sld [smem:$0x3FFE];
	_ =	sdelay $0x1  }
0x8a: {  	s1 =	srdreg.scid  }
0x8b: {  	s0 =	sand.u32 $0x1, s1  }
0x8c: {  	s17 =	sshll.u32 s0, $0xA;
	s2 =	sadd.s32 s3, s2  }
0x8d: {  	s2 =	sadd.s32 s2, s17  }
0x8e: {  	[smem:$0x3FC4] =	sst s2  }
0x8f: {  	_ = 	snop  }
0x90: {  	s2 =	sld [smem:$0x3FC8]  }
0x91: {  	s18 =	sld [smem:$0x3FC6]  }
0x92: {  	s4 =	sld [smem:$0x3FD0];
	(tm) =	ssettm $0x1  }
0x93: {  	s5 =	sld [smem:$0x3FFB];
	_ =	sdelay $0x3  }
0x94: {  	_ =	strace s5  }
0x95: {  	s5 =	sld [smem:$0x3FFC];
	_ =	sdelay $0x3  }
0x96: {  	_ =	strace s5  }
0x97: {  	s5 =	sld [smem:$0x3FFD];
	_ =	sdelay $0x3  }
0x98: {  	_ =	strace s5  }
0x99: {  	_ =	strace $0x8FFFFFFF  }
0x9a: {  	s19 =	sld [smem:$0x3FDB];
	_ =	sdelay $0x1  }
0x9b: {  	s6 =	simm.s32 $_scs_section_size  }
0x9c: {  	s7 =	simm.s32 $_size__tile_overlayer_lowered;
	s8 =	simm.s32 $_tile_overlayer_lowered  }
0x9d: {  	s22 =	simm.s32 $0x1BFF;
	s21 =	sshll.u32 s8, $0x1;
	s5 =	sadd.s32 s6, s19  }
0x9e: {  	s9 =	simm.s32 $0x0;
	s20 =	sshll.u32 s7, $0x1;
	s7 =	sadd.s32 s21, s5  }
0x9f: {  	[timem:s9], [sflag:s22] =	dma.local [hbm:s7], s20  }
0xa0: {  	_ =	swait.ge [sflag:s22], s20  }
0xa1: {  	s6 =	ssub.s32 $0x0, s20;
	[sflag:s22] =	ssyncset.done $0x0  }
0xa2: {  	[sflag:s22] =	ssyncadd.s32 s6;
	_ =	sdelay $0x1  }
0xa3: {  	s23 =	simm.s32 $0x1B8B  }
0xa4: {  	_ =	swait.ge [sflag:s23], $0x1  }
0xa5: {  	[sflag:s23] =	ssyncset.done $0x0  }
0xa6: {  	s25 =	simm.s32 $0x1B8E;
	s24 =	sld [smem:$0x3FFE];
	[sflag:s23] =	ssyncadd.s32 $0xFFFFFFFF  }
0xa7: {  	s26 =	simm.s32 $execute0_lowered;
	[smem:$0x3FD2] =	sst s25  }
0xa8: {  	s7 =	sshll.u32 s26, $0x1;
	_ =	strace $0x80000049;
	[dreg:$0x1] =	wrdreg $0xFFFFFFFF  }
0xa9: {  	s28 =	simm.s32 $_size_execute0_lowered;
	s5 =	sadd.s32 s5, s7;
	[dreg:$0x0] =	wrdreg $0x0  }
0xaa: {  	s7 =	sshll.u32 s28, $0x1;
	[dreg:$0x2] =	wrdreg s5  }
0xab: {  	[dreg:$0x3] =	wrdreg s7  }
0xac: {  	[dreg:$0x4] =	wrdreg $0xC0  }
0xad: {  	_ =	task [dreg:s9], $0x5FFFF  }
0xae: {  	[dreg:$0x1] =	wrdreg $0xFFFFFFFF  }
0xaf: {  	[dreg:$0x0] =	wrdreg $0x60  }
0xb0: {  	[dreg:$0x2] =	wrdreg s24  }
0xb1: {  	[dreg:$0x3] =	wrdreg s2  }
0xb2: {  	[dreg:$0x4] =	wrdreg s18  }
0xb3: {  	[dreg:$0x5] =	wrdreg s4  }
0xb4: {  	[dreg:$0x6] =	wrdreg $0x9  }
0xb5: {  	_ =	task.clear_ibuf [dreg:s9], $0x7FFFF;
	_ =	strace $0x90000049  }
0xb6: {  	s29 =	simm.s32 $0x9;
	_ =	strace $0x8000004B  }
0xb7: {  	_ =	swait.ge [sflag:s29], $0x1  }
0xb8: {  	[sflag:s29] =	ssyncadd.s32 $0xFFFFFFFF  }
0xb9: {  	_ =	strace $0x9000004B  }
0xba: {  	_ =	sfence  }
0xbb: {  	s30 =	sld [smem:$0x0];
	_ =	sdelay $0x2  }
0xbc: {  	s31 =	sshll.u32 s1, $0xD;
	s1 =	sshrl.u32 s1, $0x2  }
0xbd: {  	s3 =	sand.u32 $0x4000, s31;
	s1 =	sadd.s32 s1, s30  }
0xbe: {  	s0 =	sor.u32 s3, s0;
	s1 =	sshll.u32 s1, $0x11  }
0xbf: {  	s0 =	sor.u32 s1, s0  }
0xc0: {  	s0 =	sadd.s32 $0x8F2B, s0  }
0xc1: {  	[sflag:s0] =	ssyncadd.remote.s32 $0x1  }
0xc2: {  	_ =	sfence.sel $0xFFFF  }
0xc3: {  	[dreg:$0x0] =	wrdreg $0xFFFFFFFF;
	(pc) =	sbr.abs _section_cstart, $3  }
0xc4: {  	[dreg:$0x1] =	wrdreg $0xFFFFFFFF  }
0xc5: {  	_ =	task.clear_ibuf [dreg:s9], $0x2FFFF;
	_ =	strace $0x9FFFFFFF  }
0xc6: {  	(tm) =	ssettm $0x7FFFFFFF  }
0xc7: {  	_ =	shalt  }
tec
execute0_lowered:
.L_overlay_start_1:
0x0: {  	(tag) =	ssettag $0x1  }
0x1: {  	s0 =	rddreg [dreg:$0x0]  }
0x2: {  	s1 =	rddreg [dreg:$0x1]  }
0x3: {  	s3 =	rddreg [dreg:$0x3];
	s2 =	srdreg.scid  }
0x4: {  	s5 =	stileid.u32;
	s4 =	simm.s32 $0x0;
	s14 =	simm.s32 $0x11CC0  }
0x5: {  	s15 =	simm.s32 $0x6;
	s18 =	simm.s32 $0x5;
	s19 =	simm.s32 $0x3  }
0x6: {  	s20 =	simm.s32 $0x820;
	s22 =	simm.s32 $0x4;
	s23 =	simm.s32 $0x9240  }
0x7: {  	s24 =	simm.s32 $0x1;
	s25 =	simm.s32 $0x11440;
	s26 =	simm.s32 $0x2  }
0x8: {  	s28 =	simm.s32 $0x0;
	s2 =	sand.u32 $0x1, s2;
	s5 =	sshll.u32 s5, $0x1  }
0x9: {  	[smem:$0x7FF] =	sst s4;
	s6 =	sadd.s32 $0xA00, s0;
	s7 =	sor.u32 s2, s5  }
0xa: {  	_ =	strace $0x8000004A;
	s2 =	ssub.s32 $0x2, s2;
	s12 =	smul.u32 $0x10400, s7  }
0xb: {  	s5 =	sadd.s32 $0x3E9000, s0;
	s30 =	sshrl.u32 s2, $0x1;
	s31 =	sshll.u32 s7, $0x4  }
0xc: {  	s7 =	sshll.u32 s7, $0x7;
	s0 =	ssub.s32 s2, s30;
	s9 =	sshrl.u32 s12, $0x3  }
0xd: {  	s8 =	sadd.s32 s1, s31;
	s11 =	sadd.s32 $0x1040, s12;
	s9 =	sadd.s32 s5, s9  }
0xe: {  	s12 =	sadd.s32 $0x1860, s12;
	s13 =	smax.u32 s0, $0x1;
	s10 =	sadd.s32 $0x104, s9  }
.LBB2_1:
0xf: {  	[tilespmem:s14], [sflag:$0x6] =	stream.linear.gather [hbm4b:s8+s4], $0x80, $0x38;
	[tilespmem:$0x15D40] =	vst v63  }
0x10: {  	_ =	swait.ge [sflag:s15], $0x80  }
0x11: {  	[sflag:s15] =	ssyncset.done $0x0  }
0x12: {  	[sflag:s15] =	ssyncadd.s32 $0xFFFFFF80  }
0x13: {  	s1 =	simm.s32 $0x80;
	s2 =	simm.s32 $0x11D40;
	s0 =	rddreg [dreg:$0x2]  }
0x14: {  	[tilespmem:s2], [sflag:$0x5] =	stream.indirect.gather [hbm4b:s0+s1], $0x80, s14, s1, $0xb8;
	[tilespmem:$0x15D40] =	vst v63  }
0x15: {  	_ =	swait.ge [sflag:s18], $0x4000  }
0x16: {  	[sflag:s18] =	ssyncset.done $0x0  }
0x17: {  	[sflag:s18] =	ssyncadd.s32 $0xFFFFC000  }
0x18: {  	[tilespmem:s4], [sflag:$0x3] =	stream.linear.gather [hbm4b:s9+s4], $0x820, $0x38;
	[tilespmem:$0x15D40] =	vst v63  }
0x19: {  	_ =	swait.ge [sflag:s19], $0x820  }
0x1a: {  	[sflag:s19] =	ssyncset.done $0x0  }
0x1b: {  	s31 =	simm.s32 $0x1040;
	[sflag:s19] =	ssyncadd.s32 $0xFFFFF7E0  }
0x1c: {  	[tilespmem:s31], [sflag:$0x1] =	stream.indirect.gather [hbm4b:s6+s20], $0x10, s4, s20, $0xb8;
	[tilespmem:$0x15D40] =	vst v63  }
0x1d: {  	s29 =	simm.s32 $0x0  }
0x1e: {  	[tilespmem:s20], [sflag:$0x4] =	stream.linear.gather [hbm4b:s10+s4], $0x820, $0x38;
	[tilespmem:$0x15D40] =	vst v63  }
.LBB2_2:
0x1f: {  	_ =	swait.ge [sflag:s22], $0x820  }
0x20: {  	p0 =	seq.s32 s29, $0xF;
	[sflag:s22] =	ssyncset.done $0x0  }
0x21: {  	s0 =	smul.u32 @!p0 $0x1040, s29;
	[sflag:s22] =	ssyncadd.s32 $0xFFFFF7E0  }
0x22: {  	[tilespmem:s23], [sflag:$0x2] =	stream.indirect.gather [hbm4b:s6+s20], $0x10, s20, s20, $0xb8;
	[tilespmem:$0x15D40] =	vst v63  }
0x23: {  	s1 =	sadd.s32 @!p0 s0, s11;
	_ =	swait.ge [sflag:s24], $0x8200  }
0x24: {  	s1 =	sshrl.u32 @!p0 s1, $0x3;
	[sflag:s24] =	ssyncset.done $0x0  }
0x25: {  	s2 =	simm.s32 @!p0 $0x0;
	s1 =	sadd.s32 @!p0 s5, s1;
	[sflag:s24] =	ssyncadd.s32 $0xFFFF7E00  }
0x26: {  	[tilespmem:s2], [sflag:$0x3] =	stream.linear.gather @!p0 [hbm4b:s1+s2], $0x820, $0x38;
	[tilespmem:$0x15D40] =	vst v63  }
0x27: {  	s2 =	simm.s32 $0x10E0  }
0x28: {  	s1 =	sshll.u32 s29, $0x3;
	v0 =	vld [tilespmem:s2+$0xFFFFFF70]  }
0x29: {  	s31 =	simm.s32 $0x0;
	s16 =	simm.s32 $0x40;
	s30 =	sor.u32 $0x4, s1;
	v1 =	vld [tilespmem:s2+$0xFFFFFF60]  }
.LBB2_3:
0x2a: {  	p1 =	sne.s32 s16, $0x640  }
0x2b: {  	v2 =	vld [tilespmem:s2+$0xFFFFFF80];
	_ =	sdelay $0x1  }
0x2c: {  	v3 =	vld [tilespmem:s2+$0xFFFFFF90]  }
0x2d: {  	v0 =	vadd.f32 v0, v1  }
0x2e: {  	v1 =	vld [tilespmem:s2+$0xFFFFFFA0]  }
0x2f: {  	v0 =	vadd.f32 v2, v0  }
0x30: {  	v2 =	vld [tilespmem:s2+$0xFFFFFFB0]  }
0x31: {  	v0 =	vadd.f32 v3, v0  }
0x32: {  	v3 =	vld [tilespmem:s2+$0xFFFFFFC0]  }
0x33: {  	v0 =	vadd.f32 v1, v0  }
0x34: {  	v1 =	vld [tilespmem:s2+$0xFFFFFFD0]  }
0x35: {  	v0 =	vadd.f32 v2, v0  }
0x36: {  	v2 =	vld [tilespmem:s2+$0xFFFFFFE0]  }
0x37: {  	v0 =	vadd.f32 v3, v0  }
0x38: {  	v3 =	vld [tilespmem:s2+$0xFFFFFFF0]  }
0x39: {  	v0 =	vadd.f32 v1, v0  }
0x3a: {  	v1 =	vld [tilespmem:s2+$0x0]  }
0x3b: {  	v0 =	vadd.f32 v2, v0  }
0x3c: {  	v2 =	vld [tilespmem:s2+$0x10]  }
0x3d: {  	v0 =	vadd.f32 v3, v0  }
0x3e: {  	v3 =	vld [tilespmem:s2+$0x20]  }
0x3f: {  	v0 =	vadd.f32 v1, v0  }
0x40: {  	v1 =	vld [tilespmem:s2+$0x30]  }
0x41: {  	v0 =	vadd.f32 v2, v0  }
0x42: {  	v2 =	vld [tilespmem:s2+$0x40]  }
0x43: {  	v0 =	vadd.f32 v3, v0  }
0x44: {  	v3 =	vld [tilespmem:s2+$0x50]  }
0x45: {  	v0 =	vadd.f32 v1, v0  }
0x46: {  	v1 =	vld [tilespmem:s2+$0x60]  }
0x47: {  	v0 =	vadd.f32 v2, v0  }
0x48: {  	v2 =	vld [tilespmem:s2+$0x70]  }
0x49: {  	v0 =	vadd.f32 v3, v0  }
0x4a: {  	v3 =	vld [tilespmem:s2+$0x80]  }
0x4b: {  	v0 =	vadd.f32 v1, v0  }
0x4c: {  	v1 =	vld [tilespmem:s2+$0x90]  }
0x4d: {  	v0 =	vadd.f32 v2, v0;
	_ =	sdelay $0x1  }
0x4e: {  	v0 =	vadd.f32 v3, v0;
	_ =	sdelay $0x1  }
.Ltmp0:
0x4f: {  	v0 =	vadd.f32 v1, v0;
	(pc) =	sbr.rel @p1 .LBB2_3-.Ltmp0, $4  }
0x50: {  	s17 =	sshra.s32 s31, $0x2;
	s31 =	smov.u32 s16  }
0x51: {  	s2 =	sadd.s32 $0x140, s2;
	[tilespmem:s17+$0x11440] =	vst v0  }
0x52: {  	v0 =	vld [tilespmem:s2+$0xFFFFFF70]  }
0x53: {  	s16 =	sadd.s32 $0x40, s16;
	v1 =	vld [tilespmem:s2+$0xFFFFFF60]  }
0x54: {  	_ = 	snop  }
0x55: {  	v2 =	vld [tilespmem:s2+$0xFFFFFF80];
	_ =	sdelay $0x1  }
0x56: {  	v3 =	vld [tilespmem:s2+$0xFFFFFF90]  }
0x57: {  	v0 =	vadd.f32 v0, v1  }
0x58: {  	v1 =	vld [tilespmem:s2+$0xFFFFFFA0]  }
0x59: {  	v0 =	vadd.f32 v2, v0  }
0x5a: {  	v2 =	vld [tilespmem:s2+$0xFFFFFFB0]  }
0x5b: {  	v0 =	vadd.f32 v3, v0  }
0x5c: {  	v3 =	vld [tilespmem:s2+$0xFFFFFFC0]  }
0x5d: {  	v0 =	vadd.f32 v1, v0  }
0x5e: {  	v1 =	vld [tilespmem:s2+$0xFFFFFFD0]  }
0x5f: {  	v0 =	vadd.f32 v2, v0  }
0x60: {  	v2 =	vld [tilespmem:s2+$0xFFFFFFE0]  }
0x61: {  	v0 =	vadd.f32 v3, v0  }
0x62: {  	v3 =	vld [tilespmem:s2+$0xFFFFFFF0]  }
0x63: {  	v0 =	vadd.f32 v1, v0  }
0x64: {  	v1 =	vld [tilespmem:s2+$0x0]  }
0x65: {  	v0 =	vadd.f32 v2, v0  }
0x66: {  	v2 =	vld [tilespmem:s2+$0x10]  }
0x67: {  	v0 =	vadd.f32 v3, v0  }
0x68: {  	v3 =	vld [tilespmem:s2+$0x20]  }
0x69: {  	v0 =	vadd.f32 v1, v0  }
0x6a: {  	v1 =	vld [tilespmem:s2+$0x30]  }
0x6b: {  	v0 =	vadd.f32 v2, v0  }
0x6c: {  	v2 =	vld [tilespmem:s2+$0x40]  }
0x6d: {  	v0 =	vadd.f32 v3, v0  }
0x6e: {  	v3 =	vld [tilespmem:s2+$0x50]  }
0x6f: {  	v0 =	vadd.f32 v1, v0  }
0x70: {  	v1 =	vld [tilespmem:s2+$0x60]  }
0x71: {  	v0 =	vadd.f32 v2, v0  }
0x72: {  	v2 =	vld [tilespmem:s2+$0x70]  }
0x73: {  	v0 =	vadd.f32 v3, v0  }
0x74: {  	v3 =	vld [tilespmem:s2+$0x80]  }
0x75: {  	v0 =	vadd.f32 v1, v0  }
0x76: {  	v1 =	vld [tilespmem:s2+$0x90]  }
0x77: {  	v0 =	vadd.f32 v2, v0;
	_ =	sdelay $0x1  }
0x78: {  	v0 =	vadd.f32 v3, v0;
	_ =	sdelay $0x1  }
0x79: {  	v0 =	vadd.f32 v1, v0  }
0x7a: {  	s21 =	sshra.s32 s31, $0x2;
	s16 =	sshll.u32 s29, $0xA  }
0x7b: {  	s31 =	sand.u32 $0x3FFFFC00, s16;
	[tilespmem:s21+$0x11440] =	vst v0  }
0x7c: {  	v0 =	vld [tilespmem:s31+$0x11D40];
	_ =	sdelay $0x4  }
0x7d: {  	[tilespmem:$0x115E0] =	vst v0  }
0x7e: {  	v0 =	vld [tilespmem:s31+$0x11D50];
	_ =	sdelay $0x4  }
0x7f: {  	[tilespmem:$0x115F0] =	vst v0  }
0x80: {  	v0 =	vld [tilespmem:s31+$0x11D60];
	_ =	sdelay $0x4  }
0x81: {  	[tilespmem:$0x11600] =	vst v0  }
0x82: {  	v0 =	vld [tilespmem:s31+$0x11D70];
	_ =	sdelay $0x4  }
0x83: {  	[tilespmem:$0x11610] =	vst v0  }
0x84: {  	v0 =	vld [tilespmem:s31+$0x11D80];
	_ =	sdelay $0x4  }
0x85: {  	[tilespmem:$0x11620] =	vst v0  }
0x86: {  	v0 =	vld [tilespmem:s31+$0x11D90];
	_ =	sdelay $0x4  }
0x87: {  	[tilespmem:$0x11630] =	vst v0  }
0x88: {  	v0 =	vld [tilespmem:s31+$0x11DA0];
	_ =	sdelay $0x4  }
0x89: {  	[tilespmem:$0x11640] =	vst v0  }
0x8a: {  	v0 =	vld [tilespmem:s31+$0x11DB0];
	_ =	sdelay $0x4  }
0x8b: {  	s16 =	simm.s32 $0x31F0;
	[tilespmem:$0x11650] =	vst v0  }
0x8c: {  	v0 =	vld [tilespmem:s16+$0xFFFFFEE0]  }
0x8d: {  	s17 =	simm.s32 $0x40;
	s2 =	simm.s32 $0x0;
	v1 =	vld [tilespmem:s16+$0xFFFFFED0]  }
.LBB2_5:
0x8e: {  	p1 =	sne.s32 s17, $0x640  }
0x8f: {  	v2 =	vld [tilespmem:s16+$0xFFFFFEF0];
	_ =	sdelay $0x1  }
0x90: {  	v3 =	vld [tilespmem:s16+$0xFFFFFF00]  }
0x91: {  	v0 =	vadd.f32 v0, v1  }
0x92: {  	v1 =	vld [tilespmem:s16+$0xFFFFFF10]  }
0x93: {  	v0 =	vadd.f32 v2, v0  }
0x94: {  	v2 =	vld [tilespmem:s16+$0xFFFFFF20]  }
0x95: {  	v0 =	vadd.f32 v3, v0  }
0x96: {  	v3 =	vld [tilespmem:s16+$0xFFFFFF30]  }
0x97: {  	v0 =	vadd.f32 v1, v0  }
0x98: {  	v1 =	vld [tilespmem:s16+$0xFFFFFF40]  }
0x99: {  	v0 =	vadd.f32 v2, v0  }
0x9a: {  	v2 =	vld [tilespmem:s16+$0xFFFFFF50]  }
0x9b: {  	v0 =	vadd.f32 v3, v0  }
0x9c: {  	v3 =	vld [tilespmem:s16+$0xFFFFFF60]  }
0x9d: {  	v0 =	vadd.f32 v1, v0  }
0x9e: {  	v1 =	vld [tilespmem:s16+$0xFFFFFF70]  }
0x9f: {  	v0 =	vadd.f32 v2, v0  }
0xa0: {  	v2 =	vld [tilespmem:s16+$0xFFFFFF80]  }
0xa1: {  	v0 =	vadd.f32 v3, v0  }
0xa2: {  	v3 =	vld [tilespmem:s16+$0xFFFFFF90]  }
0xa3: {  	v0 =	vadd.f32 v1, v0  }
0xa4: {  	v1 =	vld [tilespmem:s16+$0xFFFFFFA0]  }
0xa5: {  	v0 =	vadd.f32 v2, v0  }
0xa6: {  	v2 =	vld [tilespmem:s16+$0xFFFFFFB0]  }
0xa7: {  	v0 =	vadd.f32 v3, v0  }
0xa8: {  	v3 =	vld [tilespmem:s16+$0xFFFFFFC0]  }
0xa9: {  	v0 =	vadd.f32 v1, v0  }
0xaa: {  	v1 =	vld [tilespmem:s16+$0xFFFFFFD0]  }
0xab: {  	v0 =	vadd.f32 v2, v0  }
0xac: {  	v2 =	vld [tilespmem:s16+$0xFFFFFFE0]  }
0xad: {  	v0 =	vadd.f32 v3, v0  }
0xae: {  	v3 =	vld [tilespmem:s16+$0xFFFFFFF0]  }
0xaf: {  	v0 =	vadd.f32 v1, v0  }
0xb0: {  	v1 =	vld [tilespmem:s16+$0x0]  }
0xb1: {  	v0 =	vadd.f32 v2, v0;
	_ =	sdelay $0x1  }
0xb2: {  	v0 =	vadd.f32 v3, v0;
	_ =	sdelay $0x1  }
.Ltmp1:
0xb3: {  	v0 =	vadd.f32 v1, v0;
	(pc) =	sbr.rel @p1 .LBB2_5-.Ltmp1, $4  }
0xb4: {  	s21 =	sshra.s32 s2, $0x2;
	s2 =	smov.u32 s17  }
0xb5: {  	s16 =	sadd.s32 $0x140, s16;
	[tilespmem:s21+$0x11660] =	vst v0  }
0xb6: {  	v0 =	vld [tilespmem:s16+$0xFFFFFEE0]  }
0xb7: {  	s17 =	sadd.s32 $0x40, s17;
	v1 =	vld [tilespmem:s16+$0xFFFFFED0]  }
0xb8: {  	_ = 	snop  }
0xb9: {  	v2 =	vld [tilespmem:s16+$0xFFFFFEF0];
	_ =	sdelay $0x1  }
0xba: {  	v3 =	vld [tilespmem:s16+$0xFFFFFF00]  }
0xbb: {  	v0 =	vadd.f32 v0, v1  }
0xbc: {  	v1 =	vld [tilespmem:s16+$0xFFFFFF10]  }
0xbd: {  	v0 =	vadd.f32 v2, v0  }
0xbe: {  	v2 =	vld [tilespmem:s16+$0xFFFFFF20]  }
0xbf: {  	v0 =	vadd.f32 v3, v0  }
0xc0: {  	v3 =	vld [tilespmem:s16+$0xFFFFFF30]  }
0xc1: {  	v0 =	vadd.f32 v1, v0  }
0xc2: {  	v1 =	vld [tilespmem:s16+$0xFFFFFF40]  }
0xc3: {  	v0 =	vadd.f32 v2, v0  }
0xc4: {  	v2 =	vld [tilespmem:s16+$0xFFFFFF50]  }
0xc5: {  	v0 =	vadd.f32 v3, v0  }
0xc6: {  	v3 =	vld [tilespmem:s16+$0xFFFFFF60]  }
0xc7: {  	v0 =	vadd.f32 v1, v0  }
0xc8: {  	v1 =	vld [tilespmem:s16+$0xFFFFFF70]  }
0xc9: {  	v0 =	vadd.f32 v2, v0  }
0xca: {  	v2 =	vld [tilespmem:s16+$0xFFFFFF80]  }
0xcb: {  	v0 =	vadd.f32 v3, v0  }
0xcc: {  	v3 =	vld [tilespmem:s16+$0xFFFFFF90]  }
0xcd: {  	v0 =	vadd.f32 v1, v0  }
0xce: {  	v1 =	vld [tilespmem:s16+$0xFFFFFFA0]  }
0xcf: {  	v0 =	vadd.f32 v2, v0  }
0xd0: {  	v2 =	vld [tilespmem:s16+$0xFFFFFFB0]  }
0xd1: {  	v0 =	vadd.f32 v3, v0  }
0xd2: {  	v3 =	vld [tilespmem:s16+$0xFFFFFFC0]  }
0xd3: {  	v0 =	vadd.f32 v1, v0  }
0xd4: {  	v1 =	vld [tilespmem:s16+$0xFFFFFFD0]  }
0xd5: {  	v0 =	vadd.f32 v2, v0  }
0xd6: {  	v2 =	vld [tilespmem:s16+$0xFFFFFFE0]  }
0xd7: {  	v0 =	vadd.f32 v3, v0  }
0xd8: {  	v3 =	vld [tilespmem:s16+$0xFFFFFFF0]  }
0xd9: {  	v0 =	vadd.f32 v1, v0  }
0xda: {  	v1 =	vld [tilespmem:s16+$0x0]  }
0xdb: {  	v0 =	vadd.f32 v2, v0;
	_ =	sdelay $0x1  }
0xdc: {  	v0 =	vadd.f32 v3, v0;
	_ =	sdelay $0x1  }
0xdd: {  	v0 =	vadd.f32 v1, v0  }
0xde: {  	s2 =	sshra.s32 s2, $0x2  }
0xdf: {  	[tilespmem:s2+$0x11660] =	vst v0  }
0xe0: {  	v0 =	vld [tilespmem:s31+$0x11DC0];
	_ =	sdelay $0x4  }
0xe1: {  	[tilespmem:$0x11800] =	vst v0  }
0xe2: {  	v0 =	vld [tilespmem:s31+$0x11DD0];
	_ =	sdelay $0x4  }
0xe3: {  	[tilespmem:$0x11810] =	vst v0  }
0xe4: {  	v0 =	vld [tilespmem:s31+$0x11DE0];
	_ =	sdelay $0x4  }
0xe5: {  	[tilespmem:$0x11820] =	vst v0  }
0xe6: {  	v0 =	vld [tilespmem:s31+$0x11DF0];
	_ =	sdelay $0x4  }
0xe7: {  	[tilespmem:$0x11830] =	vst v0  }
0xe8: {  	v0 =	vld [tilespmem:s31+$0x11E00];
	_ =	sdelay $0x4  }
0xe9: {  	[tilespmem:$0x11840] =	vst v0  }
0xea: {  	v0 =	vld [tilespmem:s31+$0x11E10];
	_ =	sdelay $0x4  }
0xeb: {  	[tilespmem:$0x11850] =	vst v0  }
0xec: {  	v0 =	vld [tilespmem:s31+$0x11E20];
	_ =	sdelay $0x4  }
0xed: {  	[tilespmem:$0x11860] =	vst v0  }
0xee: {  	v0 =	vld [tilespmem:s31+$0x11E30];
	_ =	sdelay $0x4  }
0xef: {  	s21 =	simm.s32 $0x0;
	[tilespmem:$0x11870] =	vst v0  }
0xf0: {  	v0 =	vld [tilespmem:s21+$0x5150]  }
0xf1: {  	v1 =	vld [tilespmem:s21+$0x5140];
	_ =	sdelay $0x1  }
0xf2: {  	v2 =	vld [tilespmem:s21+$0x5160];
	_ =	sdelay $0x1  }
0xf3: {  	v3 =	vld [tilespmem:s21+$0x5170]  }
0xf4: {  	v0 =	vadd.f32 v0, v1  }
0xf5: {  	v1 =	vld [tilespmem:s21+$0x5180]  }
0xf6: {  	v0 =	vadd.f32 v2, v0  }
0xf7: {  	v2 =	vld [tilespmem:s21+$0x5190]  }
0xf8: {  	v0 =	vadd.f32 v3, v0  }
0xf9: {  	v3 =	vld [tilespmem:s21+$0x51A0]  }
0xfa: {  	v0 =	vadd.f32 v1, v0  }
0xfb: {  	v1 =	vld [tilespmem:s21+$0x51B0]  }
0xfc: {  	v0 =	vadd.f32 v2, v0  }
0xfd: {  	v2 =	vld [tilespmem:s21+$0x51C0]  }
0xfe: {  	v0 =	vadd.f32 v3, v0  }
0xff: {  	v3 =	vld [tilespmem:s21+$0x51D0]  }
0x100: {  	v0 =	vadd.f32 v1, v0  }
0x101: {  	v1 =	vld [tilespmem:s21+$0x51E0]  }
0x102: {  	v0 =	vadd.f32 v2, v0  }
0x103: {  	v2 =	vld [tilespmem:s21+$0x51F0]  }
0x104: {  	v0 =	vadd.f32 v3, v0  }
0x105: {  	v3 =	vld [tilespmem:s21+$0x5200]  }
0x106: {  	v0 =	vadd.f32 v1, v0  }
0x107: {  	v1 =	vld [tilespmem:s21+$0x5210]  }
0x108: {  	v0 =	vadd.f32 v2, v0  }
0x109: {  	v2 =	vld [tilespmem:s21+$0x5220]  }
0x10a: {  	v0 =	vadd.f32 v3, v0  }
0x10b: {  	v3 =	vld [tilespmem:s21+$0x5230]  }
0x10c: {  	v0 =	vadd.f32 v1, v0  }
0x10d: {  	v1 =	vld [tilespmem:s21+$0x5240]  }
0x10e: {  	v0 =	vadd.f32 v2, v0  }
0x10f: {  	v2 =	vld [tilespmem:s21+$0x5250]  }
0x110: {  	v0 =	vadd.f32 v3, v0  }
0x111: {  	v3 =	vld [tilespmem:s21+$0x5260]  }
0x112: {  	v0 =	vadd.f32 v1, v0  }
0x113: {  	v1 =	vld [tilespmem:s21+$0x5270]  }
0x114: {  	v0 =	vadd.f32 v2, v0;
	_ =	sdelay $0x1  }
0x115: {  	v0 =	vadd.f32 v3, v0;
	_ =	sdelay $0x1  }
0x116: {  	v0 =	vadd.f32 v1, v0  }
0x117: {  	s2 =	simm.s32 $0x11880  }
0x118: {  	s16 =	simm.s32 $0x140;
	[tilespmem:s2+$0x0] =	vst v0  }
0x119: {  	s17 =	simm.s32 $0xA00;
	v0 =	vld [tilespmem:s16+$0x5150]  }
.LBB2_7:
0x11a: {  	p1 =	sne.s32 s17, $0x7D00;
	v1 =	vld [tilespmem:s16+$0x5140];
	_ =	sdelay $0x1  }
0x11b: {  	v2 =	vld [tilespmem:s16+$0x5160];
	_ =	sdelay $0x1  }
0x11c: {  	v3 =	vld [tilespmem:s16+$0x5170]  }
0x11d: {  	v0 =	vadd.f32 v0, v1  }
0x11e: {  	v1 =	vld [tilespmem:s16+$0x5180]  }
0x11f: {  	v0 =	vadd.f32 v2, v0  }
0x120: {  	v2 =	vld [tilespmem:s16+$0x5190]  }
0x121: {  	v0 =	vadd.f32 v3, v0  }
0x122: {  	v3 =	vld [tilespmem:s16+$0x51A0]  }
0x123: {  	v0 =	vadd.f32 v1, v0  }
0x124: {  	v1 =	vld [tilespmem:s16+$0x51B0]  }
0x125: {  	v0 =	vadd.f32 v2, v0  }
0x126: {  	v2 =	vld [tilespmem:s16+$0x51C0]  }
0x127: {  	v0 =	vadd.f32 v3, v0  }
0x128: {  	v3 =	vld [tilespmem:s16+$0x51D0]  }
0x129: {  	v0 =	vadd.f32 v1, v0  }
0x12a: {  	v1 =	vld [tilespmem:s16+$0x51E0]  }
0x12b: {  	v0 =	vadd.f32 v2, v0  }
0x12c: {  	v2 =	vld [tilespmem:s16+$0x51F0]  }
0x12d: {  	v0 =	vadd.f32 v3, v0  }
0x12e: {  	v3 =	vld [tilespmem:s16+$0x5200]  }
0x12f: {  	v0 =	vadd.f32 v1, v0  }
0x130: {  	v1 =	vld [tilespmem:s16+$0x5210]  }
0x131: {  	v0 =	vadd.f32 v2, v0  }
0x132: {  	v2 =	vld [tilespmem:s16+$0x5220]  }
0x133: {  	v0 =	vadd.f32 v3, v0  }
0x134: {  	v3 =	vld [tilespmem:s16+$0x5230]  }
0x135: {  	v0 =	vadd.f32 v1, v0  }
0x136: {  	v1 =	vld [tilespmem:s16+$0x5240]  }
0x137: {  	v0 =	vadd.f32 v2, v0  }
0x138: {  	v2 =	vld [tilespmem:s16+$0x5250]  }
0x139: {  	v0 =	vadd.f32 v3, v0  }
0x13a: {  	v3 =	vld [tilespmem:s16+$0x5260]  }
0x13b: {  	v0 =	vadd.f32 v1, v0  }
0x13c: {  	v1 =	vld [tilespmem:s16+$0x5270]  }
0x13d: {  	v0 =	vadd.f32 v2, v0;
	_ =	sdelay $0x1  }
0x13e: {  	v0 =	vadd.f32 v3, v0  }
.Ltmp2:
0x13f: {  	(pc) =	sbr.rel @p1 .LBB2_7-.Ltmp2, $4  }
0x140: {  	v0 =	vadd.f32 v1, v0  }
0x141: {  	s2 =	sadd.s32 $0x10, s2  }
0x142: {  	s16 =	sshra.s32 s17, $0x2;
	[tilespmem:s2+$0x0] =	vst v0  }
0x143: {  	s17 =	sadd.s32 $0x500, s17;
	v0 =	vld [tilespmem:s16+$0x5150]  }
0x144: {  	v1 =	vld [tilespmem:s16+$0x5140];
	_ =	sdelay $0x1  }
0x145: {  	v2 =	vld [tilespmem:s16+$0x5160];
	_ =	sdelay $0x1  }
0x146: {  	v3 =	vld [tilespmem:s16+$0x5170]  }
0x147: {  	v0 =	vadd.f32 v0, v1  }
0x148: {  	v1 =	vld [tilespmem:s16+$0x5180]  }
0x149: {  	v0 =	vadd.f32 v2, v0  }
0x14a: {  	v2 =	vld [tilespmem:s16+$0x5190]  }
0x14b: {  	v0 =	vadd.f32 v3, v0  }
0x14c: {  	v3 =	vld [tilespmem:s16+$0x51A0]  }
0x14d: {  	v0 =	vadd.f32 v1, v0  }
0x14e: {  	v1 =	vld [tilespmem:s16+$0x51B0]  }
0x14f: {  	v0 =	vadd.f32 v2, v0  }
0x150: {  	v2 =	vld [tilespmem:s16+$0x51C0]  }
0x151: {  	v0 =	vadd.f32 v3, v0  }
0x152: {  	v3 =	vld [tilespmem:s16+$0x51D0]  }
0x153: {  	v0 =	vadd.f32 v1, v0  }
0x154: {  	v1 =	vld [tilespmem:s16+$0x51E0]  }
0x155: {  	v0 =	vadd.f32 v2, v0  }
0x156: {  	v2 =	vld [tilespmem:s16+$0x51F0]  }
0x157: {  	v0 =	vadd.f32 v3, v0  }
0x158: {  	v3 =	vld [tilespmem:s16+$0x5200]  }
0x159: {  	v0 =	vadd.f32 v1, v0  }
0x15a: {  	v1 =	vld [tilespmem:s16+$0x5210]  }
0x15b: {  	v0 =	vadd.f32 v2, v0  }
0x15c: {  	v2 =	vld [tilespmem:s16+$0x5220]  }
0x15d: {  	v0 =	vadd.f32 v3, v0  }
0x15e: {  	v3 =	vld [tilespmem:s16+$0x5230]  }
0x15f: {  	v0 =	vadd.f32 v1, v0  }
0x160: {  	v1 =	vld [tilespmem:s16+$0x5240]  }
0x161: {  	v0 =	vadd.f32 v2, v0  }
0x162: {  	v2 =	vld [tilespmem:s16+$0x5250]  }
0x163: {  	v0 =	vadd.f32 v3, v0  }
0x164: {  	v3 =	vld [tilespmem:s16+$0x5260]  }
0x165: {  	v0 =	vadd.f32 v1, v0  }
0x166: {  	v1 =	vld [tilespmem:s16+$0x5270]  }
0x167: {  	v0 =	vadd.f32 v2, v0;
	_ =	sdelay $0x1  }
0x168: {  	v0 =	vadd.f32 v3, v0;
	_ =	sdelay $0x1  }
0x169: {  	v0 =	vadd.f32 v1, v0  }
0x16a: {  	s2 =	sadd.s32 $0x10, s2  }
0x16b: {  	[tilespmem:s2+$0x0] =	vst v0  }
0x16c: {  	v0 =	vld [tilespmem:s31+$0x11E40];
	_ =	sdelay $0x4  }
0x16d: {  	[tilespmem:$0x11A20] =	vst v0  }
0x16e: {  	v0 =	vld [tilespmem:s31+$0x11E50];
	_ =	sdelay $0x4  }
0x16f: {  	[tilespmem:$0x11A30] =	vst v0  }
0x170: {  	v0 =	vld [tilespmem:s31+$0x11E60];
	_ =	sdelay $0x4  }
0x171: {  	[tilespmem:$0x11A40] =	vst v0  }
0x172: {  	v0 =	vld [tilespmem:s31+$0x11E70];
	_ =	sdelay $0x4  }
0x173: {  	[tilespmem:$0x11A50] =	vst v0  }
0x174: {  	v0 =	vld [tilespmem:s31+$0x11E80];
	_ =	sdelay $0x4  }
0x175: {  	[tilespmem:$0x11A60] =	vst v0  }
0x176: {  	v0 =	vld [tilespmem:s31+$0x11E90];
	_ =	sdelay $0x4  }
0x177: {  	[tilespmem:$0x11A70] =	vst v0  }
0x178: {  	v0 =	vld [tilespmem:s31+$0x11EA0];
	_ =	sdelay $0x4  }
0x179: {  	[tilespmem:$0x11A80] =	vst v0  }
0x17a: {  	v0 =	vld [tilespmem:s31+$0x11EB0];
	_ =	sdelay $0x4  }
0x17b: {  	s21 =	simm.s32 $0x0;
	[tilespmem:$0x11A90] =	vst v0  }
0x17c: {  	v0 =	vld [tilespmem:s21+$0x71D0]  }
0x17d: {  	v1 =	vld [tilespmem:s21+$0x71C0];
	_ =	sdelay $0x1  }
0x17e: {  	v2 =	vld [tilespmem:s21+$0x71E0];
	_ =	sdelay $0x1  }
0x17f: {  	v3 =	vld [tilespmem:s21+$0x71F0]  }
0x180: {  	v0 =	vadd.f32 v0, v1  }
0x181: {  	v1 =	vld [tilespmem:s21+$0x7200]  }
0x182: {  	v0 =	vadd.f32 v2, v0  }
0x183: {  	v2 =	vld [tilespmem:s21+$0x7210]  }
0x184: {  	v0 =	vadd.f32 v3, v0  }
0x185: {  	v3 =	vld [tilespmem:s21+$0x7220]  }
0x186: {  	v0 =	vadd.f32 v1, v0  }
0x187: {  	v1 =	vld [tilespmem:s21+$0x7230]  }
0x188: {  	v0 =	vadd.f32 v2, v0  }
0x189: {  	v2 =	vld [tilespmem:s21+$0x7240]  }
0x18a: {  	v0 =	vadd.f32 v3, v0  }
0x18b: {  	v3 =	vld [tilespmem:s21+$0x7250]  }
0x18c: {  	v0 =	vadd.f32 v1, v0  }
0x18d: {  	v1 =	vld [tilespmem:s21+$0x7260]  }
0x18e: {  	v0 =	vadd.f32 v2, v0  }
0x18f: {  	v2 =	vld [tilespmem:s21+$0x7270]  }
0x190: {  	v0 =	vadd.f32 v3, v0  }
0x191: {  	v3 =	vld [tilespmem:s21+$0x7280]  }
0x192: {  	v0 =	vadd.f32 v1, v0  }
0x193: {  	v1 =	vld [tilespmem:s21+$0x7290]  }
0x194: {  	v0 =	vadd.f32 v2, v0  }
0x195: {  	v2 =	vld [tilespmem:s21+$0x72A0]  }
0x196: {  	v0 =	vadd.f32 v3, v0  }
0x197: {  	v3 =	vld [tilespmem:s21+$0x72B0]  }
0x198: {  	v0 =	vadd.f32 v1, v0  }
0x199: {  	v1 =	vld [tilespmem:s21+$0x72C0]  }
0x19a: {  	v0 =	vadd.f32 v2, v0  }
0x19b: {  	v2 =	vld [tilespmem:s21+$0x72D0]  }
0x19c: {  	v0 =	vadd.f32 v3, v0  }
0x19d: {  	v3 =	vld [tilespmem:s21+$0x72E0]  }
0x19e: {  	v0 =	vadd.f32 v1, v0  }
0x19f: {  	v1 =	vld [tilespmem:s21+$0x72F0]  }
0x1a0: {  	v0 =	vadd.f32 v2, v0;
	_ =	sdelay $0x1  }
0x1a1: {  	v0 =	vadd.f32 v3, v0;
	_ =	sdelay $0x1  }
0x1a2: {  	v0 =	vadd.f32 v1, v0  }
0x1a3: {  	s2 =	simm.s32 $0x11AA0  }
0x1a4: {  	s16 =	simm.s32 $0x140;
	[tilespmem:s2+$0x0] =	vst v0  }
0x1a5: {  	s17 =	simm.s32 $0xA00;
	v0 =	vld [tilespmem:s16+$0x71D0]  }
.LBB2_9:
0x1a6: {  	p1 =	sne.s32 s17, $0x7D00;
	v1 =	vld [tilespmem:s16+$0x71C0];
	_ =	sdelay $0x1  }
0x1a7: {  	v2 =	vld [tilespmem:s16+$0x71E0];
	_ =	sdelay $0x1  }
0x1a8: {  	v3 =	vld [tilespmem:s16+$0x71F0]  }
0x1a9: {  	v0 =	vadd.f32 v0, v1  }
0x1aa: {  	v1 =	vld [tilespmem:s16+$0x7200]  }
0x1ab: {  	v0 =	vadd.f32 v2, v0  }
0x1ac: {  	v2 =	vld [tilespmem:s16+$0x7210]  }
0x1ad: {  	v0 =	vadd.f32 v3, v0  }
0x1ae: {  	v3 =	vld [tilespmem:s16+$0x7220]  }
0x1af: {  	v0 =	vadd.f32 v1, v0  }
0x1b0: {  	v1 =	vld [tilespmem:s16+$0x7230]  }
0x1b1: {  	v0 =	vadd.f32 v2, v0  }
0x1b2: {  	v2 =	vld [tilespmem:s16+$0x7240]  }
0x1b3: {  	v0 =	vadd.f32 v3, v0  }
0x1b4: {  	v3 =	vld [tilespmem:s16+$0x7250]  }
0x1b5: {  	v0 =	vadd.f32 v1, v0  }
0x1b6: {  	v1 =	vld [tilespmem:s16+$0x7260]  }
0x1b7: {  	v0 =	vadd.f32 v2, v0  }
0x1b8: {  	v2 =	vld [tilespmem:s16+$0x7270]  }
0x1b9: {  	v0 =	vadd.f32 v3, v0  }
0x1ba: {  	v3 =	vld [tilespmem:s16+$0x7280]  }
0x1bb: {  	v0 =	vadd.f32 v1, v0  }
0x1bc: {  	v1 =	vld [tilespmem:s16+$0x7290]  }
0x1bd: {  	v0 =	vadd.f32 v2, v0  }
0x1be: {  	v2 =	vld [tilespmem:s16+$0x72A0]  }
0x1bf: {  	v0 =	vadd.f32 v3, v0  }
0x1c0: {  	v3 =	vld [tilespmem:s16+$0x72B0]  }
0x1c1: {  	v0 =	vadd.f32 v1, v0  }
0x1c2: {  	v1 =	vld [tilespmem:s16+$0x72C0]  }
0x1c3: {  	v0 =	vadd.f32 v2, v0  }
0x1c4: {  	v2 =	vld [tilespmem:s16+$0x72D0]  }
0x1c5: {  	v0 =	vadd.f32 v3, v0  }
0x1c6: {  	v3 =	vld [tilespmem:s16+$0x72E0]  }
0x1c7: {  	v0 =	vadd.f32 v1, v0  }
0x1c8: {  	v1 =	vld [tilespmem:s16+$0x72F0]  }
0x1c9: {  	v0 =	vadd.f32 v2, v0;
	_ =	sdelay $0x1  }
0x1ca: {  	v0 =	vadd.f32 v3, v0  }
.Ltmp3:
0x1cb: {  	(pc) =	sbr.rel @p1 .LBB2_9-.Ltmp3, $4  }
0x1cc: {  	v0 =	vadd.f32 v1, v0  }
0x1cd: {  	s2 =	sadd.s32 $0x10, s2  }
0x1ce: {  	s16 =	sshra.s32 s17, $0x2;
	[tilespmem:s2+$0x0] =	vst v0  }
0x1cf: {  	s17 =	sadd.s32 $0x500, s17;
	v0 =	vld [tilespmem:s16+$0x71D0]  }
0x1d0: {  	v1 =	vld [tilespmem:s16+$0x71C0];
	_ =	sdelay $0x1  }
0x1d1: {  	v2 =	vld [tilespmem:s16+$0x71E0];
	_ =	sdelay $0x1  }
0x1d2: {  	v3 =	vld [tilespmem:s16+$0x71F0]  }
0x1d3: {  	v0 =	vadd.f32 v0, v1  }
0x1d4: {  	v1 =	vld [tilespmem:s16+$0x7200]  }
0x1d5: {  	v0 =	vadd.f32 v2, v0  }
0x1d6: {  	v2 =	vld [tilespmem:s16+$0x7210]  }
0x1d7: {  	v0 =	vadd.f32 v3, v0  }
0x1d8: {  	v3 =	vld [tilespmem:s16+$0x7220]  }
0x1d9: {  	v0 =	vadd.f32 v1, v0  }
0x1da: {  	v1 =	vld [tilespmem:s16+$0x7230]  }
0x1db: {  	v0 =	vadd.f32 v2, v0  }
0x1dc: {  	v2 =	vld [tilespmem:s16+$0x7240]  }
0x1dd: {  	v0 =	vadd.f32 v3, v0  }
0x1de: {  	v3 =	vld [tilespmem:s16+$0x7250]  }
0x1df: {  	v0 =	vadd.f32 v1, v0  }
0x1e0: {  	v1 =	vld [tilespmem:s16+$0x7260]  }
0x1e1: {  	v0 =	vadd.f32 v2, v0  }
0x1e2: {  	v2 =	vld [tilespmem:s16+$0x7270]  }
0x1e3: {  	v0 =	vadd.f32 v3, v0  }
0x1e4: {  	v3 =	vld [tilespmem:s16+$0x7280]  }
0x1e5: {  	v0 =	vadd.f32 v1, v0  }
0x1e6: {  	v1 =	vld [tilespmem:s16+$0x7290]  }
0x1e7: {  	v0 =	vadd.f32 v2, v0  }
0x1e8: {  	v2 =	vld [tilespmem:s16+$0x72A0]  }
0x1e9: {  	v0 =	vadd.f32 v3, v0  }
0x1ea: {  	v3 =	vld [tilespmem:s16+$0x72B0]  }
0x1eb: {  	v0 =	vadd.f32 v1, v0  }
0x1ec: {  	v1 =	vld [tilespmem:s16+$0x72C0]  }
0x1ed: {  	v0 =	vadd.f32 v2, v0  }
0x1ee: {  	v2 =	vld [tilespmem:s16+$0x72D0]  }
0x1ef: {  	v0 =	vadd.f32 v3, v0  }
0x1f0: {  	v3 =	vld [tilespmem:s16+$0x72E0]  }
0x1f1: {  	v0 =	vadd.f32 v1, v0  }
0x1f2: {  	v1 =	vld [tilespmem:s16+$0x72F0]  }
0x1f3: {  	v0 =	vadd.f32 v2, v0;
	_ =	sdelay $0x1  }
0x1f4: {  	v0 =	vadd.f32 v3, v0;
	_ =	sdelay $0x1  }
0x1f5: {  	v0 =	vadd.f32 v1, v0  }
0x1f6: {  	s2 =	sadd.s32 $0x10, s2  }
0x1f7: {  	[tilespmem:s2+$0x0] =	vst v0  }
0x1f8: {  	v0 =	vld [tilespmem:s31+$0x11EC0];
	_ =	sdelay $0x4  }
0x1f9: {  	[tilespmem:$0x11C40] =	vst v0  }
0x1fa: {  	v0 =	vld [tilespmem:s31+$0x11ED0];
	_ =	sdelay $0x4  }
0x1fb: {  	[tilespmem:$0x11C50] =	vst v0  }
0x1fc: {  	v0 =	vld [tilespmem:s31+$0x11EE0];
	_ =	sdelay $0x4  }
0x1fd: {  	[tilespmem:$0x11C60] =	vst v0  }
0x1fe: {  	v0 =	vld [tilespmem:s31+$0x11EF0];
	_ =	sdelay $0x4  }
0x1ff: {  	[tilespmem:$0x11C70] =	vst v0  }
0x200: {  	v0 =	vld [tilespmem:s31+$0x11F00];
	_ =	sdelay $0x4  }
0x201: {  	[tilespmem:$0x11C80] =	vst v0  }
0x202: {  	v0 =	vld [tilespmem:s31+$0x11F10];
	_ =	sdelay $0x4  }
0x203: {  	[tilespmem:$0x11C90] =	vst v0  }
0x204: {  	v0 =	vld [tilespmem:s31+$0x11F20];
	_ =	sdelay $0x4  }
0x205: {  	[tilespmem:$0x11CA0] =	vst v0  }
0x206: {  	v0 =	vld [tilespmem:s31+$0x11F30];
	_ =	sdelay $0x1  }
0x207: {  	s1 =	sadd.s32 s7, s1  }
0x208: {  	s1 =	smul.u32 $0x44, s1;
	_ =	sdelay $0x1  }
0x209: {  	s1 =	sadd.s32 s3, s1;
	[tilespmem:$0x11CB0] =	vst v0  }
0x20a: {  	[hbm4b:s1+s4] =	stream.linear.scatter [tilespmem:s25], [sflag:$0x6], $0x880, $0x38;
	[tilespmem:$0x15D40] =	vst v63  }
0x20b: {  	_ =	swait.ge [sflag:s15], $0x880  }
0x20c: {  	[sflag:s15] =	ssyncset.done $0x0  }
0x20d: {  	s1 =	simm.s32 @!p0 $0x3;
	[sflag:s15] =	ssyncadd.s32 $0xFFFFF780  }
0x20e: {  	s0 =	sadd.s32 @!p0 s0, s12;
	_ =	swait.ge @!p0 [sflag:s1], $0x820  }
0x20f: {  	s0 =	sshrl.u32 @!p0 s0, $0x3;
	s16 =	simm.s32 @!p0 $0x1040;
	[sflag:s1] =	ssyncset.done @!p0 $0x0  }
0x210: {  	s2 =	simm.s32 @!p0 $0x0;
	[sflag:s1] =	ssyncadd.s32 @!p0 $0xFFFFF7E0;
	s1 =	simm.s32 @!p0 $0x820  }
0x211: {  	[tilespmem:s16], [sflag:$0x1] =	stream.indirect.gather @!p0 [hbm4b:s6+s1], $0x10, s2, s1, $0xb8;
	[tilespmem:$0x15D40] =	vst v63  }
0x212: {  	s0 =	sadd.s32 @!p0 s5, s0  }
0x213: {  	[tilespmem:s1], [sflag:$0x4] =	stream.linear.gather @!p0 [hbm4b:s0+s2], $0x820, $0x38;
	[tilespmem:$0x15D40] =	vst v63  }
0x214: {  	_ =	swait.ge [sflag:s26], $0x8200  }
0x215: {  	[sflag:s26] =	ssyncset.done $0x0  }
0x216: {  	s1 =	simm.s32 $0x92E0;
	[sflag:s26] =	ssyncadd.s32 $0xFFFF7E00  }
0x217: {  	v0 =	vld [tilespmem:s1+$0xFFFFFF70]  }
0x218: {  	s0 =	simm.s32 $0x0;
	s2 =	simm.s32 $0x40;
	v1 =	vld [tilespmem:s1+$0xFFFFFF60]  }
.LBB2_11:
0x219: {  	p0 =	sne.s32 s2, $0x640  }
0x21a: {  	v2 =	vld [tilespmem:s1+$0xFFFFFF80];
	_ =	sdelay $0x1  }
0x21b: {  	v3 =	vld [tilespmem:s1+$0xFFFFFF90]  }
0x21c: {  	v0 =	vadd.f32 v0, v1  }
0x21d: {  	v1 =	vld [tilespmem:s1+$0xFFFFFFA0]  }
0x21e: {  	v0 =	vadd.f32 v2, v0  }
0x21f: {  	v2 =	vld [tilespmem:s1+$0xFFFFFFB0]  }
0x220: {  	v0 =	vadd.f32 v3, v0  }
0x221: {  	v3 =	vld [tilespmem:s1+$0xFFFFFFC0]  }
0x222: {  	v0 =	vadd.f32 v1, v0  }
0x223: {  	v1 =	vld [tilespmem:s1+$0xFFFFFFD0]  }
0x224: {  	v0 =	vadd.f32 v2, v0  }
0x225: {  	v2 =	vld [tilespmem:s1+$0xFFFFFFE0]  }
0x226: {  	v0 =	vadd.f32 v3, v0  }
0x227: {  	v3 =	vld [tilespmem:s1+$0xFFFFFFF0]  }
0x228: {  	v0 =	vadd.f32 v1, v0  }
0x229: {  	v1 =	vld [tilespmem:s1+$0x0]  }
0x22a: {  	v0 =	vadd.f32 v2, v0  }
0x22b: {  	v2 =	vld [tilespmem:s1+$0x10]  }
0x22c: {  	v0 =	vadd.f32 v3, v0  }
0x22d: {  	v3 =	vld [tilespmem:s1+$0x20]  }
0x22e: {  	v0 =	vadd.f32 v1, v0  }
0x22f: {  	v1 =	vld [tilespmem:s1+$0x30]  }
0x230: {  	v0 =	vadd.f32 v2, v0  }
0x231: {  	v2 =	vld [tilespmem:s1+$0x40]  }
0x232: {  	v0 =	vadd.f32 v3, v0  }
0x233: {  	v3 =	vld [tilespmem:s1+$0x50]  }
0x234: {  	v0 =	vadd.f32 v1, v0  }
0x235: {  	v1 =	vld [tilespmem:s1+$0x60]  }
0x236: {  	v0 =	vadd.f32 v2, v0  }
0x237: {  	v2 =	vld [tilespmem:s1+$0x70]  }
0x238: {  	v0 =	vadd.f32 v3, v0  }
0x239: {  	v3 =	vld [tilespmem:s1+$0x80]  }
0x23a: {  	v0 =	vadd.f32 v1, v0  }
0x23b: {  	v1 =	vld [tilespmem:s1+$0x90]  }
0x23c: {  	v0 =	vadd.f32 v2, v0;
	_ =	sdelay $0x1  }
0x23d: {  	v0 =	vadd.f32 v3, v0;
	_ =	sdelay $0x1  }
.Ltmp4:
0x23e: {  	v0 =	vadd.f32 v1, v0;
	(pc) =	sbr.rel @p0 .LBB2_11-.Ltmp4, $4  }
0x23f: {  	s16 =	sshra.s32 s0, $0x2;
	s0 =	smov.u32 s2  }
0x240: {  	s1 =	sadd.s32 $0x140, s1;
	[tilespmem:s16+$0x11440] =	vst v0  }
0x241: {  	v0 =	vld [tilespmem:s1+$0xFFFFFF70]  }
0x242: {  	s2 =	sadd.s32 $0x40, s2;
	v1 =	vld [tilespmem:s1+$0xFFFFFF60]  }
0x243: {  	_ = 	snop  }
0x244: {  	v2 =	vld [tilespmem:s1+$0xFFFFFF80];
	_ =	sdelay $0x1  }
0x245: {  	v3 =	vld [tilespmem:s1+$0xFFFFFF90]  }
0x246: {  	v0 =	vadd.f32 v0, v1  }
0x247: {  	v1 =	vld [tilespmem:s1+$0xFFFFFFA0]  }
0x248: {  	v0 =	vadd.f32 v2, v0  }
0x249: {  	v2 =	vld [tilespmem:s1+$0xFFFFFFB0]  }
0x24a: {  	v0 =	vadd.f32 v3, v0  }
0x24b: {  	v3 =	vld [tilespmem:s1+$0xFFFFFFC0]  }
0x24c: {  	v0 =	vadd.f32 v1, v0  }
0x24d: {  	v1 =	vld [tilespmem:s1+$0xFFFFFFD0]  }
0x24e: {  	v0 =	vadd.f32 v2, v0  }
0x24f: {  	v2 =	vld [tilespmem:s1+$0xFFFFFFE0]  }
0x250: {  	v0 =	vadd.f32 v3, v0  }
0x251: {  	v3 =	vld [tilespmem:s1+$0xFFFFFFF0]  }
0x252: {  	v0 =	vadd.f32 v1, v0  }
0x253: {  	v1 =	vld [tilespmem:s1+$0x0]  }
0x254: {  	v0 =	vadd.f32 v2, v0  }
0x255: {  	v2 =	vld [tilespmem:s1+$0x10]  }
0x256: {  	v0 =	vadd.f32 v3, v0  }
0x257: {  	v3 =	vld [tilespmem:s1+$0x20]  }
0x258: {  	v0 =	vadd.f32 v1, v0  }
0x259: {  	v1 =	vld [tilespmem:s1+$0x30]  }
0x25a: {  	v0 =	vadd.f32 v2, v0  }
0x25b: {  	v2 =	vld [tilespmem:s1+$0x40]  }
0x25c: {  	v0 =	vadd.f32 v3, v0  }
0x25d: {  	v3 =	vld [tilespmem:s1+$0x50]  }
0x25e: {  	v0 =	vadd.f32 v1, v0  }
0x25f: {  	v1 =	vld [tilespmem:s1+$0x60]  }
0x260: {  	v0 =	vadd.f32 v2, v0  }
0x261: {  	v2 =	vld [tilespmem:s1+$0x70]  }
0x262: {  	v0 =	vadd.f32 v3, v0  }
0x263: {  	v3 =	vld [tilespmem:s1+$0x80]  }
0x264: {  	v0 =	vadd.f32 v1, v0  }
0x265: {  	v1 =	vld [tilespmem:s1+$0x90]  }
0x266: {  	v0 =	vadd.f32 v2, v0;
	_ =	sdelay $0x1  }
0x267: {  	v0 =	vadd.f32 v3, v0;
	_ =	sdelay $0x1  }
0x268: {  	v0 =	vadd.f32 v1, v0  }
0x269: {  	s0 =	sshra.s32 s0, $0x2;
	s17 =	sshll.u32 s30, $0x7  }
0x26a: {  	s21 =	sand.u32 $0x3FFFFF80, s17;
	[tilespmem:s0+$0x11440] =	vst v0  }
0x26b: {  	v0 =	vld [tilespmem:s21+$0x11D40];
	_ =	sdelay $0x4  }
0x26c: {  	[tilespmem:$0x115E0] =	vst v0  }
0x26d: {  	v0 =	vld [tilespmem:s21+$0x11D50];
	_ =	sdelay $0x4  }
0x26e: {  	[tilespmem:$0x115F0] =	vst v0  }
0x26f: {  	v0 =	vld [tilespmem:s21+$0x11D60];
	_ =	sdelay $0x4  }
0x270: {  	[tilespmem:$0x11600] =	vst v0  }
0x271: {  	v0 =	vld [tilespmem:s21+$0x11D70];
	_ =	sdelay $0x4  }
0x272: {  	[tilespmem:$0x11610] =	vst v0  }
0x273: {  	v0 =	vld [tilespmem:s21+$0x11D80];
	_ =	sdelay $0x4  }
0x274: {  	[tilespmem:$0x11620] =	vst v0  }
0x275: {  	v0 =	vld [tilespmem:s21+$0x11D90];
	_ =	sdelay $0x4  }
0x276: {  	[tilespmem:$0x11630] =	vst v0  }
0x277: {  	v0 =	vld [tilespmem:s21+$0x11DA0];
	_ =	sdelay $0x4  }
0x278: {  	[tilespmem:$0x11640] =	vst v0  }
0x279: {  	v0 =	vld [tilespmem:s21+$0x11DB0];
	_ =	sdelay $0x4  }
0x27a: {  	s1 =	simm.s32 $0xB3F0;
	[tilespmem:$0x11650] =	vst v0  }
0x27b: {  	v0 =	vld [tilespmem:s1+$0xFFFFFEE0]  }
0x27c: {  	s2 =	simm.s32 $0x40;
	s0 =	simm.s32 $0x0;
	v1 =	vld [tilespmem:s1+$0xFFFFFED0]  }
.LBB2_13:
0x27d: {  	p0 =	sne.s32 s2, $0x640  }
0x27e: {  	v2 =	vld [tilespmem:s1+$0xFFFFFEF0];
	_ =	sdelay $0x1  }
0x27f: {  	v3 =	vld [tilespmem:s1+$0xFFFFFF00]  }
0x280: {  	v0 =	vadd.f32 v0, v1  }
0x281: {  	v1 =	vld [tilespmem:s1+$0xFFFFFF10]  }
0x282: {  	v0 =	vadd.f32 v2, v0  }
0x283: {  	v2 =	vld [tilespmem:s1+$0xFFFFFF20]  }
0x284: {  	v0 =	vadd.f32 v3, v0  }
0x285: {  	v3 =	vld [tilespmem:s1+$0xFFFFFF30]  }
0x286: {  	v0 =	vadd.f32 v1, v0  }
0x287: {  	v1 =	vld [tilespmem:s1+$0xFFFFFF40]  }
0x288: {  	v0 =	vadd.f32 v2, v0  }
0x289: {  	v2 =	vld [tilespmem:s1+$0xFFFFFF50]  }
0x28a: {  	v0 =	vadd.f32 v3, v0  }
0x28b: {  	v3 =	vld [tilespmem:s1+$0xFFFFFF60]  }
0x28c: {  	v0 =	vadd.f32 v1, v0  }
0x28d: {  	v1 =	vld [tilespmem:s1+$0xFFFFFF70]  }
0x28e: {  	v0 =	vadd.f32 v2, v0  }
0x28f: {  	v2 =	vld [tilespmem:s1+$0xFFFFFF80]  }
0x290: {  	v0 =	vadd.f32 v3, v0  }
0x291: {  	v3 =	vld [tilespmem:s1+$0xFFFFFF90]  }
0x292: {  	v0 =	vadd.f32 v1, v0  }
0x293: {  	v1 =	vld [tilespmem:s1+$0xFFFFFFA0]  }
0x294: {  	v0 =	vadd.f32 v2, v0  }
0x295: {  	v2 =	vld [tilespmem:s1+$0xFFFFFFB0]  }
0x296: {  	v0 =	vadd.f32 v3, v0  }
0x297: {  	v3 =	vld [tilespmem:s1+$0xFFFFFFC0]  }
0x298: {  	v0 =	vadd.f32 v1, v0  }
0x299: {  	v1 =	vld [tilespmem:s1+$0xFFFFFFD0]  }
0x29a: {  	v0 =	vadd.f32 v2, v0  }
0x29b: {  	v2 =	vld [tilespmem:s1+$0xFFFFFFE0]  }
0x29c: {  	v0 =	vadd.f32 v3, v0  }
0x29d: {  	v3 =	vld [tilespmem:s1+$0xFFFFFFF0]  }
0x29e: {  	v0 =	vadd.f32 v1, v0  }
0x29f: {  	v1 =	vld [tilespmem:s1+$0x0]  }
0x2a0: {  	v0 =	vadd.f32 v2, v0;
	_ =	sdelay $0x1  }
0x2a1: {  	v0 =	vadd.f32 v3, v0;
	_ =	sdelay $0x1  }
.Ltmp5:
0x2a2: {  	v0 =	vadd.f32 v1, v0;
	(pc) =	sbr.rel @p0 .LBB2_13-.Ltmp5, $4  }
0x2a3: {  	s16 =	sshra.s32 s0, $0x2;
	s0 =	smov.u32 s2  }
0x2a4: {  	s1 =	sadd.s32 $0x140, s1;
	[tilespmem:s16+$0x11660] =	vst v0  }
0x2a5: {  	v0 =	vld [tilespmem:s1+$0xFFFFFEE0]  }
0x2a6: {  	s2 =	sadd.s32 $0x40, s2;
	v1 =	vld [tilespmem:s1+$0xFFFFFED0]  }
0x2a7: {  	_ = 	snop  }
0x2a8: {  	v2 =	vld [tilespmem:s1+$0xFFFFFEF0];
	_ =	sdelay $0x1  }
0x2a9: {  	v3 =	vld [tilespmem:s1+$0xFFFFFF00]  }
0x2aa: {  	v0 =	vadd.f32 v0, v1  }
0x2ab: {  	v1 =	vld [tilespmem:s1+$0xFFFFFF10]  }
0x2ac: {  	v0 =	vadd.f32 v2, v0  }
0x2ad: {  	v2 =	vld [tilespmem:s1+$0xFFFFFF20]  }
0x2ae: {  	v0 =	vadd.f32 v3, v0  }
0x2af: {  	v3 =	vld [tilespmem:s1+$0xFFFFFF30]  }
0x2b0: {  	v0 =	vadd.f32 v1, v0  }
0x2b1: {  	v1 =	vld [tilespmem:s1+$0xFFFFFF40]  }
0x2b2: {  	v0 =	vadd.f32 v2, v0  }
0x2b3: {  	v2 =	vld [tilespmem:s1+$0xFFFFFF50]  }
0x2b4: {  	v0 =	vadd.f32 v3, v0  }
0x2b5: {  	v3 =	vld [tilespmem:s1+$0xFFFFFF60]  }
0x2b6: {  	v0 =	vadd.f32 v1, v0  }
0x2b7: {  	v1 =	vld [tilespmem:s1+$0xFFFFFF70]  }
0x2b8: {  	v0 =	vadd.f32 v2, v0  }
0x2b9: {  	v2 =	vld [tilespmem:s1+$0xFFFFFF80]  }
0x2ba: {  	v0 =	vadd.f32 v3, v0  }
0x2bb: {  	v3 =	vld [tilespmem:s1+$0xFFFFFF90]  }
0x2bc: {  	v0 =	vadd.f32 v1, v0  }
0x2bd: {  	v1 =	vld [tilespmem:s1+$0xFFFFFFA0]  }
0x2be: {  	v0 =	vadd.f32 v2, v0  }
0x2bf: {  	v2 =	vld [tilespmem:s1+$0xFFFFFFB0]  }
0x2c0: {  	v0 =	vadd.f32 v3, v0  }
0x2c1: {  	v3 =	vld [tilespmem:s1+$0xFFFFFFC0]  }
0x2c2: {  	v0 =	vadd.f32 v1, v0  }
0x2c3: {  	v1 =	vld [tilespmem:s1+$0xFFFFFFD0]  }
0x2c4: {  	v0 =	vadd.f32 v2, v0  }
0x2c5: {  	v2 =	vld [tilespmem:s1+$0xFFFFFFE0]  }
0x2c6: {  	v0 =	vadd.f32 v3, v0  }
0x2c7: {  	v3 =	vld [tilespmem:s1+$0xFFFFFFF0]  }
0x2c8: {  	v0 =	vadd.f32 v1, v0  }
0x2c9: {  	v1 =	vld [tilespmem:s1+$0x0]  }
0x2ca: {  	v0 =	vadd.f32 v2, v0;
	_ =	sdelay $0x1  }
0x2cb: {  	v0 =	vadd.f32 v3, v0;
	_ =	sdelay $0x1  }
0x2cc: {  	v0 =	vadd.f32 v1, v0  }
0x2cd: {  	s0 =	sshra.s32 s0, $0x2  }
0x2ce: {  	[tilespmem:s0+$0x11660] =	vst v0  }
0x2cf: {  	v0 =	vld [tilespmem:s31+$0x11FC0];
	_ =	sdelay $0x4  }
0x2d0: {  	[tilespmem:$0x11800] =	vst v0  }
0x2d1: {  	v0 =	vld [tilespmem:s31+$0x11FD0];
	_ =	sdelay $0x4  }
0x2d2: {  	[tilespmem:$0x11810] =	vst v0  }
0x2d3: {  	v0 =	vld [tilespmem:s31+$0x11FE0];
	_ =	sdelay $0x4  }
0x2d4: {  	[tilespmem:$0x11820] =	vst v0  }
0x2d5: {  	v0 =	vld [tilespmem:s31+$0x11FF0];
	_ =	sdelay $0x4  }
0x2d6: {  	[tilespmem:$0x11830] =	vst v0  }
0x2d7: {  	v0 =	vld [tilespmem:s31+$0x12000];
	_ =	sdelay $0x4  }
0x2d8: {  	[tilespmem:$0x11840] =	vst v0  }
0x2d9: {  	v0 =	vld [tilespmem:s31+$0x12010];
	_ =	sdelay $0x4  }
0x2da: {  	[tilespmem:$0x11850] =	vst v0  }
0x2db: {  	v0 =	vld [tilespmem:s31+$0x12020];
	_ =	sdelay $0x4  }
0x2dc: {  	[tilespmem:$0x11860] =	vst v0  }
0x2dd: {  	v0 =	vld [tilespmem:s31+$0x12030];
	_ =	sdelay $0x4  }
0x2de: {  	s21 =	simm.s32 $0x0;
	[tilespmem:$0x11870] =	vst v0  }
0x2df: {  	v0 =	vld [tilespmem:s21+$0xD350]  }
0x2e0: {  	v1 =	vld [tilespmem:s21+$0xD340];
	_ =	sdelay $0x1  }
0x2e1: {  	v2 =	vld [tilespmem:s21+$0xD360];
	_ =	sdelay $0x1  }
0x2e2: {  	v3 =	vld [tilespmem:s21+$0xD370]  }
0x2e3: {  	v0 =	vadd.f32 v0, v1  }
0x2e4: {  	v1 =	vld [tilespmem:s21+$0xD380]  }
0x2e5: {  	v0 =	vadd.f32 v2, v0  }
0x2e6: {  	v2 =	vld [tilespmem:s21+$0xD390]  }
0x2e7: {  	v0 =	vadd.f32 v3, v0  }
0x2e8: {  	v3 =	vld [tilespmem:s21+$0xD3A0]  }
0x2e9: {  	v0 =	vadd.f32 v1, v0  }
0x2ea: {  	v1 =	vld [tilespmem:s21+$0xD3B0]  }
0x2eb: {  	v0 =	vadd.f32 v2, v0  }
0x2ec: {  	v2 =	vld [tilespmem:s21+$0xD3C0]  }
0x2ed: {  	v0 =	vadd.f32 v3, v0  }
0x2ee: {  	v3 =	vld [tilespmem:s21+$0xD3D0]  }
0x2ef: {  	v0 =	vadd.f32 v1, v0  }
0x2f0: {  	v1 =	vld [tilespmem:s21+$0xD3E0]  }
0x2f1: {  	v0 =	vadd.f32 v2, v0  }
0x2f2: {  	v2 =	vld [tilespmem:s21+$0xD3F0]  }
0x2f3: {  	v0 =	vadd.f32 v3, v0  }
0x2f4: {  	v3 =	vld [tilespmem:s21+$0xD400]  }
0x2f5: {  	v0 =	vadd.f32 v1, v0  }
0x2f6: {  	v1 =	vld [tilespmem:s21+$0xD410]  }
0x2f7: {  	v0 =	vadd.f32 v2, v0  }
0x2f8: {  	v2 =	vld [tilespmem:s21+$0xD420]  }
0x2f9: {  	v0 =	vadd.f32 v3, v0  }
0x2fa: {  	v3 =	vld [tilespmem:s21+$0xD430]  }
0x2fb: {  	v0 =	vadd.f32 v1, v0  }
0x2fc: {  	v1 =	vld [tilespmem:s21+$0xD440]  }
0x2fd: {  	v0 =	vadd.f32 v2, v0  }
0x2fe: {  	v2 =	vld [tilespmem:s21+$0xD450]  }
0x2ff: {  	v0 =	vadd.f32 v3, v0  }
0x300: {  	v3 =	vld [tilespmem:s21+$0xD460]  }
0x301: {  	v0 =	vadd.f32 v1, v0  }
0x302: {  	v1 =	vld [tilespmem:s21+$0xD470]  }
0x303: {  	v0 =	vadd.f32 v2, v0;
	_ =	sdelay $0x1  }
0x304: {  	v0 =	vadd.f32 v3, v0;
	_ =	sdelay $0x1  }
0x305: {  	v0 =	vadd.f32 v1, v0  }
0x306: {  	s0 =	simm.s32 $0x11880  }
0x307: {  	s1 =	simm.s32 $0x140;
	[tilespmem:s0+$0x0] =	vst v0  }
0x308: {  	s2 =	simm.s32 $0xA00;
	v0 =	vld [tilespmem:s1+$0xD350]  }
.LBB2_15:
0x309: {  	p0 =	sne.s32 s2, $0x7D00;
	v1 =	vld [tilespmem:s1+$0xD340];
	_ =	sdelay $0x1  }
0x30a: {  	v2 =	vld [tilespmem:s1+$0xD360];
	_ =	sdelay $0x1  }
0x30b: {  	v3 =	vld [tilespmem:s1+$0xD370]  }
0x30c: {  	v0 =	vadd.f32 v0, v1  }
0x30d: {  	v1 =	vld [tilespmem:s1+$0xD380]  }
0x30e: {  	v0 =	vadd.f32 v2, v0  }
0x30f: {  	v2 =	vld [tilespmem:s1+$0xD390]  }
0x310: {  	v0 =	vadd.f32 v3, v0  }
0x311: {  	v3 =	vld [tilespmem:s1+$0xD3A0]  }
0x312: {  	v0 =	vadd.f32 v1, v0  }
0x313: {  	v1 =	vld [tilespmem:s1+$0xD3B0]  }
0x314: {  	v0 =	vadd.f32 v2, v0  }
0x315: {  	v2 =	vld [tilespmem:s1+$0xD3C0]  }
0x316: {  	v0 =	vadd.f32 v3, v0  }
0x317: {  	v3 =	vld [tilespmem:s1+$0xD3D0]  }
0x318: {  	v0 =	vadd.f32 v1, v0  }
0x319: {  	v1 =	vld [tilespmem:s1+$0xD3E0]  }
0x31a: {  	v0 =	vadd.f32 v2, v0  }
0x31b: {  	v2 =	vld [tilespmem:s1+$0xD3F0]  }
0x31c: {  	v0 =	vadd.f32 v3, v0  }
0x31d: {  	v3 =	vld [tilespmem:s1+$0xD400]  }
0x31e: {  	v0 =	vadd.f32 v1, v0  }
0x31f: {  	v1 =	vld [tilespmem:s1+$0xD410]  }
0x320: {  	v0 =	vadd.f32 v2, v0  }
0x321: {  	v2 =	vld [tilespmem:s1+$0xD420]  }
0x322: {  	v0 =	vadd.f32 v3, v0  }
0x323: {  	v3 =	vld [tilespmem:s1+$0xD430]  }
0x324: {  	v0 =	vadd.f32 v1, v0  }
0x325: {  	v1 =	vld [tilespmem:s1+$0xD440]  }
0x326: {  	v0 =	vadd.f32 v2, v0  }
0x327: {  	v2 =	vld [tilespmem:s1+$0xD450]  }
0x328: {  	v0 =	vadd.f32 v3, v0  }
0x329: {  	v3 =	vld [tilespmem:s1+$0xD460]  }
0x32a: {  	v0 =	vadd.f32 v1, v0  }
0x32b: {  	v1 =	vld [tilespmem:s1+$0xD470]  }
0x32c: {  	v0 =	vadd.f32 v2, v0;
	_ =	sdelay $0x1  }
0x32d: {  	v0 =	vadd.f32 v3, v0  }
.Ltmp6:
0x32e: {  	(pc) =	sbr.rel @p0 .LBB2_15-.Ltmp6, $4  }
0x32f: {  	v0 =	vadd.f32 v1, v0  }
0x330: {  	s0 =	sadd.s32 $0x10, s0  }
0x331: {  	s1 =	sshra.s32 s2, $0x2;
	[tilespmem:s0+$0x0] =	vst v0  }
0x332: {  	s2 =	sadd.s32 $0x500, s2;
	v0 =	vld [tilespmem:s1+$0xD350]  }
0x333: {  	v1 =	vld [tilespmem:s1+$0xD340];
	_ =	sdelay $0x1  }
0x334: {  	v2 =	vld [tilespmem:s1+$0xD360];
	_ =	sdelay $0x1  }
0x335: {  	v3 =	vld [tilespmem:s1+$0xD370]  }
0x336: {  	v0 =	vadd.f32 v0, v1  }
0x337: {  	v1 =	vld [tilespmem:s1+$0xD380]  }
0x338: {  	v0 =	vadd.f32 v2, v0  }
0x339: {  	v2 =	vld [tilespmem:s1+$0xD390]  }
0x33a: {  	v0 =	vadd.f32 v3, v0  }
0x33b: {  	v3 =	vld [tilespmem:s1+$0xD3A0]  }
0x33c: {  	v0 =	vadd.f32 v1, v0  }
0x33d: {  	v1 =	vld [tilespmem:s1+$0xD3B0]  }
0x33e: {  	v0 =	vadd.f32 v2, v0  }
0x33f: {  	v2 =	vld [tilespmem:s1+$0xD3C0]  }
0x340: {  	v0 =	vadd.f32 v3, v0  }
0x341: {  	v3 =	vld [tilespmem:s1+$0xD3D0]  }
0x342: {  	v0 =	vadd.f32 v1, v0  }
0x343: {  	v1 =	vld [tilespmem:s1+$0xD3E0]  }
0x344: {  	v0 =	vadd.f32 v2, v0  }
0x345: {  	v2 =	vld [tilespmem:s1+$0xD3F0]  }
0x346: {  	v0 =	vadd.f32 v3, v0  }
0x347: {  	v3 =	vld [tilespmem:s1+$0xD400]  }
0x348: {  	v0 =	vadd.f32 v1, v0  }
0x349: {  	v1 =	vld [tilespmem:s1+$0xD410]  }
0x34a: {  	v0 =	vadd.f32 v2, v0  }
0x34b: {  	v2 =	vld [tilespmem:s1+$0xD420]  }
0x34c: {  	v0 =	vadd.f32 v3, v0  }
0x34d: {  	v3 =	vld [tilespmem:s1+$0xD430]  }
0x34e: {  	v0 =	vadd.f32 v1, v0  }
0x34f: {  	v1 =	vld [tilespmem:s1+$0xD440]  }
0x350: {  	v0 =	vadd.f32 v2, v0  }
0x351: {  	v2 =	vld [tilespmem:s1+$0xD450]  }
0x352: {  	v0 =	vadd.f32 v3, v0  }
0x353: {  	v3 =	vld [tilespmem:s1+$0xD460]  }
0x354: {  	v0 =	vadd.f32 v1, v0  }
0x355: {  	v1 =	vld [tilespmem:s1+$0xD470]  }
0x356: {  	v0 =	vadd.f32 v2, v0;
	_ =	sdelay $0x1  }
0x357: {  	v0 =	vadd.f32 v3, v0;
	_ =	sdelay $0x1  }
0x358: {  	v0 =	vadd.f32 v1, v0  }
0x359: {  	s0 =	sadd.s32 $0x10, s0  }
0x35a: {  	[tilespmem:s0+$0x0] =	vst v0  }
0x35b: {  	v0 =	vld [tilespmem:s31+$0x12040];
	_ =	sdelay $0x4  }
0x35c: {  	[tilespmem:$0x11A20] =	vst v0  }
0x35d: {  	v0 =	vld [tilespmem:s31+$0x12050];
	_ =	sdelay $0x4  }
0x35e: {  	[tilespmem:$0x11A30] =	vst v0  }
0x35f: {  	v0 =	vld [tilespmem:s31+$0x12060];
	_ =	sdelay $0x4  }
0x360: {  	[tilespmem:$0x11A40] =	vst v0  }
0x361: {  	v0 =	vld [tilespmem:s31+$0x12070];
	_ =	sdelay $0x4  }
0x362: {  	[tilespmem:$0x11A50] =	vst v0  }
0x363: {  	v0 =	vld [tilespmem:s31+$0x12080];
	_ =	sdelay $0x4  }
0x364: {  	[tilespmem:$0x11A60] =	vst v0  }
0x365: {  	v0 =	vld [tilespmem:s31+$0x12090];
	_ =	sdelay $0x4  }
0x366: {  	[tilespmem:$0x11A70] =	vst v0  }
0x367: {  	v0 =	vld [tilespmem:s31+$0x120A0];
	_ =	sdelay $0x4  }
0x368: {  	[tilespmem:$0x11A80] =	vst v0  }
0x369: {  	v0 =	vld [tilespmem:s31+$0x120B0];
	_ =	sdelay $0x4  }
0x36a: {  	s21 =	simm.s32 $0x0;
	[tilespmem:$0x11A90] =	vst v0  }
0x36b: {  	v0 =	vld [tilespmem:s21+$0xF3D0]  }
0x36c: {  	v1 =	vld [tilespmem:s21+$0xF3C0];
	_ =	sdelay $0x1  }
0x36d: {  	v2 =	vld [tilespmem:s21+$0xF3E0];
	_ =	sdelay $0x1  }
0x36e: {  	v3 =	vld [tilespmem:s21+$0xF3F0]  }
0x36f: {  	v0 =	vadd.f32 v0, v1  }
0x370: {  	v1 =	vld [tilespmem:s21+$0xF400]  }
0x371: {  	v0 =	vadd.f32 v2, v0  }
0x372: {  	v2 =	vld [tilespmem:s21+$0xF410]  }
0x373: {  	v0 =	vadd.f32 v3, v0  }
0x374: {  	v3 =	vld [tilespmem:s21+$0xF420]  }
0x375: {  	v0 =	vadd.f32 v1, v0  }
0x376: {  	v1 =	vld [tilespmem:s21+$0xF430]  }
0x377: {  	v0 =	vadd.f32 v2, v0  }
0x378: {  	v2 =	vld [tilespmem:s21+$0xF440]  }
0x379: {  	v0 =	vadd.f32 v3, v0  }
0x37a: {  	v3 =	vld [tilespmem:s21+$0xF450]  }
0x37b: {  	v0 =	vadd.f32 v1, v0  }
0x37c: {  	v1 =	vld [tilespmem:s21+$0xF460]  }
0x37d: {  	v0 =	vadd.f32 v2, v0  }
0x37e: {  	v2 =	vld [tilespmem:s21+$0xF470]  }
0x37f: {  	v0 =	vadd.f32 v3, v0  }
0x380: {  	v3 =	vld [tilespmem:s21+$0xF480]  }
0x381: {  	v0 =	vadd.f32 v1, v0  }
0x382: {  	v1 =	vld [tilespmem:s21+$0xF490]  }
0x383: {  	v0 =	vadd.f32 v2, v0  }
0x384: {  	v2 =	vld [tilespmem:s21+$0xF4A0]  }
0x385: {  	v0 =	vadd.f32 v3, v0  }
0x386: {  	v3 =	vld [tilespmem:s21+$0xF4B0]  }
0x387: {  	v0 =	vadd.f32 v1, v0  }
0x388: {  	v1 =	vld [tilespmem:s21+$0xF4C0]  }
0x389: {  	v0 =	vadd.f32 v2, v0  }
0x38a: {  	v2 =	vld [tilespmem:s21+$0xF4D0]  }
0x38b: {  	v0 =	vadd.f32 v3, v0  }
0x38c: {  	v3 =	vld [tilespmem:s21+$0xF4E0]  }
0x38d: {  	v0 =	vadd.f32 v1, v0  }
0x38e: {  	v1 =	vld [tilespmem:s21+$0xF4F0]  }
0x38f: {  	v0 =	vadd.f32 v2, v0;
	_ =	sdelay $0x1  }
0x390: {  	v0 =	vadd.f32 v3, v0;
	_ =	sdelay $0x1  }
0x391: {  	v0 =	vadd.f32 v1, v0  }
0x392: {  	s0 =	simm.s32 $0x11AA0  }
0x393: {  	s1 =	simm.s32 $0x140;
	[tilespmem:s0+$0x0] =	vst v0  }
0x394: {  	s2 =	simm.s32 $0xA00;
	v0 =	vld [tilespmem:s1+$0xF3D0]  }
.LBB2_17:
0x395: {  	p0 =	sne.s32 s2, $0x7D00;
	v1 =	vld [tilespmem:s1+$0xF3C0];
	_ =	sdelay $0x1  }
0x396: {  	v2 =	vld [tilespmem:s1+$0xF3E0];
	_ =	sdelay $0x1  }
0x397: {  	v3 =	vld [tilespmem:s1+$0xF3F0]  }
0x398: {  	v0 =	vadd.f32 v0, v1  }
0x399: {  	v1 =	vld [tilespmem:s1+$0xF400]  }
0x39a: {  	v0 =	vadd.f32 v2, v0  }
0x39b: {  	v2 =	vld [tilespmem:s1+$0xF410]  }
0x39c: {  	v0 =	vadd.f32 v3, v0  }
0x39d: {  	v3 =	vld [tilespmem:s1+$0xF420]  }
0x39e: {  	v0 =	vadd.f32 v1, v0  }
0x39f: {  	v1 =	vld [tilespmem:s1+$0xF430]  }
0x3a0: {  	v0 =	vadd.f32 v2, v0  }
0x3a1: {  	v2 =	vld [tilespmem:s1+$0xF440]  }
0x3a2: {  	v0 =	vadd.f32 v3, v0  }
0x3a3: {  	v3 =	vld [tilespmem:s1+$0xF450]  }
0x3a4: {  	v0 =	vadd.f32 v1, v0  }
0x3a5: {  	v1 =	vld [tilespmem:s1+$0xF460]  }
0x3a6: {  	v0 =	vadd.f32 v2, v0  }
0x3a7: {  	v2 =	vld [tilespmem:s1+$0xF470]  }
0x3a8: {  	v0 =	vadd.f32 v3, v0  }
0x3a9: {  	v3 =	vld [tilespmem:s1+$0xF480]  }
0x3aa: {  	v0 =	vadd.f32 v1, v0  }
0x3ab: {  	v1 =	vld [tilespmem:s1+$0xF490]  }
0x3ac: {  	v0 =	vadd.f32 v2, v0  }
0x3ad: {  	v2 =	vld [tilespmem:s1+$0xF4A0]  }
0x3ae: {  	v0 =	vadd.f32 v3, v0  }
0x3af: {  	v3 =	vld [tilespmem:s1+$0xF4B0]  }
0x3b0: {  	v0 =	vadd.f32 v1, v0  }
0x3b1: {  	v1 =	vld [tilespmem:s1+$0xF4C0]  }
0x3b2: {  	v0 =	vadd.f32 v2, v0  }
0x3b3: {  	v2 =	vld [tilespmem:s1+$0xF4D0]  }
0x3b4: {  	v0 =	vadd.f32 v3, v0  }
0x3b5: {  	v3 =	vld [tilespmem:s1+$0xF4E0]  }
0x3b6: {  	v0 =	vadd.f32 v1, v0  }
0x3b7: {  	v1 =	vld [tilespmem:s1+$0xF4F0]  }
0x3b8: {  	v0 =	vadd.f32 v2, v0;
	_ =	sdelay $0x1  }
0x3b9: {  	v0 =	vadd.f32 v3, v0  }
.Ltmp7:
0x3ba: {  	(pc) =	sbr.rel @p0 .LBB2_17-.Ltmp7, $4  }
0x3bb: {  	v0 =	vadd.f32 v1, v0  }
0x3bc: {  	s0 =	sadd.s32 $0x10, s0  }
0x3bd: {  	s1 =	sshra.s32 s2, $0x2;
	[tilespmem:s0+$0x0] =	vst v0  }
0x3be: {  	s2 =	sadd.s32 $0x500, s2;
	v0 =	vld [tilespmem:s1+$0xF3D0]  }
0x3bf: {  	v1 =	vld [tilespmem:s1+$0xF3C0];
	_ =	sdelay $0x1  }
0x3c0: {  	v2 =	vld [tilespmem:s1+$0xF3E0];
	_ =	sdelay $0x1  }
0x3c1: {  	v3 =	vld [tilespmem:s1+$0xF3F0]  }
0x3c2: {  	v0 =	vadd.f32 v0, v1  }
0x3c3: {  	v48 =	vld [tilespmem:s1+$0xF400]  }
0x3c4: {  	v0 =	vadd.f32 v2, v0  }
0x3c5: {  	v49 =	vld [tilespmem:s1+$0xF410]  }
0x3c6: {  	v0 =	vadd.f32 v3, v0  }
0x3c7: {  	v50 =	vld [tilespmem:s1+$0xF420]  }
0x3c8: {  	v0 =	vadd.f32 v48, v0  }
0x3c9: {  	v51 =	vld [tilespmem:s1+$0xF430]  }
0x3ca: {  	v0 =	vadd.f32 v49, v0  }
0x3cb: {  	v52 =	vld [tilespmem:s1+$0xF440]  }
0x3cc: {  	v0 =	vadd.f32 v50, v0  }
0x3cd: {  	v53 =	vld [tilespmem:s1+$0xF450]  }
0x3ce: {  	v0 =	vadd.f32 v51, v0  }
0x3cf: {  	v54 =	vld [tilespmem:s1+$0xF460]  }
0x3d0: {  	v0 =	vadd.f32 v52, v0  }
0x3d1: {  	v55 =	vld [tilespmem:s1+$0xF470]  }
0x3d2: {  	v0 =	vadd.f32 v53, v0  }
0x3d3: {  	v56 =	vld [tilespmem:s1+$0xF480]  }
0x3d4: {  	v0 =	vadd.f32 v54, v0  }
0x3d5: {  	v57 =	vld [tilespmem:s1+$0xF490]  }
0x3d6: {  	v0 =	vadd.f32 v55, v0  }
0x3d7: {  	v58 =	vld [tilespmem:s1+$0xF4A0]  }
0x3d8: {  	v0 =	vadd.f32 v56, v0  }
0x3d9: {  	v59 =	vld [tilespmem:s1+$0xF4B0]  }
0x3da: {  	v0 =	vadd.f32 v57, v0  }
0x3db: {  	v60 =	vld [tilespmem:s1+$0xF4C0]  }
0x3dc: {  	v0 =	vadd.f32 v58, v0  }
0x3dd: {  	v61 =	vld [tilespmem:s1+$0xF4D0]  }
0x3de: {  	v0 =	vadd.f32 v59, v0  }
0x3df: {  	v62 =	vld [tilespmem:s1+$0xF4E0]  }
0x3e0: {  	v0 =	vadd.f32 v60, v0  }
0x3e1: {  	v63 =	vld [tilespmem:s1+$0xF4F0]  }
0x3e2: {  	v0 =	vadd.f32 v61, v0;
	_ =	sdelay $0x1  }
0x3e3: {  	v0 =	vadd.f32 v62, v0;
	_ =	sdelay $0x1  }
0x3e4: {  	v0 =	vadd.f32 v63, v0  }
0x3e5: {  	s0 =	sadd.s32 $0x10, s0  }
0x3e6: {  	[tilespmem:s0+$0x0] =	vst v0  }
0x3e7: {  	v0 =	vld [tilespmem:s31+$0x120C0];
	_ =	sdelay $0x4  }
0x3e8: {  	[tilespmem:$0x11C40] =	vst v0  }
0x3e9: {  	v0 =	vld [tilespmem:s31+$0x120D0];
	_ =	sdelay $0x4  }
0x3ea: {  	[tilespmem:$0x11C50] =	vst v0  }
0x3eb: {  	v0 =	vld [tilespmem:s31+$0x120E0];
	_ =	sdelay $0x4  }
0x3ec: {  	[tilespmem:$0x11C60] =	vst v0  }
0x3ed: {  	v0 =	vld [tilespmem:s31+$0x120F0];
	_ =	sdelay $0x4  }
0x3ee: {  	[tilespmem:$0x11C70] =	vst v0  }
0x3ef: {  	v0 =	vld [tilespmem:s31+$0x12100];
	_ =	sdelay $0x4  }
0x3f0: {  	[tilespmem:$0x11C80] =	vst v0  }
0x3f1: {  	v0 =	vld [tilespmem:s31+$0x12110];
	_ =	sdelay $0x4  }
0x3f2: {  	[tilespmem:$0x11C90] =	vst v0  }
0x3f3: {  	v0 =	vld [tilespmem:s31+$0x12120];
	_ =	sdelay $0x4  }
0x3f4: {  	[tilespmem:$0x11CA0] =	vst v0  }
0x3f5: {  	v0 =	vld [tilespmem:s31+$0x12130];
	_ =	sdelay $0x1  }
0x3f6: {  	s31 =	sadd.s32 s7, s30  }
0x3f7: {  	s29 =	sadd.s32 $0x1, s29;
	s0 =	smul.u32 $0x44, s31  }
0x3f8: {  	p0 =	sne.s32 s29, $0x10  }
.Ltmp8:
0x3f9: {  	s0 =	sadd.s32 s3, s0;
	[tilespmem:$0x11CB0] =	vst v0;
	(pc) =	sbr.rel @p0 .LBB2_2-.Ltmp8, $4  }
0x3fa: {  	[hbm4b:s0+s4] =	stream.linear.scatter [tilespmem:s25], [sflag:$0x6], $0x880, $0x38;
	[tilespmem:$0x15D40] =	vst v63  }
0x3fb: {  	_ =	swait.ge [sflag:s15], $0x880  }
0x3fc: {  	[sflag:s15] =	ssyncset.done $0x0  }
0x3fd: {  	[sflag:s15] =	ssyncadd.s32 $0xFFFFF780  }
0x3fe: {  	s28 =	sadd.s32 $0x1, s28  }
0x3ff: {  	p0 =	sne.s32 s28, s13  }
.Ltmp9:
0x400: {  	_ = 	snop;
	(pc) =	sbr.rel @p0 .LBB2_1-.Ltmp9, $1  }
0x401: {  	_ =	sdelay $0x3  }
0x402: {  	_ =	sfence.sel $0x180000  }
0x403: {  	[bflag:$0x0] =	sbarrier.arrive $0xFFFF  }
0x404: {  	_ =	strace $0x9000004A  }
0x405: {  	s0 =	stileid.u32;
	[bflag:$0x2] =	sbarrier.arrive $0xFFFF  }
0x406: {  	p0 =	sne.s32 s0, $0x0;
	s0 =	rddreg [dreg:$0x4]  }
0x407: {  	s0 =	sadd.s32 @!p0 $0x100000, s0  }
0x408: {  	[sflag:s0] =	ssyncadd.tile.s32 @!p0 $0x1;
	_ =	shalt  }
.Lfunc_end2:
_tile_overlayer_lowered:
.L_overlay_start_2:
0x409: {  	(tag) =	ssettag $0x2  }
0x40a: {  	s0 =	rddreg [dreg:$0x0];
	s2 =	stileid.u32  }
0x40b: {  	s1 =	rddreg [dreg:$0x1];
	p0 =	sne.s32 s2, $0x0  }
0x40c: {  	s3 =	rddreg [dreg:$0x2];
	[bflag:$0x3] =	sbarrier.arrive $0xFFFF;
	s2 =	simm.s32 @!p0 $0x1C06  }
0x40d: {  	[timem:s3], [sflag:s2] =	dma.local @!p0 [hbm:s0], s1  }
0x40e: {  	s0 =	simm.s32 @!p0 $0x6  }
0x40f: {  	_ =	swait.ge @!p0 [sflag:s0], s1  }
0x410: {  	s1 =	ssub.s32 @!p0 $0x0, s1;
	[sflag:s0] =	ssyncset.done @!p0 $0x0  }
0x411: {  	[sflag:s0] =	ssyncadd.s32 @!p0 s1  }
0x412: {  	[bflag:$0x3] =	sbarrier.arrive $0xFFFF  }
0x413: {  	_ =	shalt  }

</sc_bundles>
